<compile_context>
chip_gen: v7x
topology: tpu7x:2x2x1
jax: 0.10.2.dev20260603
libtpu: 0.0.44.dev20260713+nightly
codegen_flags: <defaults>
</compile_context>

<pallas_src>
import functools

import jax
import jax.numpy as jnp
from jax import lax
from jax.experimental import pallas as pl
from jax.experimental.pallas import tpu as pltpu
from jax.experimental.pallas import tpu_sc as plsc

N = 10000
E = 160000
EMB = 32
NTY = 100
STEPS = 3

NC, NS = 2, 16
NW = NC * NS
EDGES_PER_W = E // NW
E4 = E // 4
NPAD = 10016
ZSTR = NPAD // NS
OSTR = N // NS

_f32 = jnp.float32


CHE = 1000
NCH = EDGES_PER_W // CHE
NB = 3


def _sc_gather_body(h_hbm, src_hbm, hs_hbm, idx_v, rows_v, g0, g1, g2, w0, w1,
                    w2):
    gsems = [g0, g1, g2]
    wsems = [w0, w1, w2]
    c = lax.axis_index("c")
    s = lax.axis_index("s")
    w = s * NC + c
    pltpu.sync_copy(src_hbm.at[pl.ds(w * NCH, NCH)], idx_v)

    gd = [None] * NCH
    wd = [None] * NCH

    def fire(g):
        b = g % NB
        gd[g] = pltpu.async_copy(h_hbm.at[idx_v.at[g]], rows_v.at[b],
                                 gsems[b])

    for g in range(NB):
        fire(g)
    for g in range(NCH):
        b = g % NB
        gd[g].wait()
        wd[g] = pltpu.async_copy(
            rows_v.at[b], hs_hbm.at[pl.ds((w * NCH + g) * CHE, CHE)],
            wsems[b])
        if g + NB < NCH:
            wd[g].wait()
            fire(g + NB)
    for g in range(max(0, NCH - NB), NCH):
        wd[g].wait()


@functools.cache
def _sc_gather_kernel():
    return pl.kernel(
        _sc_gather_body,
        out_type=jax.ShapeDtypeStruct((E, EMB), _f32),
        mesh=plsc.VectorSubcoreMesh(core_axis_name="c", subcore_axis_name="s"),
        scratch_types=[
            pltpu.VMEM((NCH, CHE), jnp.int32),
            pltpu.VMEM((NB, CHE, EMB), _f32),
            pltpu.SemaphoreType.DMA,
            pltpu.SemaphoreType.DMA,
            pltpu.SemaphoreType.DMA,
            pltpu.SemaphoreType.DMA,
            pltpu.SemaphoreType.DMA,
            pltpu.SemaphoreType.DMA,
        ],
        compiler_params=pltpu.CompilerParams(use_tc_tiling_on_sc=False),
    )


def _sc_gather(h, src2d):
    return _sc_gather_kernel()(h, src2d)


NBS = 2
VROWS = max(CHE, ZSTR)


def _sc_scatter_body(m_hbm, dst_hbm, zeros_hbm, agg_hbm, idx_v, vals_v,
                     acc_sh, l0, l1, a0, a1):
    lsems = [l0, l1]
    asems = [a0, a1]
    c = lax.axis_index("c")
    s = lax.axis_index("s")
    w = s * NC + c
    pltpu.sync_copy(zeros_hbm.at[pl.ds(s * ZSTR, ZSTR)],
                    vals_v.at[0].at[pl.ds(0, ZSTR)])
    pltpu.sync_copy(vals_v.at[0].at[pl.ds(0, ZSTR)],
                    acc_sh.at[pl.ds(s * ZSTR, ZSTR)])
    pltpu.sync_copy(dst_hbm.at[pl.ds(w * NCH, NCH)], idx_v)

    ld = [None] * NCH
    ad = [None] * NCH

    def load(g):
        b = g % NBS
        ld[g] = pltpu.async_copy(
            m_hbm.at[pl.ds((w * NCH + g) * CHE, CHE)],
            vals_v.at[b].at[pl.ds(0, CHE)], lsems[b])

    for g in range(NBS):
        load(g)
    plsc.subcore_barrier()
    for g in range(NCH):
        b = g % NBS
        ld[g].wait()
        ad[g] = pltpu.async_copy(vals_v.at[b].at[pl.ds(0, CHE)],
                                 acc_sh.at[idx_v.at[g]],
                                 asems[b], add=True)
        if g + NBS < NCH:
            ad[g].wait()
            load(g + NBS)
    for g in range(max(0, NCH - NBS), NCH):
        ad[g].wait()
    plsc.subcore_barrier()
    pltpu.sync_copy(acc_sh.at[pl.ds(s * OSTR, OSTR)],
                    agg_hbm.at[pl.ds(c * N + s * OSTR, OSTR)])


@functools.cache
def _sc_scatter_kernel():
    return pl.kernel(
        _sc_scatter_body,
        out_type=jax.ShapeDtypeStruct((2 * N, EMB), _f32),
        mesh=plsc.VectorSubcoreMesh(core_axis_name="c", subcore_axis_name="s"),
        scratch_types=[
            pltpu.VMEM((NCH, CHE), jnp.int32),
            pltpu.VMEM((NBS, VROWS, EMB), _f32),
            pltpu.VMEM_SHARED((NPAD, EMB), _f32),
            pltpu.SemaphoreType.DMA,
            pltpu.SemaphoreType.DMA,
            pltpu.SemaphoreType.DMA,
            pltpu.SemaphoreType.DMA,
        ],
        compiler_params=pltpu.CompilerParams(use_tc_tiling_on_sc=False),
    )


def _sc_scatter(m, dst2d, zeros_acc):
    return _sc_scatter_kernel()(m, dst2d, zeros_acc)


def _dot(a, b):
    return jnp.dot(a, b, preferred_element_type=_f32)


def _encode_body(nt_ref, emb_ref, encw_ref, encb_ref, projw_ref, projb_ref,
                 h_ref):
    nt = nt_ref[...]
    ids = lax.broadcasted_iota(jnp.int32, (N, 128), 1)
    oh = jnp.where(nt == ids, 1.0, 0.0).astype(_f32)
    nh = jax.nn.relu(_dot(oh, emb_ref[...]))
    nh = jax.nn.relu(_dot(nh, encw_ref[...]) + encb_ref[...])
    h_ref[...] = jax.nn.relu(_dot(nh, projw_ref[...]) + projb_ref[...])


def _encode(nt, emb_pad, enc_W, enc_b, proj_W, proj_b):
    return pl.pallas_call(
        _encode_body,
        out_shape=jax.ShapeDtypeStruct((N, EMB), _f32),
    )(nt, emb_pad, enc_W, enc_b, proj_W, proj_b)


EB_R = 2000


def _r2_body(ef_ref, ew_ref, eb_ref, w1_ref, b1_ref, r2_ref):
    eh = _dot(ef_ref[...], ew_ref[...]) + eb_ref[...]
    r2_ref[...] = jax.nn.relu(_dot(eh, w1_ref[...]) + b1_ref[...])


def _r2(efp4, edge_W4, edge_b4, w1p, b1p):
    grid = E4 // EB_R
    return pl.pallas_call(
        _r2_body,
        grid=(grid,),
        in_specs=[
            pl.BlockSpec((EB_R, 64), lambda i: (i, 0)),
            pl.BlockSpec((64, 128), lambda i: (0, 0)),
            pl.BlockSpec((1, 128), lambda i: (0, 0)),
            pl.BlockSpec((128, 128), lambda i: (0, 0)),
            pl.BlockSpec((1, 128), lambda i: (0, 0)),
        ],
        out_specs=pl.BlockSpec((EB_R, 128), lambda i: (i, 0)),
        out_shape=jax.ShapeDtypeStruct((E4, 128), _f32),
    )(efp4, edge_W4, edge_b4, w1p, b1p)


EB_M = 800


def _msg_body(hs_ref, r2_ref, vcat_ref, s_ref, b2_ref, m_ref):
    hs = hs_ref[...].astype(jnp.bfloat16)
    r2 = r2_ref[...]
    g = _dot(hs, vcat_ref[...])
    z = g * jnp.concatenate([r2] * EMB, axis=1)
    zb = z.astype(jnp.bfloat16)
    m_ref[...] = _dot(zb, s_ref[...]) + _dot(hs, b2_ref[...])


def _msg(hs4, r2p, vcat, smat, b2):
    rows = hs4.shape[0]
    grid = rows // EB_M
    return pl.pallas_call(
        _msg_body,
        grid=(grid,),
        in_specs=[
            pl.BlockSpec((EB_M, 128), lambda i: (i, 0)),
            pl.BlockSpec((EB_M, 128), lambda i: (i, 0)),
            pl.BlockSpec((128, 4 * EMB * EMB), lambda i: (0, 0)),
            pl.BlockSpec((4 * EMB * EMB, 128), lambda i: (0, 0)),
            pl.BlockSpec((128, 128), lambda i: (0, 0)),
        ],
        out_specs=pl.BlockSpec((EB_M, 128), lambda i: (i, 0)),
        out_shape=jax.ShapeDtypeStruct((rows, 128), _f32),
    )(hs4, r2p, vcat, smat, b2)


def _gru_body(ap_ref, hid_ref, nnb_ref, wih_ref, bih_ref, whh_ref, bhh_ref,
              out_ref):
    agg = ap_ref[0:N, :] + ap_ref[N:2 * N, :] + nnb_ref[...]
    h = jax.nn.relu(agg)
    hidden = hid_ref[...]
    gi = _dot(h, wih_ref[...]) + bih_ref[...]
    gh = _dot(hidden, whh_ref[...]) + bhh_ref[...]
    r = jax.nn.sigmoid(gi[:, 0:EMB] + gh[:, 0:EMB])
    z = jax.nn.sigmoid(gi[:, EMB:2 * EMB] + gh[:, EMB:2 * EMB])
    ng = jnp.tanh(gi[:, 2 * EMB:3 * EMB] + r * gh[:, 2 * EMB:3 * EMB])
    out_ref[...] = (1.0 - z) * ng + z * hidden


def _gru(aggp, hidden, nn_bias, wih_t, bih, whh_t, bhh):
    return pl.pallas_call(
        _gru_body,
        out_shape=jax.ShapeDtypeStruct((N, EMB), _f32),
    )(aggp, hidden, nn_bias, wih_t, bih, whh_t, bhh)


def _dec_body(h_ref, w1_ref, b1_ref, a1_ref, w2_ref, b2_ref, a2_ref, w3_ref,
              b3_ref, a3_ref, w4_ref, b4_ref, out_ref):
    def prelu(x, a_ref):
        return jnp.where(x >= 0, x, x * a_ref[...])

    h = h_ref[...]
    h = prelu(_dot(h, w1_ref[...]) + b1_ref[...], a1_ref)
    h = prelu(_dot(h, w2_ref[...]) + b2_ref[...], a2_ref)
    h = prelu(_dot(h, w3_ref[...]) + b3_ref[...], a3_ref)
    out_ref[...] = _dot(h, w4_ref[...]) + b4_ref[...]


def _decode(h, dec_W1, dec_b1, dec_a1, dec_W2, dec_b2, dec_a2, dec_W3, dec_b3,
            dec_a3, dec_W4, dec_b4):
    return pl.pallas_call(
        _dec_body,
        out_shape=jax.ShapeDtypeStruct((N, EMB), _f32),
    )(h, dec_W1, dec_b1, dec_a1, dec_W2, dec_b2, dec_a2, dec_W3, dec_b3,
      dec_a3, dec_W4, dec_b4)


def kernel(g, nfeats, efeats, emb_table, enc_W, enc_b, edge_W, edge_b, proj_W,
           proj_b, ef_W1, ef_b1, ef_W2, ef_b2, nn_bias, gru_Wih, gru_bih,
           gru_Whh, gru_bhh, dec_W1, dec_b1, dec_a1, dec_W2, dec_b2, dec_a2,
           dec_W3, dec_b3, dec_a3, dec_W4, dec_b4):
    src2d = g[0].reshape(NW * NCH, CHE)
    dst2d = g[1].reshape(NW * NCH, CHE)
    efp4 = efeats.reshape(E4, 64)
    emb_pad = jnp.pad(emb_table, ((0, 128 - NTY), (0, 0)))
    zeros_acc = jnp.zeros((NPAD, EMB), _f32)

    bf = jnp.bfloat16
    i4 = jnp.eye(4, dtype=_f32)
    w2r3 = ef_W2.reshape(EMB, EMB, EMB)
    edge_W4 = jnp.einsum('fc,qQ->qfQc', edge_W, i4).reshape(64, 128)
    edge_b4 = jnp.tile(edge_b, 4).reshape(1, 128)
    w1p = jnp.einsum('ck,qQ->qckQ', ef_W1, i4).reshape(128, 128)
    b1p = jnp.repeat(ef_b1, 4).reshape(1, 128)
    vcat = jnp.einsum('kio,qQ->qiokQ', w2r3, i4).reshape(128, 4096).astype(bf)
    smat = jnp.einsum('oO,qQ,k->okqQO', jnp.eye(EMB, dtype=_f32), i4,
                      jnp.ones((EMB,), _f32)).reshape(4096, 128).astype(bf)
    b2m = jnp.einsum('io,qQ->qiQo', ef_b2.reshape(EMB, EMB),
                     i4).reshape(128, 128).astype(bf)
    wih_t = gru_Wih.T
    whh_t = gru_Whh.T

    r1 = lambda v: v.reshape(1, -1)
    r11 = lambda v: v.reshape(1, 1)

    h = _encode(nfeats, emb_pad, enc_W, r1(enc_b), proj_W, r1(proj_b))
    r2p = _r2(efp4, edge_W4, edge_b4, w1p, b1p)
    hidden = h
    for _ in range(STEPS):
        hs = _sc_gather(h, src2d)
        m4 = _msg(hs.reshape(E4, 128), r2p, vcat, smat, b2m)
        aggp = _sc_scatter(m4.reshape(E, EMB), dst2d, zeros_acc)
        hidden = _gru(aggp, hidden, r1(nn_bias), wih_t, r1(gru_bih), whh_t,
                      r1(gru_bhh))
        h = hidden
    return _decode(hidden, dec_W1, r1(dec_b1), r11(dec_a1), dec_W2, r1(dec_b2),
                   r11(dec_a2), dec_W3, r1(dec_b3), r11(dec_a3), dec_W4,
                   r1(dec_b4))

# --- scband reference (transcript-rebuilt; emitter-appended) ---
"""Pipeline reference for scband-mpnn-20486994002071 (READ-ONLY COPY).

The authoritative reference and input builder live on the scoring server;
editing this copy changes nothing except your own understanding.
"""

import jax, jax.numpy as jnp
import numpy as np

N_NODES = 10000
N_EDGES = 160000
EMB = 32
EH = 32
EDGE_IN = 16
NUM_NTYPES = 100
OUT_DIM = 32
NUM_STEPS = 3

def _p(key, shape, scale=0.05):
    return jax.random.normal(key, shape, dtype=jnp.float32) * scale

def setup_inputs(seed: int = 0):
    key = jax.random.key(seed)
    ks = jax.random.split(key, 32)
    inp = {}
    inp["g"] = jax.random.randint(ks[0], (2, N_EDGES), 0, N_NODES, dtype=jnp.int32)
    inp["nfeats"] = jax.random.randint(ks[1], (N_NODES, 1), 0, NUM_NTYPES, dtype=jnp.int32)
    inp["efeats"] = jax.random.normal(ks[2], (N_EDGES, EDGE_IN), dtype=jnp.float32)
    inp["emb_table"] = _p(ks[3], (NUM_NTYPES, EMB), 1.0)
    inp["enc_W"] = _p(ks[4], (EMB, EMB)); inp["enc_b"] = jnp.zeros((EMB,), jnp.float32)
    inp["edge_W"] = _p(ks[5], (EDGE_IN, EH)); inp["edge_b"] = jnp.zeros((EH,), jnp.float32)
    inp["proj_W"] = _p(ks[6], (EMB, EMB)); inp["proj_b"] = jnp.zeros((EMB,), jnp.float32)
    inp["ef_W1"] = _p(ks[7], (EH, EH)); inp["ef_b1"] = jnp.zeros((EH,), jnp.float32)
    inp["ef_W2"] = _p(ks[8], (EH, EMB * EMB)); inp["ef_b2"] = jnp.zeros((EMB * EMB,), jnp.float32)
    inp["nn_bias"] = jnp.zeros((EMB,), jnp.float32)
    inp["gru_Wih"] = _p(ks[9], (3 * EMB, EMB)); inp["gru_bih"] = jnp.zeros((3 * EMB,), jnp.float32)
    inp["gru_Whh"] = _p(ks[10], (3 * EMB, EMB)); inp["gru_bhh"] = jnp.zeros((3 * EMB,), jnp.float32)
    inp["dec_W1"] = _p(ks[11], (EMB, EMB)); inp["dec_b1"] = jnp.zeros((EMB,), jnp.float32)
    inp["dec_a1"] = jnp.array(0.25, jnp.float32)
    inp["dec_W2"] = _p(ks[12], (EMB, EMB)); inp["dec_b2"] = jnp.zeros((EMB,), jnp.float32)
    inp["dec_a2"] = jnp.array(0.25, jnp.float32)
    inp["dec_W3"] = _p(ks[13], (EMB, EMB)); inp["dec_b3"] = jnp.zeros((EMB,), jnp.float32)
    inp["dec_a3"] = jnp.array(0.25, jnp.float32)
    inp["dec_W4"] = _p(ks[14], (EMB, OUT_DIM)); inp["dec_b4"] = jnp.zeros((OUT_DIM,), jnp.float32)
    return inp

def _prelu(x, a):
    return jnp.where(x >= 0, x, a * x)

def reference(g, nfeats, efeats, emb_table, enc_W, enc_b, edge_W, edge_b, proj_W, proj_b, ef_W1, ef_b1, ef_W2, ef_b2, nn_bias, gru_Wih, gru_bih, gru_Whh, gru_bhh, dec_W1, dec_b1, dec_a1, dec_W2, dec_b2, dec_a2, dec_W3, dec_b3, dec_a3, dec_W4, dec_b4):
    src, dst = g[0], g[1]
    nt = nfeats[:, 0]  # squeeze(1)
    # node_encoder: Embedding -> ReLU -> Linear -> ReLU
    nh = jax.nn.relu(jnp.take(emb_table, nt, axis=0))
    nh = jax.nn.relu(nh @ enc_W + enc_b)
    # edge_encoder: Linear(efeat_dim, 32)
    eh = efeats @ edge_W + edge_b
    # MPNNGNN: project_node_feats = Linear + ReLU
    h = jax.nn.relu(nh @ proj_W + proj_b)
    hidden = h
    # NNConv edge_func: Linear -> ReLU -> Linear -> reshape [E, in, out]
    we = (jax.nn.relu(eh @ ef_W1 + ef_b1) @ ef_W2 + ef_b2).reshape(-1, EMB, EMB)
    n = nh.shape[0]
    for _ in range(NUM_STEPS):
        # NNConv: per-edge matvec of src features, scatter-add to dst, + bias
        m = jnp.einsum('ei,eio->eo', jnp.take(h, src, axis=0), we)
        agg = jnp.zeros((n, EMB), jnp.float32).at[dst].add(m) + nn_bias
        h = jax.nn.relu(agg)
        # GRU step (seq_len=1, 1 layer)
        gi = h @ gru_Wih.T + gru_bih
        gh = hidden @ gru_Whh.T + gru_bhh
        i_r, i_z, i_n = jnp.split(gi, 3, axis=1)
        h_r, h_z, h_n = jnp.split(gh, 3, axis=1)
        r = jax.nn.sigmoid(i_r + h_r)
        z = jax.nn.sigmoid(i_z + h_z)
        ng = jnp.tanh(i_n + r * h_n)
        hidden = (1.0 - z) * ng + z * hidden
        h = hidden
    # node_decoder: 3x (Linear + PReLU) + Linear
    h = _prelu(h @ dec_W1 + dec_b1, dec_a1)
    h = _prelu(h @ dec_W2 + dec_b2, dec_a2)
    h = _prelu(h @ dec_W3 + dec_b3, dec_a3)
    out = h @ dec_W4 + dec_b4
    return out

if __name__ == "__main__":
    import jax
    _d = setup_inputs()
    print(jax.jit(kernel)(*tuple(_d.values())))

</pallas_src>

<mosaic_0001>
#map = affine_map<(d0, d1) -> (0, 0)>
module attributes {stable_mosaic.version = 14 : i64} {
  func.func @_sc_gather_body(%arg0: i32, %arg1: i32, %arg2: memref<10000x32xf32, #tpu.memory_space<hbm>>, %arg3: memref<160x1000xi32, #tpu.memory_space<hbm>>, %arg4: memref<160000x32xf32, #tpu.memory_space<hbm>>, %arg5: memref<5x1000xi32, #tpu.memory_space<vmem>>, %arg6: memref<3x1000x32xf32, #tpu.memory_space<vmem>>, %arg7: memref<!tpu.dma_semaphore, #tpu.memory_space<semaphore_mem>>, %arg8: memref<!tpu.dma_semaphore, #tpu.memory_space<semaphore_mem>>, %arg9: memref<!tpu.dma_semaphore, #tpu.memory_space<semaphore_mem>>, %arg10: memref<!tpu.dma_semaphore, #tpu.memory_space<semaphore_mem>>, %arg11: memref<!tpu.dma_semaphore, #tpu.memory_space<semaphore_mem>>, %arg12: memref<!tpu.dma_semaphore, #tpu.memory_space<semaphore_mem>>) attributes {dimension_semantics = [#tpu.dimension_semantics<core_parallel>, #tpu.dimension_semantics<subcore_parallel>], iteration_bounds = array<i64: 2, 16>, scalar_prefetch = 0 : i64, scratch_operands = 8 : i64, tpu.core_type = #tpu.core_type<sc_vector_subcore>, window_params = [{transform_indices = #map}, {transform_indices = #map}, {transform_indices = #map}]} {
    %mul3A = arith.constant 2 : i32
    %mul3A_0 = arith.muli %arg1, %mul3A : i32
    %add3A = arith.addi %mul3A_0, %arg0 : i32
    %mul3A_1 = arith.constant 5 : i32
    %mul3A_2 = arith.muli %add3A, %mul3A_1 : i32
    "tpu.region"() ({
      %run_scoped3A = tpu.sem_alloc : memref<!tpu.dma_semaphore, #tpu.memory_space<semaphore_mem>>
      %dma_start3A_281 = arith.constant 0 : i32
      %dma_start3A_282 = tpu.memref_slice %arg3[%mul3A_2, %dma_start3A_281] : memref<160x1000xi32, #tpu.memory_space<hbm>> -> memref<5x1000xi32, #tpu.memory_space<hbm>>
      %dma_start3A_283 = arith.constant 0 : i32
      %dma_start3A_284 = tpu.memref_slice %arg3[%mul3A_2, %dma_start3A_283] : memref<160x1000xi32, #tpu.memory_space<hbm>> -> memref<5x1000xi32, #tpu.memory_space<hbm>>
      tpu.enqueue_dma source(%dma_start3A_284 : memref<5x1000xi32, #tpu.memory_space<hbm>>) target(%arg5 : memref<5x1000xi32, #tpu.memory_space<vmem>>) target_semaphore(%run_scoped3A : memref<!tpu.dma_semaphore, #tpu.memory_space<semaphore_mem>>)
      %dma_wait3A_285 = arith.constant 0 : i32
      %dma_wait3A_286 = tpu.memref_slice %arg3[%mul3A_2, %dma_wait3A_285] : memref<160x1000xi32, #tpu.memory_space<hbm>> -> memref<5x1000xi32, #tpu.memory_space<hbm>>
      %dma_wait3A_287 = arith.constant 0 : i32
      %dma_wait3A_288 = tpu.memref_slice %arg3[%mul3A_2, %dma_wait3A_287] : memref<160x1000xi32, #tpu.memory_space<hbm>> -> memref<5x1000xi32, #tpu.memory_space<hbm>>
      tpu.wait_dma2 semaphore(%run_scoped3A : memref<!tpu.dma_semaphore, #tpu.memory_space<semaphore_mem>>) src(%dma_wait3A_288 : memref<5x1000xi32, #tpu.memory_space<hbm>>) dst(%arg5 : memref<5x1000xi32, #tpu.memory_space<vmem>>)
      tpu.yield
    }) : () -> ()
    %dma_start3A = arith.constant 0 : i32
    %dma_start3A_3 = arith.constant 0 : i32
    %dma_start3A_4 = arith.constant 0 : i32
    %dma_start3A_5 = arith.constant 0 : i32
    %dma_start3A_6 = tpu.memref_slice %arg6[%dma_start3A_3, %dma_start3A_4, %dma_start3A_5] : memref<3x1000x32xf32, #tpu.memory_space<vmem>> -> memref<1x1000x32xf32, #tpu.memory_space<vmem>>
    %dma_start3A_7 = tpu.memref_squeeze %dma_start3A_6 : memref<1x1000x32xf32, #tpu.memory_space<vmem>> -> memref<1000x32xf32, #tpu.memory_space<vmem>>
    %dma_start3A_8 = arith.constant 0 : i32
    %dma_start3A_9 = tpu.memref_slice %arg5[%dma_start3A, %dma_start3A_8] : memref<5x1000xi32, #tpu.memory_space<vmem>> -> memref<1x1000xi32, #tpu.memory_space<vmem>>
    %dma_start3A_10 = tpu.memref_squeeze %dma_start3A_9 : memref<1x1000xi32, #tpu.memory_space<vmem>> -> memref<1000xi32, #tpu.memory_space<vmem>>
    %dma_start3A_11 = arith.constant 0 : i32
    %dma_start3A_12 = arith.constant 0 : i32
    %dma_start3A_13 = tpu.memref_slice %arg2[%dma_start3A_11, %dma_start3A_12] : memref<10000x32xf32, #tpu.memory_space<hbm>> -> memref<10000x32xf32, #tpu.memory_space<hbm>>
    tpu.enqueue_indirect_dma source(%dma_start3A_13 : memref<10000x32xf32, #tpu.memory_space<hbm>>) target(%dma_start3A_7 : memref<1000x32xf32, #tpu.memory_space<vmem>>) offsets(%dma_start3A_10 : memref<1000xi32, #tpu.memory_space<vmem>>) semaphore(%arg7 : memref<!tpu.dma_semaphore, #tpu.memory_space<semaphore_mem>>)
    %dma_start3A_14 = arith.constant 1 : i32
    %dma_start3A_15 = arith.constant 1 : i32
    %dma_start3A_16 = arith.constant 0 : i32
    %dma_start3A_17 = arith.constant 0 : i32
    %dma_start3A_18 = tpu.memref_slice %arg6[%dma_start3A_15, %dma_start3A_16, %dma_start3A_17] : memref<3x1000x32xf32, #tpu.memory_space<vmem>> -> memref<1x1000x32xf32, #tpu.memory_space<vmem>>
    %dma_start3A_19 = tpu.memref_squeeze %dma_start3A_18 : memref<1x1000x32xf32, #tpu.memory_space<vmem>> -> memref<1000x32xf32, #tpu.memory_space<vmem>>
    %dma_start3A_20 = arith.constant 0 : i32
    %dma_start3A_21 = tpu.memref_slice %arg5[%dma_start3A_14, %dma_start3A_20] : memref<5x1000xi32, #tpu.memory_space<vmem>> -> memref<1x1000xi32, #tpu.memory_space<vmem>>
    %dma_start3A_22 = tpu.memref_squeeze %dma_start3A_21 : memref<1x1000xi32, #tpu.memory_space<vmem>> -> memref<1000xi32, #tpu.memory_space<vmem>>
    %dma_start3A_23 = arith.constant 0 : i32
    %dma_start3A_24 = arith.constant 0 : i32
    %dma_start3A_25 = tpu.memref_slice %arg2[%dma_start3A_23, %dma_start3A_24] : memref<10000x32xf32, #tpu.memory_space<hbm>> -> memref<10000x32xf32, #tpu.memory_space<hbm>>
    tpu.enqueue_indirect_dma source(%dma_start3A_25 : memref<10000x32xf32, #tpu.memory_space<hbm>>) target(%dma_start3A_19 : memref<1000x32xf32, #tpu.memory_space<vmem>>) offsets(%dma_start3A_22 : memref<1000xi32, #tpu.memory_space<vmem>>) semaphore(%arg8 : memref<!tpu.dma_semaphore, #tpu.memory_space<semaphore_mem>>)
    %dma_start3A_26 = arith.constant 2 : i32
    %dma_start3A_27 = arith.constant 2 : i32
    %dma_start3A_28 = arith.constant 0 : i32
    %dma_start3A_29 = arith.constant 0 : i32
    %dma_start3A_30 = tpu.memref_slice %arg6[%dma_start3A_27, %dma_start3A_28, %dma_start3A_29] : memref<3x1000x32xf32, #tpu.memory_space<vmem>> -> memref<1x1000x32xf32, #tpu.memory_space<vmem>>
    %dma_start3A_31 = tpu.memref_squeeze %dma_start3A_30 : memref<1x1000x32xf32, #tpu.memory_space<vmem>> -> memref<1000x32xf32, #tpu.memory_space<vmem>>
    %dma_start3A_32 = arith.constant 0 : i32
    %dma_start3A_33 = tpu.memref_slice %arg5[%dma_start3A_26, %dma_start3A_32] : memref<5x1000xi32, #tpu.memory_space<vmem>> -> memref<1x1000xi32, #tpu.memory_space<vmem>>
    %dma_start3A_34 = tpu.memref_squeeze %dma_start3A_33 : memref<1x1000xi32, #tpu.memory_space<vmem>> -> memref<1000xi32, #tpu.memory_space<vmem>>
    %dma_start3A_35 = arith.constant 0 : i32
    %dma_start3A_36 = arith.constant 0 : i32
    %dma_start3A_37 = tpu.memref_slice %arg2[%dma_start3A_35, %dma_start3A_36] : memref<10000x32xf32, #tpu.memory_space<hbm>> -> memref<10000x32xf32, #tpu.memory_space<hbm>>
    tpu.enqueue_indirect_dma source(%dma_start3A_37 : memref<10000x32xf32, #tpu.memory_space<hbm>>) target(%dma_start3A_31 : memref<1000x32xf32, #tpu.memory_space<vmem>>) offsets(%dma_start3A_34 : memref<1000xi32, #tpu.memory_space<vmem>>) semaphore(%arg9 : memref<!tpu.dma_semaphore, #tpu.memory_space<semaphore_mem>>)
    %dma_wait3A = arith.constant 0 : i32
    %dma_wait3A_38 = arith.constant 0 : i32
    %dma_wait3A_39 = arith.constant 0 : i32
    %dma_wait3A_40 = arith.constant 0 : i32
    %dma_wait3A_41 = tpu.memref_slice %arg6[%dma_wait3A_38, %dma_wait3A_39, %dma_wait3A_40] : memref<3x1000x32xf32, #tpu.memory_space<vmem>> -> memref<1x1000x32xf32, #tpu.memory_space<vmem>>
    %dma_wait3A_42 = tpu.memref_squeeze %dma_wait3A_41 : memref<1x1000x32xf32, #tpu.memory_space<vmem>> -> memref<1000x32xf32, #tpu.memory_space<vmem>>
    %dma_wait3A_43 = arith.constant 0 : i32
    %dma_wait3A_44 = tpu.memref_slice %arg5[%dma_wait3A, %dma_wait3A_43] : memref<5x1000xi32, #tpu.memory_space<vmem>> -> memref<1x1000xi32, #tpu.memory_space<vmem>>
    %dma_wait3A_45 = tpu.memref_squeeze %dma_wait3A_44 : memref<1x1000xi32, #tpu.memory_space<vmem>> -> memref<1000xi32, #tpu.memory_space<vmem>>
    %dma_wait3A_46 = arith.constant 0 : i32
    %dma_wait3A_47 = arith.constant 0 : i32
    %dma_wait3A_48 = tpu.memref_slice %arg2[%dma_wait3A_46, %dma_wait3A_47] : memref<10000x32xf32, #tpu.memory_space<hbm>> -> memref<10000x32xf32, #tpu.memory_space<hbm>>
    tpu.wait_indirect_dma semaphore(%arg7 : memref<!tpu.dma_semaphore, #tpu.memory_space<semaphore_mem>>) src(%dma_wait3A_48 : memref<10000x32xf32, #tpu.memory_space<hbm>>) dst(%dma_wait3A_42 : memref<1000x32xf32, #tpu.memory_space<vmem>>)
    %mul3A_49 = arith.constant 5 : i32
    %mul3A_50 = arith.muli %add3A, %mul3A_49 : i32
    %add3A_51 = arith.constant 0 : i32
    %add3A_52 = arith.addi %mul3A_50, %add3A_51 : i32
    %mul3A_53 = arith.constant 1000 : i32
    %mul3A_54 = arith.muli %add3A_52, %mul3A_53 : i32
    %dma_start3A_55 = arith.constant 0 : i32
    %dma_start3A_56 = arith.constant 0 : i32
    %dma_start3A_57 = arith.constant 0 : i32
    %dma_start3A_58 = tpu.memref_slice %arg6[%dma_start3A_55, %dma_start3A_56, %dma_start3A_57] : memref<3x1000x32xf32, #tpu.memory_space<vmem>> -> memref<1x1000x32xf32, #tpu.memory_space<vmem>>
    %dma_start3A_59 = tpu.memref_squeeze %dma_start3A_58 : memref<1x1000x32xf32, #tpu.memory_space<vmem>> -> memref<1000x32xf32, #tpu.memory_space<vmem>>
    %dma_start3A_60 = arith.constant 0 : i32
    %dma_start3A_61 = tpu.memref_slice %arg4[%mul3A_54, %dma_start3A_60] : memref<160000x32xf32, #tpu.memory_space<hbm>> -> memref<1000x32xf32, #tpu.memory_space<hbm>>
    %dma_start3A_62 = arith.constant 0 : i32
    %dma_start3A_63 = tpu.memref_slice %arg4[%mul3A_54, %dma_start3A_62] : memref<160000x32xf32, #tpu.memory_space<hbm>> -> memref<1000x32xf32, #tpu.memory_space<hbm>>
    %dma_start3A_64 = arith.constant 0 : i32
    %dma_start3A_65 = arith.constant 0 : i32
    %dma_start3A_66 = tpu.memref_slice %arg6[%dma_start3A_55, %dma_start3A_64, %dma_start3A_65] : memref<3x1000x32xf32, #tpu.memory_space<vmem>> -> memref<1x1000x32xf32, #tpu.memory_space<vmem>>
    %dma_start3A_67 = tpu.memref_squeeze %dma_start3A_66 : memref<1x1000x32xf32, #tpu.memory_space<vmem>> -> memref<1000x32xf32, #tpu.memory_space<vmem>>
    tpu.enqueue_dma source(%dma_start3A_67 : memref<1000x32xf32, #tpu.memory_space<vmem>>) target(%dma_start3A_63 : memref<1000x32xf32, #tpu.memory_space<hbm>>) target_semaphore(%arg10 : memref<!tpu.dma_semaphore, #tpu.memory_space<semaphore_mem>>)
    %dma_wait3A_68 = arith.constant 0 : i32
    %dma_wait3A_69 = arith.constant 0 : i32
    %dma_wait3A_70 = arith.constant 0 : i32
    %dma_wait3A_71 = tpu.memref_slice %arg6[%dma_wait3A_68, %dma_wait3A_69, %dma_wait3A_70] : memref<3x1000x32xf32, #tpu.memory_space<vmem>> -> memref<1x1000x32xf32, #tpu.memory_space<vmem>>
    %dma_wait3A_72 = tpu.memref_squeeze %dma_wait3A_71 : memref<1x1000x32xf32, #tpu.memory_space<vmem>> -> memref<1000x32xf32, #tpu.memory_space<vmem>>
    %dma_wait3A_73 = arith.constant 0 : i32
    %dma_wait3A_74 = tpu.memref_slice %arg4[%mul3A_54, %dma_wait3A_73] : memref<160000x32xf32, #tpu.memory_space<hbm>> -> memref<1000x32xf32, #tpu.memory_space<hbm>>
    %dma_wait3A_75 = arith.constant 0 : i32
    %dma_wait3A_76 = tpu.memref_slice %arg4[%mul3A_54, %dma_wait3A_75] : memref<160000x32xf32, #tpu.memory_space<hbm>> -> memref<1000x32xf32, #tpu.memory_space<hbm>>
    %dma_wait3A_77 = arith.constant 0 : i32
    %dma_wait3A_78 = arith.constant 0 : i32
    %dma_wait3A_79 = tpu.memref_slice %arg6[%dma_wait3A_68, %dma_wait3A_77, %dma_wait3A_78] : memref<3x1000x32xf32, #tpu.memory_space<vmem>> -> memref<1x1000x32xf32, #tpu.memory_space<vmem>>
    %dma_wait3A_80 = tpu.memref_squeeze %dma_wait3A_79 : memref<1x1000x32xf32, #tpu.memory_space<vmem>> -> memref<1000x32xf32, #tpu.memory_space<vmem>>
    tpu.wait_dma2 semaphore(%arg10 : memref<!tpu.dma_semaphore, #tpu.memory_space<semaphore_mem>>) src(%dma_wait3A_80 : memref<1000x32xf32, #tpu.memory_space<vmem>>) dst(%dma_wait3A_76 : memref<1000x32xf32, #tpu.memory_space<hbm>>)
    %dma_start3A_81 = arith.constant 3 : i32
    %dma_start3A_82 = arith.constant 0 : i32
    %dma_start3A_83 = arith.constant 0 : i32
    %dma_start3A_84 = arith.constant 0 : i32
    %dma_start3A_85 = tpu.memref_slice %arg6[%dma_start3A_82, %dma_start3A_83, %dma_start3A_84] : memref<3x1000x32xf32, #tpu.memory_space<vmem>> -> memref<1x1000x32xf32, #tpu.memory_space<vmem>>
    %dma_start3A_86 = tpu.memref_squeeze %dma_start3A_85 : memref<1x1000x32xf32, #tpu.memory_space<vmem>> -> memref<1000x32xf32, #tpu.memory_space<vmem>>
    %dma_start3A_87 = arith.constant 0 : i32
    %dma_start3A_88 = tpu.memref_slice %arg5[%dma_start3A_81, %dma_start3A_87] : memref<5x1000xi32, #tpu.memory_space<vmem>> -> memref<1x1000xi32, #tpu.memory_space<vmem>>
    %dma_start3A_89 = tpu.memref_squeeze %dma_start3A_88 : memref<1x1000xi32, #tpu.memory_space<vmem>> -> memref<1000xi32, #tpu.memory_space<vmem>>
    %dma_start3A_90 = arith.constant 0 : i32
    %dma_start3A_91 = arith.constant 0 : i32
    %dma_start3A_92 = tpu.memref_slice %arg2[%dma_start3A_90, %dma_start3A_91] : memref<10000x32xf32, #tpu.memory_space<hbm>> -> memref<10000x32xf32, #tpu.memory_space<hbm>>
    tpu.enqueue_indirect_dma source(%dma_start3A_92 : memref<10000x32xf32, #tpu.memory_space<hbm>>) target(%dma_start3A_86 : memref<1000x32xf32, #tpu.memory_space<vmem>>) offsets(%dma_start3A_89 : memref<1000xi32, #tpu.memory_space<vmem>>) semaphore(%arg7 : memref<!tpu.dma_semaphore, #tpu.memory_space<semaphore_mem>>)
    %dma_wait3A_93 = arith.constant 1 : i32
    %dma_wait3A_94 = arith.constant 1 : i32
    %dma_wait3A_95 = arith.constant 0 : i32
    %dma_wait3A_96 = arith.constant 0 : i32
    %dma_wait3A_97 = tpu.memref_slice %arg6[%dma_wait3A_94, %dma_wait3A_95, %dma_wait3A_96] : memref<3x1000x32xf32, #tpu.memory_space<vmem>> -> memref<1x1000x32xf32, #tpu.memory_space<vmem>>
    %dma_wait3A_98 = tpu.memref_squeeze %dma_wait3A_97 : memref<1x1000x32xf32, #tpu.memory_space<vmem>> -> memref<1000x32xf32, #tpu.memory_space<vmem>>
    %dma_wait3A_99 = arith.constant 0 : i32
    %dma_wait3A_100 = tpu.memref_slice %arg5[%dma_wait3A_93, %dma_wait3A_99] : memref<5x1000xi32, #tpu.memory_space<vmem>> -> memref<1x1000xi32, #tpu.memory_space<vmem>>
    %dma_wait3A_101 = tpu.memref_squeeze %dma_wait3A_100 : memref<1x1000xi32, #tpu.memory_space<vmem>> -> memref<1000xi32, #tpu.memory_space<vmem>>
    %dma_wait3A_102 = arith.constant 0 : i32
    %dma_wait3A_103 = arith.constant 0 : i32
    %dma_wait3A_104 = tpu.memref_slice %arg2[%dma_wait3A_102, %dma_wait3A_103] : memref<10000x32xf32, #tpu.memory_space<hbm>> -> memref<10000x32xf32, #tpu.memory_space<hbm>>
    tpu.wait_indirect_dma semaphore(%arg8 : memref<!tpu.dma_semaphore, #tpu.memory_space<semaphore_mem>>) src(%dma_wait3A_104 : memref<10000x32xf32, #tpu.memory_space<hbm>>) dst(%dma_wait3A_98 : memref<1000x32xf32, #tpu.memory_space<vmem>>)
    %mul3A_105 = arith.constant 5 : i32
    %mul3A_106 = arith.muli %add3A, %mul3A_105 : i32
    %add3A_107 = arith.constant 1 : i32
    %add3A_108 = arith.addi %mul3A_106, %add3A_107 : i32
    %mul3A_109 = arith.constant 1000 : i32
    %mul3A_110 = arith.muli %add3A_108, %mul3A_109 : i32
    %dma_start3A_111 = arith.constant 1 : i32
    %dma_start3A_112 = arith.constant 0 : i32
    %dma_start3A_113 = arith.constant 0 : i32
    %dma_start3A_114 = tpu.memref_slice %arg6[%dma_start3A_111, %dma_start3A_112, %dma_start3A_113] : memref<3x1000x32xf32, #tpu.memory_space<vmem>> -> memref<1x1000x32xf32, #tpu.memory_space<vmem>>
    %dma_start3A_115 = tpu.memref_squeeze %dma_start3A_114 : memref<1x1000x32xf32, #tpu.memory_space<vmem>> -> memref<1000x32xf32, #tpu.memory_space<vmem>>
    %dma_start3A_116 = arith.constant 0 : i32
    %dma_start3A_117 = tpu.memref_slice %arg4[%mul3A_110, %dma_start3A_116] : memref<160000x32xf32, #tpu.memory_space<hbm>> -> memref<1000x32xf32, #tpu.memory_space<hbm>>
    %dma_start3A_118 = arith.constant 0 : i32
    %dma_start3A_119 = tpu.memref_slice %arg4[%mul3A_110, %dma_start3A_118] : memref<160000x32xf32, #tpu.memory_space<hbm>> -> memref<1000x32xf32, #tpu.memory_space<hbm>>
    %dma_start3A_120 = arith.constant 0 : i32
    %dma_start3A_121 = arith.constant 0 : i32
    %dma_start3A_122 = tpu.memref_slice %arg6[%dma_start3A_111, %dma_start3A_120, %dma_start3A_121] : memref<3x1000x32xf32, #tpu.memory_space<vmem>> -> memref<1x1000x32xf32, #tpu.memory_space<vmem>>
    %dma_start3A_123 = tpu.memref_squeeze %dma_start3A_122 : memref<1x1000x32xf32, #tpu.memory_space<vmem>> -> memref<1000x32xf32, #tpu.memory_space<vmem>>
    tpu.enqueue_dma source(%dma_start3A_123 : memref<1000x32xf32, #tpu.memory_space<vmem>>) target(%dma_start3A_119 : memref<1000x32xf32, #tpu.memory_space<hbm>>) target_semaphore(%arg11 : memref<!tpu.dma_semaphore, #tpu.memory_space<semaphore_mem>>)
    %dma_wait3A_124 = arith.constant 1 : i32
    %dma_wait3A_125 = arith.constant 0 : i32
    %dma_wait3A_126 = arith.constant 0 : i32
    %dma_wait3A_127 = tpu.memref_slice %arg6[%dma_wait3A_124, %dma_wait3A_125, %dma_wait3A_126] : memref<3x1000x32xf32, #tpu.memory_space<vmem>> -> memref<1x1000x32xf32, #tpu.memory_space<vmem>>
    %dma_wait3A_128 = tpu.memref_squeeze %dma_wait3A_127 : memref<1x1000x32xf32, #tpu.memory_space<vmem>> -> memref<1000x32xf32, #tpu.memory_space<vmem>>
    %dma_wait3A_129 = arith.constant 0 : i32
    %dma_wait3A_130 = tpu.memref_slice %arg4[%mul3A_110, %dma_wait3A_129] : memref<160000x32xf32, #tpu.memory_space<hbm>> -> memref<1000x32xf32, #tpu.memory_space<hbm>>
    %dma_wait3A_131 = arith.constant 0 : i32
    %dma_wait3A_132 = tpu.memref_slice %arg4[%mul3A_110, %dma_wait3A_131] : memref<160000x32xf32, #tpu.memory_space<hbm>> -> memref<1000x32xf32, #tpu.memory_space<hbm>>
    %dma_wait3A_133 = arith.constant 0 : i32
    %dma_wait3A_134 = arith.constant 0 : i32
    %dma_wait3A_135 = tpu.memref_slice %arg6[%dma_wait3A_124, %dma_wait3A_133, %dma_wait3A_134] : memref<3x1000x32xf32, #tpu.memory_space<vmem>> -> memref<1x1000x32xf32, #tpu.memory_space<vmem>>
    %dma_wait3A_136 = tpu.memref_squeeze %dma_wait3A_135 : memref<1x1000x32xf32, #tpu.memory_space<vmem>> -> memref<1000x32xf32, #tpu.memory_space<vmem>>
    tpu.wait_dma2 semaphore(%arg11 : memref<!tpu.dma_semaphore, #tpu.memory_space<semaphore_mem>>) src(%dma_wait3A_136 : memref<1000x32xf32, #tpu.memory_space<vmem>>) dst(%dma_wait3A_132 : memref<1000x32xf32, #tpu.memory_space<hbm>>)
    %dma_start3A_137 = arith.constant 4 : i32
    %dma_start3A_138 = arith.constant 1 : i32
    %dma_start3A_139 = arith.constant 0 : i32
    %dma_start3A_140 = arith.constant 0 : i32
    %dma_start3A_141 = tpu.memref_slice %arg6[%dma_start3A_138, %dma_start3A_139, %dma_start3A_140] : memref<3x1000x32xf32, #tpu.memory_space<vmem>> -> memref<1x1000x32xf32, #tpu.memory_space<vmem>>
    %dma_start3A_142 = tpu.memref_squeeze %dma_start3A_141 : memref<1x1000x32xf32, #tpu.memory_space<vmem>> -> memref<1000x32xf32, #tpu.memory_space<vmem>>
    %dma_start3A_143 = arith.constant 0 : i32
    %dma_start3A_144 = tpu.memref_slice %arg5[%dma_start3A_137, %dma_start3A_143] : memref<5x1000xi32, #tpu.memory_space<vmem>> -> memref<1x1000xi32, #tpu.memory_space<vmem>>
    %dma_start3A_145 = tpu.memref_squeeze %dma_start3A_144 : memref<1x1000xi32, #tpu.memory_space<vmem>> -> memref<1000xi32, #tpu.memory_space<vmem>>
    %dma_start3A_146 = arith.constant 0 : i32
    %dma_start3A_147 = arith.constant 0 : i32
    %dma_start3A_148 = tpu.memref_slice %arg2[%dma_start3A_146, %dma_start3A_147] : memref<10000x32xf32, #tpu.memory_space<hbm>> -> memref<10000x32xf32, #tpu.memory_space<hbm>>
    tpu.enqueue_indirect_dma source(%dma_start3A_148 : memref<10000x32xf32, #tpu.memory_space<hbm>>) target(%dma_start3A_142 : memref<1000x32xf32, #tpu.memory_space<vmem>>) offsets(%dma_start3A_145 : memref<1000xi32, #tpu.memory_space<vmem>>) semaphore(%arg8 : memref<!tpu.dma_semaphore, #tpu.memory_space<semaphore_mem>>)
    %dma_wait3A_149 = arith.constant 2 : i32
    %dma_wait3A_150 = arith.constant 2 : i32
    %dma_wait3A_151 = arith.constant 0 : i32
    %dma_wait3A_152 = arith.constant 0 : i32
    %dma_wait3A_153 = tpu.memref_slice %arg6[%dma_wait3A_150, %dma_wait3A_151, %dma_wait3A_152] : memref<3x1000x32xf32, #tpu.memory_space<vmem>> -> memref<1x1000x32xf32, #tpu.memory_space<vmem>>
    %dma_wait3A_154 = tpu.memref_squeeze %dma_wait3A_153 : memref<1x1000x32xf32, #tpu.memory_space<vmem>> -> memref<1000x32xf32, #tpu.memory_space<vmem>>
    %dma_wait3A_155 = arith.constant 0 : i32
    %dma_wait3A_156 = tpu.memref_slice %arg5[%dma_wait3A_149, %dma_wait3A_155] : memref<5x1000xi32, #tpu.memory_space<vmem>> -> memref<1x1000xi32, #tpu.memory_space<vmem>>
    %dma_wait3A_157 = tpu.memref_squeeze %dma_wait3A_156 : memref<1x1000xi32, #tpu.memory_space<vmem>> -> memref<1000xi32, #tpu.memory_space<vmem>>
    %dma_wait3A_158 = arith.constant 0 : i32
    %dma_wait3A_159 = arith.constant 0 : i32
    %dma_wait3A_160 = tpu.memref_slice %arg2[%dma_wait3A_158, %dma_wait3A_159] : memref<10000x32xf32, #tpu.memory_space<hbm>> -> memref<10000x32xf32, #tpu.memory_space<hbm>>
    tpu.wait_indirect_dma semaphore(%arg9 : memref<!tpu.dma_semaphore, #tpu.memory_space<semaphore_mem>>) src(%dma_wait3A_160 : memref<10000x32xf32, #tpu.memory_space<hbm>>) dst(%dma_wait3A_154 : memref<1000x32xf32, #tpu.memory_space<vmem>>)
    %mul3A_161 = arith.constant 5 : i32
    %mul3A_162 = arith.muli %add3A, %mul3A_161 : i32
    %add3A_163 = arith.constant 2 : i32
    %add3A_164 = arith.addi %mul3A_162, %add3A_163 : i32
    %mul3A_165 = arith.constant 1000 : i32
    %mul3A_166 = arith.muli %add3A_164, %mul3A_165 : i32
    %dma_start3A_167 = arith.constant 2 : i32
    %dma_start3A_168 = arith.constant 0 : i32
    %dma_start3A_169 = arith.constant 0 : i32
    %dma_start3A_170 = tpu.memref_slice %arg6[%dma_start3A_167, %dma_start3A_168, %dma_start3A_169] : memref<3x1000x32xf32, #tpu.memory_space<vmem>> -> memref<1x1000x32xf32, #tpu.memory_space<vmem>>
    %dma_start3A_171 = tpu.memref_squeeze %dma_start3A_170 : memref<1x1000x32xf32, #tpu.memory_space<vmem>> -> memref<1000x32xf32, #tpu.memory_space<vmem>>
    %dma_start3A_172 = arith.constant 0 : i32
    %dma_start3A_173 = tpu.memref_slice %arg4[%mul3A_166, %dma_start3A_172] : memref<160000x32xf32, #tpu.memory_space<hbm>> -> memref<1000x32xf32, #tpu.memory_space<hbm>>
    %dma_start3A_174 = arith.constant 0 : i32
    %dma_start3A_175 = tpu.memref_slice %arg4[%mul3A_166, %dma_start3A_174] : memref<160000x32xf32, #tpu.memory_space<hbm>> -> memref<1000x32xf32, #tpu.memory_space<hbm>>
    %dma_start3A_176 = arith.constant 0 : i32
    %dma_start3A_177 = arith.constant 0 : i32
    %dma_start3A_178 = tpu.memref_slice %arg6[%dma_start3A_167, %dma_start3A_176, %dma_start3A_177] : memref<3x1000x32xf32, #tpu.memory_space<vmem>> -> memref<1x1000x32xf32, #tpu.memory_space<vmem>>
    %dma_start3A_179 = tpu.memref_squeeze %dma_start3A_178 : memref<1x1000x32xf32, #tpu.memory_space<vmem>> -> memref<1000x32xf32, #tpu.memory_space<vmem>>
    tpu.enqueue_dma source(%dma_start3A_179 : memref<1000x32xf32, #tpu.memory_space<vmem>>) target(%dma_start3A_175 : memref<1000x32xf32, #tpu.memory_space<hbm>>) target_semaphore(%arg12 : memref<!tpu.dma_semaphore, #tpu.memory_space<semaphore_mem>>)
    %dma_wait3A_180 = arith.constant 3 : i32
    %dma_wait3A_181 = arith.constant 0 : i32
    %dma_wait3A_182 = arith.constant 0 : i32
    %dma_wait3A_183 = arith.constant 0 : i32
    %dma_wait3A_184 = tpu.memref_slice %arg6[%dma_wait3A_181, %dma_wait3A_182, %dma_wait3A_183] : memref<3x1000x32xf32, #tpu.memory_space<vmem>> -> memref<1x1000x32xf32, #tpu.memory_space<vmem>>
    %dma_wait3A_185 = tpu.memref_squeeze %dma_wait3A_184 : memref<1x1000x32xf32, #tpu.memory_space<vmem>> -> memref<1000x32xf32, #tpu.memory_space<vmem>>
    %dma_wait3A_186 = arith.constant 0 : i32
    %dma_wait3A_187 = tpu.memref_slice %arg5[%dma_wait3A_180, %dma_wait3A_186] : memref<5x1000xi32, #tpu.memory_space<vmem>> -> memref<1x1000xi32, #tpu.memory_space<vmem>>
    %dma_wait3A_188 = tpu.memref_squeeze %dma_wait3A_187 : memref<1x1000xi32, #tpu.memory_space<vmem>> -> memref<1000xi32, #tpu.memory_space<vmem>>
    %dma_wait3A_189 = arith.constant 0 : i32
    %dma_wait3A_190 = arith.constant 0 : i32
    %dma_wait3A_191 = tpu.memref_slice %arg2[%dma_wait3A_189, %dma_wait3A_190] : memref<10000x32xf32, #tpu.memory_space<hbm>> -> memref<10000x32xf32, #tpu.memory_space<hbm>>
    tpu.wait_indirect_dma semaphore(%arg7 : memref<!tpu.dma_semaphore, #tpu.memory_space<semaphore_mem>>) src(%dma_wait3A_191 : memref<10000x32xf32, #tpu.memory_space<hbm>>) dst(%dma_wait3A_185 : memref<1000x32xf32, #tpu.memory_space<vmem>>)
    %mul3A_192 = arith.constant 5 : i32
    %mul3A_193 = arith.muli %add3A, %mul3A_192 : i32
    %add3A_194 = arith.constant 3 : i32
    %add3A_195 = arith.addi %mul3A_193, %add3A_194 : i32
    %mul3A_196 = arith.constant 1000 : i32
    %mul3A_197 = arith.muli %add3A_195, %mul3A_196 : i32
    %dma_start3A_198 = arith.constant 0 : i32
    %dma_start3A_199 = arith.constant 0 : i32
    %dma_start3A_200 = arith.constant 0 : i32
    %dma_start3A_201 = tpu.memref_slice %arg6[%dma_start3A_198, %dma_start3A_199, %dma_start3A_200] : memref<3x1000x32xf32, #tpu.memory_space<vmem>> -> memref<1x1000x32xf32, #tpu.memory_space<vmem>>
    %dma_start3A_202 = tpu.memref_squeeze %dma_start3A_201 : memref<1x1000x32xf32, #tpu.memory_space<vmem>> -> memref<1000x32xf32, #tpu.memory_space<vmem>>
    %dma_start3A_203 = arith.constant 0 : i32
    %dma_start3A_204 = tpu.memref_slice %arg4[%mul3A_197, %dma_start3A_203] : memref<160000x32xf32, #tpu.memory_space<hbm>> -> memref<1000x32xf32, #tpu.memory_space<hbm>>
    %dma_start3A_205 = arith.constant 0 : i32
    %dma_start3A_206 = tpu.memref_slice %arg4[%mul3A_197, %dma_start3A_205] : memref<160000x32xf32, #tpu.memory_space<hbm>> -> memref<1000x32xf32, #tpu.memory_space<hbm>>
    %dma_start3A_207 = arith.constant 0 : i32
    %dma_start3A_208 = arith.constant 0 : i32
    %dma_start3A_209 = tpu.memref_slice %arg6[%dma_start3A_198, %dma_start3A_207, %dma_start3A_208] : memref<3x1000x32xf32, #tpu.memory_space<vmem>> -> memref<1x1000x32xf32, #tpu.memory_space<vmem>>
    %dma_start3A_210 = tpu.memref_squeeze %dma_start3A_209 : memref<1x1000x32xf32, #tpu.memory_space<vmem>> -> memref<1000x32xf32, #tpu.memory_space<vmem>>
    tpu.enqueue_dma source(%dma_start3A_210 : memref<1000x32xf32, #tpu.memory_space<vmem>>) target(%dma_start3A_206 : memref<1000x32xf32, #tpu.memory_space<hbm>>) target_semaphore(%arg10 : memref<!tpu.dma_semaphore, #tpu.memory_space<semaphore_mem>>)
    %dma_wait3A_211 = arith.constant 4 : i32
    %dma_wait3A_212 = arith.constant 1 : i32
    %dma_wait3A_213 = arith.constant 0 : i32
    %dma_wait3A_214 = arith.constant 0 : i32
    %dma_wait3A_215 = tpu.memref_slice %arg6[%dma_wait3A_212, %dma_wait3A_213, %dma_wait3A_214] : memref<3x1000x32xf32, #tpu.memory_space<vmem>> -> memref<1x1000x32xf32, #tpu.memory_space<vmem>>
    %dma_wait3A_216 = tpu.memref_squeeze %dma_wait3A_215 : memref<1x1000x32xf32, #tpu.memory_space<vmem>> -> memref<1000x32xf32, #tpu.memory_space<vmem>>
    %dma_wait3A_217 = arith.constant 0 : i32
    %dma_wait3A_218 = tpu.memref_slice %arg5[%dma_wait3A_211, %dma_wait3A_217] : memref<5x1000xi32, #tpu.memory_space<vmem>> -> memref<1x1000xi32, #tpu.memory_space<vmem>>
    %dma_wait3A_219 = tpu.memref_squeeze %dma_wait3A_218 : memref<1x1000xi32, #tpu.memory_space<vmem>> -> memref<1000xi32, #tpu.memory_space<vmem>>
    %dma_wait3A_220 = arith.constant 0 : i32
    %dma_wait3A_221 = arith.constant 0 : i32
    %dma_wait3A_222 = tpu.memref_slice %arg2[%dma_wait3A_220, %dma_wait3A_221] : memref<10000x32xf32, #tpu.memory_space<hbm>> -> memref<10000x32xf32, #tpu.memory_space<hbm>>
    tpu.wait_indirect_dma semaphore(%arg8 : memref<!tpu.dma_semaphore, #tpu.memory_space<semaphore_mem>>) src(%dma_wait3A_222 : memref<10000x32xf32, #tpu.memory_space<hbm>>) dst(%dma_wait3A_216 : memref<1000x32xf32, #tpu.memory_space<vmem>>)
    %mul3A_223 = arith.constant 5 : i32
    %mul3A_224 = arith.muli %add3A, %mul3A_223 : i32
    %add3A_225 = arith.constant 4 : i32
    %add3A_226 = arith.addi %mul3A_224, %add3A_225 : i32
    %mul3A_227 = arith.constant 1000 : i32
    %mul3A_228 = arith.muli %add3A_226, %mul3A_227 : i32
    %dma_start3A_229 = arith.constant 1 : i32
    %dma_start3A_230 = arith.constant 0 : i32
    %dma_start3A_231 = arith.constant 0 : i32
    %dma_start3A_232 = tpu.memref_slice %arg6[%dma_start3A_229, %dma_start3A_230, %dma_start3A_231] : memref<3x1000x32xf32, #tpu.memory_space<vmem>> -> memref<1x1000x32xf32, #tpu.memory_space<vmem>>
    %dma_start3A_233 = tpu.memref_squeeze %dma_start3A_232 : memref<1x1000x32xf32, #tpu.memory_space<vmem>> -> memref<1000x32xf32, #tpu.memory_space<vmem>>
    %dma_start3A_234 = arith.constant 0 : i32
    %dma_start3A_235 = tpu.memref_slice %arg4[%mul3A_228, %dma_start3A_234] : memref<160000x32xf32, #tpu.memory_space<hbm>> -> memref<1000x32xf32, #tpu.memory_space<hbm>>
    %dma_start3A_236 = arith.constant 0 : i32
    %dma_start3A_237 = tpu.memref_slice %arg4[%mul3A_228, %dma_start3A_236] : memref<160000x32xf32, #tpu.memory_space<hbm>> -> memref<1000x32xf32, #tpu.memory_space<hbm>>
    %dma_start3A_238 = arith.constant 0 : i32
    %dma_start3A_239 = arith.constant 0 : i32
    %dma_start3A_240 = tpu.memref_slice %arg6[%dma_start3A_229, %dma_start3A_238, %dma_start3A_239] : memref<3x1000x32xf32, #tpu.memory_space<vmem>> -> memref<1x1000x32xf32, #tpu.memory_space<vmem>>
    %dma_start3A_241 = tpu.memref_squeeze %dma_start3A_240 : memref<1x1000x32xf32, #tpu.memory_space<vmem>> -> memref<1000x32xf32, #tpu.memory_space<vmem>>
    tpu.enqueue_dma source(%dma_start3A_241 : memref<1000x32xf32, #tpu.memory_space<vmem>>) target(%dma_start3A_237 : memref<1000x32xf32, #tpu.memory_space<hbm>>) target_semaphore(%arg11 : memref<!tpu.dma_semaphore, #tpu.memory_space<semaphore_mem>>)
    %dma_wait3A_242 = arith.constant 2 : i32
    %dma_wait3A_243 = arith.constant 0 : i32
    %dma_wait3A_244 = arith.constant 0 : i32
    %dma_wait3A_245 = tpu.memref_slice %arg6[%dma_wait3A_242, %dma_wait3A_243, %dma_wait3A_244] : memref<3x1000x32xf32, #tpu.memory_space<vmem>> -> memref<1x1000x32xf32, #tpu.memory_space<vmem>>
    %dma_wait3A_246 = tpu.memref_squeeze %dma_wait3A_245 : memref<1x1000x32xf32, #tpu.memory_space<vmem>> -> memref<1000x32xf32, #tpu.memory_space<vmem>>
    %dma_wait3A_247 = arith.constant 0 : i32
    %dma_wait3A_248 = tpu.memref_slice %arg4[%mul3A_166, %dma_wait3A_247] : memref<160000x32xf32, #tpu.memory_space<hbm>> -> memref<1000x32xf32, #tpu.memory_space<hbm>>
    %dma_wait3A_249 = arith.constant 0 : i32
    %dma_wait3A_250 = tpu.memref_slice %arg4[%mul3A_166, %dma_wait3A_249] : memref<160000x32xf32, #tpu.memory_space<hbm>> -> memref<1000x32xf32, #tpu.memory_space<hbm>>
    %dma_wait3A_251 = arith.constant 0 : i32
    %dma_wait3A_252 = arith.constant 0 : i32
    %dma_wait3A_253 = tpu.memref_slice %arg6[%dma_wait3A_242, %dma_wait3A_251, %dma_wait3A_252] : memref<3x1000x32xf32, #tpu.memory_space<vmem>> -> memref<1x1000x32xf32, #tpu.memory_space<vmem>>
    %dma_wait3A_254 = tpu.memref_squeeze %dma_wait3A_253 : memref<1x1000x32xf32, #tpu.memory_space<vmem>> -> memref<1000x32xf32, #tpu.memory_space<vmem>>
    tpu.wait_dma2 semaphore(%arg12 : memref<!tpu.dma_semaphore, #tpu.memory_space<semaphore_mem>>) src(%dma_wait3A_254 : memref<1000x32xf32, #tpu.memory_space<vmem>>) dst(%dma_wait3A_250 : memref<1000x32xf32, #tpu.memory_space<hbm>>)
    %dma_wait3A_255 = arith.constant 0 : i32
    %dma_wait3A_256 = arith.constant 0 : i32
    %dma_wait3A_257 = arith.constant 0 : i32
    %dma_wait3A_258 = tpu.memref_slice %arg6[%dma_wait3A_255, %dma_wait3A_256, %dma_wait3A_257] : memref<3x1000x32xf32, #tpu.memory_space<vmem>> -> memref<1x1000x32xf32, #tpu.memory_space<vmem>>
    %dma_wait3A_259 = tpu.memref_squeeze %dma_wait3A_258 : memref<1x1000x32xf32, #tpu.memory_space<vmem>> -> memref<1000x32xf32, #tpu.memory_space<vmem>>
    %dma_wait3A_260 = arith.constant 0 : i32
    %dma_wait3A_261 = tpu.memref_slice %arg4[%mul3A_197, %dma_wait3A_260] : memref<160000x32xf32, #tpu.memory_space<hbm>> -> memref<1000x32xf32, #tpu.memory_space<hbm>>
    %dma_wait3A_262 = arith.constant 0 : i32
    %dma_wait3A_263 = tpu.memref_slice %arg4[%mul3A_197, %dma_wait3A_262] : memref<160000x32xf32, #tpu.memory_space<hbm>> -> memref<1000x32xf32, #tpu.memory_space<hbm>>
    %dma_wait3A_264 = arith.constant 0 : i32
    %dma_wait3A_265 = arith.constant 0 : i32
    %dma_wait3A_266 = tpu.memref_slice %arg6[%dma_wait3A_255, %dma_wait3A_264, %dma_wait3A_265] : memref<3x1000x32xf32, #tpu.memory_space<vmem>> -> memref<1x1000x32xf32, #tpu.memory_space<vmem>>
    %dma_wait3A_267 = tpu.memref_squeeze %dma_wait3A_266 : memref<1x1000x32xf32, #tpu.memory_space<vmem>> -> memref<1000x32xf32, #tpu.memory_space<vmem>>
    tpu.wait_dma2 semaphore(%arg10 : memref<!tpu.dma_semaphore, #tpu.memory_space<semaphore_mem>>) src(%dma_wait3A_267 : memref<1000x32xf32, #tpu.memory_space<vmem>>) dst(%dma_wait3A_263 : memref<1000x32xf32, #tpu.memory_space<hbm>>)
    %dma_wait3A_268 = arith.constant 1 : i32
    %dma_wait3A_269 = arith.constant 0 : i32
    %dma_wait3A_270 = arith.constant 0 : i32
    %dma_wait3A_271 = tpu.memref_slice %arg6[%dma_wait3A_268, %dma_wait3A_269, %dma_wait3A_270] : memref<3x1000x32xf32, #tpu.memory_space<vmem>> -> memref<1x1000x32xf32, #tpu.memory_space<vmem>>
    %dma_wait3A_272 = tpu.memref_squeeze %dma_wait3A_271 : memref<1x1000x32xf32, #tpu.memory_space<vmem>> -> memref<1000x32xf32, #tpu.memory_space<vmem>>
    %dma_wait3A_273 = arith.constant 0 : i32
    %dma_wait3A_274 = tpu.memref_slice %arg4[%mul3A_228, %dma_wait3A_273] : memref<160000x32xf32, #tpu.memory_space<hbm>> -> memref<1000x32xf32, #tpu.memory_space<hbm>>
    %dma_wait3A_275 = arith.constant 0 : i32
    %dma_wait3A_276 = tpu.memref_slice %arg4[%mul3A_228, %dma_wait3A_275] : memref<160000x32xf32, #tpu.memory_space<hbm>> -> memref<1000x32xf32, #tpu.memory_space<hbm>>
    %dma_wait3A_277 = arith.constant 0 : i32
    %dma_wait3A_278 = arith.constant 0 : i32
    %dma_wait3A_279 = tpu.memref_slice %arg6[%dma_wait3A_268, %dma_wait3A_277, %dma_wait3A_278] : memref<3x1000x32xf32, #tpu.memory_space<vmem>> -> memref<1x1000x32xf32, #tpu.memory_space<vmem>>
    %dma_wait3A_280 = tpu.memref_squeeze %dma_wait3A_279 : memref<1x1000x32xf32, #tpu.memory_space<vmem>> -> memref<1000x32xf32, #tpu.memory_space<vmem>>
    tpu.wait_dma2 semaphore(%arg11 : memref<!tpu.dma_semaphore, #tpu.memory_space<semaphore_mem>>) src(%dma_wait3A_280 : memref<1000x32xf32, #tpu.memory_space<vmem>>) dst(%dma_wait3A_276 : memref<1000x32xf32, #tpu.memory_space<hbm>>)
    return
  }
}

#map = affine_map<(d0, d1) -> (0, 0)>
module attributes {stable_mosaic.version = 14 : i64} {
  func.func @_sc_gather_body(%arg0: i32, %arg1: i32, %arg2: memref<10000x32xf32, #tpu.memory_space<hbm>>, %arg3: memref<160x1000xi32, #tpu.memory_space<hbm>>, %arg4: memref<160000x32xf32, #tpu.memory_space<hbm>>, %arg5: memref<5x1000xi32, #tpu.memory_space<vmem>>, %arg6: memref<3x1000x32xf32, #tpu.memory_space<vmem>>, %arg7: memref<!tpu.dma_semaphore, #tpu.memory_space<semaphore_mem>>, %arg8: memref<!tpu.dma_semaphore, #tpu.memory_space<semaphore_mem>>, %arg9: memref<!tpu.dma_semaphore, #tpu.memory_space<semaphore_mem>>, %arg10: memref<!tpu.dma_semaphore, #tpu.memory_space<semaphore_mem>>, %arg11: memref<!tpu.dma_semaphore, #tpu.memory_space<semaphore_mem>>, %arg12: memref<!tpu.dma_semaphore, #tpu.memory_space<semaphore_mem>>) attributes {dimension_semantics = [#tpu.dimension_semantics<core_parallel>, #tpu.dimension_semantics<subcore_parallel>], iteration_bounds = array<i64: 2, 16>, scalar_prefetch = 0 : i64, scratch_operands = 8 : i64, tpu.core_type = #tpu.core_type<sc_vector_subcore>, window_params = [{transform_indices = #map}, {transform_indices = #map}, {transform_indices = #map}]} {
    %mul3A = arith.constant 2 : i32
    %mul3A_0 = arith.muli %arg1, %mul3A : i32
    %add3A = arith.addi %mul3A_0, %arg0 : i32
    %mul3A_1 = arith.constant 5 : i32
    %mul3A_2 = arith.muli %add3A, %mul3A_1 : i32
    "tpu.region"() ({
      %run_scoped3A = tpu.sem_alloc : memref<!tpu.dma_semaphore, #tpu.memory_space<semaphore_mem>>
      %dma_start3A_281 = arith.constant 0 : i32
      %dma_start3A_282 = tpu.memref_slice %arg3[%mul3A_2, %dma_start3A_281] : memref<160x1000xi32, #tpu.memory_space<hbm>> -> memref<5x1000xi32, #tpu.memory_space<hbm>>
      %dma_start3A_283 = arith.constant 0 : i32
      %dma_start3A_284 = tpu.memref_slice %arg3[%mul3A_2, %dma_start3A_283] : memref<160x1000xi32, #tpu.memory_space<hbm>> -> memref<5x1000xi32, #tpu.memory_space<hbm>>
      tpu.enqueue_dma source(%dma_start3A_284 : memref<5x1000xi32, #tpu.memory_space<hbm>>) target(%arg5 : memref<5x1000xi32, #tpu.memory_space<vmem>>) target_semaphore(%run_scoped3A : memref<!tpu.dma_semaphore, #tpu.memory_space<semaphore_mem>>)
      %dma_wait3A_285 = arith.constant 0 : i32
      %dma_wait3A_286 = tpu.memref_slice %arg3[%mul3A_2, %dma_wait3A_285] : memref<160x1000xi32, #tpu.memory_space<hbm>> -> memref<5x1000xi32, #tpu.memory_space<hbm>>
      %dma_wait3A_287 = arith.constant 0 : i32
      %dma_wait3A_288 = tpu.memref_slice %arg3[%mul3A_2, %dma_wait3A_287] : memref<160x1000xi32, #tpu.memory_space<hbm>> -> memref<5x1000xi32, #tpu.memory_space<hbm>>
      tpu.wait_dma2 semaphore(%run_scoped3A : memref<!tpu.dma_semaphore, #tpu.memory_space<semaphore_mem>>) src(%dma_wait3A_288 : memref<5x1000xi32, #tpu.memory_space<hbm>>) dst(%arg5 : memref<5x1000xi32, #tpu.memory_space<vmem>>)
      tpu.yield
    }) : () -> ()
    %dma_start3A = arith.constant 0 : i32
    %dma_start3A_3 = arith.constant 0 : i32
    %dma_start3A_4 = arith.constant 0 : i32
    %dma_start3A_5 = arith.constant 0 : i32
    %dma_start3A_6 = tpu.memref_slice %arg6[%dma_start3A_3, %dma_start3A_4, %dma_start3A_5] : memref<3x1000x32xf32, #tpu.memory_space<vmem>> -> memref<1x1000x32xf32, #tpu.memory_space<vmem>>
    %dma_start3A_7 = tpu.memref_squeeze %dma_start3A_6 : memref<1x1000x32xf32, #tpu.memory_space<vmem>> -> memref<1000x32xf32, #tpu.memory_space<vmem>>
    %dma_start3A_8 = arith.constant 0 : i32
    %dma_start3A_9 = tpu.memref_slice %arg5[%dma_start3A, %dma_start3A_8] : memref<5x1000xi32, #tpu.memory_space<vmem>> -> memref<1x1000xi32, #tpu.memory_space<vmem>>
    %dma_start3A_10 = tpu.memref_squeeze %dma_start3A_9 : memref<1x1000xi32, #tpu.memory_space<vmem>> -> memref<1000xi32, #tpu.memory_space<vmem>>
    %dma_start3A_11 = arith.constant 0 : i32
    %dma_start3A_12 = arith.constant 0 : i32
    %dma_start3A_13 = tpu.memref_slice %arg2[%dma_start3A_11, %dma_start3A_12] : memref<10000x32xf32, #tpu.memory_space<hbm>> -> memref<10000x32xf32, #tpu.memory_space<hbm>>
    tpu.enqueue_indirect_dma source(%dma_start3A_13 : memref<10000x32xf32, #tpu.memory_space<hbm>>) target(%dma_start3A_7 : memref<1000x32xf32, #tpu.memory_space<vmem>>) offsets(%dma_start3A_10 : memref<1000xi32, #tpu.memory_space<vmem>>) semaphore(%arg7 : memref<!tpu.dma_semaphore, #tpu.memory_space<semaphore_mem>>)
    %dma_start3A_14 = arith.constant 1 : i32
    %dma_start3A_15 = arith.constant 1 : i32
    %dma_start3A_16 = arith.constant 0 : i32
    %dma_start3A_17 = arith.constant 0 : i32
    %dma_start3A_18 = tpu.memref_slice %arg6[%dma_start3A_15, %dma_start3A_16, %dma_start3A_17] : memref<3x1000x32xf32, #tpu.memory_space<vmem>> -> memref<1x1000x32xf32, #tpu.memory_space<vmem>>
    %dma_start3A_19 = tpu.memref_squeeze %dma_start3A_18 : memref<1x1000x32xf32, #tpu.memory_space<vmem>> -> memref<1000x32xf32, #tpu.memory_space<vmem>>
    %dma_start3A_20 = arith.constant 0 : i32
    %dma_start3A_21 = tpu.memref_slice %arg5[%dma_start3A_14, %dma_start3A_20] : memref<5x1000xi32, #tpu.memory_space<vmem>> -> memref<1x1000xi32, #tpu.memory_space<vmem>>
    %dma_start3A_22 = tpu.memref_squeeze %dma_start3A_21 : memref<1x1000xi32, #tpu.memory_space<vmem>> -> memref<1000xi32, #tpu.memory_space<vmem>>
    %dma_start3A_23 = arith.constant 0 : i32
    %dma_start3A_24 = arith.constant 0 : i32
    %dma_start3A_25 = tpu.memref_slice %arg2[%dma_start3A_23, %dma_start3A_24] : memref<10000x32xf32, #tpu.memory_space<hbm>> -> memref<10000x32xf32, #tpu.memory_space<hbm>>
    tpu.enqueue_indirect_dma source(%dma_start3A_25 : memref<10000x32xf32, #tpu.memory_space<hbm>>) target(%dma_start3A_19 : memref<1000x32xf32, #tpu.memory_space<vmem>>) offsets(%dma_start3A_22 : memref<1000xi32, #tpu.memory_space<vmem>>) semaphore(%arg8 : memref<!tpu.dma_semaphore, #tpu.memory_space<semaphore_mem>>)
    %dma_start3A_26 = arith.constant 2 : i32
    %dma_start3A_27 = arith.constant 2 : i32
    %dma_start3A_28 = arith.constant 0 : i32
    %dma_start3A_29 = arith.constant 0 : i32
    %dma_start3A_30 = tpu.memref_slice %arg6[%dma_start3A_27, %dma_start3A_28, %dma_start3A_29] : memref<3x1000x32xf32, #tpu.memory_space<vmem>> -> memref<1x1000x32xf32, #tpu.memory_space<vmem>>
    %dma_start3A_31 = tpu.memref_squeeze %dma_start3A_30 : memref<1x1000x32xf32, #tpu.memory_space<vmem>> -> memref<1000x32xf32, #tpu.memory_space<vmem>>
    %dma_start3A_32 = arith.constant 0 : i32
    %dma_start3A_33 = tpu.memref_slice %arg5[%dma_start3A_26, %dma_start3A_32] : memref<5x1000xi32, #tpu.memory_space<vmem>> -> memref<1x1000xi32, #tpu.memory_space<vmem>>
    %dma_start3A_34 = tpu.memref_squeeze %dma_start3A_33 : memref<1x1000xi32, #tpu.memory_space<vmem>> -> memref<1000xi32, #tpu.memory_space<vmem>>
    %dma_start3A_35 = arith.constant 0 : i32
    %dma_start3A_36 = arith.constant 0 : i32
    %dma_start3A_37 = tpu.memref_slice %arg2[%dma_start3A_35, %dma_start3A_36] : memref<10000x32xf32, #tpu.memory_space<hbm>> -> memref<10000x32xf32, #tpu.memory_space<hbm>>
    tpu.enqueue_indirect_dma source(%dma_start3A_37 : memref<10000x32xf32, #tpu.memory_space<hbm>>) target(%dma_start3A_31 : memref<1000x32xf32, #tpu.memory_space<vmem>>) offsets(%dma_start3A_34 : memref<1000xi32, #tpu.memory_space<vmem>>) semaphore(%arg9 : memref<!tpu.dma_semaphore, #tpu.memory_space<semaphore_mem>>)
    %dma_wait3A = arith.constant 0 : i32
    %dma_wait3A_38 = arith.constant 0 : i32
    %dma_wait3A_39 = arith.constant 0 : i32
    %dma_wait3A_40 = arith.constant 0 : i32
    %dma_wait3A_41 = tpu.memref_slice %arg6[%dma_wait3A_38, %dma_wait3A_39, %dma_wait3A_40] : memref<3x1000x32xf32, #tpu.memory_space<vmem>> -> memref<1x1000x32xf32, #tpu.memory_space<vmem>>
    %dma_wait3A_42 = tpu.memref_squeeze %dma_wait3A_41 : memref<1x1000x32xf32, #tpu.memory_space<vmem>> -> memref<1000x32xf32, #tpu.memory_space<vmem>>
    %dma_wait3A_43 = arith.constant 0 : i32
    %dma_wait3A_44 = tpu.memref_slice %arg5[%dma_wait3A, %dma_wait3A_43] : memref<5x1000xi32, #tpu.memory_space<vmem>> -> memref<1x1000xi32, #tpu.memory_space<vmem>>
    %dma_wait3A_45 = tpu.memref_squeeze %dma_wait3A_44 : memref<1x1000xi32, #tpu.memory_space<vmem>> -> memref<1000xi32, #tpu.memory_space<vmem>>
    %dma_wait3A_46 = arith.constant 0 : i32
    %dma_wait3A_47 = arith.constant 0 : i32
    %dma_wait3A_48 = tpu.memref_slice %arg2[%dma_wait3A_46, %dma_wait3A_47] : memref<10000x32xf32, #tpu.memory_space<hbm>> -> memref<10000x32xf32, #tpu.memory_space<hbm>>
    tpu.wait_indirect_dma semaphore(%arg7 : memref<!tpu.dma_semaphore, #tpu.memory_space<semaphore_mem>>) src(%dma_wait3A_48 : memref<10000x32xf32, #tpu.memory_space<hbm>>) dst(%dma_wait3A_42 : memref<1000x32xf32, #tpu.memory_space<vmem>>)
    %mul3A_49 = arith.constant 5 : i32
    %mul3A_50 = arith.muli %add3A, %mul3A_49 : i32
    %add3A_51 = arith.constant 0 : i32
    %add3A_52 = arith.addi %mul3A_50, %add3A_51 : i32
    %mul3A_53 = arith.constant 1000 : i32
    %mul3A_54 = arith.muli %add3A_52, %mul3A_53 : i32
    %dma_start3A_55 = arith.constant 0 : i32
    %dma_start3A_56 = arith.constant 0 : i32
    %dma_start3A_57 = arith.constant 0 : i32
    %dma_start3A_58 = tpu.memref_slice %arg6[%dma_start3A_55, %dma_start3A_56, %dma_start3A_57] : memref<3x1000x32xf32, #tpu.memory_space<vmem>> -> memref<1x1000x32xf32, #tpu.memory_space<vmem>>
    %dma_start3A_59 = tpu.memref_squeeze %dma_start3A_58 : memref<1x1000x32xf32, #tpu.memory_space<vmem>> -> memref<1000x32xf32, #tpu.memory_space<vmem>>
    %dma_start3A_60 = arith.constant 0 : i32
    %dma_start3A_61 = tpu.memref_slice %arg4[%mul3A_54, %dma_start3A_60] : memref<160000x32xf32, #tpu.memory_space<hbm>> -> memref<1000x32xf32, #tpu.memory_space<hbm>>
    %dma_start3A_62 = arith.constant 0 : i32
    %dma_start3A_63 = tpu.memref_slice %arg4[%mul3A_54, %dma_start3A_62] : memref<160000x32xf32, #tpu.memory_space<hbm>> -> memref<1000x32xf32, #tpu.memory_space<hbm>>
    %dma_start3A_64 = arith.constant 0 : i32
    %dma_start3A_65 = arith.constant 0 : i32
    %dma_start3A_66 = tpu.memref_slice %arg6[%dma_start3A_55, %dma_start3A_64, %dma_start3A_65] : memref<3x1000x32xf32, #tpu.memory_space<vmem>> -> memref<1x1000x32xf32, #tpu.memory_space<vmem>>
    %dma_start3A_67 = tpu.memref_squeeze %dma_start3A_66 : memref<1x1000x32xf32, #tpu.memory_space<vmem>> -> memref<1000x32xf32, #tpu.memory_space<vmem>>
    tpu.enqueue_dma source(%dma_start3A_67 : memref<1000x32xf32, #tpu.memory_space<vmem>>) target(%dma_start3A_63 : memref<1000x32xf32, #tpu.memory_space<hbm>>) target_semaphore(%arg10 : memref<!tpu.dma_semaphore, #tpu.memory_space<semaphore_mem>>)
    %dma_wait3A_68 = arith.constant 0 : i32
    %dma_wait3A_69 = arith.constant 0 : i32
    %dma_wait3A_70 = arith.constant 0 : i32
    %dma_wait3A_71 = tpu.memref_slice %arg6[%dma_wait3A_68, %dma_wait3A_69, %dma_wait3A_70] : memref<3x1000x32xf32, #tpu.memory_space<vmem>> -> memref<1x1000x32xf32, #tpu.memory_space<vmem>>
    %dma_wait3A_72 = tpu.memref_squeeze %dma_wait3A_71 : memref<1x1000x32xf32, #tpu.memory_space<vmem>> -> memref<1000x32xf32, #tpu.memory_space<vmem>>
    %dma_wait3A_73 = arith.constant 0 : i32
    %dma_wait3A_74 = tpu.memref_slice %arg4[%mul3A_54, %dma_wait3A_73] : memref<160000x32xf32, #tpu.memory_space<hbm>> -> memref<1000x32xf32, #tpu.memory_space<hbm>>
    %dma_wait3A_75 = arith.constant 0 : i32
    %dma_wait3A_76 = tpu.memref_slice %arg4[%mul3A_54, %dma_wait3A_75] : memref<160000x32xf32, #tpu.memory_space<hbm>> -> memref<1000x32xf32, #tpu.memory_space<hbm>>
    %dma_wait3A_77 = arith.constant 0 : i32
    %dma_wait3A_78 = arith.constant 0 : i32
    %dma_wait3A_79 = tpu.memref_slice %arg6[%dma_wait3A_68, %dma_wait3A_77, %dma_wait3A_78] : memref<3x1000x32xf32, #tpu.memory_space<vmem>> -> memref<1x1000x32xf32, #tpu.memory_space<vmem>>
    %dma_wait3A_80 = tpu.memref_squeeze %dma_wait3A_79 : memref<1x1000x32xf32, #tpu.memory_space<vmem>> -> memref<1000x32xf32, #tpu.memory_space<vmem>>
    tpu.wait_dma2 semaphore(%arg10 : memref<!tpu.dma_semaphore, #tpu.memory_space<semaphore_mem>>) src(%dma_wait3A_80 : memref<1000x32xf32, #tpu.memory_space<vmem>>) dst(%dma_wait3A_76 : memref<1000x32xf32, #tpu.memory_space<hbm>>)
    %dma_start3A_81 = arith.constant 3 : i32
    %dma_start3A_82 = arith.constant 0 : i32
    %dma_start3A_83 = arith.constant 0 : i32
    %dma_start3A_84 = arith.constant 0 : i32
    %dma_start3A_85 = tpu.memref_slice %arg6[%dma_start3A_82, %dma_start3A_83, %dma_start3A_84] : memref<3x1000x32xf32, #tpu.memory_space<vmem>> -> memref<1x1000x32xf32, #tpu.memory_space<vmem>>
    %dma_start3A_86 = tpu.memref_squeeze %dma_start3A_85 : memref<1x1000x32xf32, #tpu.memory_space<vmem>> -> memref<1000x32xf32, #tpu.memory_space<vmem>>
    %dma_start3A_87 = arith.constant 0 : i32
    %dma_start3A_88 = tpu.memref_slice %arg5[%dma_start3A_81, %dma_start3A_87] : memref<5x1000xi32, #tpu.memory_space<vmem>> -> memref<1x1000xi32, #tpu.memory_space<vmem>>
    %dma_start3A_89 = tpu.memref_squeeze %dma_start3A_88 : memref<1x1000xi32, #tpu.memory_space<vmem>> -> memref<1000xi32, #tpu.memory_space<vmem>>
    %dma_start3A_90 = arith.constant 0 : i32
    %dma_start3A_91 = arith.constant 0 : i32
    %dma_start3A_92 = tpu.memref_slice %arg2[%dma_start3A_90, %dma_start3A_91] : memref<10000x32xf32, #tpu.memory_space<hbm>> -> memref<10000x32xf32, #tpu.memory_space<hbm>>
    tpu.enqueue_indirect_dma source(%dma_start3A_92 : memref<10000x32xf32, #tpu.memory_space<hbm>>) target(%dma_start3A_86 : memref<1000x32xf32, #tpu.memory_space<vmem>>) offsets(%dma_start3A_89 : memref<1000xi32, #tpu.memory_space<vmem>>) semaphore(%arg7 : memref<!tpu.dma_semaphore, #tpu.memory_space<semaphore_mem>>)
    %dma_wait3A_93 = arith.constant 1 : i32
    %dma_wait3A_94 = arith.constant 1 : i32
    %dma_wait3A_95 = arith.constant 0 : i32
    %dma_wait3A_96 = arith.constant 0 : i32
    %dma_wait3A_97 = tpu.memref_slice %arg6[%dma_wait3A_94, %dma_wait3A_95, %dma_wait3A_96] : memref<3x1000x32xf32, #tpu.memory_space<vmem>> -> memref<1x1000x32xf32, #tpu.memory_space<vmem>>
    %dma_wait3A_98 = tpu.memref_squeeze %dma_wait3A_97 : memref<1x1000x32xf32, #tpu.memory_space<vmem>> -> memref<1000x32xf32, #tpu.memory_space<vmem>>
    %dma_wait3A_99 = arith.constant 0 : i32
    %dma_wait3A_100 = tpu.memref_slice %arg5[%dma_wait3A_93, %dma_wait3A_99] : memref<5x1000xi32, #tpu.memory_space<vmem>> -> memref<1x1000xi32, #tpu.memory_space<vmem>>
    %dma_wait3A_101 = tpu.memref_squeeze %dma_wait3A_100 : memref<1x1000xi32, #tpu.memory_space<vmem>> -> memref<1000xi32, #tpu.memory_space<vmem>>
    %dma_wait3A_102 = arith.constant 0 : i32
    %dma_wait3A_103 = arith.constant 0 : i32
    %dma_wait3A_104 = tpu.memref_slice %arg2[%dma_wait3A_102, %dma_wait3A_103] : memref<10000x32xf32, #tpu.memory_space<hbm>> -> memref<10000x32xf32, #tpu.memory_space<hbm>>
    tpu.wait_indirect_dma semaphore(%arg8 : memref<!tpu.dma_semaphore, #tpu.memory_space<semaphore_mem>>) src(%dma_wait3A_104 : memref<10000x32xf32, #tpu.memory_space<hbm>>) dst(%dma_wait3A_98 : memref<1000x32xf32, #tpu.memory_space<vmem>>)
    %mul3A_105 = arith.constant 5 : i32
    %mul3A_106 = arith.muli %add3A, %mul3A_105 : i32
    %add3A_107 = arith.constant 1 : i32
    %add3A_108 = arith.addi %mul3A_106, %add3A_107 : i32
    %mul3A_109 = arith.constant 1000 : i32
    %mul3A_110 = arith.muli %add3A_108, %mul3A_109 : i32
    %dma_start3A_111 = arith.constant 1 : i32
    %dma_start3A_112 = arith.constant 0 : i32
    %dma_start3A_113 = arith.constant 0 : i32
    %dma_start3A_114 = tpu.memref_slice %arg6[%dma_start3A_111, %dma_start3A_112, %dma_start3A_113] : memref<3x1000x32xf32, #tpu.memory_space<vmem>> -> memref<1x1000x32xf32, #tpu.memory_space<vmem>>
    %dma_start3A_115 = tpu.memref_squeeze %dma_start3A_114 : memref<1x1000x32xf32, #tpu.memory_space<vmem>> -> memref<1000x32xf32, #tpu.memory_space<vmem>>
    %dma_start3A_116 = arith.constant 0 : i32
    %dma_start3A_117 = tpu.memref_slice %arg4[%mul3A_110, %dma_start3A_116] : memref<160000x32xf32, #tpu.memory_space<hbm>> -> memref<1000x32xf32, #tpu.memory_space<hbm>>
    %dma_start3A_118 = arith.constant 0 : i32
    %dma_start3A_119 = tpu.memref_slice %arg4[%mul3A_110, %dma_start3A_118] : memref<160000x32xf32, #tpu.memory_space<hbm>> -> memref<1000x32xf32, #tpu.memory_space<hbm>>
    %dma_start3A_120 = arith.constant 0 : i32
    %dma_start3A_121 = arith.constant 0 : i32
    %dma_start3A_122 = tpu.memref_slice %arg6[%dma_start3A_111, %dma_start3A_120, %dma_start3A_121] : memref<3x1000x32xf32, #tpu.memory_space<vmem>> -> memref<1x1000x32xf32, #tpu.memory_space<vmem>>
    %dma_start3A_123 = tpu.memref_squeeze %dma_start3A_122 : memref<1x1000x32xf32, #tpu.memory_space<vmem>> -> memref<1000x32xf32, #tpu.memory_space<vmem>>
    tpu.enqueue_dma source(%dma_start3A_123 : memref<1000x32xf32, #tpu.memory_space<vmem>>) target(%dma_start3A_119 : memref<1000x32xf32, #tpu.memory_space<hbm>>) target_semaphore(%arg11 : memref<!tpu.dma_semaphore, #tpu.memory_space<semaphore_mem>>)
    %dma_wait3A_124 = arith.constant 1 : i32
    %dma_wait3A_125 = arith.constant 0 : i32
    %dma_wait3A_126 = arith.constant 0 : i32
    %dma_wait3A_127 = tpu.memref_slice %arg6[%dma_wait3A_124, %dma_wait3A_125, %dma_wait3A_126] : memref<3x1000x32xf32, #tpu.memory_space<vmem>> -> memref<1x1000x32xf32, #tpu.memory_space<vmem>>
    %dma_wait3A_128 = tpu.memref_squeeze %dma_wait3A_127 : memref<1x1000x32xf32, #tpu.memory_space<vmem>> -> memref<1000x32xf32, #tpu.memory_space<vmem>>
    %dma_wait3A_129 = arith.constant 0 : i32
    %dma_wait3A_130 = tpu.memref_slice %arg4[%mul3A_110, %dma_wait3A_129] : memref<160000x32xf32, #tpu.memory_space<hbm>> -> memref<1000x32xf32, #tpu.memory_space<hbm>>
    %dma_wait3A_131 = arith.constant 0 : i32
    %dma_wait3A_132 = tpu.memref_slice %arg4[%mul3A_110, %dma_wait3A_131] : memref<160000x32xf32, #tpu.memory_space<hbm>> -> memref<1000x32xf32, #tpu.memory_space<hbm>>
    %dma_wait3A_133 = arith.constant 0 : i32
    %dma_wait3A_134 = arith.constant 0 : i32
    %dma_wait3A_135 = tpu.memref_slice %arg6[%dma_wait3A_124, %dma_wait3A_133, %dma_wait3A_134] : memref<3x1000x32xf32, #tpu.memory_space<vmem>> -> memref<1x1000x32xf32, #tpu.memory_space<vmem>>
    %dma_wait3A_136 = tpu.memref_squeeze %dma_wait3A_135 : memref<1x1000x32xf32, #tpu.memory_space<vmem>> -> memref<1000x32xf32, #tpu.memory_space<vmem>>
    tpu.wait_dma2 semaphore(%arg11 : memref<!tpu.dma_semaphore, #tpu.memory_space<semaphore_mem>>) src(%dma_wait3A_136 : memref<1000x32xf32, #tpu.memory_space<vmem>>) dst(%dma_wait3A_132 : memref<1000x32xf32, #tpu.memory_space<hbm>>)
    %dma_start3A_137 = arith.constant 4 : i32
    %dma_start3A_138 = arith.constant 1 : i32
    %dma_start3A_139 = arith.constant 0 : i32
    %dma_start3A_140 = arith.constant 0 : i32
    %dma_start3A_141 = tpu.memref_slice %arg6[%dma_start3A_138, %dma_start3A_139, %dma_start3A_140] : memref<3x1000x32xf32, #tpu.memory_space<vmem>> -> memref<1x1000x32xf32, #tpu.memory_space<vmem>>
    %dma_start3A_142 = tpu.memref_squeeze %dma_start3A_141 : memref<1x1000x32xf32, #tpu.memory_space<vmem>> -> memref<1000x32xf32, #tpu.memory_space<vmem>>
    %dma_start3A_143 = arith.constant 0 : i32
    %dma_start3A_144 = tpu.memref_slice %arg5[%dma_start3A_137, %dma_start3A_143] : memref<5x1000xi32, #tpu.memory_space<vmem>> -> memref<1x1000xi32, #tpu.memory_space<vmem>>
    %dma_start3A_145 = tpu.memref_squeeze %dma_start3A_144 : memref<1x1000xi32, #tpu.memory_space<vmem>> -> memref<1000xi32, #tpu.memory_space<vmem>>
    %dma_start3A_146 = arith.constant 0 : i32
    %dma_start3A_147 = arith.constant 0 : i32
    %dma_start3A_148 = tpu.memref_slice %arg2[%dma_start3A_146, %dma_start3A_147] : memref<10000x32xf32, #tpu.memory_space<hbm>> -> memref<10000x32xf32, #tpu.memory_space<hbm>>
    tpu.enqueue_indirect_dma source(%dma_start3A_148 : memref<10000x32xf32, #tpu.memory_space<hbm>>) target(%dma_start3A_142 : memref<1000x32xf32, #tpu.memory_space<vmem>>) offsets(%dma_start3A_145 : memref<1000xi32, #tpu.memory_space<vmem>>) semaphore(%arg8 : memref<!tpu.dma_semaphore, #tpu.memory_space<semaphore_mem>>)
    %dma_wait3A_149 = arith.constant 2 : i32
    %dma_wait3A_150 = arith.constant 2 : i32
    %dma_wait3A_151 = arith.constant 0 : i32
    %dma_wait3A_152 = arith.constant 0 : i32
    %dma_wait3A_153 = tpu.memref_slice %arg6[%dma_wait3A_150, %dma_wait3A_151, %dma_wait3A_152] : memref<3x1000x32xf32, #tpu.memory_space<vmem>> -> memref<1x1000x32xf32, #tpu.memory_space<vmem>>
    %dma_wait3A_154 = tpu.memref_squeeze %dma_wait3A_153 : memref<1x1000x32xf32, #tpu.memory_space<vmem>> -> memref<1000x32xf32, #tpu.memory_space<vmem>>
    %dma_wait3A_155 = arith.constant 0 : i32
    %dma_wait3A_156 = tpu.memref_slice %arg5[%dma_wait3A_149, %dma_wait3A_155] : memref<5x1000xi32, #tpu.memory_space<vmem>> -> memref<1x1000xi32, #tpu.memory_space<vmem>>
    %dma_wait3A_157 = tpu.memref_squeeze %dma_wait3A_156 : memref<1x1000xi32, #tpu.memory_space<vmem>> -> memref<1000xi32, #tpu.memory_space<vmem>>
    %dma_wait3A_158 = arith.constant 0 : i32
    %dma_wait3A_159 = arith.constant 0 : i32
    %dma_wait3A_160 = tpu.memref_slice %arg2[%dma_wait3A_158, %dma_wait3A_159] : memref<10000x32xf32, #tpu.memory_space<hbm>> -> memref<10000x32xf32, #tpu.memory_space<hbm>>
    tpu.wait_indirect_dma semaphore(%arg9 : memref<!tpu.dma_semaphore, #tpu.memory_space<semaphore_mem>>) src(%dma_wait3A_160 : memref<10000x32xf32, #tpu.memory_space<hbm>>) dst(%dma_wait3A_154 : memref<1000x32xf32, #tpu.memory_space<vmem>>)
    %mul3A_161 = arith.constant 5 : i32
    %mul3A_162 = arith.muli %add3A, %mul3A_161 : i32
    %add3A_163 = arith.constant 2 : i32
    %add3A_164 = arith.addi %mul3A_162, %add3A_163 : i32
    %mul3A_165 = arith.constant 1000 : i32
    %mul3A_166 = arith.muli %add3A_164, %mul3A_165 : i32
    %dma_start3A_167 = arith.constant 2 : i32
    %dma_start3A_168 = arith.constant 0 : i32
    %dma_start3A_169 = arith.constant 0 : i32
    %dma_start3A_170 = tpu.memref_slice %arg6[%dma_start3A_167, %dma_start3A_168, %dma_start3A_169] : memref<3x1000x32xf32, #tpu.memory_space<vmem>> -> memref<1x1000x32xf32, #tpu.memory_space<vmem>>
    %dma_start3A_171 = tpu.memref_squeeze %dma_start3A_170 : memref<1x1000x32xf32, #tpu.memory_space<vmem>> -> memref<1000x32xf32, #tpu.memory_space<vmem>>
    %dma_start3A_172 = arith.constant 0 : i32
    %dma_start3A_173 = tpu.memref_slice %arg4[%mul3A_166, %dma_start3A_172] : memref<160000x32xf32, #tpu.memory_space<hbm>> -> memref<1000x32xf32, #tpu.memory_space<hbm>>
    %dma_start3A_174 = arith.constant 0 : i32
    %dma_start3A_175 = tpu.memref_slice %arg4[%mul3A_166, %dma_start3A_174] : memref<160000x32xf32, #tpu.memory_space<hbm>> -> memref<1000x32xf32, #tpu.memory_space<hbm>>
    %dma_start3A_176 = arith.constant 0 : i32
    %dma_start3A_177 = arith.constant 0 : i32
    %dma_start3A_178 = tpu.memref_slice %arg6[%dma_start3A_167, %dma_start3A_176, %dma_start3A_177] : memref<3x1000x32xf32, #tpu.memory_space<vmem>> -> memref<1x1000x32xf32, #tpu.memory_space<vmem>>
    %dma_start3A_179 = tpu.memref_squeeze %dma_start3A_178 : memref<1x1000x32xf32, #tpu.memory_space<vmem>> -> memref<1000x32xf32, #tpu.memory_space<vmem>>
    tpu.enqueue_dma source(%dma_start3A_179 : memref<1000x32xf32, #tpu.memory_space<vmem>>) target(%dma_start3A_175 : memref<1000x32xf32, #tpu.memory_space<hbm>>) target_semaphore(%arg12 : memref<!tpu.dma_semaphore, #tpu.memory_space<semaphore_mem>>)
    %dma_wait3A_180 = arith.constant 3 : i32
    %dma_wait3A_181 = arith.constant 0 : i32
    %dma_wait3A_182 = arith.constant 0 : i32
    %dma_wait3A_183 = arith.constant 0 : i32
    %dma_wait3A_184 = tpu.memref_slice %arg6[%dma_wait3A_181, %dma_wait3A_182, %dma_wait3A_183] : memref<3x1000x32xf32, #tpu.memory_space<vmem>> -> memref<1x1000x32xf32, #tpu.memory_space<vmem>>
    %dma_wait3A_185 = tpu.memref_squeeze %dma_wait3A_184 : memref<1x1000x32xf32, #tpu.memory_space<vmem>> -> memref<1000x32xf32, #tpu.memory_space<vmem>>
    %dma_wait3A_186 = arith.constant 0 : i32
    %dma_wait3A_187 = tpu.memref_slice %arg5[%dma_wait3A_180, %dma_wait3A_186] : memref<5x1000xi32, #tpu.memory_space<vmem>> -> memref<1x1000xi32, #tpu.memory_space<vmem>>
    %dma_wait3A_188 = tpu.memref_squeeze %dma_wait3A_187 : memref<1x1000xi32, #tpu.memory_space<vmem>> -> memref<1000xi32, #tpu.memory_space<vmem>>
    %dma_wait3A_189 = arith.constant 0 : i32
    %dma_wait3A_190 = arith.constant 0 : i32
    %dma_wait3A_191 = tpu.memref_slice %arg2[%dma_wait3A_189, %dma_wait3A_190] : memref<10000x32xf32, #tpu.memory_space<hbm>> -> memref<10000x32xf32, #tpu.memory_space<hbm>>
    tpu.wait_indirect_dma semaphore(%arg7 : memref<!tpu.dma_semaphore, #tpu.memory_space<semaphore_mem>>) src(%dma_wait3A_191 : memref<10000x32xf32, #tpu.memory_space<hbm>>) dst(%dma_wait3A_185 : memref<1000x32xf32, #tpu.memory_space<vmem>>)
    %mul3A_192 = arith.constant 5 : i32
    %mul3A_193 = arith.muli %add3A, %mul3A_192 : i32
    %add3A_194 = arith.constant 3 : i32
    %add3A_195 = arith.addi %mul3A_193, %add3A_194 : i32
    %mul3A_196 = arith.constant 1000 : i32
    %mul3A_197 = arith.muli %add3A_195, %mul3A_196 : i32
    %dma_start3A_198 = arith.constant 0 : i32
    %dma_start3A_199 = arith.constant 0 : i32
    %dma_start3A_200 = arith.constant 0 : i32
    %dma_start3A_201 = tpu.memref_slice %arg6[%dma_start3A_198, %dma_start3A_199, %dma_start3A_200] : memref<3x1000x32xf32, #tpu.memory_space<vmem>> -> memref<1x1000x32xf32, #tpu.memory_space<vmem>>
    %dma_start3A_202 = tpu.memref_squeeze %dma_start3A_201 : memref<1x1000x32xf32, #tpu.memory_space<vmem>> -> memref<1000x32xf32, #tpu.memory_space<vmem>>
    %dma_start3A_203 = arith.constant 0 : i32
    %dma_start3A_204 = tpu.memref_slice %arg4[%mul3A_197, %dma_start3A_203] : memref<160000x32xf32, #tpu.memory_space<hbm>> -> memref<1000x32xf32, #tpu.memory_space<hbm>>
    %dma_start3A_205 = arith.constant 0 : i32
    %dma_start3A_206 = tpu.memref_slice %arg4[%mul3A_197, %dma_start3A_205] : memref<160000x32xf32, #tpu.memory_space<hbm>> -> memref<1000x32xf32, #tpu.memory_space<hbm>>
    %dma_start3A_207 = arith.constant 0 : i32
    %dma_start3A_208 = arith.constant 0 : i32
    %dma_start3A_209 = tpu.memref_slice %arg6[%dma_start3A_198, %dma_start3A_207, %dma_start3A_208] : memref<3x1000x32xf32, #tpu.memory_space<vmem>> -> memref<1x1000x32xf32, #tpu.memory_space<vmem>>
    %dma_start3A_210 = tpu.memref_squeeze %dma_start3A_209 : memref<1x1000x32xf32, #tpu.memory_space<vmem>> -> memref<1000x32xf32, #tpu.memory_space<vmem>>
    tpu.enqueue_dma source(%dma_start3A_210 : memref<1000x32xf32, #tpu.memory_space<vmem>>) target(%dma_start3A_206 : memref<1000x32xf32, #tpu.memory_space<hbm>>) target_semaphore(%arg10 : memref<!tpu.dma_semaphore, #tpu.memory_space<semaphore_mem>>)
    %dma_wait3A_211 = arith.constant 4 : i32
    %dma_wait3A_212 = arith.constant 1 : i32
    %dma_wait3A_213 = arith.constant 0 : i32
    %dma_wait3A_214 = arith.constant 0 : i32
    %dma_wait3A_215 = tpu.memref_slice %arg6[%dma_wait3A_212, %dma_wait3A_213, %dma_wait3A_214] : memref<3x1000x32xf32, #tpu.memory_space<vmem>> -> memref<1x1000x32xf32, #tpu.memory_space<vmem>>
    %dma_wait3A_216 = tpu.memref_squeeze %dma_wait3A_215 : memref<1x1000x32xf32, #tpu.memory_space<vmem>> -> memref<1000x32xf32, #tpu.memory_space<vmem>>
    %dma_wait3A_217 = arith.constant 0 : i32
    %dma_wait3A_218 = tpu.memref_slice %arg5[%dma_wait3A_211, %dma_wait3A_217] : memref<5x1000xi32, #tpu.memory_space<vmem>> -> memref<1x1000xi32, #tpu.memory_space<vmem>>
    %dma_wait3A_219 = tpu.memref_squeeze %dma_wait3A_218 : memref<1x1000xi32, #tpu.memory_space<vmem>> -> memref<1000xi32, #tpu.memory_space<vmem>>
    %dma_wait3A_220 = arith.constant 0 : i32
    %dma_wait3A_221 = arith.constant 0 : i32
    %dma_wait3A_222 = tpu.memref_slice %arg2[%dma_wait3A_220, %dma_wait3A_221] : memref<10000x32xf32, #tpu.memory_space<hbm>> -> memref<10000x32xf32, #tpu.memory_space<hbm>>
    tpu.wait_indirect_dma semaphore(%arg8 : memref<!tpu.dma_semaphore, #tpu.memory_space<semaphore_mem>>) src(%dma_wait3A_222 : memref<10000x32xf32, #tpu.memory_space<hbm>>) dst(%dma_wait3A_216 : memref<1000x32xf32, #tpu.memory_space<vmem>>)
    %mul3A_223 = arith.constant 5 : i32
    %mul3A_224 = arith.muli %add3A, %mul3A_223 : i32
    %add3A_225 = arith.constant 4 : i32
    %add3A_226 = arith.addi %mul3A_224, %add3A_225 : i32
    %mul3A_227 = arith.constant 1000 : i32
    %mul3A_228 = arith.muli %add3A_226, %mul3A_227 : i32
    %dma_start3A_229 = arith.constant 1 : i32
    %dma_start3A_230 = arith.constant 0 : i32
    %dma_start3A_231 = arith.constant 0 : i32
    %dma_start3A_232 = tpu.memref_slice %arg6[%dma_start3A_229, %dma_start3A_230, %dma_start3A_231] : memref<3x1000x32xf32, #tpu.memory_space<vmem>> -> memref<1x1000x32xf32, #tpu.memory_space<vmem>>
    %dma_start3A_233 = tpu.memref_squeeze %dma_start3A_232 : memref<1x1000x32xf32, #tpu.memory_space<vmem>> -> memref<1000x32xf32, #tpu.memory_space<vmem>>
    %dma_start3A_234 = arith.constant 0 : i32
    %dma_start3A_235 = tpu.memref_slice %arg4[%mul3A_228, %dma_start3A_234] : memref<160000x32xf32, #tpu.memory_space<hbm>> -> memref<1000x32xf32, #tpu.memory_space<hbm>>
    %dma_start3A_236 = arith.constant 0 : i32
    %dma_start3A_237 = tpu.memref_slice %arg4[%mul3A_228, %dma_start3A_236] : memref<160000x32xf32, #tpu.memory_space<hbm>> -> memref<1000x32xf32, #tpu.memory_space<hbm>>
    %dma_start3A_238 = arith.constant 0 : i32
    %dma_start3A_239 = arith.constant 0 : i32
    %dma_start3A_240 = tpu.memref_slice %arg6[%dma_start3A_229, %dma_start3A_238, %dma_start3A_239] : memref<3x1000x32xf32, #tpu.memory_space<vmem>> -> memref<1x1000x32xf32, #tpu.memory_space<vmem>>
    %dma_start3A_241 = tpu.memref_squeeze %dma_start3A_240 : memref<1x1000x32xf32, #tpu.memory_space<vmem>> -> memref<1000x32xf32, #tpu.memory_space<vmem>>
    tpu.enqueue_dma source(%dma_start3A_241 : memref<1000x32xf32, #tpu.memory_space<vmem>>) target(%dma_start3A_237 : memref<1000x32xf32, #tpu.memory_space<hbm>>) target_semaphore(%arg11 : memref<!tpu.dma_semaphore, #tpu.memory_space<semaphore_mem>>)
    %dma_wait3A_242 = arith.constant 2 : i32
    %dma_wait3A_243 = arith.constant 0 : i32
    %dma_wait3A_244 = arith.constant 0 : i32
    %dma_wait3A_245 = tpu.memref_slice %arg6[%dma_wait3A_242, %dma_wait3A_243, %dma_wait3A_244] : memref<3x1000x32xf32, #tpu.memory_space<vmem>> -> memref<1x1000x32xf32, #tpu.memory_space<vmem>>
    %dma_wait3A_246 = tpu.memref_squeeze %dma_wait3A_245 : memref<1x1000x32xf32, #tpu.memory_space<vmem>> -> memref<1000x32xf32, #tpu.memory_space<vmem>>
    %dma_wait3A_247 = arith.constant 0 : i32
    %dma_wait3A_248 = tpu.memref_slice %arg4[%mul3A_166, %dma_wait3A_247] : memref<160000x32xf32, #tpu.memory_space<hbm>> -> memref<1000x32xf32, #tpu.memory_space<hbm>>
    %dma_wait3A_249 = arith.constant 0 : i32
    %dma_wait3A_250 = tpu.memref_slice %arg4[%mul3A_166, %dma_wait3A_249] : memref<160000x32xf32, #tpu.memory_space<hbm>> -> memref<1000x32xf32, #tpu.memory_space<hbm>>
    %dma_wait3A_251 = arith.constant 0 : i32
    %dma_wait3A_252 = arith.constant 0 : i32
    %dma_wait3A_253 = tpu.memref_slice %arg6[%dma_wait3A_242, %dma_wait3A_251, %dma_wait3A_252] : memref<3x1000x32xf32, #tpu.memory_space<vmem>> -> memref<1x1000x32xf32, #tpu.memory_space<vmem>>
    %dma_wait3A_254 = tpu.memref_squeeze %dma_wait3A_253 : memref<1x1000x32xf32, #tpu.memory_space<vmem>> -> memref<1000x32xf32, #tpu.memory_space<vmem>>
    tpu.wait_dma2 semaphore(%arg12 : memref<!tpu.dma_semaphore, #tpu.memory_space<semaphore_mem>>) src(%dma_wait3A_254 : memref<1000x32xf32, #tpu.memory_space<vmem>>) dst(%dma_wait3A_250 : memref<1000x32xf32, #tpu.memory_space<hbm>>)
    %dma_wait3A_255 = arith.constant 0 : i32
    %dma_wait3A_256 = arith.constant 0 : i32
    %dma_wait3A_257 = arith.constant 0 : i32
    %dma_wait3A_258 = tpu.memref_slice %arg6[%dma_wait3A_255, %dma_wait3A_256, %dma_wait3A_257] : memref<3x1000x32xf32, #tpu.memory_space<vmem>> -> memref<1x1000x32xf32, #tpu.memory_space<vmem>>
    %dma_wait3A_259 = tpu.memref_squeeze %dma_wait3A_258 : memref<1x1000x32xf32, #tpu.memory_space<vmem>> -> memref<1000x32xf32, #tpu.memory_space<vmem>>
    %dma_wait3A_260 = arith.constant 0 : i32
    %dma_wait3A_261 = tpu.memref_slice %arg4[%mul3A_197, %dma_wait3A_260] : memref<160000x32xf32, #tpu.memory_space<hbm>> -> memref<1000x32xf32, #tpu.memory_space<hbm>>
    %dma_wait3A_262 = arith.constant 0 : i32
    %dma_wait3A_263 = tpu.memref_slice %arg4[%mul3A_197, %dma_wait3A_262] : memref<160000x32xf32, #tpu.memory_space<hbm>> -> memref<1000x32xf32, #tpu.memory_space<hbm>>
    %dma_wait3A_264 = arith.constant 0 : i32
    %dma_wait3A_265 = arith.constant 0 : i32
    %dma_wait3A_266 = tpu.memref_slice %arg6[%dma_wait3A_255, %dma_wait3A_264, %dma_wait3A_265] : memref<3x1000x32xf32, #tpu.memory_space<vmem>> -> memref<1x1000x32xf32, #tpu.memory_space<vmem>>
    %dma_wait3A_267 = tpu.memref_squeeze %dma_wait3A_266 : memref<1x1000x32xf32, #tpu.memory_space<vmem>> -> memref<1000x32xf32, #tpu.memory_space<vmem>>
    tpu.wait_dma2 semaphore(%arg10 : memref<!tpu.dma_semaphore, #tpu.memory_space<semaphore_mem>>) src(%dma_wait3A_267 : memref<1000x32xf32, #tpu.memory_space<vmem>>) dst(%dma_wait3A_263 : memref<1000x32xf32, #tpu.memory_space<hbm>>)
    %dma_wait3A_268 = arith.constant 1 : i32
    %dma_wait3A_269 = arith.constant 0 : i32
    %dma_wait3A_270 = arith.constant 0 : i32
    %dma_wait3A_271 = tpu.memref_slice %arg6[%dma_wait3A_268, %dma_wait3A_269, %dma_wait3A_270] : memref<3x1000x32xf32, #tpu.memory_space<vmem>> -> memref<1x1000x32xf32, #tpu.memory_space<vmem>>
    %dma_wait3A_272 = tpu.memref_squeeze %dma_wait3A_271 : memref<1x1000x32xf32, #tpu.memory_space<vmem>> -> memref<1000x32xf32, #tpu.memory_space<vmem>>
    %dma_wait3A_273 = arith.constant 0 : i32
    %dma_wait3A_274 = tpu.memref_slice %arg4[%mul3A_228, %dma_wait3A_273] : memref<160000x32xf32, #tpu.memory_space<hbm>> -> memref<1000x32xf32, #tpu.memory_space<hbm>>
    %dma_wait3A_275 = arith.constant 0 : i32
    %dma_wait3A_276 = tpu.memref_slice %arg4[%mul3A_228, %dma_wait3A_275] : memref<160000x32xf32, #tpu.memory_space<hbm>> -> memref<1000x32xf32, #tpu.memory_space<hbm>>
    %dma_wait3A_277 = arith.constant 0 : i32
    %dma_wait3A_278 = arith.constant 0 : i32
    %dma_wait3A_279 = tpu.memref_slice %arg6[%dma_wait3A_268, %dma_wait3A_277, %dma_wait3A_278] : memref<3x1000x32xf32, #tpu.memory_space<vmem>> -> memref<1x1000x32xf32, #tpu.memory_space<vmem>>
    %dma_wait3A_280 = tpu.memref_squeeze %dma_wait3A_279 : memref<1x1000x32xf32, #tpu.memory_space<vmem>> -> memref<1000x32xf32, #tpu.memory_space<vmem>>
    tpu.wait_dma2 semaphore(%arg11 : memref<!tpu.dma_semaphore, #tpu.memory_space<semaphore_mem>>) src(%dma_wait3A_280 : memref<1000x32xf32, #tpu.memory_space<vmem>>) dst(%dma_wait3A_276 : memref<1000x32xf32, #tpu.memory_space<hbm>>)
    return
  }
}

#map = affine_map<(d0, d1) -> (0, 0)>
module attributes {stable_mosaic.version = 14 : i64} {
  func.func @_sc_scatter_body(%arg0: i32, %arg1: i32, %arg2: memref<160000x32xf32, #tpu.memory_space<hbm>>, %arg3: memref<160x1000xi32, #tpu.memory_space<hbm>>, %arg4: memref<10016x32xf32, #tpu.memory_space<hbm>>, %arg5: memref<20000x32xf32, #tpu.memory_space<hbm>>, %arg6: memref<5x1000xi32, #tpu.memory_space<vmem>>, %arg7: memref<2x1000x32xf32, #tpu.memory_space<vmem>>, %arg8: memref<10016x32xf32, #tpu.memory_space<vmem_shared>>, %arg9: memref<!tpu.dma_semaphore, #tpu.memory_space<semaphore_mem>>, %arg10: memref<!tpu.dma_semaphore, #tpu.memory_space<semaphore_mem>>, %arg11: memref<!tpu.dma_semaphore, #tpu.memory_space<semaphore_mem>>, %arg12: memref<!tpu.dma_semaphore, #tpu.memory_space<semaphore_mem>>) attributes {dimension_semantics = [#tpu.dimension_semantics<core_parallel>, #tpu.dimension_semantics<subcore_parallel>], iteration_bounds = array<i64: 2, 16>, scalar_prefetch = 0 : i64, scratch_operands = 7 : i64, tpu.core_type = #tpu.core_type<sc_vector_subcore>, window_params = [{transform_indices = #map}, {transform_indices = #map}, {transform_indices = #map}, {transform_indices = #map}]} {
    %mul3A = arith.constant 2 : i32
    %mul3A_0 = arith.muli %arg1, %mul3A : i32
    %add3A = arith.addi %mul3A_0, %arg0 : i32
    %mul3A_1 = arith.constant 626 : i32
    %mul3A_2 = arith.muli %arg1, %mul3A_1 : i32
    %run_scoped3A = arith.constant 0 : i32
    "tpu.region"() ({
      %run_scoped3A_384 = tpu.sem_alloc : memref<!tpu.dma_semaphore, #tpu.memory_space<semaphore_mem>>
      %dma_start3A_385 = arith.constant 0 : i32
      %dma_start3A_386 = arith.constant 0 : i32
      %dma_start3A_387 = tpu.memref_slice %arg7[%run_scoped3A, %dma_start3A_385, %dma_start3A_386] : memref<2x1000x32xf32, #tpu.memory_space<vmem>> -> memref<1x1000x32xf32, #tpu.memory_space<vmem>>
      %dma_start3A_388 = tpu.memref_squeeze %dma_start3A_387 : memref<1x1000x32xf32, #tpu.memory_space<vmem>> -> memref<1000x32xf32, #tpu.memory_space<vmem>>
      %dma_start3A_389 = arith.constant 0 : i32
      %dma_start3A_390 = arith.constant 0 : i32
      %dma_start3A_391 = tpu.memref_slice %dma_start3A_388[%dma_start3A_389, %dma_start3A_390] : memref<1000x32xf32, #tpu.memory_space<vmem>> -> memref<626x32xf32, #tpu.memory_space<vmem>>
      %dma_start3A_392 = arith.constant 0 : i32
      %dma_start3A_393 = tpu.memref_slice %arg4[%mul3A_2, %dma_start3A_392] : memref<10016x32xf32, #tpu.memory_space<hbm>> -> memref<626x32xf32, #tpu.memory_space<hbm>>
      %dma_start3A_394 = arith.constant 0 : i32
      %dma_start3A_395 = arith.constant 0 : i32
      %dma_start3A_396 = tpu.memref_slice %arg7[%run_scoped3A, %dma_start3A_394, %dma_start3A_395] : memref<2x1000x32xf32, #tpu.memory_space<vmem>> -> memref<1x1000x32xf32, #tpu.memory_space<vmem>>
      %dma_start3A_397 = tpu.memref_squeeze %dma_start3A_396 : memref<1x1000x32xf32, #tpu.memory_space<vmem>> -> memref<1000x32xf32, #tpu.memory_space<vmem>>
      %dma_start3A_398 = arith.constant 0 : i32
      %dma_start3A_399 = arith.constant 0 : i32
      %dma_start3A_400 = tpu.memref_slice %dma_start3A_397[%dma_start3A_398, %dma_start3A_399] : memref<1000x32xf32, #tpu.memory_space<vmem>> -> memref<626x32xf32, #tpu.memory_space<vmem>>
      %dma_start3A_401 = arith.constant 0 : i32
      %dma_start3A_402 = tpu.memref_slice %arg4[%mul3A_2, %dma_start3A_401] : memref<10016x32xf32, #tpu.memory_space<hbm>> -> memref<626x32xf32, #tpu.memory_space<hbm>>
      tpu.enqueue_dma source(%dma_start3A_402 : memref<626x32xf32, #tpu.memory_space<hbm>>) target(%dma_start3A_400 : memref<626x32xf32, #tpu.memory_space<vmem>>) target_semaphore(%run_scoped3A_384 : memref<!tpu.dma_semaphore, #tpu.memory_space<semaphore_mem>>)
      %dma_wait3A_403 = arith.constant 0 : i32
      %dma_wait3A_404 = arith.constant 0 : i32
      %dma_wait3A_405 = tpu.memref_slice %arg7[%run_scoped3A, %dma_wait3A_403, %dma_wait3A_404] : memref<2x1000x32xf32, #tpu.memory_space<vmem>> -> memref<1x1000x32xf32, #tpu.memory_space<vmem>>
      %dma_wait3A_406 = tpu.memref_squeeze %dma_wait3A_405 : memref<1x1000x32xf32, #tpu.memory_space<vmem>> -> memref<1000x32xf32, #tpu.memory_space<vmem>>
      %dma_wait3A_407 = arith.constant 0 : i32
      %dma_wait3A_408 = arith.constant 0 : i32
      %dma_wait3A_409 = tpu.memref_slice %dma_wait3A_406[%dma_wait3A_407, %dma_wait3A_408] : memref<1000x32xf32, #tpu.memory_space<vmem>> -> memref<626x32xf32, #tpu.memory_space<vmem>>
      %dma_wait3A_410 = arith.constant 0 : i32
      %dma_wait3A_411 = tpu.memref_slice %arg4[%mul3A_2, %dma_wait3A_410] : memref<10016x32xf32, #tpu.memory_space<hbm>> -> memref<626x32xf32, #tpu.memory_space<hbm>>
      %dma_wait3A_412 = arith.constant 0 : i32
      %dma_wait3A_413 = arith.constant 0 : i32
      %dma_wait3A_414 = tpu.memref_slice %arg7[%run_scoped3A, %dma_wait3A_412, %dma_wait3A_413] : memref<2x1000x32xf32, #tpu.memory_space<vmem>> -> memref<1x1000x32xf32, #tpu.memory_space<vmem>>
      %dma_wait3A_415 = tpu.memref_squeeze %dma_wait3A_414 : memref<1x1000x32xf32, #tpu.memory_space<vmem>> -> memref<1000x32xf32, #tpu.memory_space<vmem>>
      %dma_wait3A_416 = arith.constant 0 : i32
      %dma_wait3A_417 = arith.constant 0 : i32
      %dma_wait3A_418 = tpu.memref_slice %dma_wait3A_415[%dma_wait3A_416, %dma_wait3A_417] : memref<1000x32xf32, #tpu.memory_space<vmem>> -> memref<626x32xf32, #tpu.memory_space<vmem>>
      %dma_wait3A_419 = arith.constant 0 : i32
      %dma_wait3A_420 = tpu.memref_slice %arg4[%mul3A_2, %dma_wait3A_419] : memref<10016x32xf32, #tpu.memory_space<hbm>> -> memref<626x32xf32, #tpu.memory_space<hbm>>
      tpu.wait_dma2 semaphore(%run_scoped3A_384 : memref<!tpu.dma_semaphore, #tpu.memory_space<semaphore_mem>>) src(%dma_wait3A_420 : memref<626x32xf32, #tpu.memory_space<hbm>>) dst(%dma_wait3A_418 : memref<626x32xf32, #tpu.memory_space<vmem>>)
      tpu.yield
    }) : () -> ()
    %mul3A_3 = arith.constant 626 : i32
    %mul3A_4 = arith.muli %arg1, %mul3A_3 : i32
    %run_scoped3A_5 = arith.constant 0 : i32
    "tpu.region"() ({
      %run_scoped3A_384 = tpu.sem_alloc : memref<!tpu.dma_semaphore, #tpu.memory_space<semaphore_mem>>
      %dma_start3A_385 = arith.constant 0 : i32
      %dma_start3A_386 = arith.constant 0 : i32
      %dma_start3A_387 = tpu.memref_slice %arg7[%run_scoped3A_5, %dma_start3A_385, %dma_start3A_386] : memref<2x1000x32xf32, #tpu.memory_space<vmem>> -> memref<1x1000x32xf32, #tpu.memory_space<vmem>>
      %dma_start3A_388 = tpu.memref_squeeze %dma_start3A_387 : memref<1x1000x32xf32, #tpu.memory_space<vmem>> -> memref<1000x32xf32, #tpu.memory_space<vmem>>
      %dma_start3A_389 = arith.constant 0 : i32
      %dma_start3A_390 = arith.constant 0 : i32
      %dma_start3A_391 = tpu.memref_slice %dma_start3A_388[%dma_start3A_389, %dma_start3A_390] : memref<1000x32xf32, #tpu.memory_space<vmem>> -> memref<626x32xf32, #tpu.memory_space<vmem>>
      %dma_start3A_392 = arith.constant 0 : i32
      %dma_start3A_393 = tpu.memref_slice %arg8[%mul3A_4, %dma_start3A_392] : memref<10016x32xf32, #tpu.memory_space<vmem_shared>> -> memref<626x32xf32, #tpu.memory_space<vmem_shared>>
      %dma_start3A_394 = arith.constant 0 : i32
      %dma_start3A_395 = tpu.memref_slice %arg8[%mul3A_4, %dma_start3A_394] : memref<10016x32xf32, #tpu.memory_space<vmem_shared>> -> memref<626x32xf32, #tpu.memory_space<vmem_shared>>
      %dma_start3A_396 = arith.constant 0 : i32
      %dma_start3A_397 = arith.constant 0 : i32
      %dma_start3A_398 = tpu.memref_slice %arg7[%run_scoped3A_5, %dma_start3A_396, %dma_start3A_397] : memref<2x1000x32xf32, #tpu.memory_space<vmem>> -> memref<1x1000x32xf32, #tpu.memory_space<vmem>>
      %dma_start3A_399 = tpu.memref_squeeze %dma_start3A_398 : memref<1x1000x32xf32, #tpu.memory_space<vmem>> -> memref<1000x32xf32, #tpu.memory_space<vmem>>
      %dma_start3A_400 = arith.constant 0 : i32
      %dma_start3A_401 = arith.constant 0 : i32
      %dma_start3A_402 = tpu.memref_slice %dma_start3A_399[%dma_start3A_400, %dma_start3A_401] : memref<1000x32xf32, #tpu.memory_space<vmem>> -> memref<626x32xf32, #tpu.memory_space<vmem>>
      tpu.enqueue_dma source(%dma_start3A_402 : memref<626x32xf32, #tpu.memory_space<vmem>>) target(%dma_start3A_395 : memref<626x32xf32, #tpu.memory_space<vmem_shared>>) target_semaphore(%run_scoped3A_384 : memref<!tpu.dma_semaphore, #tpu.memory_space<semaphore_mem>>)
      %dma_wait3A_403 = arith.constant 0 : i32
      %dma_wait3A_404 = arith.constant 0 : i32
      %dma_wait3A_405 = tpu.memref_slice %arg7[%run_scoped3A_5, %dma_wait3A_403, %dma_wait3A_404] : memref<2x1000x32xf32, #tpu.memory_space<vmem>> -> memref<1x1000x32xf32, #tpu.memory_space<vmem>>
      %dma_wait3A_406 = tpu.memref_squeeze %dma_wait3A_405 : memref<1x1000x32xf32, #tpu.memory_space<vmem>> -> memref<1000x32xf32, #tpu.memory_space<vmem>>
      %dma_wait3A_407 = arith.constant 0 : i32
      %dma_wait3A_408 = arith.constant 0 : i32
      %dma_wait3A_409 = tpu.memref_slice %dma_wait3A_406[%dma_wait3A_407, %dma_wait3A_408] : memref<1000x32xf32, #tpu.memory_space<vmem>> -> memref<626x32xf32, #tpu.memory_space<vmem>>
      %dma_wait3A_410 = arith.constant 0 : i32
      %dma_wait3A_411 = tpu.memref_slice %arg8[%mul3A_4, %dma_wait3A_410] : memref<10016x32xf32, #tpu.memory_space<vmem_shared>> -> memref<626x32xf32, #tpu.memory_space<vmem_shared>>
      %dma_wait3A_412 = arith.constant 0 : i32
      %dma_wait3A_413 = tpu.memref_slice %arg8[%mul3A_4, %dma_wait3A_412] : memref<10016x32xf32, #tpu.memory_space<vmem_shared>> -> memref<626x32xf32, #tpu.memory_space<vmem_shared>>
      %dma_wait3A_414 = arith.constant 0 : i32
      %dma_wait3A_415 = arith.constant 0 : i32
      %dma_wait3A_416 = tpu.memref_slice %arg7[%run_scoped3A_5, %dma_wait3A_414, %dma_wait3A_415] : memref<2x1000x32xf32, #tpu.memory_space<vmem>> -> memref<1x1000x32xf32, #tpu.memory_space<vmem>>
      %dma_wait3A_417 = tpu.memref_squeeze %dma_wait3A_416 : memref<1x1000x32xf32, #tpu.memory_space<vmem>> -> memref<1000x32xf32, #tpu.memory_space<vmem>>
      %dma_wait3A_418 = arith.constant 0 : i32
      %dma_wait3A_419 = arith.constant 0 : i32
      %dma_wait3A_420 = tpu.memref_slice %dma_wait3A_417[%dma_wait3A_418, %dma_wait3A_419] : memref<1000x32xf32, #tpu.memory_space<vmem>> -> memref<626x32xf32, #tpu.memory_space<vmem>>
      tpu.wait_dma2 semaphore(%run_scoped3A_384 : memref<!tpu.dma_semaphore, #tpu.memory_space<semaphore_mem>>) src(%dma_wait3A_420 : memref<626x32xf32, #tpu.memory_space<vmem>>) dst(%dma_wait3A_413 : memref<626x32xf32, #tpu.memory_space<vmem_shared>>)
      tpu.yield
    }) : () -> ()
    %mul3A_6 = arith.constant 5 : i32
    %mul3A_7 = arith.muli %add3A, %mul3A_6 : i32
    "tpu.region"() ({
      %run_scoped3A_384 = tpu.sem_alloc : memref<!tpu.dma_semaphore, #tpu.memory_space<semaphore_mem>>
      %dma_start3A_385 = arith.constant 0 : i32
      %dma_start3A_386 = tpu.memref_slice %arg3[%mul3A_7, %dma_start3A_385] : memref<160x1000xi32, #tpu.memory_space<hbm>> -> memref<5x1000xi32, #tpu.memory_space<hbm>>
      %dma_start3A_387 = arith.constant 0 : i32
      %dma_start3A_388 = tpu.memref_slice %arg3[%mul3A_7, %dma_start3A_387] : memref<160x1000xi32, #tpu.memory_space<hbm>> -> memref<5x1000xi32, #tpu.memory_space<hbm>>
      tpu.enqueue_dma source(%dma_start3A_388 : memref<5x1000xi32, #tpu.memory_space<hbm>>) target(%arg6 : memref<5x1000xi32, #tpu.memory_space<vmem>>) target_semaphore(%run_scoped3A_384 : memref<!tpu.dma_semaphore, #tpu.memory_space<semaphore_mem>>)
      %dma_wait3A_389 = arith.constant 0 : i32
      %dma_wait3A_390 = tpu.memref_slice %arg3[%mul3A_7, %dma_wait3A_389] : memref<160x1000xi32, #tpu.memory_space<hbm>> -> memref<5x1000xi32, #tpu.memory_space<hbm>>
      %dma_wait3A_391 = arith.constant 0 : i32
      %dma_wait3A_392 = tpu.memref_slice %arg3[%mul3A_7, %dma_wait3A_391] : memref<160x1000xi32, #tpu.memory_space<hbm>> -> memref<5x1000xi32, #tpu.memory_space<hbm>>
      tpu.wait_dma2 semaphore(%run_scoped3A_384 : memref<!tpu.dma_semaphore, #tpu.memory_space<semaphore_mem>>) src(%dma_wait3A_392 : memref<5x1000xi32, #tpu.memory_space<hbm>>) dst(%arg6 : memref<5x1000xi32, #tpu.memory_space<vmem>>)
      tpu.yield
    }) : () -> ()
    %mul3A_8 = arith.constant 5 : i32
    %mul3A_9 = arith.muli %add3A, %mul3A_8 : i32
    %add3A_10 = arith.constant 0 : i32
    %add3A_11 = arith.addi %mul3A_9, %add3A_10 : i32
    %mul3A_12 = arith.constant 1000 : i32
    %mul3A_13 = arith.muli %add3A_11, %mul3A_12 : i32
    %dma_start3A = arith.constant 0 : i32
    %dma_start3A_14 = arith.constant 0 : i32
    %dma_start3A_15 = arith.constant 0 : i32
    %dma_start3A_16 = tpu.memref_slice %arg7[%dma_start3A, %dma_start3A_14, %dma_start3A_15] : memref<2x1000x32xf32, #tpu.memory_space<vmem>> -> memref<1x1000x32xf32, #tpu.memory_space<vmem>>
    %dma_start3A_17 = tpu.memref_squeeze %dma_start3A_16 : memref<1x1000x32xf32, #tpu.memory_space<vmem>> -> memref<1000x32xf32, #tpu.memory_space<vmem>>
    %dma_start3A_18 = arith.constant 0 : i32
    %dma_start3A_19 = arith.constant 0 : i32
    %dma_start3A_20 = tpu.memref_slice %dma_start3A_17[%dma_start3A_18, %dma_start3A_19] : memref<1000x32xf32, #tpu.memory_space<vmem>> -> memref<1000x32xf32, #tpu.memory_space<vmem>>
    %dma_start3A_21 = arith.constant 0 : i32
    %dma_start3A_22 = tpu.memref_slice %arg2[%mul3A_13, %dma_start3A_21] : memref<160000x32xf32, #tpu.memory_space<hbm>> -> memref<1000x32xf32, #tpu.memory_space<hbm>>
    %dma_start3A_23 = arith.constant 0 : i32
    %dma_start3A_24 = arith.constant 0 : i32
    %dma_start3A_25 = tpu.memref_slice %arg7[%dma_start3A, %dma_start3A_23, %dma_start3A_24] : memref<2x1000x32xf32, #tpu.memory_space<vmem>> -> memref<1x1000x32xf32, #tpu.memory_space<vmem>>
    %dma_start3A_26 = tpu.memref_squeeze %dma_start3A_25 : memref<1x1000x32xf32, #tpu.memory_space<vmem>> -> memref<1000x32xf32, #tpu.memory_space<vmem>>
    %dma_start3A_27 = arith.constant 0 : i32
    %dma_start3A_28 = arith.constant 0 : i32
    %dma_start3A_29 = tpu.memref_slice %dma_start3A_26[%dma_start3A_27, %dma_start3A_28] : memref<1000x32xf32, #tpu.memory_space<vmem>> -> memref<1000x32xf32, #tpu.memory_space<vmem>>
    %dma_start3A_30 = arith.constant 0 : i32
    %dma_start3A_31 = tpu.memref_slice %arg2[%mul3A_13, %dma_start3A_30] : memref<160000x32xf32, #tpu.memory_space<hbm>> -> memref<1000x32xf32, #tpu.memory_space<hbm>>
    tpu.enqueue_dma source(%dma_start3A_31 : memref<1000x32xf32, #tpu.memory_space<hbm>>) target(%dma_start3A_29 : memref<1000x32xf32, #tpu.memory_space<vmem>>) target_semaphore(%arg9 : memref<!tpu.dma_semaphore, #tpu.memory_space<semaphore_mem>>)
    %mul3A_32 = arith.constant 5 : i32
    %mul3A_33 = arith.muli %add3A, %mul3A_32 : i32
    %add3A_34 = arith.constant 1 : i32
    %add3A_35 = arith.addi %mul3A_33, %add3A_34 : i32
    %mul3A_36 = arith.constant 1000 : i32
    %mul3A_37 = arith.muli %add3A_35, %mul3A_36 : i32
    %dma_start3A_38 = arith.constant 1 : i32
    %dma_start3A_39 = arith.constant 0 : i32
    %dma_start3A_40 = arith.constant 0 : i32
    %dma_start3A_41 = tpu.memref_slice %arg7[%dma_start3A_38, %dma_start3A_39, %dma_start3A_40] : memref<2x1000x32xf32, #tpu.memory_space<vmem>> -> memref<1x1000x32xf32, #tpu.memory_space<vmem>>
    %dma_start3A_42 = tpu.memref_squeeze %dma_start3A_41 : memref<1x1000x32xf32, #tpu.memory_space<vmem>> -> memref<1000x32xf32, #tpu.memory_space<vmem>>
    %dma_start3A_43 = arith.constant 0 : i32
    %dma_start3A_44 = arith.constant 0 : i32
    %dma_start3A_45 = tpu.memref_slice %dma_start3A_42[%dma_start3A_43, %dma_start3A_44] : memref<1000x32xf32, #tpu.memory_space<vmem>> -> memref<1000x32xf32, #tpu.memory_space<vmem>>
    %dma_start3A_46 = arith.constant 0 : i32
    %dma_start3A_47 = tpu.memref_slice %arg2[%mul3A_37, %dma_start3A_46] : memref<160000x32xf32, #tpu.memory_space<hbm>> -> memref<1000x32xf32, #tpu.memory_space<hbm>>
    %dma_start3A_48 = arith.constant 0 : i32
    %dma_start3A_49 = arith.constant 0 : i32
    %dma_start3A_50 = tpu.memref_slice %arg7[%dma_start3A_38, %dma_start3A_48, %dma_start3A_49] : memref<2x1000x32xf32, #tpu.memory_space<vmem>> -> memref<1x1000x32xf32, #tpu.memory_space<vmem>>
    %dma_start3A_51 = tpu.memref_squeeze %dma_start3A_50 : memref<1x1000x32xf32, #tpu.memory_space<vmem>> -> memref<1000x32xf32, #tpu.memory_space<vmem>>
    %dma_start3A_52 = arith.constant 0 : i32
    %dma_start3A_53 = arith.constant 0 : i32
    %dma_start3A_54 = tpu.memref_slice %dma_start3A_51[%dma_start3A_52, %dma_start3A_53] : memref<1000x32xf32, #tpu.memory_space<vmem>> -> memref<1000x32xf32, #tpu.memory_space<vmem>>
    %dma_start3A_55 = arith.constant 0 : i32
    %dma_start3A_56 = tpu.memref_slice %arg2[%mul3A_37, %dma_start3A_55] : memref<160000x32xf32, #tpu.memory_space<hbm>> -> memref<1000x32xf32, #tpu.memory_space<hbm>>
    tpu.enqueue_dma source(%dma_start3A_56 : memref<1000x32xf32, #tpu.memory_space<hbm>>) target(%dma_start3A_54 : memref<1000x32xf32, #tpu.memory_space<vmem>>) target_semaphore(%arg10 : memref<!tpu.dma_semaphore, #tpu.memory_space<semaphore_mem>>)
    %barrier3A = arith.constant 0 : index
    tpu.barrier barrier_id(%barrier3A)
    %dma_wait3A = arith.constant 0 : i32
    %dma_wait3A_57 = arith.constant 0 : i32
    %dma_wait3A_58 = arith.constant 0 : i32
    %dma_wait3A_59 = tpu.memref_slice %arg7[%dma_wait3A, %dma_wait3A_57, %dma_wait3A_58] : memref<2x1000x32xf32, #tpu.memory_space<vmem>> -> memref<1x1000x32xf32, #tpu.memory_space<vmem>>
    %dma_wait3A_60 = tpu.memref_squeeze %dma_wait3A_59 : memref<1x1000x32xf32, #tpu.memory_space<vmem>> -> memref<1000x32xf32, #tpu.memory_space<vmem>>
    %dma_wait3A_61 = arith.constant 0 : i32
    %dma_wait3A_62 = arith.constant 0 : i32
    %dma_wait3A_63 = tpu.memref_slice %dma_wait3A_60[%dma_wait3A_61, %dma_wait3A_62] : memref<1000x32xf32, #tpu.memory_space<vmem>> -> memref<1000x32xf32, #tpu.memory_space<vmem>>
    %dma_wait3A_64 = arith.constant 0 : i32
    %dma_wait3A_65 = tpu.memref_slice %arg2[%mul3A_13, %dma_wait3A_64] : memref<160000x32xf32, #tpu.memory_space<hbm>> -> memref<1000x32xf32, #tpu.memory_space<hbm>>
    %dma_wait3A_66 = arith.constant 0 : i32
    %dma_wait3A_67 = arith.constant 0 : i32
    %dma_wait3A_68 = tpu.memref_slice %arg7[%dma_wait3A, %dma_wait3A_66, %dma_wait3A_67] : memref<2x1000x32xf32, #tpu.memory_space<vmem>> -> memref<1x1000x32xf32, #tpu.memory_space<vmem>>
    %dma_wait3A_69 = tpu.memref_squeeze %dma_wait3A_68 : memref<1x1000x32xf32, #tpu.memory_space<vmem>> -> memref<1000x32xf32, #tpu.memory_space<vmem>>
    %dma_wait3A_70 = arith.constant 0 : i32
    %dma_wait3A_71 = arith.constant 0 : i32
    %dma_wait3A_72 = tpu.memref_slice %dma_wait3A_69[%dma_wait3A_70, %dma_wait3A_71] : memref<1000x32xf32, #tpu.memory_space<vmem>> -> memref<1000x32xf32, #tpu.memory_space<vmem>>
    %dma_wait3A_73 = arith.constant 0 : i32
    %dma_wait3A_74 = tpu.memref_slice %arg2[%mul3A_13, %dma_wait3A_73] : memref<160000x32xf32, #tpu.memory_space<hbm>> -> memref<1000x32xf32, #tpu.memory_space<hbm>>
    tpu.wait_dma2 semaphore(%arg9 : memref<!tpu.dma_semaphore, #tpu.memory_space<semaphore_mem>>) src(%dma_wait3A_74 : memref<1000x32xf32, #tpu.memory_space<hbm>>) dst(%dma_wait3A_72 : memref<1000x32xf32, #tpu.memory_space<vmem>>)
    %dma_start3A_75 = arith.constant 0 : i32
    %dma_start3A_76 = arith.constant 0 : i32
    %dma_start3A_77 = arith.constant 0 : i32
    %dma_start3A_78 = arith.constant 0 : i32
    %dma_start3A_79 = tpu.memref_slice %arg7[%dma_start3A_75, %dma_start3A_77, %dma_start3A_78] : memref<2x1000x32xf32, #tpu.memory_space<vmem>> -> memref<1x1000x32xf32, #tpu.memory_space<vmem>>
    %dma_start3A_80 = tpu.memref_squeeze %dma_start3A_79 : memref<1x1000x32xf32, #tpu.memory_space<vmem>> -> memref<1000x32xf32, #tpu.memory_space<vmem>>
    %dma_start3A_81 = arith.constant 0 : i32
    %dma_start3A_82 = arith.constant 0 : i32
    %dma_start3A_83 = tpu.memref_slice %dma_start3A_80[%dma_start3A_81, %dma_start3A_82] : memref<1000x32xf32, #tpu.memory_space<vmem>> -> memref<1000x32xf32, #tpu.memory_space<vmem>>
    %dma_start3A_84 = arith.constant 0 : i32
    %dma_start3A_85 = tpu.memref_slice %arg6[%dma_start3A_76, %dma_start3A_84] : memref<5x1000xi32, #tpu.memory_space<vmem>> -> memref<1x1000xi32, #tpu.memory_space<vmem>>
    %dma_start3A_86 = tpu.memref_squeeze %dma_start3A_85 : memref<1x1000xi32, #tpu.memory_space<vmem>> -> memref<1000xi32, #tpu.memory_space<vmem>>
    %dma_start3A_87 = arith.constant 0 : i32
    %dma_start3A_88 = arith.constant 0 : i32
    %dma_start3A_89 = tpu.memref_slice %arg8[%dma_start3A_87, %dma_start3A_88] : memref<10016x32xf32, #tpu.memory_space<vmem_shared>> -> memref<10016x32xf32, #tpu.memory_space<vmem_shared>>
    tpu.enqueue_indirect_dma source(%dma_start3A_83 : memref<1000x32xf32, #tpu.memory_space<vmem>>) target(%dma_start3A_89 : memref<10016x32xf32, #tpu.memory_space<vmem_shared>>) offsets(%dma_start3A_86 : memref<1000xi32, #tpu.memory_space<vmem>>) semaphore(%arg11 : memref<!tpu.dma_semaphore, #tpu.memory_space<semaphore_mem>>) {add = true}
    %dma_wait3A_90 = arith.constant 0 : i32
    %dma_wait3A_91 = arith.constant 0 : i32
    %dma_wait3A_92 = arith.constant 0 : i32
    %dma_wait3A_93 = arith.constant 0 : i32
    %dma_wait3A_94 = tpu.memref_slice %arg7[%dma_wait3A_90, %dma_wait3A_92, %dma_wait3A_93] : memref<2x1000x32xf32, #tpu.memory_space<vmem>> -> memref<1x1000x32xf32, #tpu.memory_space<vmem>>
    %dma_wait3A_95 = tpu.memref_squeeze %dma_wait3A_94 : memref<1x1000x32xf32, #tpu.memory_space<vmem>> -> memref<1000x32xf32, #tpu.memory_space<vmem>>
    %dma_wait3A_96 = arith.constant 0 : i32
    %dma_wait3A_97 = arith.constant 0 : i32
    %dma_wait3A_98 = tpu.memref_slice %dma_wait3A_95[%dma_wait3A_96, %dma_wait3A_97] : memref<1000x32xf32, #tpu.memory_space<vmem>> -> memref<1000x32xf32, #tpu.memory_space<vmem>>
    %dma_wait3A_99 = arith.constant 0 : i32
    %dma_wait3A_100 = tpu.memref_slice %arg6[%dma_wait3A_91, %dma_wait3A_99] : memref<5x1000xi32, #tpu.memory_space<vmem>> -> memref<1x1000xi32, #tpu.memory_space<vmem>>
    %dma_wait3A_101 = tpu.memref_squeeze %dma_wait3A_100 : memref<1x1000xi32, #tpu.memory_space<vmem>> -> memref<1000xi32, #tpu.memory_space<vmem>>
    %dma_wait3A_102 = arith.constant 0 : i32
    %dma_wait3A_103 = arith.constant 0 : i32
    %dma_wait3A_104 = tpu.memref_slice %arg8[%dma_wait3A_102, %dma_wait3A_103] : memref<10016x32xf32, #tpu.memory_space<vmem_shared>> -> memref<10016x32xf32, #tpu.memory_space<vmem_shared>>
    tpu.wait_indirect_dma semaphore(%arg11 : memref<!tpu.dma_semaphore, #tpu.memory_space<semaphore_mem>>) src(%dma_wait3A_98 : memref<1000x32xf32, #tpu.memory_space<vmem>>) dst(%dma_wait3A_104 : memref<10016x32xf32, #tpu.memory_space<vmem_shared>>)
    %mul3A_105 = arith.constant 5 : i32
    %mul3A_106 = arith.muli %add3A, %mul3A_105 : i32
    %add3A_107 = arith.constant 2 : i32
    %add3A_108 = arith.addi %mul3A_106, %add3A_107 : i32
    %mul3A_109 = arith.constant 1000 : i32
    %mul3A_110 = arith.muli %add3A_108, %mul3A_109 : i32
    %dma_start3A_111 = arith.constant 0 : i32
    %dma_start3A_112 = arith.constant 0 : i32
    %dma_start3A_113 = arith.constant 0 : i32
    %dma_start3A_114 = tpu.memref_slice %arg7[%dma_start3A_111, %dma_start3A_112, %dma_start3A_113] : memref<2x1000x32xf32, #tpu.memory_space<vmem>> -> memref<1x1000x32xf32, #tpu.memory_space<vmem>>
    %dma_start3A_115 = tpu.memref_squeeze %dma_start3A_114 : memref<1x1000x32xf32, #tpu.memory_space<vmem>> -> memref<1000x32xf32, #tpu.memory_space<vmem>>
    %dma_start3A_116 = arith.constant 0 : i32
    %dma_start3A_117 = arith.constant 0 : i32
    %dma_start3A_118 = tpu.memref_slice %dma_start3A_115[%dma_start3A_116, %dma_start3A_117] : memref<1000x32xf32, #tpu.memory_space<vmem>> -> memref<1000x32xf32, #tpu.memory_space<vmem>>
    %dma_start3A_119 = arith.constant 0 : i32
    %dma_start3A_120 = tpu.memref_slice %arg2[%mul3A_110, %dma_start3A_119] : memref<160000x32xf32, #tpu.memory_space<hbm>> -> memref<1000x32xf32, #tpu.memory_space<hbm>>
    %dma_start3A_121 = arith.constant 0 : i32
    %dma_start3A_122 = arith.constant 0 : i32
    %dma_start3A_123 = tpu.memref_slice %arg7[%dma_start3A_111, %dma_start3A_121, %dma_start3A_122] : memref<2x1000x32xf32, #tpu.memory_space<vmem>> -> memref<1x1000x32xf32, #tpu.memory_space<vmem>>
    %dma_start3A_124 = tpu.memref_squeeze %dma_start3A_123 : memref<1x1000x32xf32, #tpu.memory_space<vmem>> -> memref<1000x32xf32, #tpu.memory_space<vmem>>
    %dma_start3A_125 = arith.constant 0 : i32
    %dma_start3A_126 = arith.constant 0 : i32
    %dma_start3A_127 = tpu.memref_slice %dma_start3A_124[%dma_start3A_125, %dma_start3A_126] : memref<1000x32xf32, #tpu.memory_space<vmem>> -> memref<1000x32xf32, #tpu.memory_space<vmem>>
    %dma_start3A_128 = arith.constant 0 : i32
    %dma_start3A_129 = tpu.memref_slice %arg2[%mul3A_110, %dma_start3A_128] : memref<160000x32xf32, #tpu.memory_space<hbm>> -> memref<1000x32xf32, #tpu.memory_space<hbm>>
    tpu.enqueue_dma source(%dma_start3A_129 : memref<1000x32xf32, #tpu.memory_space<hbm>>) target(%dma_start3A_127 : memref<1000x32xf32, #tpu.memory_space<vmem>>) target_semaphore(%arg9 : memref<!tpu.dma_semaphore, #tpu.memory_space<semaphore_mem>>)
    %dma_wait3A_130 = arith.constant 1 : i32
    %dma_wait3A_131 = arith.constant 0 : i32
    %dma_wait3A_132 = arith.constant 0 : i32
    %dma_wait3A_133 = tpu.memref_slice %arg7[%dma_wait3A_130, %dma_wait3A_131, %dma_wait3A_132] : memref<2x1000x32xf32, #tpu.memory_space<vmem>> -> memref<1x1000x32xf32, #tpu.memory_space<vmem>>
    %dma_wait3A_134 = tpu.memref_squeeze %dma_wait3A_133 : memref<1x1000x32xf32, #tpu.memory_space<vmem>> -> memref<1000x32xf32, #tpu.memory_space<vmem>>
    %dma_wait3A_135 = arith.constant 0 : i32
    %dma_wait3A_136 = arith.constant 0 : i32
    %dma_wait3A_137 = tpu.memref_slice %dma_wait3A_134[%dma_wait3A_135, %dma_wait3A_136] : memref<1000x32xf32, #tpu.memory_space<vmem>> -> memref<1000x32xf32, #tpu.memory_space<vmem>>
    %dma_wait3A_138 = arith.constant 0 : i32
    %dma_wait3A_139 = tpu.memref_slice %arg2[%mul3A_37, %dma_wait3A_138] : memref<160000x32xf32, #tpu.memory_space<hbm>> -> memref<1000x32xf32, #tpu.memory_space<hbm>>
    %dma_wait3A_140 = arith.constant 0 : i32
    %dma_wait3A_141 = arith.constant 0 : i32
    %dma_wait3A_142 = tpu.memref_slice %arg7[%dma_wait3A_130, %dma_wait3A_140, %dma_wait3A_141] : memref<2x1000x32xf32, #tpu.memory_space<vmem>> -> memref<1x1000x32xf32, #tpu.memory_space<vmem>>
    %dma_wait3A_143 = tpu.memref_squeeze %dma_wait3A_142 : memref<1x1000x32xf32, #tpu.memory_space<vmem>> -> memref<1000x32xf32, #tpu.memory_space<vmem>>
    %dma_wait3A_144 = arith.constant 0 : i32
    %dma_wait3A_145 = arith.constant 0 : i32
    %dma_wait3A_146 = tpu.memref_slice %dma_wait3A_143[%dma_wait3A_144, %dma_wait3A_145] : memref<1000x32xf32, #tpu.memory_space<vmem>> -> memref<1000x32xf32, #tpu.memory_space<vmem>>
    %dma_wait3A_147 = arith.constant 0 : i32
    %dma_wait3A_148 = tpu.memref_slice %arg2[%mul3A_37, %dma_wait3A_147] : memref<160000x32xf32, #tpu.memory_space<hbm>> -> memref<1000x32xf32, #tpu.memory_space<hbm>>
    tpu.wait_dma2 semaphore(%arg10 : memref<!tpu.dma_semaphore, #tpu.memory_space<semaphore_mem>>) src(%dma_wait3A_148 : memref<1000x32xf32, #tpu.memory_space<hbm>>) dst(%dma_wait3A_146 : memref<1000x32xf32, #tpu.memory_space<vmem>>)
    %dma_start3A_149 = arith.constant 1 : i32
    %dma_start3A_150 = arith.constant 1 : i32
    %dma_start3A_151 = arith.constant 0 : i32
    %dma_start3A_152 = arith.constant 0 : i32
    %dma_start3A_153 = tpu.memref_slice %arg7[%dma_start3A_149, %dma_start3A_151, %dma_start3A_152] : memref<2x1000x32xf32, #tpu.memory_space<vmem>> -> memref<1x1000x32xf32, #tpu.memory_space<vmem>>
    %dma_start3A_154 = tpu.memref_squeeze %dma_start3A_153 : memref<1x1000x32xf32, #tpu.memory_space<vmem>> -> memref<1000x32xf32, #tpu.memory_space<vmem>>
    %dma_start3A_155 = arith.constant 0 : i32
    %dma_start3A_156 = arith.constant 0 : i32
    %dma_start3A_157 = tpu.memref_slice %dma_start3A_154[%dma_start3A_155, %dma_start3A_156] : memref<1000x32xf32, #tpu.memory_space<vmem>> -> memref<1000x32xf32, #tpu.memory_space<vmem>>
    %dma_start3A_158 = arith.constant 0 : i32
    %dma_start3A_159 = tpu.memref_slice %arg6[%dma_start3A_150, %dma_start3A_158] : memref<5x1000xi32, #tpu.memory_space<vmem>> -> memref<1x1000xi32, #tpu.memory_space<vmem>>
    %dma_start3A_160 = tpu.memref_squeeze %dma_start3A_159 : memref<1x1000xi32, #tpu.memory_space<vmem>> -> memref<1000xi32, #tpu.memory_space<vmem>>
    %dma_start3A_161 = arith.constant 0 : i32
    %dma_start3A_162 = arith.constant 0 : i32
    %dma_start3A_163 = tpu.memref_slice %arg8[%dma_start3A_161, %dma_start3A_162] : memref<10016x32xf32, #tpu.memory_space<vmem_shared>> -> memref<10016x32xf32, #tpu.memory_space<vmem_shared>>
    tpu.enqueue_indirect_dma source(%dma_start3A_157 : memref<1000x32xf32, #tpu.memory_space<vmem>>) target(%dma_start3A_163 : memref<10016x32xf32, #tpu.memory_space<vmem_shared>>) offsets(%dma_start3A_160 : memref<1000xi32, #tpu.memory_space<vmem>>) semaphore(%arg12 : memref<!tpu.dma_semaphore, #tpu.memory_space<semaphore_mem>>) {add = true}
    %dma_wait3A_164 = arith.constant 1 : i32
    %dma_wait3A_165 = arith.constant 1 : i32
    %dma_wait3A_166 = arith.constant 0 : i32
    %dma_wait3A_167 = arith.constant 0 : i32
    %dma_wait3A_168 = tpu.memref_slice %arg7[%dma_wait3A_164, %dma_wait3A_166, %dma_wait3A_167] : memref<2x1000x32xf32, #tpu.memory_space<vmem>> -> memref<1x1000x32xf32, #tpu.memory_space<vmem>>
    %dma_wait3A_169 = tpu.memref_squeeze %dma_wait3A_168 : memref<1x1000x32xf32, #tpu.memory_space<vmem>> -> memref<1000x32xf32, #tpu.memory_space<vmem>>
    %dma_wait3A_170 = arith.constant 0 : i32
    %dma_wait3A_171 = arith.constant 0 : i32
    %dma_wait3A_172 = tpu.memref_slice %dma_wait3A_169[%dma_wait3A_170, %dma_wait3A_171] : memref<1000x32xf32, #tpu.memory_space<vmem>> -> memref<1000x32xf32, #tpu.memory_space<vmem>>
    %dma_wait3A_173 = arith.constant 0 : i32
    %dma_wait3A_174 = tpu.memref_slice %arg6[%dma_wait3A_165, %dma_wait3A_173] : memref<5x1000xi32, #tpu.memory_space<vmem>> -> memref<1x1000xi32, #tpu.memory_space<vmem>>
    %dma_wait3A_175 = tpu.memref_squeeze %dma_wait3A_174 : memref<1x1000xi32, #tpu.memory_space<vmem>> -> memref<1000xi32, #tpu.memory_space<vmem>>
    %dma_wait3A_176 = arith.constant 0 : i32
    %dma_wait3A_177 = arith.constant 0 : i32
    %dma_wait3A_178 = tpu.memref_slice %arg8[%dma_wait3A_176, %dma_wait3A_177] : memref<10016x32xf32, #tpu.memory_space<vmem_shared>> -> memref<10016x32xf32, #tpu.memory_space<vmem_shared>>
    tpu.wait_indirect_dma semaphore(%arg12 : memref<!tpu.dma_semaphore, #tpu.memory_space<semaphore_mem>>) src(%dma_wait3A_172 : memref<1000x32xf32, #tpu.memory_space<vmem>>) dst(%dma_wait3A_178 : memref<10016x32xf32, #tpu.memory_space<vmem_shared>>)
    %mul3A_179 = arith.constant 5 : i32
    %mul3A_180 = arith.muli %add3A, %mul3A_179 : i32
    %add3A_181 = arith.constant 3 : i32
    %add3A_182 = arith.addi %mul3A_180, %add3A_181 : i32
    %mul3A_183 = arith.constant 1000 : i32
    %mul3A_184 = arith.muli %add3A_182, %mul3A_183 : i32
    %dma_start3A_185 = arith.constant 1 : i32
    %dma_start3A_186 = arith.constant 0 : i32
    %dma_start3A_187 = arith.constant 0 : i32
    %dma_start3A_188 = tpu.memref_slice %arg7[%dma_start3A_185, %dma_start3A_186, %dma_start3A_187] : memref<2x1000x32xf32, #tpu.memory_space<vmem>> -> memref<1x1000x32xf32, #tpu.memory_space<vmem>>
    %dma_start3A_189 = tpu.memref_squeeze %dma_start3A_188 : memref<1x1000x32xf32, #tpu.memory_space<vmem>> -> memref<1000x32xf32, #tpu.memory_space<vmem>>
    %dma_start3A_190 = arith.constant 0 : i32
    %dma_start3A_191 = arith.constant 0 : i32
    %dma_start3A_192 = tpu.memref_slice %dma_start3A_189[%dma_start3A_190, %dma_start3A_191] : memref<1000x32xf32, #tpu.memory_space<vmem>> -> memref<1000x32xf32, #tpu.memory_space<vmem>>
    %dma_start3A_193 = arith.constant 0 : i32
    %dma_start3A_194 = tpu.memref_slice %arg2[%mul3A_184, %dma_start3A_193] : memref<160000x32xf32, #tpu.memory_space<hbm>> -> memref<1000x32xf32, #tpu.memory_space<hbm>>
    %dma_start3A_195 = arith.constant 0 : i32
    %dma_start3A_196 = arith.constant 0 : i32
    %dma_start3A_197 = tpu.memref_slice %arg7[%dma_start3A_185, %dma_start3A_195, %dma_start3A_196] : memref<2x1000x32xf32, #tpu.memory_space<vmem>> -> memref<1x1000x32xf32, #tpu.memory_space<vmem>>
    %dma_start3A_198 = tpu.memref_squeeze %dma_start3A_197 : memref<1x1000x32xf32, #tpu.memory_space<vmem>> -> memref<1000x32xf32, #tpu.memory_space<vmem>>
    %dma_start3A_199 = arith.constant 0 : i32
    %dma_start3A_200 = arith.constant 0 : i32
    %dma_start3A_201 = tpu.memref_slice %dma_start3A_198[%dma_start3A_199, %dma_start3A_200] : memref<1000x32xf32, #tpu.memory_space<vmem>> -> memref<1000x32xf32, #tpu.memory_space<vmem>>
    %dma_start3A_202 = arith.constant 0 : i32
    %dma_start3A_203 = tpu.memref_slice %arg2[%mul3A_184, %dma_start3A_202] : memref<160000x32xf32, #tpu.memory_space<hbm>> -> memref<1000x32xf32, #tpu.memory_space<hbm>>
    tpu.enqueue_dma source(%dma_start3A_203 : memref<1000x32xf32, #tpu.memory_space<hbm>>) target(%dma_start3A_201 : memref<1000x32xf32, #tpu.memory_space<vmem>>) target_semaphore(%arg10 : memref<!tpu.dma_semaphore, #tpu.memory_space<semaphore_mem>>)
    %dma_wait3A_204 = arith.constant 0 : i32
    %dma_wait3A_205 = arith.constant 0 : i32
    %dma_wait3A_206 = arith.constant 0 : i32
    %dma_wait3A_207 = tpu.memref_slice %arg7[%dma_wait3A_204, %dma_wait3A_205, %dma_wait3A_206] : memref<2x1000x32xf32, #tpu.memory_space<vmem>> -> memref<1x1000x32xf32, #tpu.memory_space<vmem>>
    %dma_wait3A_208 = tpu.memref_squeeze %dma_wait3A_207 : memref<1x1000x32xf32, #tpu.memory_space<vmem>> -> memref<1000x32xf32, #tpu.memory_space<vmem>>
    %dma_wait3A_209 = arith.constant 0 : i32
    %dma_wait3A_210 = arith.constant 0 : i32
    %dma_wait3A_211 = tpu.memref_slice %dma_wait3A_208[%dma_wait3A_209, %dma_wait3A_210] : memref<1000x32xf32, #tpu.memory_space<vmem>> -> memref<1000x32xf32, #tpu.memory_space<vmem>>
    %dma_wait3A_212 = arith.constant 0 : i32
    %dma_wait3A_213 = tpu.memref_slice %arg2[%mul3A_110, %dma_wait3A_212] : memref<160000x32xf32, #tpu.memory_space<hbm>> -> memref<1000x32xf32, #tpu.memory_space<hbm>>
    %dma_wait3A_214 = arith.constant 0 : i32
    %dma_wait3A_215 = arith.constant 0 : i32
    %dma_wait3A_216 = tpu.memref_slice %arg7[%dma_wait3A_204, %dma_wait3A_214, %dma_wait3A_215] : memref<2x1000x32xf32, #tpu.memory_space<vmem>> -> memref<1x1000x32xf32, #tpu.memory_space<vmem>>
    %dma_wait3A_217 = tpu.memref_squeeze %dma_wait3A_216 : memref<1x1000x32xf32, #tpu.memory_space<vmem>> -> memref<1000x32xf32, #tpu.memory_space<vmem>>
    %dma_wait3A_218 = arith.constant 0 : i32
    %dma_wait3A_219 = arith.constant 0 : i32
    %dma_wait3A_220 = tpu.memref_slice %dma_wait3A_217[%dma_wait3A_218, %dma_wait3A_219] : memref<1000x32xf32, #tpu.memory_space<vmem>> -> memref<1000x32xf32, #tpu.memory_space<vmem>>
    %dma_wait3A_221 = arith.constant 0 : i32
    %dma_wait3A_222 = tpu.memref_slice %arg2[%mul3A_110, %dma_wait3A_221] : memref<160000x32xf32, #tpu.memory_space<hbm>> -> memref<1000x32xf32, #tpu.memory_space<hbm>>
    tpu.wait_dma2 semaphore(%arg9 : memref<!tpu.dma_semaphore, #tpu.memory_space<semaphore_mem>>) src(%dma_wait3A_222 : memref<1000x32xf32, #tpu.memory_space<hbm>>) dst(%dma_wait3A_220 : memref<1000x32xf32, #tpu.memory_space<vmem>>)
    %dma_start3A_223 = arith.constant 0 : i32
    %dma_start3A_224 = arith.constant 2 : i32
    %dma_start3A_225 = arith.constant 0 : i32
    %dma_start3A_226 = arith.constant 0 : i32
    %dma_start3A_227 = tpu.memref_slice %arg7[%dma_start3A_223, %dma_start3A_225, %dma_start3A_226] : memref<2x1000x32xf32, #tpu.memory_space<vmem>> -> memref<1x1000x32xf32, #tpu.memory_space<vmem>>
    %dma_start3A_228 = tpu.memref_squeeze %dma_start3A_227 : memref<1x1000x32xf32, #tpu.memory_space<vmem>> -> memref<1000x32xf32, #tpu.memory_space<vmem>>
    %dma_start3A_229 = arith.constant 0 : i32
    %dma_start3A_230 = arith.constant 0 : i32
    %dma_start3A_231 = tpu.memref_slice %dma_start3A_228[%dma_start3A_229, %dma_start3A_230] : memref<1000x32xf32, #tpu.memory_space<vmem>> -> memref<1000x32xf32, #tpu.memory_space<vmem>>
    %dma_start3A_232 = arith.constant 0 : i32
    %dma_start3A_233 = tpu.memref_slice %arg6[%dma_start3A_224, %dma_start3A_232] : memref<5x1000xi32, #tpu.memory_space<vmem>> -> memref<1x1000xi32, #tpu.memory_space<vmem>>
    %dma_start3A_234 = tpu.memref_squeeze %dma_start3A_233 : memref<1x1000xi32, #tpu.memory_space<vmem>> -> memref<1000xi32, #tpu.memory_space<vmem>>
    %dma_start3A_235 = arith.constant 0 : i32
    %dma_start3A_236 = arith.constant 0 : i32
    %dma_start3A_237 = tpu.memref_slice %arg8[%dma_start3A_235, %dma_start3A_236] : memref<10016x32xf32, #tpu.memory_space<vmem_shared>> -> memref<10016x32xf32, #tpu.memory_space<vmem_shared>>
    tpu.enqueue_indirect_dma source(%dma_start3A_231 : memref<1000x32xf32, #tpu.memory_space<vmem>>) target(%dma_start3A_237 : memref<10016x32xf32, #tpu.memory_space<vmem_shared>>) offsets(%dma_start3A_234 : memref<1000xi32, #tpu.memory_space<vmem>>) semaphore(%arg11 : memref<!tpu.dma_semaphore, #tpu.memory_space<semaphore_mem>>) {add = true}
    %dma_wait3A_238 = arith.constant 0 : i32
    %dma_wait3A_239 = arith.constant 2 : i32
    %dma_wait3A_240 = arith.constant 0 : i32
    %dma_wait3A_241 = arith.constant 0 : i32
    %dma_wait3A_242 = tpu.memref_slice %arg7[%dma_wait3A_238, %dma_wait3A_240, %dma_wait3A_241] : memref<2x1000x32xf32, #tpu.memory_space<vmem>> -> memref<1x1000x32xf32, #tpu.memory_space<vmem>>
    %dma_wait3A_243 = tpu.memref_squeeze %dma_wait3A_242 : memref<1x1000x32xf32, #tpu.memory_space<vmem>> -> memref<1000x32xf32, #tpu.memory_space<vmem>>
    %dma_wait3A_244 = arith.constant 0 : i32
    %dma_wait3A_245 = arith.constant 0 : i32
    %dma_wait3A_246 = tpu.memref_slice %dma_wait3A_243[%dma_wait3A_244, %dma_wait3A_245] : memref<1000x32xf32, #tpu.memory_space<vmem>> -> memref<1000x32xf32, #tpu.memory_space<vmem>>
    %dma_wait3A_247 = arith.constant 0 : i32
    %dma_wait3A_248 = tpu.memref_slice %arg6[%dma_wait3A_239, %dma_wait3A_247] : memref<5x1000xi32, #tpu.memory_space<vmem>> -> memref<1x1000xi32, #tpu.memory_space<vmem>>
    %dma_wait3A_249 = tpu.memref_squeeze %dma_wait3A_248 : memref<1x1000xi32, #tpu.memory_space<vmem>> -> memref<1000xi32, #tpu.memory_space<vmem>>
    %dma_wait3A_250 = arith.constant 0 : i32
    %dma_wait3A_251 = arith.constant 0 : i32
    %dma_wait3A_252 = tpu.memref_slice %arg8[%dma_wait3A_250, %dma_wait3A_251] : memref<10016x32xf32, #tpu.memory_space<vmem_shared>> -> memref<10016x32xf32, #tpu.memory_space<vmem_shared>>
    tpu.wait_indirect_dma semaphore(%arg11 : memref<!tpu.dma_semaphore, #tpu.memory_space<semaphore_mem>>) src(%dma_wait3A_246 : memref<1000x32xf32, #tpu.memory_space<vmem>>) dst(%dma_wait3A_252 : memref<10016x32xf32, #tpu.memory_space<vmem_shared>>)
    %mul3A_253 = arith.constant 5 : i32
    %mul3A_254 = arith.muli %add3A, %mul3A_253 : i32
    %add3A_255 = arith.constant 4 : i32
    %add3A_256 = arith.addi %mul3A_254, %add3A_255 : i32
    %mul3A_257 = arith.constant 1000 : i32
    %mul3A_258 = arith.muli %add3A_256, %mul3A_257 : i32
    %dma_start3A_259 = arith.constant 0 : i32
    %dma_start3A_260 = arith.constant 0 : i32
    %dma_start3A_261 = arith.constant 0 : i32
    %dma_start3A_262 = tpu.memref_slice %arg7[%dma_start3A_259, %dma_start3A_260, %dma_start3A_261] : memref<2x1000x32xf32, #tpu.memory_space<vmem>> -> memref<1x1000x32xf32, #tpu.memory_space<vmem>>
    %dma_start3A_263 = tpu.memref_squeeze %dma_start3A_262 : memref<1x1000x32xf32, #tpu.memory_space<vmem>> -> memref<1000x32xf32, #tpu.memory_space<vmem>>
    %dma_start3A_264 = arith.constant 0 : i32
    %dma_start3A_265 = arith.constant 0 : i32
    %dma_start3A_266 = tpu.memref_slice %dma_start3A_263[%dma_start3A_264, %dma_start3A_265] : memref<1000x32xf32, #tpu.memory_space<vmem>> -> memref<1000x32xf32, #tpu.memory_space<vmem>>
    %dma_start3A_267 = arith.constant 0 : i32
    %dma_start3A_268 = tpu.memref_slice %arg2[%mul3A_258, %dma_start3A_267] : memref<160000x32xf32, #tpu.memory_space<hbm>> -> memref<1000x32xf32, #tpu.memory_space<hbm>>
    %dma_start3A_269 = arith.constant 0 : i32
    %dma_start3A_270 = arith.constant 0 : i32
    %dma_start3A_271 = tpu.memref_slice %arg7[%dma_start3A_259, %dma_start3A_269, %dma_start3A_270] : memref<2x1000x32xf32, #tpu.memory_space<vmem>> -> memref<1x1000x32xf32, #tpu.memory_space<vmem>>
    %dma_start3A_272 = tpu.memref_squeeze %dma_start3A_271 : memref<1x1000x32xf32, #tpu.memory_space<vmem>> -> memref<1000x32xf32, #tpu.memory_space<vmem>>
    %dma_start3A_273 = arith.constant 0 : i32
    %dma_start3A_274 = arith.constant 0 : i32
    %dma_start3A_275 = tpu.memref_slice %dma_start3A_272[%dma_start3A_273, %dma_start3A_274] : memref<1000x32xf32, #tpu.memory_space<vmem>> -> memref<1000x32xf32, #tpu.memory_space<vmem>>
    %dma_start3A_276 = arith.constant 0 : i32
    %dma_start3A_277 = tpu.memref_slice %arg2[%mul3A_258, %dma_start3A_276] : memref<160000x32xf32, #tpu.memory_space<hbm>> -> memref<1000x32xf32, #tpu.memory_space<hbm>>
    tpu.enqueue_dma source(%dma_start3A_277 : memref<1000x32xf32, #tpu.memory_space<hbm>>) target(%dma_start3A_275 : memref<1000x32xf32, #tpu.memory_space<vmem>>) target_semaphore(%arg9 : memref<!tpu.dma_semaphore, #tpu.memory_space<semaphore_mem>>)
    %dma_wait3A_278 = arith.constant 1 : i32
    %dma_wait3A_279 = arith.constant 0 : i32
    %dma_wait3A_280 = arith.constant 0 : i32
    %dma_wait3A_281 = tpu.memref_slice %arg7[%dma_wait3A_278, %dma_wait3A_279, %dma_wait3A_280] : memref<2x1000x32xf32, #tpu.memory_space<vmem>> -> memref<1x1000x32xf32, #tpu.memory_space<vmem>>
    %dma_wait3A_282 = tpu.memref_squeeze %dma_wait3A_281 : memref<1x1000x32xf32, #tpu.memory_space<vmem>> -> memref<1000x32xf32, #tpu.memory_space<vmem>>
    %dma_wait3A_283 = arith.constant 0 : i32
    %dma_wait3A_284 = arith.constant 0 : i32
    %dma_wait3A_285 = tpu.memref_slice %dma_wait3A_282[%dma_wait3A_283, %dma_wait3A_284] : memref<1000x32xf32, #tpu.memory_space<vmem>> -> memref<1000x32xf32, #tpu.memory_space<vmem>>
    %dma_wait3A_286 = arith.constant 0 : i32
    %dma_wait3A_287 = tpu.memref_slice %arg2[%mul3A_184, %dma_wait3A_286] : memref<160000x32xf32, #tpu.memory_space<hbm>> -> memref<1000x32xf32, #tpu.memory_space<hbm>>
    %dma_wait3A_288 = arith.constant 0 : i32
    %dma_wait3A_289 = arith.constant 0 : i32
    %dma_wait3A_290 = tpu.memref_slice %arg7[%dma_wait3A_278, %dma_wait3A_288, %dma_wait3A_289] : memref<2x1000x32xf32, #tpu.memory_space<vmem>> -> memref<1x1000x32xf32, #tpu.memory_space<vmem>>
    %dma_wait3A_291 = tpu.memref_squeeze %dma_wait3A_290 : memref<1x1000x32xf32, #tpu.memory_space<vmem>> -> memref<1000x32xf32, #tpu.memory_space<vmem>>
    %dma_wait3A_292 = arith.constant 0 : i32
    %dma_wait3A_293 = arith.constant 0 : i32
    %dma_wait3A_294 = tpu.memref_slice %dma_wait3A_291[%dma_wait3A_292, %dma_wait3A_293] : memref<1000x32xf32, #tpu.memory_space<vmem>> -> memref<1000x32xf32, #tpu.memory_space<vmem>>
    %dma_wait3A_295 = arith.constant 0 : i32
    %dma_wait3A_296 = tpu.memref_slice %arg2[%mul3A_184, %dma_wait3A_295] : memref<160000x32xf32, #tpu.memory_space<hbm>> -> memref<1000x32xf32, #tpu.memory_space<hbm>>
    tpu.wait_dma2 semaphore(%arg10 : memref<!tpu.dma_semaphore, #tpu.memory_space<semaphore_mem>>) src(%dma_wait3A_296 : memref<1000x32xf32, #tpu.memory_space<hbm>>) dst(%dma_wait3A_294 : memref<1000x32xf32, #tpu.memory_space<vmem>>)
    %dma_start3A_297 = arith.constant 1 : i32
    %dma_start3A_298 = arith.constant 3 : i32
    %dma_start3A_299 = arith.constant 0 : i32
    %dma_start3A_300 = arith.constant 0 : i32
    %dma_start3A_301 = tpu.memref_slice %arg7[%dma_start3A_297, %dma_start3A_299, %dma_start3A_300] : memref<2x1000x32xf32, #tpu.memory_space<vmem>> -> memref<1x1000x32xf32, #tpu.memory_space<vmem>>
    %dma_start3A_302 = tpu.memref_squeeze %dma_start3A_301 : memref<1x1000x32xf32, #tpu.memory_space<vmem>> -> memref<1000x32xf32, #tpu.memory_space<vmem>>
    %dma_start3A_303 = arith.constant 0 : i32
    %dma_start3A_304 = arith.constant 0 : i32
    %dma_start3A_305 = tpu.memref_slice %dma_start3A_302[%dma_start3A_303, %dma_start3A_304] : memref<1000x32xf32, #tpu.memory_space<vmem>> -> memref<1000x32xf32, #tpu.memory_space<vmem>>
    %dma_start3A_306 = arith.constant 0 : i32
    %dma_start3A_307 = tpu.memref_slice %arg6[%dma_start3A_298, %dma_start3A_306] : memref<5x1000xi32, #tpu.memory_space<vmem>> -> memref<1x1000xi32, #tpu.memory_space<vmem>>
    %dma_start3A_308 = tpu.memref_squeeze %dma_start3A_307 : memref<1x1000xi32, #tpu.memory_space<vmem>> -> memref<1000xi32, #tpu.memory_space<vmem>>
    %dma_start3A_309 = arith.constant 0 : i32
    %dma_start3A_310 = arith.constant 0 : i32
    %dma_start3A_311 = tpu.memref_slice %arg8[%dma_start3A_309, %dma_start3A_310] : memref<10016x32xf32, #tpu.memory_space<vmem_shared>> -> memref<10016x32xf32, #tpu.memory_space<vmem_shared>>
    tpu.enqueue_indirect_dma source(%dma_start3A_305 : memref<1000x32xf32, #tpu.memory_space<vmem>>) target(%dma_start3A_311 : memref<10016x32xf32, #tpu.memory_space<vmem_shared>>) offsets(%dma_start3A_308 : memref<1000xi32, #tpu.memory_space<vmem>>) semaphore(%arg12 : memref<!tpu.dma_semaphore, #tpu.memory_space<semaphore_mem>>) {add = true}
    %dma_wait3A_312 = arith.constant 0 : i32
    %dma_wait3A_313 = arith.constant 0 : i32
    %dma_wait3A_314 = arith.constant 0 : i32
    %dma_wait3A_315 = tpu.memref_slice %arg7[%dma_wait3A_312, %dma_wait3A_313, %dma_wait3A_314] : memref<2x1000x32xf32, #tpu.memory_space<vmem>> -> memref<1x1000x32xf32, #tpu.memory_space<vmem>>
    %dma_wait3A_316 = tpu.memref_squeeze %dma_wait3A_315 : memref<1x1000x32xf32, #tpu.memory_space<vmem>> -> memref<1000x32xf32, #tpu.memory_space<vmem>>
    %dma_wait3A_317 = arith.constant 0 : i32
    %dma_wait3A_318 = arith.constant 0 : i32
    %dma_wait3A_319 = tpu.memref_slice %dma_wait3A_316[%dma_wait3A_317, %dma_wait3A_318] : memref<1000x32xf32, #tpu.memory_space<vmem>> -> memref<1000x32xf32, #tpu.memory_space<vmem>>
    %dma_wait3A_320 = arith.constant 0 : i32
    %dma_wait3A_321 = tpu.memref_slice %arg2[%mul3A_258, %dma_wait3A_320] : memref<160000x32xf32, #tpu.memory_space<hbm>> -> memref<1000x32xf32, #tpu.memory_space<hbm>>
    %dma_wait3A_322 = arith.constant 0 : i32
    %dma_wait3A_323 = arith.constant 0 : i32
    %dma_wait3A_324 = tpu.memref_slice %arg7[%dma_wait3A_312, %dma_wait3A_322, %dma_wait3A_323] : memref<2x1000x32xf32, #tpu.memory_space<vmem>> -> memref<1x1000x32xf32, #tpu.memory_space<vmem>>
    %dma_wait3A_325 = tpu.memref_squeeze %dma_wait3A_324 : memref<1x1000x32xf32, #tpu.memory_space<vmem>> -> memref<1000x32xf32, #tpu.memory_space<vmem>>
    %dma_wait3A_326 = arith.constant 0 : i32
    %dma_wait3A_327 = arith.constant 0 : i32
    %dma_wait3A_328 = tpu.memref_slice %dma_wait3A_325[%dma_wait3A_326, %dma_wait3A_327] : memref<1000x32xf32, #tpu.memory_space<vmem>> -> memref<1000x32xf32, #tpu.memory_space<vmem>>
    %dma_wait3A_329 = arith.constant 0 : i32
    %dma_wait3A_330 = tpu.memref_slice %arg2[%mul3A_258, %dma_wait3A_329] : memref<160000x32xf32, #tpu.memory_space<hbm>> -> memref<1000x32xf32, #tpu.memory_space<hbm>>
    tpu.wait_dma2 semaphore(%arg9 : memref<!tpu.dma_semaphore, #tpu.memory_space<semaphore_mem>>) src(%dma_wait3A_330 : memref<1000x32xf32, #tpu.memory_space<hbm>>) dst(%dma_wait3A_328 : memref<1000x32xf32, #tpu.memory_space<vmem>>)
    %dma_start3A_331 = arith.constant 0 : i32
    %dma_start3A_332 = arith.constant 4 : i32
    %dma_start3A_333 = arith.constant 0 : i32
    %dma_start3A_334 = arith.constant 0 : i32
    %dma_start3A_335 = tpu.memref_slice %arg7[%dma_start3A_331, %dma_start3A_333, %dma_start3A_334] : memref<2x1000x32xf32, #tpu.memory_space<vmem>> -> memref<1x1000x32xf32, #tpu.memory_space<vmem>>
    %dma_start3A_336 = tpu.memref_squeeze %dma_start3A_335 : memref<1x1000x32xf32, #tpu.memory_space<vmem>> -> memref<1000x32xf32, #tpu.memory_space<vmem>>
    %dma_start3A_337 = arith.constant 0 : i32
    %dma_start3A_338 = arith.constant 0 : i32
    %dma_start3A_339 = tpu.memref_slice %dma_start3A_336[%dma_start3A_337, %dma_start3A_338] : memref<1000x32xf32, #tpu.memory_space<vmem>> -> memref<1000x32xf32, #tpu.memory_space<vmem>>
    %dma_start3A_340 = arith.constant 0 : i32
    %dma_start3A_341 = tpu.memref_slice %arg6[%dma_start3A_332, %dma_start3A_340] : memref<5x1000xi32, #tpu.memory_space<vmem>> -> memref<1x1000xi32, #tpu.memory_space<vmem>>
    %dma_start3A_342 = tpu.memref_squeeze %dma_start3A_341 : memref<1x1000xi32, #tpu.memory_space<vmem>> -> memref<1000xi32, #tpu.memory_space<vmem>>
    %dma_start3A_343 = arith.constant 0 : i32
    %dma_start3A_344 = arith.constant 0 : i32
    %dma_start3A_345 = tpu.memref_slice %arg8[%dma_start3A_343, %dma_start3A_344] : memref<10016x32xf32, #tpu.memory_space<vmem_shared>> -> memref<10016x32xf32, #tpu.memory_space<vmem_shared>>
    tpu.enqueue_indirect_dma source(%dma_start3A_339 : memref<1000x32xf32, #tpu.memory_space<vmem>>) target(%dma_start3A_345 : memref<10016x32xf32, #tpu.memory_space<vmem_shared>>) offsets(%dma_start3A_342 : memref<1000xi32, #tpu.memory_space<vmem>>) semaphore(%arg11 : memref<!tpu.dma_semaphore, #tpu.memory_space<semaphore_mem>>) {add = true}
    %dma_wait3A_346 = arith.constant 1 : i32
    %dma_wait3A_347 = arith.constant 3 : i32
    %dma_wait3A_348 = arith.constant 0 : i32
    %dma_wait3A_349 = arith.constant 0 : i32
    %dma_wait3A_350 = tpu.memref_slice %arg7[%dma_wait3A_346, %dma_wait3A_348, %dma_wait3A_349] : memref<2x1000x32xf32, #tpu.memory_space<vmem>> -> memref<1x1000x32xf32, #tpu.memory_space<vmem>>
    %dma_wait3A_351 = tpu.memref_squeeze %dma_wait3A_350 : memref<1x1000x32xf32, #tpu.memory_space<vmem>> -> memref<1000x32xf32, #tpu.memory_space<vmem>>
    %dma_wait3A_352 = arith.constant 0 : i32
    %dma_wait3A_353 = arith.constant 0 : i32
    %dma_wait3A_354 = tpu.memref_slice %dma_wait3A_351[%dma_wait3A_352, %dma_wait3A_353] : memref<1000x32xf32, #tpu.memory_space<vmem>> -> memref<1000x32xf32, #tpu.memory_space<vmem>>
    %dma_wait3A_355 = arith.constant 0 : i32
    %dma_wait3A_356 = tpu.memref_slice %arg6[%dma_wait3A_347, %dma_wait3A_355] : memref<5x1000xi32, #tpu.memory_space<vmem>> -> memref<1x1000xi32, #tpu.memory_space<vmem>>
    %dma_wait3A_357 = tpu.memref_squeeze %dma_wait3A_356 : memref<1x1000xi32, #tpu.memory_space<vmem>> -> memref<1000xi32, #tpu.memory_space<vmem>>
    %dma_wait3A_358 = arith.constant 0 : i32
    %dma_wait3A_359 = arith.constant 0 : i32
    %dma_wait3A_360 = tpu.memref_slice %arg8[%dma_wait3A_358, %dma_wait3A_359] : memref<10016x32xf32, #tpu.memory_space<vmem_shared>> -> memref<10016x32xf32, #tpu.memory_space<vmem_shared>>
    tpu.wait_indirect_dma semaphore(%arg12 : memref<!tpu.dma_semaphore, #tpu.memory_space<semaphore_mem>>) src(%dma_wait3A_354 : memref<1000x32xf32, #tpu.memory_space<vmem>>) dst(%dma_wait3A_360 : memref<10016x32xf32, #tpu.memory_space<vmem_shared>>)
    %dma_wait3A_361 = arith.constant 0 : i32
    %dma_wait3A_362 = arith.constant 4 : i32
    %dma_wait3A_363 = arith.constant 0 : i32
    %dma_wait3A_364 = arith.constant 0 : i32
    %dma_wait3A_365 = tpu.memref_slice %arg7[%dma_wait3A_361, %dma_wait3A_363, %dma_wait3A_364] : memref<2x1000x32xf32, #tpu.memory_space<vmem>> -> memref<1x1000x32xf32, #tpu.memory_space<vmem>>
    %dma_wait3A_366 = tpu.memref_squeeze %dma_wait3A_365 : memref<1x1000x32xf32, #tpu.memory_space<vmem>> -> memref<1000x32xf32, #tpu.memory_space<vmem>>
    %dma_wait3A_367 = arith.constant 0 : i32
    %dma_wait3A_368 = arith.constant 0 : i32
    %dma_wait3A_369 = tpu.memref_slice %dma_wait3A_366[%dma_wait3A_367, %dma_wait3A_368] : memref<1000x32xf32, #tpu.memory_space<vmem>> -> memref<1000x32xf32, #tpu.memory_space<vmem>>
    %dma_wait3A_370 = arith.constant 0 : i32
    %dma_wait3A_371 = tpu.memref_slice %arg6[%dma_wait3A_362, %dma_wait3A_370] : memref<5x1000xi32, #tpu.memory_space<vmem>> -> memref<1x1000xi32, #tpu.memory_space<vmem>>
    %dma_wait3A_372 = tpu.memref_squeeze %dma_wait3A_371 : memref<1x1000xi32, #tpu.memory_space<vmem>> -> memref<1000xi32, #tpu.memory_space<vmem>>
    %dma_wait3A_373 = arith.constant 0 : i32
    %dma_wait3A_374 = arith.constant 0 : i32
    %dma_wait3A_375 = tpu.memref_slice %arg8[%dma_wait3A_373, %dma_wait3A_374] : memref<10016x32xf32, #tpu.memory_space<vmem_shared>> -> memref<10016x32xf32, #tpu.memory_space<vmem_shared>>
    tpu.wait_indirect_dma semaphore(%arg11 : memref<!tpu.dma_semaphore, #tpu.memory_space<semaphore_mem>>) src(%dma_wait3A_369 : memref<1000x32xf32, #tpu.memory_space<vmem>>) dst(%dma_wait3A_375 : memref<10016x32xf32, #tpu.memory_space<vmem_shared>>)
    %barrier3A_376 = arith.constant 0 : index
    tpu.barrier barrier_id(%barrier3A_376)
    %mul3A_377 = arith.constant 625 : i32
    %mul3A_378 = arith.muli %arg1, %mul3A_377 : i32
    %mul3A_379 = arith.constant 10000 : i32
    %mul3A_380 = arith.muli %arg0, %mul3A_379 : i32
    %mul3A_381 = arith.constant 625 : i32
    %mul3A_382 = arith.muli %arg1, %mul3A_381 : i32
    %add3A_383 = arith.addi %mul3A_380, %mul3A_382 : i32
    "tpu.region"() ({
      %run_scoped3A_384 = tpu.sem_alloc : memref<!tpu.dma_semaphore, #tpu.memory_space<semaphore_mem>>
      %dma_start3A_385 = arith.constant 0 : i32
      %dma_start3A_386 = tpu.memref_slice %arg5[%add3A_383, %dma_start3A_385] : memref<20000x32xf32, #tpu.memory_space<hbm>> -> memref<625x32xf32, #tpu.memory_space<hbm>>
      %dma_start3A_387 = arith.constant 0 : i32
      %dma_start3A_388 = tpu.memref_slice %arg8[%mul3A_378, %dma_start3A_387] : memref<10016x32xf32, #tpu.memory_space<vmem_shared>> -> memref<625x32xf32, #tpu.memory_space<vmem_shared>>
      tpu.enqueue_dma source(%dma_start3A_388 : memref<625x32xf32, #tpu.memory_space<vmem_shared>>) target(%dma_start3A_386 : memref<625x32xf32, #tpu.memory_space<hbm>>) target_semaphore(%run_scoped3A_384 : memref<!tpu.dma_semaphore, #tpu.memory_space<semaphore_mem>>)
      %dma_wait3A_389 = arith.constant 0 : i32
      %dma_wait3A_390 = tpu.memref_slice %arg5[%add3A_383, %dma_wait3A_389] : memref<20000x32xf32, #tpu.memory_space<hbm>> -> memref<625x32xf32, #tpu.memory_space<hbm>>
      %dma_wait3A_391 = arith.constant 0 : i32
      %dma_wait3A_392 = tpu.memref_slice %arg8[%mul3A_378, %dma_wait3A_391] : memref<10016x32xf32, #tpu.memory_space<vmem_shared>> -> memref<625x32xf32, #tpu.memory_space<vmem_shared>>
      tpu.wait_dma2 semaphore(%run_scoped3A_384 : memref<!tpu.dma_semaphore, #tpu.memory_space<semaphore_mem>>) src(%dma_wait3A_392 : memref<625x32xf32, #tpu.memory_space<vmem_shared>>) dst(%dma_wait3A_390 : memref<625x32xf32, #tpu.memory_space<hbm>>)
      tpu.yield
    }) : () -> ()
    return
  }
}

#map = affine_map<(d0, d1) -> (0, 0)>
module attributes {stable_mosaic.version = 14 : i64} {
  func.func @_sc_scatter_body(%arg0: i32, %arg1: i32, %arg2: memref<160000x32xf32, #tpu.memory_space<hbm>>, %arg3: memref<160x1000xi32, #tpu.memory_space<hbm>>, %arg4: memref<10016x32xf32, #tpu.memory_space<hbm>>, %arg5: memref<20000x32xf32, #tpu.memory_space<hbm>>, %arg6: memref<5x1000xi32, #tpu.memory_space<vmem>>, %arg7: memref<2x1000x32xf32, #tpu.memory_space<vmem>>, %arg8: memref<10016x32xf32, #tpu.memory_space<vmem_shared>>, %arg9: memref<!tpu.dma_semaphore, #tpu.memory_space<semaphore_mem>>, %arg10: memref<!tpu.dma_semaphore, #tpu.memory_space<semaphore_mem>>, %arg11: memref<!tpu.dma_semaphore, #tpu.memory_space<semaphore_mem>>, %arg12: memref<!tpu.dma_semaphore, #tpu.memory_space<semaphore_mem>>) attributes {dimension_semantics = [#tpu.dimension_semantics<core_parallel>, #tpu.dimension_semantics<subcore_parallel>], iteration_bounds = array<i64: 2, 16>, scalar_prefetch = 0 : i64, scratch_operands = 7 : i64, tpu.core_type = #tpu.core_type<sc_vector_subcore>, window_params = [{transform_indices = #map}, {transform_indices = #map}, {transform_indices = #map}, {transform_indices = #map}]} {
    %mul3A = arith.constant 2 : i32
    %mul3A_0 = arith.muli %arg1, %mul3A : i32
    %add3A = arith.addi %mul3A_0, %arg0 : i32
    %mul3A_1 = arith.constant 626 : i32
    %mul3A_2 = arith.muli %arg1, %mul3A_1 : i32
    %run_scoped3A = arith.constant 0 : i32
    "tpu.region"() ({
      %run_scoped3A_384 = tpu.sem_alloc : memref<!tpu.dma_semaphore, #tpu.memory_space<semaphore_mem>>
      %dma_start3A_385 = arith.constant 0 : i32
      %dma_start3A_386 = arith.constant 0 : i32
      %dma_start3A_387 = tpu.memref_slice %arg7[%run_scoped3A, %dma_start3A_385, %dma_start3A_386] : memref<2x1000x32xf32, #tpu.memory_space<vmem>> -> memref<1x1000x32xf32, #tpu.memory_space<vmem>>
      %dma_start3A_388 = tpu.memref_squeeze %dma_start3A_387 : memref<1x1000x32xf32, #tpu.memory_space<vmem>> -> memref<1000x32xf32, #tpu.memory_space<vmem>>
      %dma_start3A_389 = arith.constant 0 : i32
      %dma_start3A_390 = arith.constant 0 : i32
      %dma_start3A_391 = tpu.memref_slice %dma_start3A_388[%dma_start3A_389, %dma_start3A_390] : memref<1000x32xf32, #tpu.memory_space<vmem>> -> memref<626x32xf32, #tpu.memory_space<vmem>>
      %dma_start3A_392 = arith.constant 0 : i32
      %dma_start3A_393 = tpu.memref_slice %arg4[%mul3A_2, %dma_start3A_392] : memref<10016x32xf32, #tpu.memory_space<hbm>> -> memref<626x32xf32, #tpu.memory_space<hbm>>
      %dma_start3A_394 = arith.constant 0 : i32
      %dma_start3A_395 = arith.constant 0 : i32
      %dma_start3A_396 = tpu.memref_slice %arg7[%run_scoped3A, %dma_start3A_394, %dma_start3A_395] : memref<2x1000x32xf32, #tpu.memory_space<vmem>> -> memref<1x1000x32xf32, #tpu.memory_space<vmem>>
      %dma_start3A_397 = tpu.memref_squeeze %dma_start3A_396 : memref<1x1000x32xf32, #tpu.memory_space<vmem>> -> memref<1000x32xf32, #tpu.memory_space<vmem>>
      %dma_start3A_398 = arith.constant 0 : i32
      %dma_start3A_399 = arith.constant 0 : i32
      %dma_start3A_400 = tpu.memref_slice %dma_start3A_397[%dma_start3A_398, %dma_start3A_399] : memref<1000x32xf32, #tpu.memory_space<vmem>> -> memref<626x32xf32, #tpu.memory_space<vmem>>
      %dma_start3A_401 = arith.constant 0 : i32
      %dma_start3A_402 = tpu.memref_slice %arg4[%mul3A_2, %dma_start3A_401] : memref<10016x32xf32, #tpu.memory_space<hbm>> -> memref<626x32xf32, #tpu.memory_space<hbm>>
      tpu.enqueue_dma source(%dma_start3A_402 : memref<626x32xf32, #tpu.memory_space<hbm>>) target(%dma_start3A_400 : memref<626x32xf32, #tpu.memory_space<vmem>>) target_semaphore(%run_scoped3A_384 : memref<!tpu.dma_semaphore, #tpu.memory_space<semaphore_mem>>)
      %dma_wait3A_403 = arith.constant 0 : i32
      %dma_wait3A_404 = arith.constant 0 : i32
      %dma_wait3A_405 = tpu.memref_slice %arg7[%run_scoped3A, %dma_wait3A_403, %dma_wait3A_404] : memref<2x1000x32xf32, #tpu.memory_space<vmem>> -> memref<1x1000x32xf32, #tpu.memory_space<vmem>>
      %dma_wait3A_406 = tpu.memref_squeeze %dma_wait3A_405 : memref<1x1000x32xf32, #tpu.memory_space<vmem>> -> memref<1000x32xf32, #tpu.memory_space<vmem>>
      %dma_wait3A_407 = arith.constant 0 : i32
      %dma_wait3A_408 = arith.constant 0 : i32
      %dma_wait3A_409 = tpu.memref_slice %dma_wait3A_406[%dma_wait3A_407, %dma_wait3A_408] : memref<1000x32xf32, #tpu.memory_space<vmem>> -> memref<626x32xf32, #tpu.memory_space<vmem>>
      %dma_wait3A_410 = arith.constant 0 : i32
      %dma_wait3A_411 = tpu.memref_slice %arg4[%mul3A_2, %dma_wait3A_410] : memref<10016x32xf32, #tpu.memory_space<hbm>> -> memref<626x32xf32, #tpu.memory_space<hbm>>
      %dma_wait3A_412 = arith.constant 0 : i32
      %dma_wait3A_413 = arith.constant 0 : i32
      %dma_wait3A_414 = tpu.memref_slice %arg7[%run_scoped3A, %dma_wait3A_412, %dma_wait3A_413] : memref<2x1000x32xf32, #tpu.memory_space<vmem>> -> memref<1x1000x32xf32, #tpu.memory_space<vmem>>
      %dma_wait3A_415 = tpu.memref_squeeze %dma_wait3A_414 : memref<1x1000x32xf32, #tpu.memory_space<vmem>> -> memref<1000x32xf32, #tpu.memory_space<vmem>>
      %dma_wait3A_416 = arith.constant 0 : i32
      %dma_wait3A_417 = arith.constant 0 : i32
      %dma_wait3A_418 = tpu.memref_slice %dma_wait3A_415[%dma_wait3A_416, %dma_wait3A_417] : memref<1000x32xf32, #tpu.memory_space<vmem>> -> memref<626x32xf32, #tpu.memory_space<vmem>>
      %dma_wait3A_419 = arith.constant 0 : i32
      %dma_wait3A_420 = tpu.memref_slice %arg4[%mul3A_2, %dma_wait3A_419] : memref<10016x32xf32, #tpu.memory_space<hbm>> -> memref<626x32xf32, #tpu.memory_space<hbm>>
      tpu.wait_dma2 semaphore(%run_scoped3A_384 : memref<!tpu.dma_semaphore, #tpu.memory_space<semaphore_mem>>) src(%dma_wait3A_420 : memref<626x32xf32, #tpu.memory_space<hbm>>) dst(%dma_wait3A_418 : memref<626x32xf32, #tpu.memory_space<vmem>>)
      tpu.yield
    }) : () -> ()
    %mul3A_3 = arith.constant 626 : i32
    %mul3A_4 = arith.muli %arg1, %mul3A_3 : i32
    %run_scoped3A_5 = arith.constant 0 : i32
    "tpu.region"() ({
      %run_scoped3A_384 = tpu.sem_alloc : memref<!tpu.dma_semaphore, #tpu.memory_space<semaphore_mem>>
      %dma_start3A_385 = arith.constant 0 : i32
      %dma_start3A_386 = arith.constant 0 : i32
      %dma_start3A_387 = tpu.memref_slice %arg7[%run_scoped3A_5, %dma_start3A_385, %dma_start3A_386] : memref<2x1000x32xf32, #tpu.memory_space<vmem>> -> memref<1x1000x32xf32, #tpu.memory_space<vmem>>
      %dma_start3A_388 = tpu.memref_squeeze %dma_start3A_387 : memref<1x1000x32xf32, #tpu.memory_space<vmem>> -> memref<1000x32xf32, #tpu.memory_space<vmem>>
      %dma_start3A_389 = arith.constant 0 : i32
      %dma_start3A_390 = arith.constant 0 : i32
      %dma_start3A_391 = tpu.memref_slice %dma_start3A_388[%dma_start3A_389, %dma_start3A_390] : memref<1000x32xf32, #tpu.memory_space<vmem>> -> memref<626x32xf32, #tpu.memory_space<vmem>>
      %dma_start3A_392 = arith.constant 0 : i32
      %dma_start3A_393 = tpu.memref_slice %arg8[%mul3A_4, %dma_start3A_392] : memref<10016x32xf32, #tpu.memory_space<vmem_shared>> -> memref<626x32xf32, #tpu.memory_space<vmem_shared>>
      %dma_start3A_394 = arith.constant 0 : i32
      %dma_start3A_395 = tpu.memref_slice %arg8[%mul3A_4, %dma_start3A_394] : memref<10016x32xf32, #tpu.memory_space<vmem_shared>> -> memref<626x32xf32, #tpu.memory_space<vmem_shared>>
      %dma_start3A_396 = arith.constant 0 : i32
      %dma_start3A_397 = arith.constant 0 : i32
      %dma_start3A_398 = tpu.memref_slice %arg7[%run_scoped3A_5, %dma_start3A_396, %dma_start3A_397] : memref<2x1000x32xf32, #tpu.memory_space<vmem>> -> memref<1x1000x32xf32, #tpu.memory_space<vmem>>
      %dma_start3A_399 = tpu.memref_squeeze %dma_start3A_398 : memref<1x1000x32xf32, #tpu.memory_space<vmem>> -> memref<1000x32xf32, #tpu.memory_space<vmem>>
      %dma_start3A_400 = arith.constant 0 : i32
      %dma_start3A_401 = arith.constant 0 : i32
      %dma_start3A_402 = tpu.memref_slice %dma_start3A_399[%dma_start3A_400, %dma_start3A_401] : memref<1000x32xf32, #tpu.memory_space<vmem>> -> memref<626x32xf32, #tpu.memory_space<vmem>>
      tpu.enqueue_dma source(%dma_start3A_402 : memref<626x32xf32, #tpu.memory_space<vmem>>) target(%dma_start3A_395 : memref<626x32xf32, #tpu.memory_space<vmem_shared>>) target_semaphore(%run_scoped3A_384 : memref<!tpu.dma_semaphore, #tpu.memory_space<semaphore_mem>>)
      %dma_wait3A_403 = arith.constant 0 : i32
      %dma_wait3A_404 = arith.constant 0 : i32
      %dma_wait3A_405 = tpu.memref_slice %arg7[%run_scoped3A_5, %dma_wait3A_403, %dma_wait3A_404] : memref<2x1000x32xf32, #tpu.memory_space<vmem>> -> memref<1x1000x32xf32, #tpu.memory_space<vmem>>
      %dma_wait3A_406 = tpu.memref_squeeze %dma_wait3A_405 : memref<1x1000x32xf32, #tpu.memory_space<vmem>> -> memref<1000x32xf32, #tpu.memory_space<vmem>>
      %dma_wait3A_407 = arith.constant 0 : i32
      %dma_wait3A_408 = arith.constant 0 : i32
      %dma_wait3A_409 = tpu.memref_slice %dma_wait3A_406[%dma_wait3A_407, %dma_wait3A_408] : memref<1000x32xf32, #tpu.memory_space<vmem>> -> memref<626x32xf32, #tpu.memory_space<vmem>>
      %dma_wait3A_410 = arith.constant 0 : i32
      %dma_wait3A_411 = tpu.memref_slice %arg8[%mul3A_4, %dma_wait3A_410] : memref<10016x32xf32, #tpu.memory_space<vmem_shared>> -> memref<626x32xf32, #tpu.memory_space<vmem_shared>>
      %dma_wait3A_412 = arith.constant 0 : i32
      %dma_wait3A_413 = tpu.memref_slice %arg8[%mul3A_4, %dma_wait3A_412] : memref<10016x32xf32, #tpu.memory_space<vmem_shared>> -> memref<626x32xf32, #tpu.memory_space<vmem_shared>>
      %dma_wait3A_414 = arith.constant 0 : i32
      %dma_wait3A_415 = arith.constant 0 : i32
      %dma_wait3A_416 = tpu.memref_slice %arg7[%run_scoped3A_5, %dma_wait3A_414, %dma_wait3A_415] : memref<2x1000x32xf32, #tpu.memory_space<vmem>> -> memref<1x1000x32xf32, #tpu.memory_space<vmem>>
      %dma_wait3A_417 = tpu.memref_squeeze %dma_wait3A_416 : memref<1x1000x32xf32, #tpu.memory_space<vmem>> -> memref<1000x32xf32, #tpu.memory_space<vmem>>
      %dma_wait3A_418 = arith.constant 0 : i32
      %dma_wait3A_419 = arith.constant 0 : i32
      %dma_wait3A_420 = tpu.memref_slice %dma_wait3A_417[%dma_wait3A_418, %dma_wait3A_419] : memref<1000x32xf32, #tpu.memory_space<vmem>> -> memref<626x32xf32, #tpu.memory_space<vmem>>
      tpu.wait_dma2 semaphore(%run_scoped3A_384 : memref<!tpu.dma_semaphore, #tpu.memory_space<semaphore_mem>>) src(%dma_wait3A_420 : memref<626x32xf32, #tpu.memory_space<vmem>>) dst(%dma_wait3A_413 : memref<626x32xf32, #tpu.memory_space<vmem_shared>>)
      tpu.yield
    }) : () -> ()
    %mul3A_6 = arith.constant 5 : i32
    %mul3A_7 = arith.muli %add3A, %mul3A_6 : i32
    "tpu.region"() ({
      %run_scoped3A_384 = tpu.sem_alloc : memref<!tpu.dma_semaphore, #tpu.memory_space<semaphore_mem>>
      %dma_start3A_385 = arith.constant 0 : i32
      %dma_start3A_386 = tpu.memref_slice %arg3[%mul3A_7, %dma_start3A_385] : memref<160x1000xi32, #tpu.memory_space<hbm>> -> memref<5x1000xi32, #tpu.memory_space<hbm>>
      %dma_start3A_387 = arith.constant 0 : i32
      %dma_start3A_388 = tpu.memref_slice %arg3[%mul3A_7, %dma_start3A_387] : memref<160x1000xi32, #tpu.memory_space<hbm>> -> memref<5x1000xi32, #tpu.memory_space<hbm>>
      tpu.enqueue_dma source(%dma_start3A_388 : memref<5x1000xi32, #tpu.memory_space<hbm>>) target(%arg6 : memref<5x1000xi32, #tpu.memory_space<vmem>>) target_semaphore(%run_scoped3A_384 : memref<!tpu.dma_semaphore, #tpu.memory_space<semaphore_mem>>)
      %dma_wait3A_389 = arith.constant 0 : i32
      %dma_wait3A_390 = tpu.memref_slice %arg3[%mul3A_7, %dma_wait3A_389] : memref<160x1000xi32, #tpu.memory_space<hbm>> -> memref<5x1000xi32, #tpu.memory_space<hbm>>
      %dma_wait3A_391 = arith.constant 0 : i32
      %dma_wait3A_392 = tpu.memref_slice %arg3[%mul3A_7, %dma_wait3A_391] : memref<160x1000xi32, #tpu.memory_space<hbm>> -> memref<5x1000xi32, #tpu.memory_space<hbm>>
      tpu.wait_dma2 semaphore(%run_scoped3A_384 : memref<!tpu.dma_semaphore, #tpu.memory_space<semaphore_mem>>) src(%dma_wait3A_392 : memref<5x1000xi32, #tpu.memory_space<hbm>>) dst(%arg6 : memref<5x1000xi32, #tpu.memory_space<vmem>>)
      tpu.yield
    }) : () -> ()
    %mul3A_8 = arith.constant 5 : i32
    %mul3A_9 = arith.muli %add3A, %mul3A_8 : i32
    %add3A_10 = arith.constant 0 : i32
    %add3A_11 = arith.addi %mul3A_9, %add3A_10 : i32
    %mul3A_12 = arith.constant 1000 : i32
    %mul3A_13 = arith.muli %add3A_11, %mul3A_12 : i32
    %dma_start3A = arith.constant 0 : i32
    %dma_start3A_14 = arith.constant 0 : i32
    %dma_start3A_15 = arith.constant 0 : i32
    %dma_start3A_16 = tpu.memref_slice %arg7[%dma_start3A, %dma_start3A_14, %dma_start3A_15] : memref<2x1000x32xf32, #tpu.memory_space<vmem>> -> memref<1x1000x32xf32, #tpu.memory_space<vmem>>
    %dma_start3A_17 = tpu.memref_squeeze %dma_start3A_16 : memref<1x1000x32xf32, #tpu.memory_space<vmem>> -> memref<1000x32xf32, #tpu.memory_space<vmem>>
    %dma_start3A_18 = arith.constant 0 : i32
    %dma_start3A_19 = arith.constant 0 : i32
    %dma_start3A_20 = tpu.memref_slice %dma_start3A_17[%dma_start3A_18, %dma_start3A_19] : memref<1000x32xf32, #tpu.memory_space<vmem>> -> memref<1000x32xf32, #tpu.memory_space<vmem>>
    %dma_start3A_21 = arith.constant 0 : i32
    %dma_start3A_22 = tpu.memref_slice %arg2[%mul3A_13, %dma_start3A_21] : memref<160000x32xf32, #tpu.memory_space<hbm>> -> memref<1000x32xf32, #tpu.memory_space<hbm>>
    %dma_start3A_23 = arith.constant 0 : i32
    %dma_start3A_24 = arith.constant 0 : i32
    %dma_start3A_25 = tpu.memref_slice %arg7[%dma_start3A, %dma_start3A_23, %dma_start3A_24] : memref<2x1000x32xf32, #tpu.memory_space<vmem>> -> memref<1x1000x32xf32, #tpu.memory_space<vmem>>
    %dma_start3A_26 = tpu.memref_squeeze %dma_start3A_25 : memref<1x1000x32xf32, #tpu.memory_space<vmem>> -> memref<1000x32xf32, #tpu.memory_space<vmem>>
    %dma_start3A_27 = arith.constant 0 : i32
    %dma_start3A_28 = arith.constant 0 : i32
    %dma_start3A_29 = tpu.memref_slice %dma_start3A_26[%dma_start3A_27, %dma_start3A_28] : memref<1000x32xf32, #tpu.memory_space<vmem>> -> memref<1000x32xf32, #tpu.memory_space<vmem>>
    %dma_start3A_30 = arith.constant 0 : i32
    %dma_start3A_31 = tpu.memref_slice %arg2[%mul3A_13, %dma_start3A_30] : memref<160000x32xf32, #tpu.memory_space<hbm>> -> memref<1000x32xf32, #tpu.memory_space<hbm>>
    tpu.enqueue_dma source(%dma_start3A_31 : memref<1000x32xf32, #tpu.memory_space<hbm>>) target(%dma_start3A_29 : memref<1000x32xf32, #tpu.memory_space<vmem>>) target_semaphore(%arg9 : memref<!tpu.dma_semaphore, #tpu.memory_space<semaphore_mem>>)
    %mul3A_32 = arith.constant 5 : i32
    %mul3A_33 = arith.muli %add3A, %mul3A_32 : i32
    %add3A_34 = arith.constant 1 : i32
    %add3A_35 = arith.addi %mul3A_33, %add3A_34 : i32
    %mul3A_36 = arith.constant 1000 : i32
    %mul3A_37 = arith.muli %add3A_35, %mul3A_36 : i32
    %dma_start3A_38 = arith.constant 1 : i32
    %dma_start3A_39 = arith.constant 0 : i32
    %dma_start3A_40 = arith.constant 0 : i32
    %dma_start3A_41 = tpu.memref_slice %arg7[%dma_start3A_38, %dma_start3A_39, %dma_start3A_40] : memref<2x1000x32xf32, #tpu.memory_space<vmem>> -> memref<1x1000x32xf32, #tpu.memory_space<vmem>>
    %dma_start3A_42 = tpu.memref_squeeze %dma_start3A_41 : memref<1x1000x32xf32, #tpu.memory_space<vmem>> -> memref<1000x32xf32, #tpu.memory_space<vmem>>
    %dma_start3A_43 = arith.constant 0 : i32
    %dma_start3A_44 = arith.constant 0 : i32
    %dma_start3A_45 = tpu.memref_slice %dma_start3A_42[%dma_start3A_43, %dma_start3A_44] : memref<1000x32xf32, #tpu.memory_space<vmem>> -> memref<1000x32xf32, #tpu.memory_space<vmem>>
    %dma_start3A_46 = arith.constant 0 : i32
    %dma_start3A_47 = tpu.memref_slice %arg2[%mul3A_37, %dma_start3A_46] : memref<160000x32xf32, #tpu.memory_space<hbm>> -> memref<1000x32xf32, #tpu.memory_space<hbm>>
    %dma_start3A_48 = arith.constant 0 : i32
    %dma_start3A_49 = arith.constant 0 : i32
    %dma_start3A_50 = tpu.memref_slice %arg7[%dma_start3A_38, %dma_start3A_48, %dma_start3A_49] : memref<2x1000x32xf32, #tpu.memory_space<vmem>> -> memref<1x1000x32xf32, #tpu.memory_space<vmem>>
    %dma_start3A_51 = tpu.memref_squeeze %dma_start3A_50 : memref<1x1000x32xf32, #tpu.memory_space<vmem>> -> memref<1000x32xf32, #tpu.memory_space<vmem>>
    %dma_start3A_52 = arith.constant 0 : i32
    %dma_start3A_53 = arith.constant 0 : i32
    %dma_start3A_54 = tpu.memref_slice %dma_start3A_51[%dma_start3A_52, %dma_start3A_53] : memref<1000x32xf32, #tpu.memory_space<vmem>> -> memref<1000x32xf32, #tpu.memory_space<vmem>>
    %dma_start3A_55 = arith.constant 0 : i32
    %dma_start3A_56 = tpu.memref_slice %arg2[%mul3A_37, %dma_start3A_55] : memref<160000x32xf32, #tpu.memory_space<hbm>> -> memref<1000x32xf32, #tpu.memory_space<hbm>>
    tpu.enqueue_dma source(%dma_start3A_56 : memref<1000x32xf32, #tpu.memory_space<hbm>>) target(%dma_start3A_54 : memref<1000x32xf32, #tpu.memory_space<vmem>>) target_semaphore(%arg10 : memref<!tpu.dma_semaphore, #tpu.memory_space<semaphore_mem>>)
    %barrier3A = arith.constant 0 : index
    tpu.barrier barrier_id(%barrier3A)
    %dma_wait3A = arith.constant 0 : i32
    %dma_wait3A_57 = arith.constant 0 : i32
    %dma_wait3A_58 = arith.constant 0 : i32
    %dma_wait3A_59 = tpu.memref_slice %arg7[%dma_wait3A, %dma_wait3A_57, %dma_wait3A_58] : memref<2x1000x32xf32, #tpu.memory_space<vmem>> -> memref<1x1000x32xf32, #tpu.memory_space<vmem>>
    %dma_wait3A_60 = tpu.memref_squeeze %dma_wait3A_59 : memref<1x1000x32xf32, #tpu.memory_space<vmem>> -> memref<1000x32xf32, #tpu.memory_space<vmem>>
    %dma_wait3A_61 = arith.constant 0 : i32
    %dma_wait3A_62 = arith.constant 0 : i32
    %dma_wait3A_63 = tpu.memref_slice %dma_wait3A_60[%dma_wait3A_61, %dma_wait3A_62] : memref<1000x32xf32, #tpu.memory_space<vmem>> -> memref<1000x32xf32, #tpu.memory_space<vmem>>
    %dma_wait3A_64 = arith.constant 0 : i32
    %dma_wait3A_65 = tpu.memref_slice %arg2[%mul3A_13, %dma_wait3A_64] : memref<160000x32xf32, #tpu.memory_space<hbm>> -> memref<1000x32xf32, #tpu.memory_space<hbm>>
    %dma_wait3A_66 = arith.constant 0 : i32
    %dma_wait3A_67 = arith.constant 0 : i32
    %dma_wait3A_68 = tpu.memref_slice %arg7[%dma_wait3A, %dma_wait3A_66, %dma_wait3A_67] : memref<2x1000x32xf32, #tpu.memory_space<vmem>> -> memref<1x1000x32xf32, #tpu.memory_space<vmem>>
    %dma_wait3A_69 = tpu.memref_squeeze %dma_wait3A_68 : memref<1x1000x32xf32, #tpu.memory_space<vmem>> -> memref<1000x32xf32, #tpu.memory_space<vmem>>
    %dma_wait3A_70 = arith.constant 0 : i32
    %dma_wait3A_71 = arith.constant 0 : i32
    %dma_wait3A_72 = tpu.memref_slice %dma_wait3A_69[%dma_wait3A_70, %dma_wait3A_71] : memref<1000x32xf32, #tpu.memory_space<vmem>> -> memref<1000x32xf32, #tpu.memory_space<vmem>>
    %dma_wait3A_73 = arith.constant 0 : i32
    %dma_wait3A_74 = tpu.memref_slice %arg2[%mul3A_13, %dma_wait3A_73] : memref<160000x32xf32, #tpu.memory_space<hbm>> -> memref<1000x32xf32, #tpu.memory_space<hbm>>
    tpu.wait_dma2 semaphore(%arg9 : memref<!tpu.dma_semaphore, #tpu.memory_space<semaphore_mem>>) src(%dma_wait3A_74 : memref<1000x32xf32, #tpu.memory_space<hbm>>) dst(%dma_wait3A_72 : memref<1000x32xf32, #tpu.memory_space<vmem>>)
    %dma_start3A_75 = arith.constant 0 : i32
    %dma_start3A_76 = arith.constant 0 : i32
    %dma_start3A_77 = arith.constant 0 : i32
    %dma_start3A_78 = arith.constant 0 : i32
    %dma_start3A_79 = tpu.memref_slice %arg7[%dma_start3A_75, %dma_start3A_77, %dma_start3A_78] : memref<2x1000x32xf32, #tpu.memory_space<vmem>> -> memref<1x1000x32xf32, #tpu.memory_space<vmem>>
    %dma_start3A_80 = tpu.memref_squeeze %dma_start3A_79 : memref<1x1000x32xf32, #tpu.memory_space<vmem>> -> memref<1000x32xf32, #tpu.memory_space<vmem>>
    %dma_start3A_81 = arith.constant 0 : i32
    %dma_start3A_82 = arith.constant 0 : i32
    %dma_start3A_83 = tpu.memref_slice %dma_start3A_80[%dma_start3A_81, %dma_start3A_82] : memref<1000x32xf32, #tpu.memory_space<vmem>> -> memref<1000x32xf32, #tpu.memory_space<vmem>>
    %dma_start3A_84 = arith.constant 0 : i32
    %dma_start3A_85 = tpu.memref_slice %arg6[%dma_start3A_76, %dma_start3A_84] : memref<5x1000xi32, #tpu.memory_space<vmem>> -> memref<1x1000xi32, #tpu.memory_space<vmem>>
    %dma_start3A_86 = tpu.memref_squeeze %dma_start3A_85 : memref<1x1000xi32, #tpu.memory_space<vmem>> -> memref<1000xi32, #tpu.memory_space<vmem>>
    %dma_start3A_87 = arith.constant 0 : i32
    %dma_start3A_88 = arith.constant 0 : i32
    %dma_start3A_89 = tpu.memref_slice %arg8[%dma_start3A_87, %dma_start3A_88] : memref<10016x32xf32, #tpu.memory_space<vmem_shared>> -> memref<10016x32xf32, #tpu.memory_space<vmem_shared>>
    tpu.enqueue_indirect_dma source(%dma_start3A_83 : memref<1000x32xf32, #tpu.memory_space<vmem>>) target(%dma_start3A_89 : memref<10016x32xf32, #tpu.memory_space<vmem_shared>>) offsets(%dma_start3A_86 : memref<1000xi32, #tpu.memory_space<vmem>>) semaphore(%arg11 : memref<!tpu.dma_semaphore, #tpu.memory_space<semaphore_mem>>) {add = true}
    %dma_wait3A_90 = arith.constant 0 : i32
    %dma_wait3A_91 = arith.constant 0 : i32
    %dma_wait3A_92 = arith.constant 0 : i32
    %dma_wait3A_93 = arith.constant 0 : i32
    %dma_wait3A_94 = tpu.memref_slice %arg7[%dma_wait3A_90, %dma_wait3A_92, %dma_wait3A_93] : memref<2x1000x32xf32, #tpu.memory_space<vmem>> -> memref<1x1000x32xf32, #tpu.memory_space<vmem>>
    %dma_wait3A_95 = tpu.memref_squeeze %dma_wait3A_94 : memref<1x1000x32xf32, #tpu.memory_space<vmem>> -> memref<1000x32xf32, #tpu.memory_space<vmem>>
    %dma_wait3A_96 = arith.constant 0 : i32
    %dma_wait3A_97 = arith.constant 0 : i32
    %dma_wait3A_98 = tpu.memref_slice %dma_wait3A_95[%dma_wait3A_96, %dma_wait3A_97] : memref<1000x32xf32, #tpu.memory_space<vmem>> -> memref<1000x32xf32, #tpu.memory_space<vmem>>
    %dma_wait3A_99 = arith.constant 0 : i32
    %dma_wait3A_100 = tpu.memref_slice %arg6[%dma_wait3A_91, %dma_wait3A_99] : memref<5x1000xi32, #tpu.memory_space<vmem>> -> memref<1x1000xi32, #tpu.memory_space<vmem>>
    %dma_wait3A_101 = tpu.memref_squeeze %dma_wait3A_100 : memref<1x1000xi32, #tpu.memory_space<vmem>> -> memref<1000xi32, #tpu.memory_space<vmem>>
    %dma_wait3A_102 = arith.constant 0 : i32
    %dma_wait3A_103 = arith.constant 0 : i32
    %dma_wait3A_104 = tpu.memref_slice %arg8[%dma_wait3A_102, %dma_wait3A_103] : memref<10016x32xf32, #tpu.memory_space<vmem_shared>> -> memref<10016x32xf32, #tpu.memory_space<vmem_shared>>
    tpu.wait_indirect_dma semaphore(%arg11 : memref<!tpu.dma_semaphore, #tpu.memory_space<semaphore_mem>>) src(%dma_wait3A_98 : memref<1000x32xf32, #tpu.memory_space<vmem>>) dst(%dma_wait3A_104 : memref<10016x32xf32, #tpu.memory_space<vmem_shared>>)
    %mul3A_105 = arith.constant 5 : i32
    %mul3A_106 = arith.muli %add3A, %mul3A_105 : i32
    %add3A_107 = arith.constant 2 : i32
    %add3A_108 = arith.addi %mul3A_106, %add3A_107 : i32
    %mul3A_109 = arith.constant 1000 : i32
    %mul3A_110 = arith.muli %add3A_108, %mul3A_109 : i32
    %dma_start3A_111 = arith.constant 0 : i32
    %dma_start3A_112 = arith.constant 0 : i32
    %dma_start3A_113 = arith.constant 0 : i32
    %dma_start3A_114 = tpu.memref_slice %arg7[%dma_start3A_111, %dma_start3A_112, %dma_start3A_113] : memref<2x1000x32xf32, #tpu.memory_space<vmem>> -> memref<1x1000x32xf32, #tpu.memory_space<vmem>>
    %dma_start3A_115 = tpu.memref_squeeze %dma_start3A_114 : memref<1x1000x32xf32, #tpu.memory_space<vmem>> -> memref<1000x32xf32, #tpu.memory_space<vmem>>
    %dma_start3A_116 = arith.constant 0 : i32
    %dma_start3A_117 = arith.constant 0 : i32
    %dma_start3A_118 = tpu.memref_slice %dma_start3A_115[%dma_start3A_116, %dma_start3A_117] : memref<1000x32xf32, #tpu.memory_space<vmem>> -> memref<1000x32xf32, #tpu.memory_space<vmem>>
    %dma_start3A_119 = arith.constant 0 : i32
    %dma_start3A_120 = tpu.memref_slice %arg2[%mul3A_110, %dma_start3A_119] : memref<160000x32xf32, #tpu.memory_space<hbm>> -> memref<1000x32xf32, #tpu.memory_space<hbm>>
    %dma_start3A_121 = arith.constant 0 : i32
    %dma_start3A_122 = arith.constant 0 : i32
    %dma_start3A_123 = tpu.memref_slice %arg7[%dma_start3A_111, %dma_start3A_121, %dma_start3A_122] : memref<2x1000x32xf32, #tpu.memory_space<vmem>> -> memref<1x1000x32xf32, #tpu.memory_space<vmem>>
    %dma_start3A_124 = tpu.memref_squeeze %dma_start3A_123 : memref<1x1000x32xf32, #tpu.memory_space<vmem>> -> memref<1000x32xf32, #tpu.memory_space<vmem>>
    %dma_start3A_125 = arith.constant 0 : i32
    %dma_start3A_126 = arith.constant 0 : i32
    %dma_start3A_127 = tpu.memref_slice %dma_start3A_124[%dma_start3A_125, %dma_start3A_126] : memref<1000x32xf32, #tpu.memory_space<vmem>> -> memref<1000x32xf32, #tpu.memory_space<vmem>>
    %dma_start3A_128 = arith.constant 0 : i32
    %dma_start3A_129 = tpu.memref_slice %arg2[%mul3A_110, %dma_start3A_128] : memref<160000x32xf32, #tpu.memory_space<hbm>> -> memref<1000x32xf32, #tpu.memory_space<hbm>>
    tpu.enqueue_dma source(%dma_start3A_129 : memref<1000x32xf32, #tpu.memory_space<hbm>>) target(%dma_start3A_127 : memref<1000x32xf32, #tpu.memory_space<vmem>>) target_semaphore(%arg9 : memref<!tpu.dma_semaphore, #tpu.memory_space<semaphore_mem>>)
    %dma_wait3A_130 = arith.constant 1 : i32
    %dma_wait3A_131 = arith.constant 0 : i32
    %dma_wait3A_132 = arith.constant 0 : i32
    %dma_wait3A_133 = tpu.memref_slice %arg7[%dma_wait3A_130, %dma_wait3A_131, %dma_wait3A_132] : memref<2x1000x32xf32, #tpu.memory_space<vmem>> -> memref<1x1000x32xf32, #tpu.memory_space<vmem>>
    %dma_wait3A_134 = tpu.memref_squeeze %dma_wait3A_133 : memref<1x1000x32xf32, #tpu.memory_space<vmem>> -> memref<1000x32xf32, #tpu.memory_space<vmem>>
    %dma_wait3A_135 = arith.constant 0 : i32
    %dma_wait3A_136 = arith.constant 0 : i32
    %dma_wait3A_137 = tpu.memref_slice %dma_wait3A_134[%dma_wait3A_135, %dma_wait3A_136] : memref<1000x32xf32, #tpu.memory_space<vmem>> -> memref<1000x32xf32, #tpu.memory_space<vmem>>
    %dma_wait3A_138 = arith.constant 0 : i32
    %dma_wait3A_139 = tpu.memref_slice %arg2[%mul3A_37, %dma_wait3A_138] : memref<160000x32xf32, #tpu.memory_space<hbm>> -> memref<1000x32xf32, #tpu.memory_space<hbm>>
    %dma_wait3A_140 = arith.constant 0 : i32
    %dma_wait3A_141 = arith.constant 0 : i32
    %dma_wait3A_142 = tpu.memref_slice %arg7[%dma_wait3A_130, %dma_wait3A_140, %dma_wait3A_141] : memref<2x1000x32xf32, #tpu.memory_space<vmem>> -> memref<1x1000x32xf32, #tpu.memory_space<vmem>>
    %dma_wait3A_143 = tpu.memref_squeeze %dma_wait3A_142 : memref<1x1000x32xf32, #tpu.memory_space<vmem>> -> memref<1000x32xf32, #tpu.memory_space<vmem>>
    %dma_wait3A_144 = arith.constant 0 : i32
    %dma_wait3A_145 = arith.constant 0 : i32
    %dma_wait3A_146 = tpu.memref_slice %dma_wait3A_143[%dma_wait3A_144, %dma_wait3A_145] : memref<1000x32xf32, #tpu.memory_space<vmem>> -> memref<1000x32xf32, #tpu.memory_space<vmem>>
    %dma_wait3A_147 = arith.constant 0 : i32
    %dma_wait3A_148 = tpu.memref_slice %arg2[%mul3A_37, %dma_wait3A_147] : memref<160000x32xf32, #tpu.memory_space<hbm>> -> memref<1000x32xf32, #tpu.memory_space<hbm>>
    tpu.wait_dma2 semaphore(%arg10 : memref<!tpu.dma_semaphore, #tpu.memory_space<semaphore_mem>>) src(%dma_wait3A_148 : memref<1000x32xf32, #tpu.memory_space<hbm>>) dst(%dma_wait3A_146 : memref<1000x32xf32, #tpu.memory_space<vmem>>)
    %dma_start3A_149 = arith.constant 1 : i32
    %dma_start3A_150 = arith.constant 1 : i32
    %dma_start3A_151 = arith.constant 0 : i32
    %dma_start3A_152 = arith.constant 0 : i32
    %dma_start3A_153 = tpu.memref_slice %arg7[%dma_start3A_149, %dma_start3A_151, %dma_start3A_152] : memref<2x1000x32xf32, #tpu.memory_space<vmem>> -> memref<1x1000x32xf32, #tpu.memory_space<vmem>>
    %dma_start3A_154 = tpu.memref_squeeze %dma_start3A_153 : memref<1x1000x32xf32, #tpu.memory_space<vmem>> -> memref<1000x32xf32, #tpu.memory_space<vmem>>
    %dma_start3A_155 = arith.constant 0 : i32
    %dma_start3A_156 = arith.constant 0 : i32
    %dma_start3A_157 = tpu.memref_slice %dma_start3A_154[%dma_start3A_155, %dma_start3A_156] : memref<1000x32xf32, #tpu.memory_space<vmem>> -> memref<1000x32xf32, #tpu.memory_space<vmem>>
    %dma_start3A_158 = arith.constant 0 : i32
    %dma_start3A_159 = tpu.memref_slice %arg6[%dma_start3A_150, %dma_start3A_158] : memref<5x1000xi32, #tpu.memory_space<vmem>> -> memref<1x1000xi32, #tpu.memory_space<vmem>>
    %dma_start3A_160 = tpu.memref_squeeze %dma_start3A_159 : memref<1x1000xi32, #tpu.memory_space<vmem>> -> memref<1000xi32, #tpu.memory_space<vmem>>
    %dma_start3A_161 = arith.constant 0 : i32
    %dma_start3A_162 = arith.constant 0 : i32
    %dma_start3A_163 = tpu.memref_slice %arg8[%dma_start3A_161, %dma_start3A_162] : memref<10016x32xf32, #tpu.memory_space<vmem_shared>> -> memref<10016x32xf32, #tpu.memory_space<vmem_shared>>
    tpu.enqueue_indirect_dma source(%dma_start3A_157 : memref<1000x32xf32, #tpu.memory_space<vmem>>) target(%dma_start3A_163 : memref<10016x32xf32, #tpu.memory_space<vmem_shared>>) offsets(%dma_start3A_160 : memref<1000xi32, #tpu.memory_space<vmem>>) semaphore(%arg12 : memref<!tpu.dma_semaphore, #tpu.memory_space<semaphore_mem>>) {add = true}
    %dma_wait3A_164 = arith.constant 1 : i32
    %dma_wait3A_165 = arith.constant 1 : i32
    %dma_wait3A_166 = arith.constant 0 : i32
    %dma_wait3A_167 = arith.constant 0 : i32
    %dma_wait3A_168 = tpu.memref_slice %arg7[%dma_wait3A_164, %dma_wait3A_166, %dma_wait3A_167] : memref<2x1000x32xf32, #tpu.memory_space<vmem>> -> memref<1x1000x32xf32, #tpu.memory_space<vmem>>
    %dma_wait3A_169 = tpu.memref_squeeze %dma_wait3A_168 : memref<1x1000x32xf32, #tpu.memory_space<vmem>> -> memref<1000x32xf32, #tpu.memory_space<vmem>>
    %dma_wait3A_170 = arith.constant 0 : i32
    %dma_wait3A_171 = arith.constant 0 : i32
    %dma_wait3A_172 = tpu.memref_slice %dma_wait3A_169[%dma_wait3A_170, %dma_wait3A_171] : memref<1000x32xf32, #tpu.memory_space<vmem>> -> memref<1000x32xf32, #tpu.memory_space<vmem>>
    %dma_wait3A_173 = arith.constant 0 : i32
    %dma_wait3A_174 = tpu.memref_slice %arg6[%dma_wait3A_165, %dma_wait3A_173] : memref<5x1000xi32, #tpu.memory_space<vmem>> -> memref<1x1000xi32, #tpu.memory_space<vmem>>
    %dma_wait3A_175 = tpu.memref_squeeze %dma_wait3A_174 : memref<1x1000xi32, #tpu.memory_space<vmem>> -> memref<1000xi32, #tpu.memory_space<vmem>>
    %dma_wait3A_176 = arith.constant 0 : i32
    %dma_wait3A_177 = arith.constant 0 : i32
    %dma_wait3A_178 = tpu.memref_slice %arg8[%dma_wait3A_176, %dma_wait3A_177] : memref<10016x32xf32, #tpu.memory_space<vmem_shared>> -> memref<10016x32xf32, #tpu.memory_space<vmem_shared>>
    tpu.wait_indirect_dma semaphore(%arg12 : memref<!tpu.dma_semaphore, #tpu.memory_space<semaphore_mem>>) src(%dma_wait3A_172 : memref<1000x32xf32, #tpu.memory_space<vmem>>) dst(%dma_wait3A_178 : memref<10016x32xf32, #tpu.memory_space<vmem_shared>>)
    %mul3A_179 = arith.constant 5 : i32
    %mul3A_180 = arith.muli %add3A, %mul3A_179 : i32
    %add3A_181 = arith.constant 3 : i32
    %add3A_182 = arith.addi %mul3A_180, %add3A_181 : i32
    %mul3A_183 = arith.constant 1000 : i32
    %mul3A_184 = arith.muli %add3A_182, %mul3A_183 : i32
    %dma_start3A_185 = arith.constant 1 : i32
    %dma_start3A_186 = arith.constant 0 : i32
    %dma_start3A_187 = arith.constant 0 : i32
    %dma_start3A_188 = tpu.memref_slice %arg7[%dma_start3A_185, %dma_start3A_186, %dma_start3A_187] : memref<2x1000x32xf32, #tpu.memory_space<vmem>> -> memref<1x1000x32xf32, #tpu.memory_space<vmem>>
    %dma_start3A_189 = tpu.memref_squeeze %dma_start3A_188 : memref<1x1000x32xf32, #tpu.memory_space<vmem>> -> memref<1000x32xf32, #tpu.memory_space<vmem>>
    %dma_start3A_190 = arith.constant 0 : i32
    %dma_start3A_191 = arith.constant 0 : i32
    %dma_start3A_192 = tpu.memref_slice %dma_start3A_189[%dma_start3A_190, %dma_start3A_191] : memref<1000x32xf32, #tpu.memory_space<vmem>> -> memref<1000x32xf32, #tpu.memory_space<vmem>>
    %dma_start3A_193 = arith.constant 0 : i32
    %dma_start3A_194 = tpu.memref_slice %arg2[%mul3A_184, %dma_start3A_193] : memref<160000x32xf32, #tpu.memory_space<hbm>> -> memref<1000x32xf32, #tpu.memory_space<hbm>>
    %dma_start3A_195 = arith.constant 0 : i32
    %dma_start3A_196 = arith.constant 0 : i32
    %dma_start3A_197 = tpu.memref_slice %arg7[%dma_start3A_185, %dma_start3A_195, %dma_start3A_196] : memref<2x1000x32xf32, #tpu.memory_space<vmem>> -> memref<1x1000x32xf32, #tpu.memory_space<vmem>>
    %dma_start3A_198 = tpu.memref_squeeze %dma_start3A_197 : memref<1x1000x32xf32, #tpu.memory_space<vmem>> -> memref<1000x32xf32, #tpu.memory_space<vmem>>
    %dma_start3A_199 = arith.constant 0 : i32
    %dma_start3A_200 = arith.constant 0 : i32
    %dma_start3A_201 = tpu.memref_slice %dma_start3A_198[%dma_start3A_199, %dma_start3A_200] : memref<1000x32xf32, #tpu.memory_space<vmem>> -> memref<1000x32xf32, #tpu.memory_space<vmem>>
    %dma_start3A_202 = arith.constant 0 : i32
    %dma_start3A_203 = tpu.memref_slice %arg2[%mul3A_184, %dma_start3A_202] : memref<160000x32xf32, #tpu.memory_space<hbm>> -> memref<1000x32xf32, #tpu.memory_space<hbm>>
    tpu.enqueue_dma source(%dma_start3A_203 : memref<1000x32xf32, #tpu.memory_space<hbm>>) target(%dma_start3A_201 : memref<1000x32xf32, #tpu.memory_space<vmem>>) target_semaphore(%arg10 : memref<!tpu.dma_semaphore, #tpu.memory_space<semaphore_mem>>)
    %dma_wait3A_204 = arith.constant 0 : i32
    %dma_wait3A_205 = arith.constant 0 : i32
    %dma_wait3A_206 = arith.constant 0 : i32
    %dma_wait3A_207 = tpu.memref_slice %arg7[%dma_wait3A_204, %dma_wait3A_205, %dma_wait3A_206] : memref<2x1000x32xf32, #tpu.memory_space<vmem>> -> memref<1x1000x32xf32, #tpu.memory_space<vmem>>
    %dma_wait3A_208 = tpu.memref_squeeze %dma_wait3A_207 : memref<1x1000x32xf32, #tpu.memory_space<vmem>> -> memref<1000x32xf32, #tpu.memory_space<vmem>>
    %dma_wait3A_209 = arith.constant 0 : i32
    %dma_wait3A_210 = arith.constant 0 : i32
    %dma_wait3A_211 = tpu.memref_slice %dma_wait3A_208[%dma_wait3A_209, %dma_wait3A_210] : memref<1000x32xf32, #tpu.memory_space<vmem>> -> memref<1000x32xf32, #tpu.memory_space<vmem>>
    %dma_wait3A_212 = arith.constant 0 : i32
    %dma_wait3A_213 = tpu.memref_slice %arg2[%mul3A_110, %dma_wait3A_212] : memref<160000x32xf32, #tpu.memory_space<hbm>> -> memref<1000x32xf32, #tpu.memory_space<hbm>>
    %dma_wait3A_214 = arith.constant 0 : i32
    %dma_wait3A_215 = arith.constant 0 : i32
    %dma_wait3A_216 = tpu.memref_slice %arg7[%dma_wait3A_204, %dma_wait3A_214, %dma_wait3A_215] : memref<2x1000x32xf32, #tpu.memory_space<vmem>> -> memref<1x1000x32xf32, #tpu.memory_space<vmem>>
    %dma_wait3A_217 = tpu.memref_squeeze %dma_wait3A_216 : memref<1x1000x32xf32, #tpu.memory_space<vmem>> -> memref<1000x32xf32, #tpu.memory_space<vmem>>
    %dma_wait3A_218 = arith.constant 0 : i32
    %dma_wait3A_219 = arith.constant 0 : i32
    %dma_wait3A_220 = tpu.memref_slice %dma_wait3A_217[%dma_wait3A_218, %dma_wait3A_219] : memref<1000x32xf32, #tpu.memory_space<vmem>> -> memref<1000x32xf32, #tpu.memory_space<vmem>>
    %dma_wait3A_221 = arith.constant 0 : i32
    %dma_wait3A_222 = tpu.memref_slice %arg2[%mul3A_110, %dma_wait3A_221] : memref<160000x32xf32, #tpu.memory_space<hbm>> -> memref<1000x32xf32, #tpu.memory_space<hbm>>
    tpu.wait_dma2 semaphore(%arg9 : memref<!tpu.dma_semaphore, #tpu.memory_space<semaphore_mem>>) src(%dma_wait3A_222 : memref<1000x32xf32, #tpu.memory_space<hbm>>) dst(%dma_wait3A_220 : memref<1000x32xf32, #tpu.memory_space<vmem>>)
    %dma_start3A_223 = arith.constant 0 : i32
    %dma_start3A_224 = arith.constant 2 : i32
    %dma_start3A_225 = arith.constant 0 : i32
    %dma_start3A_226 = arith.constant 0 : i32
    %dma_start3A_227 = tpu.memref_slice %arg7[%dma_start3A_223, %dma_start3A_225, %dma_start3A_226] : memref<2x1000x32xf32, #tpu.memory_space<vmem>> -> memref<1x1000x32xf32, #tpu.memory_space<vmem>>
    %dma_start3A_228 = tpu.memref_squeeze %dma_start3A_227 : memref<1x1000x32xf32, #tpu.memory_space<vmem>> -> memref<1000x32xf32, #tpu.memory_space<vmem>>
    %dma_start3A_229 = arith.constant 0 : i32
    %dma_start3A_230 = arith.constant 0 : i32
    %dma_start3A_231 = tpu.memref_slice %dma_start3A_228[%dma_start3A_229, %dma_start3A_230] : memref<1000x32xf32, #tpu.memory_space<vmem>> -> memref<1000x32xf32, #tpu.memory_space<vmem>>
    %dma_start3A_232 = arith.constant 0 : i32
    %dma_start3A_233 = tpu.memref_slice %arg6[%dma_start3A_224, %dma_start3A_232] : memref<5x1000xi32, #tpu.memory_space<vmem>> -> memref<1x1000xi32, #tpu.memory_space<vmem>>
    %dma_start3A_234 = tpu.memref_squeeze %dma_start3A_233 : memref<1x1000xi32, #tpu.memory_space<vmem>> -> memref<1000xi32, #tpu.memory_space<vmem>>
    %dma_start3A_235 = arith.constant 0 : i32
    %dma_start3A_236 = arith.constant 0 : i32
    %dma_start3A_237 = tpu.memref_slice %arg8[%dma_start3A_235, %dma_start3A_236] : memref<10016x32xf32, #tpu.memory_space<vmem_shared>> -> memref<10016x32xf32, #tpu.memory_space<vmem_shared>>
    tpu.enqueue_indirect_dma source(%dma_start3A_231 : memref<1000x32xf32, #tpu.memory_space<vmem>>) target(%dma_start3A_237 : memref<10016x32xf32, #tpu.memory_space<vmem_shared>>) offsets(%dma_start3A_234 : memref<1000xi32, #tpu.memory_space<vmem>>) semaphore(%arg11 : memref<!tpu.dma_semaphore, #tpu.memory_space<semaphore_mem>>) {add = true}
    %dma_wait3A_238 = arith.constant 0 : i32
    %dma_wait3A_239 = arith.constant 2 : i32
    %dma_wait3A_240 = arith.constant 0 : i32
    %dma_wait3A_241 = arith.constant 0 : i32
    %dma_wait3A_242 = tpu.memref_slice %arg7[%dma_wait3A_238, %dma_wait3A_240, %dma_wait3A_241] : memref<2x1000x32xf32, #tpu.memory_space<vmem>> -> memref<1x1000x32xf32, #tpu.memory_space<vmem>>
    %dma_wait3A_243 = tpu.memref_squeeze %dma_wait3A_242 : memref<1x1000x32xf32, #tpu.memory_space<vmem>> -> memref<1000x32xf32, #tpu.memory_space<vmem>>
    %dma_wait3A_244 = arith.constant 0 : i32
    %dma_wait3A_245 = arith.constant 0 : i32
    %dma_wait3A_246 = tpu.memref_slice %dma_wait3A_243[%dma_wait3A_244, %dma_wait3A_245] : memref<1000x32xf32, #tpu.memory_space<vmem>> -> memref<1000x32xf32, #tpu.memory_space<vmem>>
    %dma_wait3A_247 = arith.constant 0 : i32
    %dma_wait3A_248 = tpu.memref_slice %arg6[%dma_wait3A_239, %dma_wait3A_247] : memref<5x1000xi32, #tpu.memory_space<vmem>> -> memref<1x1000xi32, #tpu.memory_space<vmem>>
    %dma_wait3A_249 = tpu.memref_squeeze %dma_wait3A_248 : memref<1x1000xi32, #tpu.memory_space<vmem>> -> memref<1000xi32, #tpu.memory_space<vmem>>
    %dma_wait3A_250 = arith.constant 0 : i32
    %dma_wait3A_251 = arith.constant 0 : i32
    %dma_wait3A_252 = tpu.memref_slice %arg8[%dma_wait3A_250, %dma_wait3A_251] : memref<10016x32xf32, #tpu.memory_space<vmem_shared>> -> memref<10016x32xf32, #tpu.memory_space<vmem_shared>>
    tpu.wait_indirect_dma semaphore(%arg11 : memref<!tpu.dma_semaphore, #tpu.memory_space<semaphore_mem>>) src(%dma_wait3A_246 : memref<1000x32xf32, #tpu.memory_space<vmem>>) dst(%dma_wait3A_252 : memref<10016x32xf32, #tpu.memory_space<vmem_shared>>)
    %mul3A_253 = arith.constant 5 : i32
    %mul3A_254 = arith.muli %add3A, %mul3A_253 : i32
    %add3A_255 = arith.constant 4 : i32
    %add3A_256 = arith.addi %mul3A_254, %add3A_255 : i32
    %mul3A_257 = arith.constant 1000 : i32
    %mul3A_258 = arith.muli %add3A_256, %mul3A_257 : i32
    %dma_start3A_259 = arith.constant 0 : i32
    %dma_start3A_260 = arith.constant 0 : i32
    %dma_start3A_261 = arith.constant 0 : i32
    %dma_start3A_262 = tpu.memref_slice %arg7[%dma_start3A_259, %dma_start3A_260, %dma_start3A_261] : memref<2x1000x32xf32, #tpu.memory_space<vmem>> -> memref<1x1000x32xf32, #tpu.memory_space<vmem>>
    %dma_start3A_263 = tpu.memref_squeeze %dma_start3A_262 : memref<1x1000x32xf32, #tpu.memory_space<vmem>> -> memref<1000x32xf32, #tpu.memory_space<vmem>>
    %dma_start3A_264 = arith.constant 0 : i32
    %dma_start3A_265 = arith.constant 0 : i32
    %dma_start3A_266 = tpu.memref_slice %dma_start3A_263[%dma_start3A_264, %dma_start3A_265] : memref<1000x32xf32, #tpu.memory_space<vmem>> -> memref<1000x32xf32, #tpu.memory_space<vmem>>
    %dma_start3A_267 = arith.constant 0 : i32
    %dma_start3A_268 = tpu.memref_slice %arg2[%mul3A_258, %dma_start3A_267] : memref<160000x32xf32, #tpu.memory_space<hbm>> -> memref<1000x32xf32, #tpu.memory_space<hbm>>
    %dma_start3A_269 = arith.constant 0 : i32
    %dma_start3A_270 = arith.constant 0 : i32
    %dma_start3A_271 = tpu.memref_slice %arg7[%dma_start3A_259, %dma_start3A_269, %dma_start3A_270] : memref<2x1000x32xf32, #tpu.memory_space<vmem>> -> memref<1x1000x32xf32, #tpu.memory_space<vmem>>
    %dma_start3A_272 = tpu.memref_squeeze %dma_start3A_271 : memref<1x1000x32xf32, #tpu.memory_space<vmem>> -> memref<1000x32xf32, #tpu.memory_space<vmem>>
    %dma_start3A_273 = arith.constant 0 : i32
    %dma_start3A_274 = arith.constant 0 : i32
    %dma_start3A_275 = tpu.memref_slice %dma_start3A_272[%dma_start3A_273, %dma_start3A_274] : memref<1000x32xf32, #tpu.memory_space<vmem>> -> memref<1000x32xf32, #tpu.memory_space<vmem>>
    %dma_start3A_276 = arith.constant 0 : i32
    %dma_start3A_277 = tpu.memref_slice %arg2[%mul3A_258, %dma_start3A_276] : memref<160000x32xf32, #tpu.memory_space<hbm>> -> memref<1000x32xf32, #tpu.memory_space<hbm>>
    tpu.enqueue_dma source(%dma_start3A_277 : memref<1000x32xf32, #tpu.memory_space<hbm>>) target(%dma_start3A_275 : memref<1000x32xf32, #tpu.memory_space<vmem>>) target_semaphore(%arg9 : memref<!tpu.dma_semaphore, #tpu.memory_space<semaphore_mem>>)
    %dma_wait3A_278 = arith.constant 1 : i32
    %dma_wait3A_279 = arith.constant 0 : i32
    %dma_wait3A_280 = arith.constant 0 : i32
    %dma_wait3A_281 = tpu.memref_slice %arg7[%dma_wait3A_278, %dma_wait3A_279, %dma_wait3A_280] : memref<2x1000x32xf32, #tpu.memory_space<vmem>> -> memref<1x1000x32xf32, #tpu.memory_space<vmem>>
    %dma_wait3A_282 = tpu.memref_squeeze %dma_wait3A_281 : memref<1x1000x32xf32, #tpu.memory_space<vmem>> -> memref<1000x32xf32, #tpu.memory_space<vmem>>
    %dma_wait3A_283 = arith.constant 0 : i32
    %dma_wait3A_284 = arith.constant 0 : i32
    %dma_wait3A_285 = tpu.memref_slice %dma_wait3A_282[%dma_wait3A_283, %dma_wait3A_284] : memref<1000x32xf32, #tpu.memory_space<vmem>> -> memref<1000x32xf32, #tpu.memory_space<vmem>>
    %dma_wait3A_286 = arith.constant 0 : i32
    %dma_wait3A_287 = tpu.memref_slice %arg2[%mul3A_184, %dma_wait3A_286] : memref<160000x32xf32, #tpu.memory_space<hbm>> -> memref<1000x32xf32, #tpu.memory_space<hbm>>
    %dma_wait3A_288 = arith.constant 0 : i32
    %dma_wait3A_289 = arith.constant 0 : i32
    %dma_wait3A_290 = tpu.memref_slice %arg7[%dma_wait3A_278, %dma_wait3A_288, %dma_wait3A_289] : memref<2x1000x32xf32, #tpu.memory_space<vmem>> -> memref<1x1000x32xf32, #tpu.memory_space<vmem>>
    %dma_wait3A_291 = tpu.memref_squeeze %dma_wait3A_290 : memref<1x1000x32xf32, #tpu.memory_space<vmem>> -> memref<1000x32xf32, #tpu.memory_space<vmem>>
    %dma_wait3A_292 = arith.constant 0 : i32
    %dma_wait3A_293 = arith.constant 0 : i32
    %dma_wait3A_294 = tpu.memref_slice %dma_wait3A_291[%dma_wait3A_292, %dma_wait3A_293] : memref<1000x32xf32, #tpu.memory_space<vmem>> -> memref<1000x32xf32, #tpu.memory_space<vmem>>
    %dma_wait3A_295 = arith.constant 0 : i32
    %dma_wait3A_296 = tpu.memref_slice %arg2[%mul3A_184, %dma_wait3A_295] : memref<160000x32xf32, #tpu.memory_space<hbm>> -> memref<1000x32xf32, #tpu.memory_space<hbm>>
    tpu.wait_dma2 semaphore(%arg10 : memref<!tpu.dma_semaphore, #tpu.memory_space<semaphore_mem>>) src(%dma_wait3A_296 : memref<1000x32xf32, #tpu.memory_space<hbm>>) dst(%dma_wait3A_294 : memref<1000x32xf32, #tpu.memory_space<vmem>>)
    %dma_start3A_297 = arith.constant 1 : i32
    %dma_start3A_298 = arith.constant 3 : i32
    %dma_start3A_299 = arith.constant 0 : i32
    %dma_start3A_300 = arith.constant 0 : i32
    %dma_start3A_301 = tpu.memref_slice %arg7[%dma_start3A_297, %dma_start3A_299, %dma_start3A_300] : memref<2x1000x32xf32, #tpu.memory_space<vmem>> -> memref<1x1000x32xf32, #tpu.memory_space<vmem>>
    %dma_start3A_302 = tpu.memref_squeeze %dma_start3A_301 : memref<1x1000x32xf32, #tpu.memory_space<vmem>> -> memref<1000x32xf32, #tpu.memory_space<vmem>>
    %dma_start3A_303 = arith.constant 0 : i32
    %dma_start3A_304 = arith.constant 0 : i32
    %dma_start3A_305 = tpu.memref_slice %dma_start3A_302[%dma_start3A_303, %dma_start3A_304] : memref<1000x32xf32, #tpu.memory_space<vmem>> -> memref<1000x32xf32, #tpu.memory_space<vmem>>
    %dma_start3A_306 = arith.constant 0 : i32
    %dma_start3A_307 = tpu.memref_slice %arg6[%dma_start3A_298, %dma_start3A_306] : memref<5x1000xi32, #tpu.memory_space<vmem>> -> memref<1x1000xi32, #tpu.memory_space<vmem>>
    %dma_start3A_308 = tpu.memref_squeeze %dma_start3A_307 : memref<1x1000xi32, #tpu.memory_space<vmem>> -> memref<1000xi32, #tpu.memory_space<vmem>>
    %dma_start3A_309 = arith.constant 0 : i32
    %dma_start3A_310 = arith.constant 0 : i32
    %dma_start3A_311 = tpu.memref_slice %arg8[%dma_start3A_309, %dma_start3A_310] : memref<10016x32xf32, #tpu.memory_space<vmem_shared>> -> memref<10016x32xf32, #tpu.memory_space<vmem_shared>>
    tpu.enqueue_indirect_dma source(%dma_start3A_305 : memref<1000x32xf32, #tpu.memory_space<vmem>>) target(%dma_start3A_311 : memref<10016x32xf32, #tpu.memory_space<vmem_shared>>) offsets(%dma_start3A_308 : memref<1000xi32, #tpu.memory_space<vmem>>) semaphore(%arg12 : memref<!tpu.dma_semaphore, #tpu.memory_space<semaphore_mem>>) {add = true}
    %dma_wait3A_312 = arith.constant 0 : i32
    %dma_wait3A_313 = arith.constant 0 : i32
    %dma_wait3A_314 = arith.constant 0 : i32
    %dma_wait3A_315 = tpu.memref_slice %arg7[%dma_wait3A_312, %dma_wait3A_313, %dma_wait3A_314] : memref<2x1000x32xf32, #tpu.memory_space<vmem>> -> memref<1x1000x32xf32, #tpu.memory_space<vmem>>
    %dma_wait3A_316 = tpu.memref_squeeze %dma_wait3A_315 : memref<1x1000x32xf32, #tpu.memory_space<vmem>> -> memref<1000x32xf32, #tpu.memory_space<vmem>>
    %dma_wait3A_317 = arith.constant 0 : i32
    %dma_wait3A_318 = arith.constant 0 : i32
    %dma_wait3A_319 = tpu.memref_slice %dma_wait3A_316[%dma_wait3A_317, %dma_wait3A_318] : memref<1000x32xf32, #tpu.memory_space<vmem>> -> memref<1000x32xf32, #tpu.memory_space<vmem>>
    %dma_wait3A_320 = arith.constant 0 : i32
    %dma_wait3A_321 = tpu.memref_slice %arg2[%mul3A_258, %dma_wait3A_320] : memref<160000x32xf32, #tpu.memory_space<hbm>> -> memref<1000x32xf32, #tpu.memory_space<hbm>>
    %dma_wait3A_322 = arith.constant 0 : i32
    %dma_wait3A_323 = arith.constant 0 : i32
    %dma_wait3A_324 = tpu.memref_slice %arg7[%dma_wait3A_312, %dma_wait3A_322, %dma_wait3A_323] : memref<2x1000x32xf32, #tpu.memory_space<vmem>> -> memref<1x1000x32xf32, #tpu.memory_space<vmem>>
    %dma_wait3A_325 = tpu.memref_squeeze %dma_wait3A_324 : memref<1x1000x32xf32, #tpu.memory_space<vmem>> -> memref<1000x32xf32, #tpu.memory_space<vmem>>
    %dma_wait3A_326 = arith.constant 0 : i32
    %dma_wait3A_327 = arith.constant 0 : i32
    %dma_wait3A_328 = tpu.memref_slice %dma_wait3A_325[%dma_wait3A_326, %dma_wait3A_327] : memref<1000x32xf32, #tpu.memory_space<vmem>> -> memref<1000x32xf32, #tpu.memory_space<vmem>>
    %dma_wait3A_329 = arith.constant 0 : i32
    %dma_wait3A_330 = tpu.memref_slice %arg2[%mul3A_258, %dma_wait3A_329] : memref<160000x32xf32, #tpu.memory_space<hbm>> -> memref<1000x32xf32, #tpu.memory_space<hbm>>
    tpu.wait_dma2 semaphore(%arg9 : memref<!tpu.dma_semaphore, #tpu.memory_space<semaphore_mem>>) src(%dma_wait3A_330 : memref<1000x32xf32, #tpu.memory_space<hbm>>) dst(%dma_wait3A_328 : memref<1000x32xf32, #tpu.memory_space<vmem>>)
    %dma_start3A_331 = arith.constant 0 : i32
    %dma_start3A_332 = arith.constant 4 : i32
    %dma_start3A_333 = arith.constant 0 : i32
    %dma_start3A_334 = arith.constant 0 : i32
    %dma_start3A_335 = tpu.memref_slice %arg7[%dma_start3A_331, %dma_start3A_333, %dma_start3A_334] : memref<2x1000x32xf32, #tpu.memory_space<vmem>> -> memref<1x1000x32xf32, #tpu.memory_space<vmem>>
    %dma_start3A_336 = tpu.memref_squeeze %dma_start3A_335 : memref<1x1000x32xf32, #tpu.memory_space<vmem>> -> memref<1000x32xf32, #tpu.memory_space<vmem>>
    %dma_start3A_337 = arith.constant 0 : i32
    %dma_start3A_338 = arith.constant 0 : i32
    %dma_start3A_339 = tpu.memref_slice %dma_start3A_336[%dma_start3A_337, %dma_start3A_338] : memref<1000x32xf32, #tpu.memory_space<vmem>> -> memref<1000x32xf32, #tpu.memory_space<vmem>>
    %dma_start3A_340 = arith.constant 0 : i32
    %dma_start3A_341 = tpu.memref_slice %arg6[%dma_start3A_332, %dma_start3A_340] : memref<5x1000xi32, #tpu.memory_space<vmem>> -> memref<1x1000xi32, #tpu.memory_space<vmem>>
    %dma_start3A_342 = tpu.memref_squeeze %dma_start3A_341 : memref<1x1000xi32, #tpu.memory_space<vmem>> -> memref<1000xi32, #tpu.memory_space<vmem>>
    %dma_start3A_343 = arith.constant 0 : i32
    %dma_start3A_344 = arith.constant 0 : i32
    %dma_start3A_345 = tpu.memref_slice %arg8[%dma_start3A_343, %dma_start3A_344] : memref<10016x32xf32, #tpu.memory_space<vmem_shared>> -> memref<10016x32xf32, #tpu.memory_space<vmem_shared>>
    tpu.enqueue_indirect_dma source(%dma_start3A_339 : memref<1000x32xf32, #tpu.memory_space<vmem>>) target(%dma_start3A_345 : memref<10016x32xf32, #tpu.memory_space<vmem_shared>>) offsets(%dma_start3A_342 : memref<1000xi32, #tpu.memory_space<vmem>>) semaphore(%arg11 : memref<!tpu.dma_semaphore, #tpu.memory_space<semaphore_mem>>) {add = true}
    %dma_wait3A_346 = arith.constant 1 : i32
    %dma_wait3A_347 = arith.constant 3 : i32
    %dma_wait3A_348 = arith.constant 0 : i32
    %dma_wait3A_349 = arith.constant 0 : i32
    %dma_wait3A_350 = tpu.memref_slice %arg7[%dma_wait3A_346, %dma_wait3A_348, %dma_wait3A_349] : memref<2x1000x32xf32, #tpu.memory_space<vmem>> -> memref<1x1000x32xf32, #tpu.memory_space<vmem>>
    %dma_wait3A_351 = tpu.memref_squeeze %dma_wait3A_350 : memref<1x1000x32xf32, #tpu.memory_space<vmem>> -> memref<1000x32xf32, #tpu.memory_space<vmem>>
    %dma_wait3A_352 = arith.constant 0 : i32
    %dma_wait3A_353 = arith.constant 0 : i32
    %dma_wait3A_354 = tpu.memref_slice %dma_wait3A_351[%dma_wait3A_352, %dma_wait3A_353] : memref<1000x32xf32, #tpu.memory_space<vmem>> -> memref<1000x32xf32, #tpu.memory_space<vmem>>
    %dma_wait3A_355 = arith.constant 0 : i32
    %dma_wait3A_356 = tpu.memref_slice %arg6[%dma_wait3A_347, %dma_wait3A_355] : memref<5x1000xi32, #tpu.memory_space<vmem>> -> memref<1x1000xi32, #tpu.memory_space<vmem>>
    %dma_wait3A_357 = tpu.memref_squeeze %dma_wait3A_356 : memref<1x1000xi32, #tpu.memory_space<vmem>> -> memref<1000xi32, #tpu.memory_space<vmem>>
    %dma_wait3A_358 = arith.constant 0 : i32
    %dma_wait3A_359 = arith.constant 0 : i32
    %dma_wait3A_360 = tpu.memref_slice %arg8[%dma_wait3A_358, %dma_wait3A_359] : memref<10016x32xf32, #tpu.memory_space<vmem_shared>> -> memref<10016x32xf32, #tpu.memory_space<vmem_shared>>
    tpu.wait_indirect_dma semaphore(%arg12 : memref<!tpu.dma_semaphore, #tpu.memory_space<semaphore_mem>>) src(%dma_wait3A_354 : memref<1000x32xf32, #tpu.memory_space<vmem>>) dst(%dma_wait3A_360 : memref<10016x32xf32, #tpu.memory_space<vmem_shared>>)
    %dma_wait3A_361 = arith.constant 0 : i32
    %dma_wait3A_362 = arith.constant 4 : i32
    %dma_wait3A_363 = arith.constant 0 : i32
    %dma_wait3A_364 = arith.constant 0 : i32
    %dma_wait3A_365 = tpu.memref_slice %arg7[%dma_wait3A_361, %dma_wait3A_363, %dma_wait3A_364] : memref<2x1000x32xf32, #tpu.memory_space<vmem>> -> memref<1x1000x32xf32, #tpu.memory_space<vmem>>
    %dma_wait3A_366 = tpu.memref_squeeze %dma_wait3A_365 : memref<1x1000x32xf32, #tpu.memory_space<vmem>> -> memref<1000x32xf32, #tpu.memory_space<vmem>>
    %dma_wait3A_367 = arith.constant 0 : i32
    %dma_wait3A_368 = arith.constant 0 : i32
    %dma_wait3A_369 = tpu.memref_slice %dma_wait3A_366[%dma_wait3A_367, %dma_wait3A_368] : memref<1000x32xf32, #tpu.memory_space<vmem>> -> memref<1000x32xf32, #tpu.memory_space<vmem>>
    %dma_wait3A_370 = arith.constant 0 : i32
    %dma_wait3A_371 = tpu.memref_slice %arg6[%dma_wait3A_362, %dma_wait3A_370] : memref<5x1000xi32, #tpu.memory_space<vmem>> -> memref<1x1000xi32, #tpu.memory_space<vmem>>
    %dma_wait3A_372 = tpu.memref_squeeze %dma_wait3A_371 : memref<1x1000xi32, #tpu.memory_space<vmem>> -> memref<1000xi32, #tpu.memory_space<vmem>>
    %dma_wait3A_373 = arith.constant 0 : i32
    %dma_wait3A_374 = arith.constant 0 : i32
    %dma_wait3A_375 = tpu.memref_slice %arg8[%dma_wait3A_373, %dma_wait3A_374] : memref<10016x32xf32, #tpu.memory_space<vmem_shared>> -> memref<10016x32xf32, #tpu.memory_space<vmem_shared>>
    tpu.wait_indirect_dma semaphore(%arg11 : memref<!tpu.dma_semaphore, #tpu.memory_space<semaphore_mem>>) src(%dma_wait3A_369 : memref<1000x32xf32, #tpu.memory_space<vmem>>) dst(%dma_wait3A_375 : memref<10016x32xf32, #tpu.memory_space<vmem_shared>>)
    %barrier3A_376 = arith.constant 0 : index
    tpu.barrier barrier_id(%barrier3A_376)
    %mul3A_377 = arith.constant 625 : i32
    %mul3A_378 = arith.muli %arg1, %mul3A_377 : i32
    %mul3A_379 = arith.constant 10000 : i32
    %mul3A_380 = arith.muli %arg0, %mul3A_379 : i32
    %mul3A_381 = arith.constant 625 : i32
    %mul3A_382 = arith.muli %arg1, %mul3A_381 : i32
    %add3A_383 = arith.addi %mul3A_380, %mul3A_382 : i32
    "tpu.region"() ({
      %run_scoped3A_384 = tpu.sem_alloc : memref<!tpu.dma_semaphore, #tpu.memory_space<semaphore_mem>>
      %dma_start3A_385 = arith.constant 0 : i32
      %dma_start3A_386 = tpu.memref_slice %arg5[%add3A_383, %dma_start3A_385] : memref<20000x32xf32, #tpu.memory_space<hbm>> -> memref<625x32xf32, #tpu.memory_space<hbm>>
      %dma_start3A_387 = arith.constant 0 : i32
      %dma_start3A_388 = tpu.memref_slice %arg8[%mul3A_378, %dma_start3A_387] : memref<10016x32xf32, #tpu.memory_space<vmem_shared>> -> memref<625x32xf32, #tpu.memory_space<vmem_shared>>
      tpu.enqueue_dma source(%dma_start3A_388 : memref<625x32xf32, #tpu.memory_space<vmem_shared>>) target(%dma_start3A_386 : memref<625x32xf32, #tpu.memory_space<hbm>>) target_semaphore(%run_scoped3A_384 : memref<!tpu.dma_semaphore, #tpu.memory_space<semaphore_mem>>)
      %dma_wait3A_389 = arith.constant 0 : i32
      %dma_wait3A_390 = tpu.memref_slice %arg5[%add3A_383, %dma_wait3A_389] : memref<20000x32xf32, #tpu.memory_space<hbm>> -> memref<625x32xf32, #tpu.memory_space<hbm>>
      %dma_wait3A_391 = arith.constant 0 : i32
      %dma_wait3A_392 = tpu.memref_slice %arg8[%mul3A_378, %dma_wait3A_391] : memref<10016x32xf32, #tpu.memory_space<vmem_shared>> -> memref<625x32xf32, #tpu.memory_space<vmem_shared>>
      tpu.wait_dma2 semaphore(%run_scoped3A_384 : memref<!tpu.dma_semaphore, #tpu.memory_space<semaphore_mem>>) src(%dma_wait3A_392 : memref<625x32xf32, #tpu.memory_space<vmem_shared>>) dst(%dma_wait3A_390 : memref<625x32xf32, #tpu.memory_space<hbm>>)
      tpu.yield
    }) : () -> ()
    return
  }
}

#map = affine_map<(d0, d1) -> (0, 0)>
module attributes {stable_mosaic.version = 14 : i64} {
  func.func @_sc_gather_body(%arg0: i32, %arg1: i32, %arg2: memref<10000x32xf32, #tpu.memory_space<hbm>>, %arg3: memref<160x1000xi32, #tpu.memory_space<hbm>>, %arg4: memref<160000x32xf32, #tpu.memory_space<hbm>>, %arg5: memref<5x1000xi32, #tpu.memory_space<vmem>>, %arg6: memref<3x1000x32xf32, #tpu.memory_space<vmem>>, %arg7: memref<!tpu.dma_semaphore, #tpu.memory_space<semaphore_mem>>, %arg8: memref<!tpu.dma_semaphore, #tpu.memory_space<semaphore_mem>>, %arg9: memref<!tpu.dma_semaphore, #tpu.memory_space<semaphore_mem>>, %arg10: memref<!tpu.dma_semaphore, #tpu.memory_space<semaphore_mem>>, %arg11: memref<!tpu.dma_semaphore, #tpu.memory_space<semaphore_mem>>, %arg12: memref<!tpu.dma_semaphore, #tpu.memory_space<semaphore_mem>>) attributes {dimension_semantics = [#tpu.dimension_semantics<core_parallel>, #tpu.dimension_semantics<subcore_parallel>], iteration_bounds = array<i64: 2, 16>, scalar_prefetch = 0 : i64, scratch_operands = 8 : i64, tpu.core_type = #tpu.core_type<sc_vector_subcore>, window_params = [{transform_indices = #map}, {transform_indices = #map}, {transform_indices = #map}]} {
    %mul3A = arith.constant 2 : i32
    %mul3A_0 = arith.muli %arg1, %mul3A : i32
    %add3A = arith.addi %mul3A_0, %arg0 : i32
    %mul3A_1 = arith.constant 5 : i32
    %mul3A_2 = arith.muli %add3A, %mul3A_1 : i32
    "tpu.region"() ({
      %run_scoped3A = tpu.sem_alloc : memref<!tpu.dma_semaphore, #tpu.memory_space<semaphore_mem>>
      %dma_start3A_281 = arith.constant 0 : i32
      %dma_start3A_282 = tpu.memref_slice %arg3[%mul3A_2, %dma_start3A_281] : memref<160x1000xi32, #tpu.memory_space<hbm>> -> memref<5x1000xi32, #tpu.memory_space<hbm>>
      %dma_start3A_283 = arith.constant 0 : i32
      %dma_start3A_284 = tpu.memref_slice %arg3[%mul3A_2, %dma_start3A_283] : memref<160x1000xi32, #tpu.memory_space<hbm>> -> memref<5x1000xi32, #tpu.memory_space<hbm>>
      tpu.enqueue_dma source(%dma_start3A_284 : memref<5x1000xi32, #tpu.memory_space<hbm>>) target(%arg5 : memref<5x1000xi32, #tpu.memory_space<vmem>>) target_semaphore(%run_scoped3A : memref<!tpu.dma_semaphore, #tpu.memory_space<semaphore_mem>>)
      %dma_wait3A_285 = arith.constant 0 : i32
      %dma_wait3A_286 = tpu.memref_slice %arg3[%mul3A_2, %dma_wait3A_285] : memref<160x1000xi32, #tpu.memory_space<hbm>> -> memref<5x1000xi32, #tpu.memory_space<hbm>>
      %dma_wait3A_287 = arith.constant 0 : i32
      %dma_wait3A_288 = tpu.memref_slice %arg3[%mul3A_2, %dma_wait3A_287] : memref<160x1000xi32, #tpu.memory_space<hbm>> -> memref<5x1000xi32, #tpu.memory_space<hbm>>
      tpu.wait_dma2 semaphore(%run_scoped3A : memref<!tpu.dma_semaphore, #tpu.memory_space<semaphore_mem>>) src(%dma_wait3A_288 : memref<5x1000xi32, #tpu.memory_space<hbm>>) dst(%arg5 : memref<5x1000xi32, #tpu.memory_space<vmem>>)
      tpu.yield
    }) : () -> ()
    %dma_start3A = arith.constant 0 : i32
    %dma_start3A_3 = arith.constant 0 : i32
    %dma_start3A_4 = arith.constant 0 : i32
    %dma_start3A_5 = arith.constant 0 : i32
    %dma_start3A_6 = tpu.memref_slice %arg6[%dma_start3A_3, %dma_start3A_4, %dma_start3A_5] : memref<3x1000x32xf32, #tpu.memory_space<vmem>> -> memref<1x1000x32xf32, #tpu.memory_space<vmem>>
    %dma_start3A_7 = tpu.memref_squeeze %dma_start3A_6 : memref<1x1000x32xf32, #tpu.memory_space<vmem>> -> memref<1000x32xf32, #tpu.memory_space<vmem>>
    %dma_start3A_8 = arith.constant 0 : i32
    %dma_start3A_9 = tpu.memref_slice %arg5[%dma_start3A, %dma_start3A_8] : memref<5x1000xi32, #tpu.memory_space<vmem>> -> memref<1x1000xi32, #tpu.memory_space<vmem>>
    %dma_start3A_10 = tpu.memref_squeeze %dma_start3A_9 : memref<1x1000xi32, #tpu.memory_space<vmem>> -> memref<1000xi32, #tpu.memory_space<vmem>>
    %dma_start3A_11 = arith.constant 0 : i32
    %dma_start3A_12 = arith.constant 0 : i32
    %dma_start3A_13 = tpu.memref_slice %arg2[%dma_start3A_11, %dma_start3A_12] : memref<10000x32xf32, #tpu.memory_space<hbm>> -> memref<10000x32xf32, #tpu.memory_space<hbm>>
    tpu.enqueue_indirect_dma source(%dma_start3A_13 : memref<10000x32xf32, #tpu.memory_space<hbm>>) target(%dma_start3A_7 : memref<1000x32xf32, #tpu.memory_space<vmem>>) offsets(%dma_start3A_10 : memref<1000xi32, #tpu.memory_space<vmem>>) semaphore(%arg7 : memref<!tpu.dma_semaphore, #tpu.memory_space<semaphore_mem>>)
    %dma_start3A_14 = arith.constant 1 : i32
    %dma_start3A_15 = arith.constant 1 : i32
    %dma_start3A_16 = arith.constant 0 : i32
    %dma_start3A_17 = arith.constant 0 : i32
    %dma_start3A_18 = tpu.memref_slice %arg6[%dma_start3A_15, %dma_start3A_16, %dma_start3A_17] : memref<3x1000x32xf32, #tpu.memory_space<vmem>> -> memref<1x1000x32xf32, #tpu.memory_space<vmem>>
    %dma_start3A_19 = tpu.memref_squeeze %dma_start3A_18 : memref<1x1000x32xf32, #tpu.memory_space<vmem>> -> memref<1000x32xf32, #tpu.memory_space<vmem>>
    %dma_start3A_20 = arith.constant 0 : i32
    %dma_start3A_21 = tpu.memref_slice %arg5[%dma_start3A_14, %dma_start3A_20] : memref<5x1000xi32, #tpu.memory_space<vmem>> -> memref<1x1000xi32, #tpu.memory_space<vmem>>
    %dma_start3A_22 = tpu.memref_squeeze %dma_start3A_21 : memref<1x1000xi32, #tpu.memory_space<vmem>> -> memref<1000xi32, #tpu.memory_space<vmem>>
    %dma_start3A_23 = arith.constant 0 : i32
    %dma_start3A_24 = arith.constant 0 : i32
    %dma_start3A_25 = tpu.memref_slice %arg2[%dma_start3A_23, %dma_start3A_24] : memref<10000x32xf32, #tpu.memory_space<hbm>> -> memref<10000x32xf32, #tpu.memory_space<hbm>>
    tpu.enqueue_indirect_dma source(%dma_start3A_25 : memref<10000x32xf32, #tpu.memory_space<hbm>>) target(%dma_start3A_19 : memref<1000x32xf32, #tpu.memory_space<vmem>>) offsets(%dma_start3A_22 : memref<1000xi32, #tpu.memory_space<vmem>>) semaphore(%arg8 : memref<!tpu.dma_semaphore, #tpu.memory_space<semaphore_mem>>)
    %dma_start3A_26 = arith.constant 2 : i32
    %dma_start3A_27 = arith.constant 2 : i32
    %dma_start3A_28 = arith.constant 0 : i32
    %dma_start3A_29 = arith.constant 0 : i32
    %dma_start3A_30 = tpu.memref_slice %arg6[%dma_start3A_27, %dma_start3A_28, %dma_start3A_29] : memref<3x1000x32xf32, #tpu.memory_space<vmem>> -> memref<1x1000x32xf32, #tpu.memory_space<vmem>>
    %dma_start3A_31 = tpu.memref_squeeze %dma_start3A_30 : memref<1x1000x32xf32, #tpu.memory_space<vmem>> -> memref<1000x32xf32, #tpu.memory_space<vmem>>
    %dma_start3A_32 = arith.constant 0 : i32
    %dma_start3A_33 = tpu.memref_slice %arg5[%dma_start3A_26, %dma_start3A_32] : memref<5x1000xi32, #tpu.memory_space<vmem>> -> memref<1x1000xi32, #tpu.memory_space<vmem>>
    %dma_start3A_34 = tpu.memref_squeeze %dma_start3A_33 : memref<1x1000xi32, #tpu.memory_space<vmem>> -> memref<1000xi32, #tpu.memory_space<vmem>>
    %dma_start3A_35 = arith.constant 0 : i32
    %dma_start3A_36 = arith.constant 0 : i32
    %dma_start3A_37 = tpu.memref_slice %arg2[%dma_start3A_35, %dma_start3A_36] : memref<10000x32xf32, #tpu.memory_space<hbm>> -> memref<10000x32xf32, #tpu.memory_space<hbm>>
    tpu.enqueue_indirect_dma source(%dma_start3A_37 : memref<10000x32xf32, #tpu.memory_space<hbm>>) target(%dma_start3A_31 : memref<1000x32xf32, #tpu.memory_space<vmem>>) offsets(%dma_start3A_34 : memref<1000xi32, #tpu.memory_space<vmem>>) semaphore(%arg9 : memref<!tpu.dma_semaphore, #tpu.memory_space<semaphore_mem>>)
    %dma_wait3A = arith.constant 0 : i32
    %dma_wait3A_38 = arith.constant 0 : i32
    %dma_wait3A_39 = arith.constant 0 : i32
    %dma_wait3A_40 = arith.constant 0 : i32
    %dma_wait3A_41 = tpu.memref_slice %arg6[%dma_wait3A_38, %dma_wait3A_39, %dma_wait3A_40] : memref<3x1000x32xf32, #tpu.memory_space<vmem>> -> memref<1x1000x32xf32, #tpu.memory_space<vmem>>
    %dma_wait3A_42 = tpu.memref_squeeze %dma_wait3A_41 : memref<1x1000x32xf32, #tpu.memory_space<vmem>> -> memref<1000x32xf32, #tpu.memory_space<vmem>>
    %dma_wait3A_43 = arith.constant 0 : i32
    %dma_wait3A_44 = tpu.memref_slice %arg5[%dma_wait3A, %dma_wait3A_43] : memref<5x1000xi32, #tpu.memory_space<vmem>> -> memref<1x1000xi32, #tpu.memory_space<vmem>>
    %dma_wait3A_45 = tpu.memref_squeeze %dma_wait3A_44 : memref<1x1000xi32, #tpu.memory_space<vmem>> -> memref<1000xi32, #tpu.memory_space<vmem>>
    %dma_wait3A_46 = arith.constant 0 : i32
    %dma_wait3A_47 = arith.constant 0 : i32
    %dma_wait3A_48 = tpu.memref_slice %arg2[%dma_wait3A_46, %dma_wait3A_47] : memref<10000x32xf32, #tpu.memory_space<hbm>> -> memref<10000x32xf32, #tpu.memory_space<hbm>>
    tpu.wait_indirect_dma semaphore(%arg7 : memref<!tpu.dma_semaphore, #tpu.memory_space<semaphore_mem>>) src(%dma_wait3A_48 : memref<10000x32xf32, #tpu.memory_space<hbm>>) dst(%dma_wait3A_42 : memref<1000x32xf32, #tpu.memory_space<vmem>>)
    %mul3A_49 = arith.constant 5 : i32
    %mul3A_50 = arith.muli %add3A, %mul3A_49 : i32
    %add3A_51 = arith.constant 0 : i32
    %add3A_52 = arith.addi %mul3A_50, %add3A_51 : i32
    %mul3A_53 = arith.constant 1000 : i32
    %mul3A_54 = arith.muli %add3A_52, %mul3A_53 : i32
    %dma_start3A_55 = arith.constant 0 : i32
    %dma_start3A_56 = arith.constant 0 : i32
    %dma_start3A_57 = arith.constant 0 : i32
    %dma_start3A_58 = tpu.memref_slice %arg6[%dma_start3A_55, %dma_start3A_56, %dma_start3A_57] : memref<3x1000x32xf32, #tpu.memory_space<vmem>> -> memref<1x1000x32xf32, #tpu.memory_space<vmem>>
    %dma_start3A_59 = tpu.memref_squeeze %dma_start3A_58 : memref<1x1000x32xf32, #tpu.memory_space<vmem>> -> memref<1000x32xf32, #tpu.memory_space<vmem>>
    %dma_start3A_60 = arith.constant 0 : i32
    %dma_start3A_61 = tpu.memref_slice %arg4[%mul3A_54, %dma_start3A_60] : memref<160000x32xf32, #tpu.memory_space<hbm>> -> memref<1000x32xf32, #tpu.memory_space<hbm>>
    %dma_start3A_62 = arith.constant 0 : i32
    %dma_start3A_63 = tpu.memref_slice %arg4[%mul3A_54, %dma_start3A_62] : memref<160000x32xf32, #tpu.memory_space<hbm>> -> memref<1000x32xf32, #tpu.memory_space<hbm>>
    %dma_start3A_64 = arith.constant 0 : i32
    %dma_start3A_65 = arith.constant 0 : i32
    %dma_start3A_66 = tpu.memref_slice %arg6[%dma_start3A_55, %dma_start3A_64, %dma_start3A_65] : memref<3x1000x32xf32, #tpu.memory_space<vmem>> -> memref<1x1000x32xf32, #tpu.memory_space<vmem>>
    %dma_start3A_67 = tpu.memref_squeeze %dma_start3A_66 : memref<1x1000x32xf32, #tpu.memory_space<vmem>> -> memref<1000x32xf32, #tpu.memory_space<vmem>>
    tpu.enqueue_dma source(%dma_start3A_67 : memref<1000x32xf32, #tpu.memory_space<vmem>>) target(%dma_start3A_63 : memref<1000x32xf32, #tpu.memory_space<hbm>>) target_semaphore(%arg10 : memref<!tpu.dma_semaphore, #tpu.memory_space<semaphore_mem>>)
    %dma_wait3A_68 = arith.constant 0 : i32
    %dma_wait3A_69 = arith.constant 0 : i32
    %dma_wait3A_70 = arith.constant 0 : i32
    %dma_wait3A_71 = tpu.memref_slice %arg6[%dma_wait3A_68, %dma_wait3A_69, %dma_wait3A_70] : memref<3x1000x32xf32, #tpu.memory_space<vmem>> -> memref<1x1000x32xf32, #tpu.memory_space<vmem>>
    %dma_wait3A_72 = tpu.memref_squeeze %dma_wait3A_71 : memref<1x1000x32xf32, #tpu.memory_space<vmem>> -> memref<1000x32xf32, #tpu.memory_space<vmem>>
    %dma_wait3A_73 = arith.constant 0 : i32
    %dma_wait3A_74 = tpu.memref_slice %arg4[%mul3A_54, %dma_wait3A_73] : memref<160000x32xf32, #tpu.memory_space<hbm>> -> memref<1000x32xf32, #tpu.memory_space<hbm>>
    %dma_wait3A_75 = arith.constant 0 : i32
    %dma_wait3A_76 = tpu.memref_slice %arg4[%mul3A_54, %dma_wait3A_75] : memref<160000x32xf32, #tpu.memory_space<hbm>> -> memref<1000x32xf32, #tpu.memory_space<hbm>>
    %dma_wait3A_77 = arith.constant 0 : i32
    %dma_wait3A_78 = arith.constant 0 : i32
    %dma_wait3A_79 = tpu.memref_slice %arg6[%dma_wait3A_68, %dma_wait3A_77, %dma_wait3A_78] : memref<3x1000x32xf32, #tpu.memory_space<vmem>> -> memref<1x1000x32xf32, #tpu.memory_space<vmem>>
    %dma_wait3A_80 = tpu.memref_squeeze %dma_wait3A_79 : memref<1x1000x32xf32, #tpu.memory_space<vmem>> -> memref<1000x32xf32, #tpu.memory_space<vmem>>
    tpu.wait_dma2 semaphore(%arg10 : memref<!tpu.dma_semaphore, #tpu.memory_space<semaphore_mem>>) src(%dma_wait3A_80 : memref<1000x32xf32, #tpu.memory_space<vmem>>) dst(%dma_wait3A_76 : memref<1000x32xf32, #tpu.memory_space<hbm>>)
    %dma_start3A_81 = arith.constant 3 : i32
    %dma_start3A_82 = arith.constant 0 : i32
    %dma_start3A_83 = arith.constant 0 : i32
    %dma_start3A_84 = arith.constant 0 : i32
    %dma_start3A_85 = tpu.memref_slice %arg6[%dma_start3A_82, %dma_start3A_83, %dma_start3A_84] : memref<3x1000x32xf32, #tpu.memory_space<vmem>> -> memref<1x1000x32xf32, #tpu.memory_space<vmem>>
    %dma_start3A_86 = tpu.memref_squeeze %dma_start3A_85 : memref<1x1000x32xf32, #tpu.memory_space<vmem>> -> memref<1000x32xf32, #tpu.memory_space<vmem>>
    %dma_start3A_87 = arith.constant 0 : i32
    %dma_start3A_88 = tpu.memref_slice %arg5[%dma_start3A_81, %dma_start3A_87] : memref<5x1000xi32, #tpu.memory_space<vmem>> -> memref<1x1000xi32, #tpu.memory_space<vmem>>
    %dma_start3A_89 = tpu.memref_squeeze %dma_start3A_88 : memref<1x1000xi32, #tpu.memory_space<vmem>> -> memref<1000xi32, #tpu.memory_space<vmem>>
    %dma_start3A_90 = arith.constant 0 : i32
    %dma_start3A_91 = arith.constant 0 : i32
    %dma_start3A_92 = tpu.memref_slice %arg2[%dma_start3A_90, %dma_start3A_91] : memref<10000x32xf32, #tpu.memory_space<hbm>> -> memref<10000x32xf32, #tpu.memory_space<hbm>>
    tpu.enqueue_indirect_dma source(%dma_start3A_92 : memref<10000x32xf32, #tpu.memory_space<hbm>>) target(%dma_start3A_86 : memref<1000x32xf32, #tpu.memory_space<vmem>>) offsets(%dma_start3A_89 : memref<1000xi32, #tpu.memory_space<vmem>>) semaphore(%arg7 : memref<!tpu.dma_semaphore, #tpu.memory_space<semaphore_mem>>)
    %dma_wait3A_93 = arith.constant 1 : i32
    %dma_wait3A_94 = arith.constant 1 : i32
    %dma_wait3A_95 = arith.constant 0 : i32
    %dma_wait3A_96 = arith.constant 0 : i32
    %dma_wait3A_97 = tpu.memref_slice %arg6[%dma_wait3A_94, %dma_wait3A_95, %dma_wait3A_96] : memref<3x1000x32xf32, #tpu.memory_space<vmem>> -> memref<1x1000x32xf32, #tpu.memory_space<vmem>>
    %dma_wait3A_98 = tpu.memref_squeeze %dma_wait3A_97 : memref<1x1000x32xf32, #tpu.memory_space<vmem>> -> memref<1000x32xf32, #tpu.memory_space<vmem>>
    %dma_wait3A_99 = arith.constant 0 : i32
    %dma_wait3A_100 = tpu.memref_slice %arg5[%dma_wait3A_93, %dma_wait3A_99] : memref<5x1000xi32, #tpu.memory_space<vmem>> -> memref<1x1000xi32, #tpu.memory_space<vmem>>
    %dma_wait3A_101 = tpu.memref_squeeze %dma_wait3A_100 : memref<1x1000xi32, #tpu.memory_space<vmem>> -> memref<1000xi32, #tpu.memory_space<vmem>>
    %dma_wait3A_102 = arith.constant 0 : i32
    %dma_wait3A_103 = arith.constant 0 : i32
    %dma_wait3A_104 = tpu.memref_slice %arg2[%dma_wait3A_102, %dma_wait3A_103] : memref<10000x32xf32, #tpu.memory_space<hbm>> -> memref<10000x32xf32, #tpu.memory_space<hbm>>
    tpu.wait_indirect_dma semaphore(%arg8 : memref<!tpu.dma_semaphore, #tpu.memory_space<semaphore_mem>>) src(%dma_wait3A_104 : memref<10000x32xf32, #tpu.memory_space<hbm>>) dst(%dma_wait3A_98 : memref<1000x32xf32, #tpu.memory_space<vmem>>)
    %mul3A_105 = arith.constant 5 : i32
    %mul3A_106 = arith.muli %add3A, %mul3A_105 : i32
    %add3A_107 = arith.constant 1 : i32
    %add3A_108 = arith.addi %mul3A_106, %add3A_107 : i32
    %mul3A_109 = arith.constant 1000 : i32
    %mul3A_110 = arith.muli %add3A_108, %mul3A_109 : i32
    %dma_start3A_111 = arith.constant 1 : i32
    %dma_start3A_112 = arith.constant 0 : i32
    %dma_start3A_113 = arith.constant 0 : i32
    %dma_start3A_114 = tpu.memref_slice %arg6[%dma_start3A_111, %dma_start3A_112, %dma_start3A_113] : memref<3x1000x32xf32, #tpu.memory_space<vmem>> -> memref<1x1000x32xf32, #tpu.memory_space<vmem>>
    %dma_start3A_115 = tpu.memref_squeeze %dma_start3A_114 : memref<1x1000x32xf32, #tpu.memory_space<vmem>> -> memref<1000x32xf32, #tpu.memory_space<vmem>>
    %dma_start3A_116 = arith.constant 0 : i32
    %dma_start3A_117 = tpu.memref_slice %arg4[%mul3A_110, %dma_start3A_116] : memref<160000x32xf32, #tpu.memory_space<hbm>> -> memref<1000x32xf32, #tpu.memory_space<hbm>>
    %dma_start3A_118 = arith.constant 0 : i32
    %dma_start3A_119 = tpu.memref_slice %arg4[%mul3A_110, %dma_start3A_118] : memref<160000x32xf32, #tpu.memory_space<hbm>> -> memref<1000x32xf32, #tpu.memory_space<hbm>>
    %dma_start3A_120 = arith.constant 0 : i32
    %dma_start3A_121 = arith.constant 0 : i32
    %dma_start3A_122 = tpu.memref_slice %arg6[%dma_start3A_111, %dma_start3A_120, %dma_start3A_121] : memref<3x1000x32xf32, #tpu.memory_space<vmem>> -> memref<1x1000x32xf32, #tpu.memory_space<vmem>>
    %dma_start3A_123 = tpu.memref_squeeze %dma_start3A_122 : memref<1x1000x32xf32, #tpu.memory_space<vmem>> -> memref<1000x32xf32, #tpu.memory_space<vmem>>
    tpu.enqueue_dma source(%dma_start3A_123 : memref<1000x32xf32, #tpu.memory_space<vmem>>) target(%dma_start3A_119 : memref<1000x32xf32, #tpu.memory_space<hbm>>) target_semaphore(%arg11 : memref<!tpu.dma_semaphore, #tpu.memory_space<semaphore_mem>>)
    %dma_wait3A_124 = arith.constant 1 : i32
    %dma_wait3A_125 = arith.constant 0 : i32
    %dma_wait3A_126 = arith.constant 0 : i32
    %dma_wait3A_127 = tpu.memref_slice %arg6[%dma_wait3A_124, %dma_wait3A_125, %dma_wait3A_126] : memref<3x1000x32xf32, #tpu.memory_space<vmem>> -> memref<1x1000x32xf32, #tpu.memory_space<vmem>>
    %dma_wait3A_128 = tpu.memref_squeeze %dma_wait3A_127 : memref<1x1000x32xf32, #tpu.memory_space<vmem>> -> memref<1000x32xf32, #tpu.memory_space<vmem>>
    %dma_wait3A_129 = arith.constant 0 : i32
    %dma_wait3A_130 = tpu.memref_slice %arg4[%mul3A_110, %dma_wait3A_129] : memref<160000x32xf32, #tpu.memory_space<hbm>> -> memref<1000x32xf32, #tpu.memory_space<hbm>>
    %dma_wait3A_131 = arith.constant 0 : i32
    %dma_wait3A_132 = tpu.memref_slice %arg4[%mul3A_110, %dma_wait3A_131] : memref<160000x32xf32, #tpu.memory_space<hbm>> -> memref<1000x32xf32, #tpu.memory_space<hbm>>
    %dma_wait3A_133 = arith.constant 0 : i32
    %dma_wait3A_134 = arith.constant 0 : i32
    %dma_wait3A_135 = tpu.memref_slice %arg6[%dma_wait3A_124, %dma_wait3A_133, %dma_wait3A_134] : memref<3x1000x32xf32, #tpu.memory_space<vmem>> -> memref<1x1000x32xf32, #tpu.memory_space<vmem>>
    %dma_wait3A_136 = tpu.memref_squeeze %dma_wait3A_135 : memref<1x1000x32xf32, #tpu.memory_space<vmem>> -> memref<1000x32xf32, #tpu.memory_space<vmem>>
    tpu.wait_dma2 semaphore(%arg11 : memref<!tpu.dma_semaphore, #tpu.memory_space<semaphore_mem>>) src(%dma_wait3A_136 : memref<1000x32xf32, #tpu.memory_space<vmem>>) dst(%dma_wait3A_132 : memref<1000x32xf32, #tpu.memory_space<hbm>>)
    %dma_start3A_137 = arith.constant 4 : i32
    %dma_start3A_138 = arith.constant 1 : i32
    %dma_start3A_139 = arith.constant 0 : i32
    %dma_start3A_140 = arith.constant 0 : i32
    %dma_start3A_141 = tpu.memref_slice %arg6[%dma_start3A_138, %dma_start3A_139, %dma_start3A_140] : memref<3x1000x32xf32, #tpu.memory_space<vmem>> -> memref<1x1000x32xf32, #tpu.memory_space<vmem>>
    %dma_start3A_142 = tpu.memref_squeeze %dma_start3A_141 : memref<1x1000x32xf32, #tpu.memory_space<vmem>> -> memref<1000x32xf32, #tpu.memory_space<vmem>>
    %dma_start3A_143 = arith.constant 0 : i32
    %dma_start3A_144 = tpu.memref_slice %arg5[%dma_start3A_137, %dma_start3A_143] : memref<5x1000xi32, #tpu.memory_space<vmem>> -> memref<1x1000xi32, #tpu.memory_space<vmem>>
    %dma_start3A_145 = tpu.memref_squeeze %dma_start3A_144 : memref<1x1000xi32, #tpu.memory_space<vmem>> -> memref<1000xi32, #tpu.memory_space<vmem>>
    %dma_start3A_146 = arith.constant 0 : i32
    %dma_start3A_147 = arith.constant 0 : i32
    %dma_start3A_148 = tpu.memref_slice %arg2[%dma_start3A_146, %dma_start3A_147] : memref<10000x32xf32, #tpu.memory_space<hbm>> -> memref<10000x32xf32, #tpu.memory_space<hbm>>
    tpu.enqueue_indirect_dma source(%dma_start3A_148 : memref<10000x32xf32, #tpu.memory_space<hbm>>) target(%dma_start3A_142 : memref<1000x32xf32, #tpu.memory_space<vmem>>) offsets(%dma_start3A_145 : memref<1000xi32, #tpu.memory_space<vmem>>) semaphore(%arg8 : memref<!tpu.dma_semaphore, #tpu.memory_space<semaphore_mem>>)
    %dma_wait3A_149 = arith.constant 2 : i32
    %dma_wait3A_150 = arith.constant 2 : i32
    %dma_wait3A_151 = arith.constant 0 : i32
    %dma_wait3A_152 = arith.constant 0 : i32
    %dma_wait3A_153 = tpu.memref_slice %arg6[%dma_wait3A_150, %dma_wait3A_151, %dma_wait3A_152] : memref<3x1000x32xf32, #tpu.memory_space<vmem>> -> memref<1x1000x32xf32, #tpu.memory_space<vmem>>
    %dma_wait3A_154 = tpu.memref_squeeze %dma_wait3A_153 : memref<1x1000x32xf32, #tpu.memory_space<vmem>> -> memref<1000x32xf32, #tpu.memory_space<vmem>>
    %dma_wait3A_155 = arith.constant 0 : i32
    %dma_wait3A_156 = tpu.memref_slice %arg5[%dma_wait3A_149, %dma_wait3A_155] : memref<5x1000xi32, #tpu.memory_space<vmem>> -> memref<1x1000xi32, #tpu.memory_space<vmem>>
    %dma_wait3A_157 = tpu.memref_squeeze %dma_wait3A_156 : memref<1x1000xi32, #tpu.memory_space<vmem>> -> memref<1000xi32, #tpu.memory_space<vmem>>
    %dma_wait3A_158 = arith.constant 0 : i32
    %dma_wait3A_159 = arith.constant 0 : i32
    %dma_wait3A_160 = tpu.memref_slice %arg2[%dma_wait3A_158, %dma_wait3A_159] : memref<10000x32xf32, #tpu.memory_space<hbm>> -> memref<10000x32xf32, #tpu.memory_space<hbm>>
    tpu.wait_indirect_dma semaphore(%arg9 : memref<!tpu.dma_semaphore, #tpu.memory_space<semaphore_mem>>) src(%dma_wait3A_160 : memref<10000x32xf32, #tpu.memory_space<hbm>>) dst(%dma_wait3A_154 : memref<1000x32xf32, #tpu.memory_space<vmem>>)
    %mul3A_161 = arith.constant 5 : i32
    %mul3A_162 = arith.muli %add3A, %mul3A_161 : i32
    %add3A_163 = arith.constant 2 : i32
    %add3A_164 = arith.addi %mul3A_162, %add3A_163 : i32
    %mul3A_165 = arith.constant 1000 : i32
    %mul3A_166 = arith.muli %add3A_164, %mul3A_165 : i32
    %dma_start3A_167 = arith.constant 2 : i32
    %dma_start3A_168 = arith.constant 0 : i32
    %dma_start3A_169 = arith.constant 0 : i32
    %dma_start3A_170 = tpu.memref_slice %arg6[%dma_start3A_167, %dma_start3A_168, %dma_start3A_169] : memref<3x1000x32xf32, #tpu.memory_space<vmem>> -> memref<1x1000x32xf32, #tpu.memory_space<vmem>>
    %dma_start3A_171 = tpu.memref_squeeze %dma_start3A_170 : memref<1x1000x32xf32, #tpu.memory_space<vmem>> -> memref<1000x32xf32, #tpu.memory_space<vmem>>
    %dma_start3A_172 = arith.constant 0 : i32
    %dma_start3A_173 = tpu.memref_slice %arg4[%mul3A_166, %dma_start3A_172] : memref<160000x32xf32, #tpu.memory_space<hbm>> -> memref<1000x32xf32, #tpu.memory_space<hbm>>
    %dma_start3A_174 = arith.constant 0 : i32
    %dma_start3A_175 = tpu.memref_slice %arg4[%mul3A_166, %dma_start3A_174] : memref<160000x32xf32, #tpu.memory_space<hbm>> -> memref<1000x32xf32, #tpu.memory_space<hbm>>
    %dma_start3A_176 = arith.constant 0 : i32
    %dma_start3A_177 = arith.constant 0 : i32
    %dma_start3A_178 = tpu.memref_slice %arg6[%dma_start3A_167, %dma_start3A_176, %dma_start3A_177] : memref<3x1000x32xf32, #tpu.memory_space<vmem>> -> memref<1x1000x32xf32, #tpu.memory_space<vmem>>
    %dma_start3A_179 = tpu.memref_squeeze %dma_start3A_178 : memref<1x1000x32xf32, #tpu.memory_space<vmem>> -> memref<1000x32xf32, #tpu.memory_space<vmem>>
    tpu.enqueue_dma source(%dma_start3A_179 : memref<1000x32xf32, #tpu.memory_space<vmem>>) target(%dma_start3A_175 : memref<1000x32xf32, #tpu.memory_space<hbm>>) target_semaphore(%arg12 : memref<!tpu.dma_semaphore, #tpu.memory_space<semaphore_mem>>)
    %dma_wait3A_180 = arith.constant 3 : i32
    %dma_wait3A_181 = arith.constant 0 : i32
    %dma_wait3A_182 = arith.constant 0 : i32
    %dma_wait3A_183 = arith.constant 0 : i32
    %dma_wait3A_184 = tpu.memref_slice %arg6[%dma_wait3A_181, %dma_wait3A_182, %dma_wait3A_183] : memref<3x1000x32xf32, #tpu.memory_space<vmem>> -> memref<1x1000x32xf32, #tpu.memory_space<vmem>>
    %dma_wait3A_185 = tpu.memref_squeeze %dma_wait3A_184 : memref<1x1000x32xf32, #tpu.memory_space<vmem>> -> memref<1000x32xf32, #tpu.memory_space<vmem>>
    %dma_wait3A_186 = arith.constant 0 : i32
    %dma_wait3A_187 = tpu.memref_slice %arg5[%dma_wait3A_180, %dma_wait3A_186] : memref<5x1000xi32, #tpu.memory_space<vmem>> -> memref<1x1000xi32, #tpu.memory_space<vmem>>
    %dma_wait3A_188 = tpu.memref_squeeze %dma_wait3A_187 : memref<1x1000xi32, #tpu.memory_space<vmem>> -> memref<1000xi32, #tpu.memory_space<vmem>>
    %dma_wait3A_189 = arith.constant 0 : i32
    %dma_wait3A_190 = arith.constant 0 : i32
    %dma_wait3A_191 = tpu.memref_slice %arg2[%dma_wait3A_189, %dma_wait3A_190] : memref<10000x32xf32, #tpu.memory_space<hbm>> -> memref<10000x32xf32, #tpu.memory_space<hbm>>
    tpu.wait_indirect_dma semaphore(%arg7 : memref<!tpu.dma_semaphore, #tpu.memory_space<semaphore_mem>>) src(%dma_wait3A_191 : memref<10000x32xf32, #tpu.memory_space<hbm>>) dst(%dma_wait3A_185 : memref<1000x32xf32, #tpu.memory_space<vmem>>)
    %mul3A_192 = arith.constant 5 : i32
    %mul3A_193 = arith.muli %add3A, %mul3A_192 : i32
    %add3A_194 = arith.constant 3 : i32
    %add3A_195 = arith.addi %mul3A_193, %add3A_194 : i32
    %mul3A_196 = arith.constant 1000 : i32
    %mul3A_197 = arith.muli %add3A_195, %mul3A_196 : i32
    %dma_start3A_198 = arith.constant 0 : i32
    %dma_start3A_199 = arith.constant 0 : i32
    %dma_start3A_200 = arith.constant 0 : i32
    %dma_start3A_201 = tpu.memref_slice %arg6[%dma_start3A_198, %dma_start3A_199, %dma_start3A_200] : memref<3x1000x32xf32, #tpu.memory_space<vmem>> -> memref<1x1000x32xf32, #tpu.memory_space<vmem>>
    %dma_start3A_202 = tpu.memref_squeeze %dma_start3A_201 : memref<1x1000x32xf32, #tpu.memory_space<vmem>> -> memref<1000x32xf32, #tpu.memory_space<vmem>>
    %dma_start3A_203 = arith.constant 0 : i32
    %dma_start3A_204 = tpu.memref_slice %arg4[%mul3A_197, %dma_start3A_203] : memref<160000x32xf32, #tpu.memory_space<hbm>> -> memref<1000x32xf32, #tpu.memory_space<hbm>>
    %dma_start3A_205 = arith.constant 0 : i32
    %dma_start3A_206 = tpu.memref_slice %arg4[%mul3A_197, %dma_start3A_205] : memref<160000x32xf32, #tpu.memory_space<hbm>> -> memref<1000x32xf32, #tpu.memory_space<hbm>>
    %dma_start3A_207 = arith.constant 0 : i32
    %dma_start3A_208 = arith.constant 0 : i32
    %dma_start3A_209 = tpu.memref_slice %arg6[%dma_start3A_198, %dma_start3A_207, %dma_start3A_208] : memref<3x1000x32xf32, #tpu.memory_space<vmem>> -> memref<1x1000x32xf32, #tpu.memory_space<vmem>>
    %dma_start3A_210 = tpu.memref_squeeze %dma_start3A_209 : memref<1x1000x32xf32, #tpu.memory_space<vmem>> -> memref<1000x32xf32, #tpu.memory_space<vmem>>
    tpu.enqueue_dma source(%dma_start3A_210 : memref<1000x32xf32, #tpu.memory_space<vmem>>) target(%dma_start3A_206 : memref<1000x32xf32, #tpu.memory_space<hbm>>) target_semaphore(%arg10 : memref<!tpu.dma_semaphore, #tpu.memory_space<semaphore_mem>>)
    %dma_wait3A_211 = arith.constant 4 : i32
    %dma_wait3A_212 = arith.constant 1 : i32
    %dma_wait3A_213 = arith.constant 0 : i32
    %dma_wait3A_214 = arith.constant 0 : i32
    %dma_wait3A_215 = tpu.memref_slice %arg6[%dma_wait3A_212, %dma_wait3A_213, %dma_wait3A_214] : memref<3x1000x32xf32, #tpu.memory_space<vmem>> -> memref<1x1000x32xf32, #tpu.memory_space<vmem>>
    %dma_wait3A_216 = tpu.memref_squeeze %dma_wait3A_215 : memref<1x1000x32xf32, #tpu.memory_space<vmem>> -> memref<1000x32xf32, #tpu.memory_space<vmem>>
    %dma_wait3A_217 = arith.constant 0 : i32
    %dma_wait3A_218 = tpu.memref_slice %arg5[%dma_wait3A_211, %dma_wait3A_217] : memref<5x1000xi32, #tpu.memory_space<vmem>> -> memref<1x1000xi32, #tpu.memory_space<vmem>>
    %dma_wait3A_219 = tpu.memref_squeeze %dma_wait3A_218 : memref<1x1000xi32, #tpu.memory_space<vmem>> -> memref<1000xi32, #tpu.memory_space<vmem>>
    %dma_wait3A_220 = arith.constant 0 : i32
    %dma_wait3A_221 = arith.constant 0 : i32
    %dma_wait3A_222 = tpu.memref_slice %arg2[%dma_wait3A_220, %dma_wait3A_221] : memref<10000x32xf32, #tpu.memory_space<hbm>> -> memref<10000x32xf32, #tpu.memory_space<hbm>>
    tpu.wait_indirect_dma semaphore(%arg8 : memref<!tpu.dma_semaphore, #tpu.memory_space<semaphore_mem>>) src(%dma_wait3A_222 : memref<10000x32xf32, #tpu.memory_space<hbm>>) dst(%dma_wait3A_216 : memref<1000x32xf32, #tpu.memory_space<vmem>>)
    %mul3A_223 = arith.constant 5 : i32
    %mul3A_224 = arith.muli %add3A, %mul3A_223 : i32
    %add3A_225 = arith.constant 4 : i32
    %add3A_226 = arith.addi %mul3A_224, %add3A_225 : i32
    %mul3A_227 = arith.constant 1000 : i32
    %mul3A_228 = arith.muli %add3A_226, %mul3A_227 : i32
    %dma_start3A_229 = arith.constant 1 : i32
    %dma_start3A_230 = arith.constant 0 : i32
    %dma_start3A_231 = arith.constant 0 : i32
    %dma_start3A_232 = tpu.memref_slice %arg6[%dma_start3A_229, %dma_start3A_230, %dma_start3A_231] : memref<3x1000x32xf32, #tpu.memory_space<vmem>> -> memref<1x1000x32xf32, #tpu.memory_space<vmem>>
    %dma_start3A_233 = tpu.memref_squeeze %dma_start3A_232 : memref<1x1000x32xf32, #tpu.memory_space<vmem>> -> memref<1000x32xf32, #tpu.memory_space<vmem>>
    %dma_start3A_234 = arith.constant 0 : i32
    %dma_start3A_235 = tpu.memref_slice %arg4[%mul3A_228, %dma_start3A_234] : memref<160000x32xf32, #tpu.memory_space<hbm>> -> memref<1000x32xf32, #tpu.memory_space<hbm>>
    %dma_start3A_236 = arith.constant 0 : i32
    %dma_start3A_237 = tpu.memref_slice %arg4[%mul3A_228, %dma_start3A_236] : memref<160000x32xf32, #tpu.memory_space<hbm>> -> memref<1000x32xf32, #tpu.memory_space<hbm>>
    %dma_start3A_238 = arith.constant 0 : i32
    %dma_start3A_239 = arith.constant 0 : i32
    %dma_start3A_240 = tpu.memref_slice %arg6[%dma_start3A_229, %dma_start3A_238, %dma_start3A_239] : memref<3x1000x32xf32, #tpu.memory_space<vmem>> -> memref<1x1000x32xf32, #tpu.memory_space<vmem>>
    %dma_start3A_241 = tpu.memref_squeeze %dma_start3A_240 : memref<1x1000x32xf32, #tpu.memory_space<vmem>> -> memref<1000x32xf32, #tpu.memory_space<vmem>>
    tpu.enqueue_dma source(%dma_start3A_241 : memref<1000x32xf32, #tpu.memory_space<vmem>>) target(%dma_start3A_237 : memref<1000x32xf32, #tpu.memory_space<hbm>>) target_semaphore(%arg11 : memref<!tpu.dma_semaphore, #tpu.memory_space<semaphore_mem>>)
    %dma_wait3A_242 = arith.constant 2 : i32
    %dma_wait3A_243 = arith.constant 0 : i32
    %dma_wait3A_244 = arith.constant 0 : i32
    %dma_wait3A_245 = tpu.memref_slice %arg6[%dma_wait3A_242, %dma_wait3A_243, %dma_wait3A_244] : memref<3x1000x32xf32, #tpu.memory_space<vmem>> -> memref<1x1000x32xf32, #tpu.memory_space<vmem>>
    %dma_wait3A_246 = tpu.memref_squeeze %dma_wait3A_245 : memref<1x1000x32xf32, #tpu.memory_space<vmem>> -> memref<1000x32xf32, #tpu.memory_space<vmem>>
    %dma_wait3A_247 = arith.constant 0 : i32
    %dma_wait3A_248 = tpu.memref_slice %arg4[%mul3A_166, %dma_wait3A_247] : memref<160000x32xf32, #tpu.memory_space<hbm>> -> memref<1000x32xf32, #tpu.memory_space<hbm>>
    %dma_wait3A_249 = arith.constant 0 : i32
    %dma_wait3A_250 = tpu.memref_slice %arg4[%mul3A_166, %dma_wait3A_249] : memref<160000x32xf32, #tpu.memory_space<hbm>> -> memref<1000x32xf32, #tpu.memory_space<hbm>>
    %dma_wait3A_251 = arith.constant 0 : i32
    %dma_wait3A_252 = arith.constant 0 : i32
    %dma_wait3A_253 = tpu.memref_slice %arg6[%dma_wait3A_242, %dma_wait3A_251, %dma_wait3A_252] : memref<3x1000x32xf32, #tpu.memory_space<vmem>> -> memref<1x1000x32xf32, #tpu.memory_space<vmem>>
    %dma_wait3A_254 = tpu.memref_squeeze %dma_wait3A_253 : memref<1x1000x32xf32, #tpu.memory_space<vmem>> -> memref<1000x32xf32, #tpu.memory_space<vmem>>
    tpu.wait_dma2 semaphore(%arg12 : memref<!tpu.dma_semaphore, #tpu.memory_space<semaphore_mem>>) src(%dma_wait3A_254 : memref<1000x32xf32, #tpu.memory_space<vmem>>) dst(%dma_wait3A_250 : memref<1000x32xf32, #tpu.memory_space<hbm>>)
    %dma_wait3A_255 = arith.constant 0 : i32
    %dma_wait3A_256 = arith.constant 0 : i32
    %dma_wait3A_257 = arith.constant 0 : i32
    %dma_wait3A_258 = tpu.memref_slice %arg6[%dma_wait3A_255, %dma_wait3A_256, %dma_wait3A_257] : memref<3x1000x32xf32, #tpu.memory_space<vmem>> -> memref<1x1000x32xf32, #tpu.memory_space<vmem>>
    %dma_wait3A_259 = tpu.memref_squeeze %dma_wait3A_258 : memref<1x1000x32xf32, #tpu.memory_space<vmem>> -> memref<1000x32xf32, #tpu.memory_space<vmem>>
    %dma_wait3A_260 = arith.constant 0 : i32
    %dma_wait3A_261 = tpu.memref_slice %arg4[%mul3A_197, %dma_wait3A_260] : memref<160000x32xf32, #tpu.memory_space<hbm>> -> memref<1000x32xf32, #tpu.memory_space<hbm>>
    %dma_wait3A_262 = arith.constant 0 : i32
    %dma_wait3A_263 = tpu.memref_slice %arg4[%mul3A_197, %dma_wait3A_262] : memref<160000x32xf32, #tpu.memory_space<hbm>> -> memref<1000x32xf32, #tpu.memory_space<hbm>>
    %dma_wait3A_264 = arith.constant 0 : i32
    %dma_wait3A_265 = arith.constant 0 : i32
    %dma_wait3A_266 = tpu.memref_slice %arg6[%dma_wait3A_255, %dma_wait3A_264, %dma_wait3A_265] : memref<3x1000x32xf32, #tpu.memory_space<vmem>> -> memref<1x1000x32xf32, #tpu.memory_space<vmem>>
    %dma_wait3A_267 = tpu.memref_squeeze %dma_wait3A_266 : memref<1x1000x32xf32, #tpu.memory_space<vmem>> -> memref<1000x32xf32, #tpu.memory_space<vmem>>
    tpu.wait_dma2 semaphore(%arg10 : memref<!tpu.dma_semaphore, #tpu.memory_space<semaphore_mem>>) src(%dma_wait3A_267 : memref<1000x32xf32, #tpu.memory_space<vmem>>) dst(%dma_wait3A_263 : memref<1000x32xf32, #tpu.memory_space<hbm>>)
    %dma_wait3A_268 = arith.constant 1 : i32
    %dma_wait3A_269 = arith.constant 0 : i32
    %dma_wait3A_270 = arith.constant 0 : i32
    %dma_wait3A_271 = tpu.memref_slice %arg6[%dma_wait3A_268, %dma_wait3A_269, %dma_wait3A_270] : memref<3x1000x32xf32, #tpu.memory_space<vmem>> -> memref<1x1000x32xf32, #tpu.memory_space<vmem>>
    %dma_wait3A_272 = tpu.memref_squeeze %dma_wait3A_271 : memref<1x1000x32xf32, #tpu.memory_space<vmem>> -> memref<1000x32xf32, #tpu.memory_space<vmem>>
    %dma_wait3A_273 = arith.constant 0 : i32
    %dma_wait3A_274 = tpu.memref_slice %arg4[%mul3A_228, %dma_wait3A_273] : memref<160000x32xf32, #tpu.memory_space<hbm>> -> memref<1000x32xf32, #tpu.memory_space<hbm>>
    %dma_wait3A_275 = arith.constant 0 : i32
    %dma_wait3A_276 = tpu.memref_slice %arg4[%mul3A_228, %dma_wait3A_275] : memref<160000x32xf32, #tpu.memory_space<hbm>> -> memref<1000x32xf32, #tpu.memory_space<hbm>>
    %dma_wait3A_277 = arith.constant 0 : i32
    %dma_wait3A_278 = arith.constant 0 : i32
    %dma_wait3A_279 = tpu.memref_slice %arg6[%dma_wait3A_268, %dma_wait3A_277, %dma_wait3A_278] : memref<3x1000x32xf32, #tpu.memory_space<vmem>> -> memref<1x1000x32xf32, #tpu.memory_space<vmem>>
    %dma_wait3A_280 = tpu.memref_squeeze %dma_wait3A_279 : memref<1x1000x32xf32, #tpu.memory_space<vmem>> -> memref<1000x32xf32, #tpu.memory_space<vmem>>
    tpu.wait_dma2 semaphore(%arg11 : memref<!tpu.dma_semaphore, #tpu.memory_space<semaphore_mem>>) src(%dma_wait3A_280 : memref<1000x32xf32, #tpu.memory_space<vmem>>) dst(%dma_wait3A_276 : memref<1000x32xf32, #tpu.memory_space<hbm>>)
    return
  }
}

#map = affine_map<(d0, d1) -> (0, 0)>
module attributes {stable_mosaic.version = 14 : i64} {
  func.func @_sc_scatter_body(%arg0: i32, %arg1: i32, %arg2: memref<160000x32xf32, #tpu.memory_space<hbm>>, %arg3: memref<160x1000xi32, #tpu.memory_space<hbm>>, %arg4: memref<10016x32xf32, #tpu.memory_space<hbm>>, %arg5: memref<20000x32xf32, #tpu.memory_space<hbm>>, %arg6: memref<5x1000xi32, #tpu.memory_space<vmem>>, %arg7: memref<2x1000x32xf32, #tpu.memory_space<vmem>>, %arg8: memref<10016x32xf32, #tpu.memory_space<vmem_shared>>, %arg9: memref<!tpu.dma_semaphore, #tpu.memory_space<semaphore_mem>>, %arg10: memref<!tpu.dma_semaphore, #tpu.memory_space<semaphore_mem>>, %arg11: memref<!tpu.dma_semaphore, #tpu.memory_space<semaphore_mem>>, %arg12: memref<!tpu.dma_semaphore, #tpu.memory_space<semaphore_mem>>) attributes {dimension_semantics = [#tpu.dimension_semantics<core_parallel>, #tpu.dimension_semantics<subcore_parallel>], iteration_bounds = array<i64: 2, 16>, scalar_prefetch = 0 : i64, scratch_operands = 7 : i64, tpu.core_type = #tpu.core_type<sc_vector_subcore>, window_params = [{transform_indices = #map}, {transform_indices = #map}, {transform_indices = #map}, {transform_indices = #map}]} {
    %mul3A = arith.constant 2 : i32
    %mul3A_0 = arith.muli %arg1, %mul3A : i32
    %add3A = arith.addi %mul3A_0, %arg0 : i32
    %mul3A_1 = arith.constant 626 : i32
    %mul3A_2 = arith.muli %arg1, %mul3A_1 : i32
    %run_scoped3A = arith.constant 0 : i32
    "tpu.region"() ({
      %run_scoped3A_384 = tpu.sem_alloc : memref<!tpu.dma_semaphore, #tpu.memory_space<semaphore_mem>>
      %dma_start3A_385 = arith.constant 0 : i32
      %dma_start3A_386 = arith.constant 0 : i32
      %dma_start3A_387 = tpu.memref_slice %arg7[%run_scoped3A, %dma_start3A_385, %dma_start3A_386] : memref<2x1000x32xf32, #tpu.memory_space<vmem>> -> memref<1x1000x32xf32, #tpu.memory_space<vmem>>
      %dma_start3A_388 = tpu.memref_squeeze %dma_start3A_387 : memref<1x1000x32xf32, #tpu.memory_space<vmem>> -> memref<1000x32xf32, #tpu.memory_space<vmem>>
      %dma_start3A_389 = arith.constant 0 : i32
      %dma_start3A_390 = arith.constant 0 : i32
      %dma_start3A_391 = tpu.memref_slice %dma_start3A_388[%dma_start3A_389, %dma_start3A_390] : memref<1000x32xf32, #tpu.memory_space<vmem>> -> memref<626x32xf32, #tpu.memory_space<vmem>>
      %dma_start3A_392 = arith.constant 0 : i32
      %dma_start3A_393 = tpu.memref_slice %arg4[%mul3A_2, %dma_start3A_392] : memref<10016x32xf32, #tpu.memory_space<hbm>> -> memref<626x32xf32, #tpu.memory_space<hbm>>
      %dma_start3A_394 = arith.constant 0 : i32
      %dma_start3A_395 = arith.constant 0 : i32
      %dma_start3A_396 = tpu.memref_slice %arg7[%run_scoped3A, %dma_start3A_394, %dma_start3A_395] : memref<2x1000x32xf32, #tpu.memory_space<vmem>> -> memref<1x1000x32xf32, #tpu.memory_space<vmem>>
      %dma_start3A_397 = tpu.memref_squeeze %dma_start3A_396 : memref<1x1000x32xf32, #tpu.memory_space<vmem>> -> memref<1000x32xf32, #tpu.memory_space<vmem>>
      %dma_start3A_398 = arith.constant 0 : i32
      %dma_start3A_399 = arith.constant 0 : i32
      %dma_start3A_400 = tpu.memref_slice %dma_start3A_397[%dma_start3A_398, %dma_start3A_399] : memref<1000x32xf32, #tpu.memory_space<vmem>> -> memref<626x32xf32, #tpu.memory_space<vmem>>
      %dma_start3A_401 = arith.constant 0 : i32
      %dma_start3A_402 = tpu.memref_slice %arg4[%mul3A_2, %dma_start3A_401] : memref<10016x32xf32, #tpu.memory_space<hbm>> -> memref<626x32xf32, #tpu.memory_space<hbm>>
      tpu.enqueue_dma source(%dma_start3A_402 : memref<626x32xf32, #tpu.memory_space<hbm>>) target(%dma_start3A_400 : memref<626x32xf32, #tpu.memory_space<vmem>>) target_semaphore(%run_scoped3A_384 : memref<!tpu.dma_semaphore, #tpu.memory_space<semaphore_mem>>)
      %dma_wait3A_403 = arith.constant 0 : i32
      %dma_wait3A_404 = arith.constant 0 : i32
      %dma_wait3A_405 = tpu.memref_slice %arg7[%run_scoped3A, %dma_wait3A_403, %dma_wait3A_404] : memref<2x1000x32xf32, #tpu.memory_space<vmem>> -> memref<1x1000x32xf32, #tpu.memory_space<vmem>>
      %dma_wait3A_406 = tpu.memref_squeeze %dma_wait3A_405 : memref<1x1000x32xf32, #tpu.memory_space<vmem>> -> memref<1000x32xf32, #tpu.memory_space<vmem>>
      %dma_wait3A_407 = arith.constant 0 : i32
      %dma_wait3A_408 = arith.constant 0 : i32
      %dma_wait3A_409 = tpu.memref_slice %dma_wait3A_406[%dma_wait3A_407, %dma_wait3A_408] : memref<1000x32xf32, #tpu.memory_space<vmem>> -> memref<626x32xf32, #tpu.memory_space<vmem>>
      %dma_wait3A_410 = arith.constant 0 : i32
      %dma_wait3A_411 = tpu.memref_slice %arg4[%mul3A_2, %dma_wait3A_410] : memref<10016x32xf32, #tpu.memory_space<hbm>> -> memref<626x32xf32, #tpu.memory_space<hbm>>
      %dma_wait3A_412 = arith.constant 0 : i32
      %dma_wait3A_413 = arith.constant 0 : i32
      %dma_wait3A_414 = tpu.memref_slice %arg7[%run_scoped3A, %dma_wait3A_412, %dma_wait3A_413] : memref<2x1000x32xf32, #tpu.memory_space<vmem>> -> memref<1x1000x32xf32, #tpu.memory_space<vmem>>
      %dma_wait3A_415 = tpu.memref_squeeze %dma_wait3A_414 : memref<1x1000x32xf32, #tpu.memory_space<vmem>> -> memref<1000x32xf32, #tpu.memory_space<vmem>>
      %dma_wait3A_416 = arith.constant 0 : i32
      %dma_wait3A_417 = arith.constant 0 : i32
      %dma_wait3A_418 = tpu.memref_slice %dma_wait3A_415[%dma_wait3A_416, %dma_wait3A_417] : memref<1000x32xf32, #tpu.memory_space<vmem>> -> memref<626x32xf32, #tpu.memory_space<vmem>>
      %dma_wait3A_419 = arith.constant 0 : i32
      %dma_wait3A_420 = tpu.memref_slice %arg4[%mul3A_2, %dma_wait3A_419] : memref<10016x32xf32, #tpu.memory_space<hbm>> -> memref<626x32xf32, #tpu.memory_space<hbm>>
      tpu.wait_dma2 semaphore(%run_scoped3A_384 : memref<!tpu.dma_semaphore, #tpu.memory_space<semaphore_mem>>) src(%dma_wait3A_420 : memref<626x32xf32, #tpu.memory_space<hbm>>) dst(%dma_wait3A_418 : memref<626x32xf32, #tpu.memory_space<vmem>>)
      tpu.yield
    }) : () -> ()
    %mul3A_3 = arith.constant 626 : i32
    %mul3A_4 = arith.muli %arg1, %mul3A_3 : i32
    %run_scoped3A_5 = arith.constant 0 : i32
    "tpu.region"() ({
      %run_scoped3A_384 = tpu.sem_alloc : memref<!tpu.dma_semaphore, #tpu.memory_space<semaphore_mem>>
      %dma_start3A_385 = arith.constant 0 : i32
      %dma_start3A_386 = arith.constant 0 : i32
      %dma_start3A_387 = tpu.memref_slice %arg7[%run_scoped3A_5, %dma_start3A_385, %dma_start3A_386] : memref<2x1000x32xf32, #tpu.memory_space<vmem>> -> memref<1x1000x32xf32, #tpu.memory_space<vmem>>
      %dma_start3A_388 = tpu.memref_squeeze %dma_start3A_387 : memref<1x1000x32xf32, #tpu.memory_space<vmem>> -> memref<1000x32xf32, #tpu.memory_space<vmem>>
      %dma_start3A_389 = arith.constant 0 : i32
      %dma_start3A_390 = arith.constant 0 : i32
      %dma_start3A_391 = tpu.memref_slice %dma_start3A_388[%dma_start3A_389, %dma_start3A_390] : memref<1000x32xf32, #tpu.memory_space<vmem>> -> memref<626x32xf32, #tpu.memory_space<vmem>>
      %dma_start3A_392 = arith.constant 0 : i32
      %dma_start3A_393 = tpu.memref_slice %arg8[%mul3A_4, %dma_start3A_392] : memref<10016x32xf32, #tpu.memory_space<vmem_shared>> -> memref<626x32xf32, #tpu.memory_space<vmem_shared>>
      %dma_start3A_394 = arith.constant 0 : i32
      %dma_start3A_395 = tpu.memref_slice %arg8[%mul3A_4, %dma_start3A_394] : memref<10016x32xf32, #tpu.memory_space<vmem_shared>> -> memref<626x32xf32, #tpu.memory_space<vmem_shared>>
      %dma_start3A_396 = arith.constant 0 : i32
      %dma_start3A_397 = arith.constant 0 : i32
      %dma_start3A_398 = tpu.memref_slice %arg7[%run_scoped3A_5, %dma_start3A_396, %dma_start3A_397] : memref<2x1000x32xf32, #tpu.memory_space<vmem>> -> memref<1x1000x32xf32, #tpu.memory_space<vmem>>
      %dma_start3A_399 = tpu.memref_squeeze %dma_start3A_398 : memref<1x1000x32xf32, #tpu.memory_space<vmem>> -> memref<1000x32xf32, #tpu.memory_space<vmem>>
      %dma_start3A_400 = arith.constant 0 : i32
      %dma_start3A_401 = arith.constant 0 : i32
      %dma_start3A_402 = tpu.memref_slice %dma_start3A_399[%dma_start3A_400, %dma_start3A_401] : memref<1000x32xf32, #tpu.memory_space<vmem>> -> memref<626x32xf32, #tpu.memory_space<vmem>>
      tpu.enqueue_dma source(%dma_start3A_402 : memref<626x32xf32, #tpu.memory_space<vmem>>) target(%dma_start3A_395 : memref<626x32xf32, #tpu.memory_space<vmem_shared>>) target_semaphore(%run_scoped3A_384 : memref<!tpu.dma_semaphore, #tpu.memory_space<semaphore_mem>>)
      %dma_wait3A_403 = arith.constant 0 : i32
      %dma_wait3A_404 = arith.constant 0 : i32
      %dma_wait3A_405 = tpu.memref_slice %arg7[%run_scoped3A_5, %dma_wait3A_403, %dma_wait3A_404] : memref<2x1000x32xf32, #tpu.memory_space<vmem>> -> memref<1x1000x32xf32, #tpu.memory_space<vmem>>
      %dma_wait3A_406 = tpu.memref_squeeze %dma_wait3A_405 : memref<1x1000x32xf32, #tpu.memory_space<vmem>> -> memref<1000x32xf32, #tpu.memory_space<vmem>>
      %dma_wait3A_407 = arith.constant 0 : i32
      %dma_wait3A_408 = arith.constant 0 : i32
      %dma_wait3A_409 = tpu.memref_slice %dma_wait3A_406[%dma_wait3A_407, %dma_wait3A_408] : memref<1000x32xf32, #tpu.memory_space<vmem>> -> memref<626x32xf32, #tpu.memory_space<vmem>>
      %dma_wait3A_410 = arith.constant 0 : i32
      %dma_wait3A_411 = tpu.memref_slice %arg8[%mul3A_4, %dma_wait3A_410] : memref<10016x32xf32, #tpu.memory_space<vmem_shared>> -> memref<626x32xf32, #tpu.memory_space<vmem_shared>>
      %dma_wait3A_412 = arith.constant 0 : i32
      %dma_wait3A_413 = tpu.memref_slice %arg8[%mul3A_4, %dma_wait3A_412] : memref<10016x32xf32, #tpu.memory_space<vmem_shared>> -> memref<626x32xf32, #tpu.memory_space<vmem_shared>>
      %dma_wait3A_414 = arith.constant 0 : i32
      %dma_wait3A_415 = arith.constant 0 : i32
      %dma_wait3A_416 = tpu.memref_slice %arg7[%run_scoped3A_5, %dma_wait3A_414, %dma_wait3A_415] : memref<2x1000x32xf32, #tpu.memory_space<vmem>> -> memref<1x1000x32xf32, #tpu.memory_space<vmem>>
      %dma_wait3A_417 = tpu.memref_squeeze %dma_wait3A_416 : memref<1x1000x32xf32, #tpu.memory_space<vmem>> -> memref<1000x32xf32, #tpu.memory_space<vmem>>
      %dma_wait3A_418 = arith.constant 0 : i32
      %dma_wait3A_419 = arith.constant 0 : i32
      %dma_wait3A_420 = tpu.memref_slice %dma_wait3A_417[%dma_wait3A_418, %dma_wait3A_419] : memref<1000x32xf32, #tpu.memory_space<vmem>> -> memref<626x32xf32, #tpu.memory_space<vmem>>
      tpu.wait_dma2 semaphore(%run_scoped3A_384 : memref<!tpu.dma_semaphore, #tpu.memory_space<semaphore_mem>>) src(%dma_wait3A_420 : memref<626x32xf32, #tpu.memory_space<vmem>>) dst(%dma_wait3A_413 : memref<626x32xf32, #tpu.memory_space<vmem_shared>>)
      tpu.yield
    }) : () -> ()
    %mul3A_6 = arith.constant 5 : i32
    %mul3A_7 = arith.muli %add3A, %mul3A_6 : i32
    "tpu.region"() ({
      %run_scoped3A_384 = tpu.sem_alloc : memref<!tpu.dma_semaphore, #tpu.memory_space<semaphore_mem>>
      %dma_start3A_385 = arith.constant 0 : i32
      %dma_start3A_386 = tpu.memref_slice %arg3[%mul3A_7, %dma_start3A_385] : memref<160x1000xi32, #tpu.memory_space<hbm>> -> memref<5x1000xi32, #tpu.memory_space<hbm>>
      %dma_start3A_387 = arith.constant 0 : i32
      %dma_start3A_388 = tpu.memref_slice %arg3[%mul3A_7, %dma_start3A_387] : memref<160x1000xi32, #tpu.memory_space<hbm>> -> memref<5x1000xi32, #tpu.memory_space<hbm>>
      tpu.enqueue_dma source(%dma_start3A_388 : memref<5x1000xi32, #tpu.memory_space<hbm>>) target(%arg6 : memref<5x1000xi32, #tpu.memory_space<vmem>>) target_semaphore(%run_scoped3A_384 : memref<!tpu.dma_semaphore, #tpu.memory_space<semaphore_mem>>)
      %dma_wait3A_389 = arith.constant 0 : i32
      %dma_wait3A_390 = tpu.memref_slice %arg3[%mul3A_7, %dma_wait3A_389] : memref<160x1000xi32, #tpu.memory_space<hbm>> -> memref<5x1000xi32, #tpu.memory_space<hbm>>
      %dma_wait3A_391 = arith.constant 0 : i32
      %dma_wait3A_392 = tpu.memref_slice %arg3[%mul3A_7, %dma_wait3A_391] : memref<160x1000xi32, #tpu.memory_space<hbm>> -> memref<5x1000xi32, #tpu.memory_space<hbm>>
      tpu.wait_dma2 semaphore(%run_scoped3A_384 : memref<!tpu.dma_semaphore, #tpu.memory_space<semaphore_mem>>) src(%dma_wait3A_392 : memref<5x1000xi32, #tpu.memory_space<hbm>>) dst(%arg6 : memref<5x1000xi32, #tpu.memory_space<vmem>>)
      tpu.yield
    }) : () -> ()
    %mul3A_8 = arith.constant 5 : i32
    %mul3A_9 = arith.muli %add3A, %mul3A_8 : i32
    %add3A_10 = arith.constant 0 : i32
    %add3A_11 = arith.addi %mul3A_9, %add3A_10 : i32
    %mul3A_12 = arith.constant 1000 : i32
    %mul3A_13 = arith.muli %add3A_11, %mul3A_12 : i32
    %dma_start3A = arith.constant 0 : i32
    %dma_start3A_14 = arith.constant 0 : i32
    %dma_start3A_15 = arith.constant 0 : i32
    %dma_start3A_16 = tpu.memref_slice %arg7[%dma_start3A, %dma_start3A_14, %dma_start3A_15] : memref<2x1000x32xf32, #tpu.memory_space<vmem>> -> memref<1x1000x32xf32, #tpu.memory_space<vmem>>
    %dma_start3A_17 = tpu.memref_squeeze %dma_start3A_16 : memref<1x1000x32xf32, #tpu.memory_space<vmem>> -> memref<1000x32xf32, #tpu.memory_space<vmem>>
    %dma_start3A_18 = arith.constant 0 : i32
    %dma_start3A_19 = arith.constant 0 : i32
    %dma_start3A_20 = tpu.memref_slice %dma_start3A_17[%dma_start3A_18, %dma_start3A_19] : memref<1000x32xf32, #tpu.memory_space<vmem>> -> memref<1000x32xf32, #tpu.memory_space<vmem>>
    %dma_start3A_21 = arith.constant 0 : i32
    %dma_start3A_22 = tpu.memref_slice %arg2[%mul3A_13, %dma_start3A_21] : memref<160000x32xf32, #tpu.memory_space<hbm>> -> memref<1000x32xf32, #tpu.memory_space<hbm>>
    %dma_start3A_23 = arith.constant 0 : i32
    %dma_start3A_24 = arith.constant 0 : i32
    %dma_start3A_25 = tpu.memref_slice %arg7[%dma_start3A, %dma_start3A_23, %dma_start3A_24] : memref<2x1000x32xf32, #tpu.memory_space<vmem>> -> memref<1x1000x32xf32, #tpu.memory_space<vmem>>
    %dma_start3A_26 = tpu.memref_squeeze %dma_start3A_25 : memref<1x1000x32xf32, #tpu.memory_space<vmem>> -> memref<1000x32xf32, #tpu.memory_space<vmem>>
    %dma_start3A_27 = arith.constant 0 : i32
    %dma_start3A_28 = arith.constant 0 : i32
    %dma_start3A_29 = tpu.memref_slice %dma_start3A_26[%dma_start3A_27, %dma_start3A_28] : memref<1000x32xf32, #tpu.memory_space<vmem>> -> memref<1000x32xf32, #tpu.memory_space<vmem>>
    %dma_start3A_30 = arith.constant 0 : i32
    %dma_start3A_31 = tpu.memref_slice %arg2[%mul3A_13, %dma_start3A_30] : memref<160000x32xf32, #tpu.memory_space<hbm>> -> memref<1000x32xf32, #tpu.memory_space<hbm>>
    tpu.enqueue_dma source(%dma_start3A_31 : memref<1000x32xf32, #tpu.memory_space<hbm>>) target(%dma_start3A_29 : memref<1000x32xf32, #tpu.memory_space<vmem>>) target_semaphore(%arg9 : memref<!tpu.dma_semaphore, #tpu.memory_space<semaphore_mem>>)
    %mul3A_32 = arith.constant 5 : i32
    %mul3A_33 = arith.muli %add3A, %mul3A_32 : i32
    %add3A_34 = arith.constant 1 : i32
    %add3A_35 = arith.addi %mul3A_33, %add3A_34 : i32
    %mul3A_36 = arith.constant 1000 : i32
    %mul3A_37 = arith.muli %add3A_35, %mul3A_36 : i32
    %dma_start3A_38 = arith.constant 1 : i32
    %dma_start3A_39 = arith.constant 0 : i32
    %dma_start3A_40 = arith.constant 0 : i32
    %dma_start3A_41 = tpu.memref_slice %arg7[%dma_start3A_38, %dma_start3A_39, %dma_start3A_40] : memref<2x1000x32xf32, #tpu.memory_space<vmem>> -> memref<1x1000x32xf32, #tpu.memory_space<vmem>>
    %dma_start3A_42 = tpu.memref_squeeze %dma_start3A_41 : memref<1x1000x32xf32, #tpu.memory_space<vmem>> -> memref<1000x32xf32, #tpu.memory_space<vmem>>
    %dma_start3A_43 = arith.constant 0 : i32
    %dma_start3A_44 = arith.constant 0 : i32
    %dma_start3A_45 = tpu.memref_slice %dma_start3A_42[%dma_start3A_43, %dma_start3A_44] : memref<1000x32xf32, #tpu.memory_space<vmem>> -> memref<1000x32xf32, #tpu.memory_space<vmem>>
    %dma_start3A_46 = arith.constant 0 : i32
    %dma_start3A_47 = tpu.memref_slice %arg2[%mul3A_37, %dma_start3A_46] : memref<160000x32xf32, #tpu.memory_space<hbm>> -> memref<1000x32xf32, #tpu.memory_space<hbm>>
    %dma_start3A_48 = arith.constant 0 : i32
    %dma_start3A_49 = arith.constant 0 : i32
    %dma_start3A_50 = tpu.memref_slice %arg7[%dma_start3A_38, %dma_start3A_48, %dma_start3A_49] : memref<2x1000x32xf32, #tpu.memory_space<vmem>> -> memref<1x1000x32xf32, #tpu.memory_space<vmem>>
    %dma_start3A_51 = tpu.memref_squeeze %dma_start3A_50 : memref<1x1000x32xf32, #tpu.memory_space<vmem>> -> memref<1000x32xf32, #tpu.memory_space<vmem>>
    %dma_start3A_52 = arith.constant 0 : i32
    %dma_start3A_53 = arith.constant 0 : i32
    %dma_start3A_54 = tpu.memref_slice %dma_start3A_51[%dma_start3A_52, %dma_start3A_53] : memref<1000x32xf32, #tpu.memory_space<vmem>> -> memref<1000x32xf32, #tpu.memory_space<vmem>>
    %dma_start3A_55 = arith.constant 0 : i32
    %dma_start3A_56 = tpu.memref_slice %arg2[%mul3A_37, %dma_start3A_55] : memref<160000x32xf32, #tpu.memory_space<hbm>> -> memref<1000x32xf32, #tpu.memory_space<hbm>>
    tpu.enqueue_dma source(%dma_start3A_56 : memref<1000x32xf32, #tpu.memory_space<hbm>>) target(%dma_start3A_54 : memref<1000x32xf32, #tpu.memory_space<vmem>>) target_semaphore(%arg10 : memref<!tpu.dma_semaphore, #tpu.memory_space<semaphore_mem>>)
    %barrier3A = arith.constant 0 : index
    tpu.barrier barrier_id(%barrier3A)
    %dma_wait3A = arith.constant 0 : i32
    %dma_wait3A_57 = arith.constant 0 : i32
    %dma_wait3A_58 = arith.constant 0 : i32
    %dma_wait3A_59 = tpu.memref_slice %arg7[%dma_wait3A, %dma_wait3A_57, %dma_wait3A_58] : memref<2x1000x32xf32, #tpu.memory_space<vmem>> -> memref<1x1000x32xf32, #tpu.memory_space<vmem>>
    %dma_wait3A_60 = tpu.memref_squeeze %dma_wait3A_59 : memref<1x1000x32xf32, #tpu.memory_space<vmem>> -> memref<1000x32xf32, #tpu.memory_space<vmem>>
    %dma_wait3A_61 = arith.constant 0 : i32
    %dma_wait3A_62 = arith.constant 0 : i32
    %dma_wait3A_63 = tpu.memref_slice %dma_wait3A_60[%dma_wait3A_61, %dma_wait3A_62] : memref<1000x32xf32, #tpu.memory_space<vmem>> -> memref<1000x32xf32, #tpu.memory_space<vmem>>
    %dma_wait3A_64 = arith.constant 0 : i32
    %dma_wait3A_65 = tpu.memref_slice %arg2[%mul3A_13, %dma_wait3A_64] : memref<160000x32xf32, #tpu.memory_space<hbm>> -> memref<1000x32xf32, #tpu.memory_space<hbm>>
    %dma_wait3A_66 = arith.constant 0 : i32
    %dma_wait3A_67 = arith.constant 0 : i32
    %dma_wait3A_68 = tpu.memref_slice %arg7[%dma_wait3A, %dma_wait3A_66, %dma_wait3A_67] : memref<2x1000x32xf32, #tpu.memory_space<vmem>> -> memref<1x1000x32xf32, #tpu.memory_space<vmem>>
    %dma_wait3A_69 = tpu.memref_squeeze %dma_wait3A_68 : memref<1x1000x32xf32, #tpu.memory_space<vmem>> -> memref<1000x32xf32, #tpu.memory_space<vmem>>
    %dma_wait3A_70 = arith.constant 0 : i32
    %dma_wait3A_71 = arith.constant 0 : i32
    %dma_wait3A_72 = tpu.memref_slice %dma_wait3A_69[%dma_wait3A_70, %dma_wait3A_71] : memref<1000x32xf32, #tpu.memory_space<vmem>> -> memref<1000x32xf32, #tpu.memory_space<vmem>>
    %dma_wait3A_73 = arith.constant 0 : i32
    %dma_wait3A_74 = tpu.memref_slice %arg2[%mul3A_13, %dma_wait3A_73] : memref<160000x32xf32, #tpu.memory_space<hbm>> -> memref<1000x32xf32, #tpu.memory_space<hbm>>
    tpu.wait_dma2 semaphore(%arg9 : memref<!tpu.dma_semaphore, #tpu.memory_space<semaphore_mem>>) src(%dma_wait3A_74 : memref<1000x32xf32, #tpu.memory_space<hbm>>) dst(%dma_wait3A_72 : memref<1000x32xf32, #tpu.memory_space<vmem>>)
    %dma_start3A_75 = arith.constant 0 : i32
    %dma_start3A_76 = arith.constant 0 : i32
    %dma_start3A_77 = arith.constant 0 : i32
    %dma_start3A_78 = arith.constant 0 : i32
    %dma_start3A_79 = tpu.memref_slice %arg7[%dma_start3A_75, %dma_start3A_77, %dma_start3A_78] : memref<2x1000x32xf32, #tpu.memory_space<vmem>> -> memref<1x1000x32xf32, #tpu.memory_space<vmem>>
    %dma_start3A_80 = tpu.memref_squeeze %dma_start3A_79 : memref<1x1000x32xf32, #tpu.memory_space<vmem>> -> memref<1000x32xf32, #tpu.memory_space<vmem>>
    %dma_start3A_81 = arith.constant 0 : i32
    %dma_start3A_82 = arith.constant 0 : i32
    %dma_start3A_83 = tpu.memref_slice %dma_start3A_80[%dma_start3A_81, %dma_start3A_82] : memref<1000x32xf32, #tpu.memory_space<vmem>> -> memref<1000x32xf32, #tpu.memory_space<vmem>>
    %dma_start3A_84 = arith.constant 0 : i32
    %dma_start3A_85 = tpu.memref_slice %arg6[%dma_start3A_76, %dma_start3A_84] : memref<5x1000xi32, #tpu.memory_space<vmem>> -> memref<1x1000xi32, #tpu.memory_space<vmem>>
    %dma_start3A_86 = tpu.memref_squeeze %dma_start3A_85 : memref<1x1000xi32, #tpu.memory_space<vmem>> -> memref<1000xi32, #tpu.memory_space<vmem>>
    %dma_start3A_87 = arith.constant 0 : i32
    %dma_start3A_88 = arith.constant 0 : i32
    %dma_start3A_89 = tpu.memref_slice %arg8[%dma_start3A_87, %dma_start3A_88] : memref<10016x32xf32, #tpu.memory_space<vmem_shared>> -> memref<10016x32xf32, #tpu.memory_space<vmem_shared>>
    tpu.enqueue_indirect_dma source(%dma_start3A_83 : memref<1000x32xf32, #tpu.memory_space<vmem>>) target(%dma_start3A_89 : memref<10016x32xf32, #tpu.memory_space<vmem_shared>>) offsets(%dma_start3A_86 : memref<1000xi32, #tpu.memory_space<vmem>>) semaphore(%arg11 : memref<!tpu.dma_semaphore, #tpu.memory_space<semaphore_mem>>) {add = true}
    %dma_wait3A_90 = arith.constant 0 : i32
    %dma_wait3A_91 = arith.constant 0 : i32
    %dma_wait3A_92 = arith.constant 0 : i32
    %dma_wait3A_93 = arith.constant 0 : i32
    %dma_wait3A_94 = tpu.memref_slice %arg7[%dma_wait3A_90, %dma_wait3A_92, %dma_wait3A_93] : memref<2x1000x32xf32, #tpu.memory_space<vmem>> -> memref<1x1000x32xf32, #tpu.memory_space<vmem>>
    %dma_wait3A_95 = tpu.memref_squeeze %dma_wait3A_94 : memref<1x1000x32xf32, #tpu.memory_space<vmem>> -> memref<1000x32xf32, #tpu.memory_space<vmem>>
    %dma_wait3A_96 = arith.constant 0 : i32
    %dma_wait3A_97 = arith.constant 0 : i32
    %dma_wait3A_98 = tpu.memref_slice %dma_wait3A_95[%dma_wait3A_96, %dma_wait3A_97] : memref<1000x32xf32, #tpu.memory_space<vmem>> -> memref<1000x32xf32, #tpu.memory_space<vmem>>
    %dma_wait3A_99 = arith.constant 0 : i32
    %dma_wait3A_100 = tpu.memref_slice %arg6[%dma_wait3A_91, %dma_wait3A_99] : memref<5x1000xi32, #tpu.memory_space<vmem>> -> memref<1x1000xi32, #tpu.memory_space<vmem>>
    %dma_wait3A_101 = tpu.memref_squeeze %dma_wait3A_100 : memref<1x1000xi32, #tpu.memory_space<vmem>> -> memref<1000xi32, #tpu.memory_space<vmem>>
    %dma_wait3A_102 = arith.constant 0 : i32
    %dma_wait3A_103 = arith.constant 0 : i32
    %dma_wait3A_104 = tpu.memref_slice %arg8[%dma_wait3A_102, %dma_wait3A_103] : memref<10016x32xf32, #tpu.memory_space<vmem_shared>> -> memref<10016x32xf32, #tpu.memory_space<vmem_shared>>
    tpu.wait_indirect_dma semaphore(%arg11 : memref<!tpu.dma_semaphore, #tpu.memory_space<semaphore_mem>>) src(%dma_wait3A_98 : memref<1000x32xf32, #tpu.memory_space<vmem>>) dst(%dma_wait3A_104 : memref<10016x32xf32, #tpu.memory_space<vmem_shared>>)
    %mul3A_105 = arith.constant 5 : i32
    %mul3A_106 = arith.muli %add3A, %mul3A_105 : i32
    %add3A_107 = arith.constant 2 : i32
    %add3A_108 = arith.addi %mul3A_106, %add3A_107 : i32
    %mul3A_109 = arith.constant 1000 : i32
    %mul3A_110 = arith.muli %add3A_108, %mul3A_109 : i32
    %dma_start3A_111 = arith.constant 0 : i32
    %dma_start3A_112 = arith.constant 0 : i32
    %dma_start3A_113 = arith.constant 0 : i32
    %dma_start3A_114 = tpu.memref_slice %arg7[%dma_start3A_111, %dma_start3A_112, %dma_start3A_113] : memref<2x1000x32xf32, #tpu.memory_space<vmem>> -> memref<1x1000x32xf32, #tpu.memory_space<vmem>>
    %dma_start3A_115 = tpu.memref_squeeze %dma_start3A_114 : memref<1x1000x32xf32, #tpu.memory_space<vmem>> -> memref<1000x32xf32, #tpu.memory_space<vmem>>
    %dma_start3A_116 = arith.constant 0 : i32
    %dma_start3A_117 = arith.constant 0 : i32
    %dma_start3A_118 = tpu.memref_slice %dma_start3A_115[%dma_start3A_116, %dma_start3A_117] : memref<1000x32xf32, #tpu.memory_space<vmem>> -> memref<1000x32xf32, #tpu.memory_space<vmem>>
    %dma_start3A_119 = arith.constant 0 : i32
    %dma_start3A_120 = tpu.memref_slice %arg2[%mul3A_110, %dma_start3A_119] : memref<160000x32xf32, #tpu.memory_space<hbm>> -> memref<1000x32xf32, #tpu.memory_space<hbm>>
    %dma_start3A_121 = arith.constant 0 : i32
    %dma_start3A_122 = arith.constant 0 : i32
    %dma_start3A_123 = tpu.memref_slice %arg7[%dma_start3A_111, %dma_start3A_121, %dma_start3A_122] : memref<2x1000x32xf32, #tpu.memory_space<vmem>> -> memref<1x1000x32xf32, #tpu.memory_space<vmem>>
    %dma_start3A_124 = tpu.memref_squeeze %dma_start3A_123 : memref<1x1000x32xf32, #tpu.memory_space<vmem>> -> memref<1000x32xf32, #tpu.memory_space<vmem>>
    %dma_start3A_125 = arith.constant 0 : i32
    %dma_start3A_126 = arith.constant 0 : i32
    %dma_start3A_127 = tpu.memref_slice %dma_start3A_124[%dma_start3A_125, %dma_start3A_126] : memref<1000x32xf32, #tpu.memory_space<vmem>> -> memref<1000x32xf32, #tpu.memory_space<vmem>>
    %dma_start3A_128 = arith.constant 0 : i32
    %dma_start3A_129 = tpu.memref_slice %arg2[%mul3A_110, %dma_start3A_128] : memref<160000x32xf32, #tpu.memory_space<hbm>> -> memref<1000x32xf32, #tpu.memory_space<hbm>>
    tpu.enqueue_dma source(%dma_start3A_129 : memref<1000x32xf32, #tpu.memory_space<hbm>>) target(%dma_start3A_127 : memref<1000x32xf32, #tpu.memory_space<vmem>>) target_semaphore(%arg9 : memref<!tpu.dma_semaphore, #tpu.memory_space<semaphore_mem>>)
    %dma_wait3A_130 = arith.constant 1 : i32
    %dma_wait3A_131 = arith.constant 0 : i32
    %dma_wait3A_132 = arith.constant 0 : i32
    %dma_wait3A_133 = tpu.memref_slice %arg7[%dma_wait3A_130, %dma_wait3A_131, %dma_wait3A_132] : memref<2x1000x32xf32, #tpu.memory_space<vmem>> -> memref<1x1000x32xf32, #tpu.memory_space<vmem>>
    %dma_wait3A_134 = tpu.memref_squeeze %dma_wait3A_133 : memref<1x1000x32xf32, #tpu.memory_space<vmem>> -> memref<1000x32xf32, #tpu.memory_space<vmem>>
    %dma_wait3A_135 = arith.constant 0 : i32
    %dma_wait3A_136 = arith.constant 0 : i32
    %dma_wait3A_137 = tpu.memref_slice %dma_wait3A_134[%dma_wait3A_135, %dma_wait3A_136] : memref<1000x32xf32, #tpu.memory_space<vmem>> -> memref<1000x32xf32, #tpu.memory_space<vmem>>
    %dma_wait3A_138 = arith.constant 0 : i32
    %dma_wait3A_139 = tpu.memref_slice %arg2[%mul3A_37, %dma_wait3A_138] : memref<160000x32xf32, #tpu.memory_space<hbm>> -> memref<1000x32xf32, #tpu.memory_space<hbm>>
    %dma_wait3A_140 = arith.constant 0 : i32
    %dma_wait3A_141 = arith.constant 0 : i32
    %dma_wait3A_142 = tpu.memref_slice %arg7[%dma_wait3A_130, %dma_wait3A_140, %dma_wait3A_141] : memref<2x1000x32xf32, #tpu.memory_space<vmem>> -> memref<1x1000x32xf32, #tpu.memory_space<vmem>>
    %dma_wait3A_143 = tpu.memref_squeeze %dma_wait3A_142 : memref<1x1000x32xf32, #tpu.memory_space<vmem>> -> memref<1000x32xf32, #tpu.memory_space<vmem>>
    %dma_wait3A_144 = arith.constant 0 : i32
    %dma_wait3A_145 = arith.constant 0 : i32
    %dma_wait3A_146 = tpu.memref_slice %dma_wait3A_143[%dma_wait3A_144, %dma_wait3A_145] : memref<1000x32xf32, #tpu.memory_space<vmem>> -> memref<1000x32xf32, #tpu.memory_space<vmem>>
    %dma_wait3A_147 = arith.constant 0 : i32
    %dma_wait3A_148 = tpu.memref_slice %arg2[%mul3A_37, %dma_wait3A_147] : memref<160000x32xf32, #tpu.memory_space<hbm>> -> memref<1000x32xf32, #tpu.memory_space<hbm>>
    tpu.wait_dma2 semaphore(%arg10 : memref<!tpu.dma_semaphore, #tpu.memory_space<semaphore_mem>>) src(%dma_wait3A_148 : memref<1000x32xf32, #tpu.memory_space<hbm>>) dst(%dma_wait3A_146 : memref<1000x32xf32, #tpu.memory_space<vmem>>)
    %dma_start3A_149 = arith.constant 1 : i32
    %dma_start3A_150 = arith.constant 1 : i32
    %dma_start3A_151 = arith.constant 0 : i32
    %dma_start3A_152 = arith.constant 0 : i32
    %dma_start3A_153 = tpu.memref_slice %arg7[%dma_start3A_149, %dma_start3A_151, %dma_start3A_152] : memref<2x1000x32xf32, #tpu.memory_space<vmem>> -> memref<1x1000x32xf32, #tpu.memory_space<vmem>>
    %dma_start3A_154 = tpu.memref_squeeze %dma_start3A_153 : memref<1x1000x32xf32, #tpu.memory_space<vmem>> -> memref<1000x32xf32, #tpu.memory_space<vmem>>
    %dma_start3A_155 = arith.constant 0 : i32
    %dma_start3A_156 = arith.constant 0 : i32
    %dma_start3A_157 = tpu.memref_slice %dma_start3A_154[%dma_start3A_155, %dma_start3A_156] : memref<1000x32xf32, #tpu.memory_space<vmem>> -> memref<1000x32xf32, #tpu.memory_space<vmem>>
    %dma_start3A_158 = arith.constant 0 : i32
    %dma_start3A_159 = tpu.memref_slice %arg6[%dma_start3A_150, %dma_start3A_158] : memref<5x1000xi32, #tpu.memory_space<vmem>> -> memref<1x1000xi32, #tpu.memory_space<vmem>>
    %dma_start3A_160 = tpu.memref_squeeze %dma_start3A_159 : memref<1x1000xi32, #tpu.memory_space<vmem>> -> memref<1000xi32, #tpu.memory_space<vmem>>
    %dma_start3A_161 = arith.constant 0 : i32
    %dma_start3A_162 = arith.constant 0 : i32
    %dma_start3A_163 = tpu.memref_slice %arg8[%dma_start3A_161, %dma_start3A_162] : memref<10016x32xf32, #tpu.memory_space<vmem_shared>> -> memref<10016x32xf32, #tpu.memory_space<vmem_shared>>
    tpu.enqueue_indirect_dma source(%dma_start3A_157 : memref<1000x32xf32, #tpu.memory_space<vmem>>) target(%dma_start3A_163 : memref<10016x32xf32, #tpu.memory_space<vmem_shared>>) offsets(%dma_start3A_160 : memref<1000xi32, #tpu.memory_space<vmem>>) semaphore(%arg12 : memref<!tpu.dma_semaphore, #tpu.memory_space<semaphore_mem>>) {add = true}
    %dma_wait3A_164 = arith.constant 1 : i32
    %dma_wait3A_165 = arith.constant 1 : i32
    %dma_wait3A_166 = arith.constant 0 : i32
    %dma_wait3A_167 = arith.constant 0 : i32
    %dma_wait3A_168 = tpu.memref_slice %arg7[%dma_wait3A_164, %dma_wait3A_166, %dma_wait3A_167] : memref<2x1000x32xf32, #tpu.memory_space<vmem>> -> memref<1x1000x32xf32, #tpu.memory_space<vmem>>
    %dma_wait3A_169 = tpu.memref_squeeze %dma_wait3A_168 : memref<1x1000x32xf32, #tpu.memory_space<vmem>> -> memref<1000x32xf32, #tpu.memory_space<vmem>>
    %dma_wait3A_170 = arith.constant 0 : i32
    %dma_wait3A_171 = arith.constant 0 : i32
    %dma_wait3A_172 = tpu.memref_slice %dma_wait3A_169[%dma_wait3A_170, %dma_wait3A_171] : memref<1000x32xf32, #tpu.memory_space<vmem>> -> memref<1000x32xf32, #tpu.memory_space<vmem>>
    %dma_wait3A_173 = arith.constant 0 : i32
    %dma_wait3A_174 = tpu.memref_slice %arg6[%dma_wait3A_165, %dma_wait3A_173] : memref<5x1000xi32, #tpu.memory_space<vmem>> -> memref<1x1000xi32, #tpu.memory_space<vmem>>
    %dma_wait3A_175 = tpu.memref_squeeze %dma_wait3A_174 : memref<1x1000xi32, #tpu.memory_space<vmem>> -> memref<1000xi32, #tpu.memory_space<vmem>>
    %dma_wait3A_176 = arith.constant 0 : i32
    %dma_wait3A_177 = arith.constant 0 : i32
    %dma_wait3A_178 = tpu.memref_slice %arg8[%dma_wait3A_176, %dma_wait3A_177] : memref<10016x32xf32, #tpu.memory_space<vmem_shared>> -> memref<10016x32xf32, #tpu.memory_space<vmem_shared>>
    tpu.wait_indirect_dma semaphore(%arg12 : memref<!tpu.dma_semaphore, #tpu.memory_space<semaphore_mem>>) src(%dma_wait3A_172 : memref<1000x32xf32, #tpu.memory_space<vmem>>) dst(%dma_wait3A_178 : memref<10016x32xf32, #tpu.memory_space<vmem_shared>>)
    %mul3A_179 = arith.constant 5 : i32
    %mul3A_180 = arith.muli %add3A, %mul3A_179 : i32
    %add3A_181 = arith.constant 3 : i32
    %add3A_182 = arith.addi %mul3A_180, %add3A_181 : i32
    %mul3A_183 = arith.constant 1000 : i32
    %mul3A_184 = arith.muli %add3A_182, %mul3A_183 : i32
    %dma_start3A_185 = arith.constant 1 : i32
    %dma_start3A_186 = arith.constant 0 : i32
    %dma_start3A_187 = arith.constant 0 : i32
    %dma_start3A_188 = tpu.memref_slice %arg7[%dma_start3A_185, %dma_start3A_186, %dma_start3A_187] : memref<2x1000x32xf32, #tpu.memory_space<vmem>> -> memref<1x1000x32xf32, #tpu.memory_space<vmem>>
    %dma_start3A_189 = tpu.memref_squeeze %dma_start3A_188 : memref<1x1000x32xf32, #tpu.memory_space<vmem>> -> memref<1000x32xf32, #tpu.memory_space<vmem>>
    %dma_start3A_190 = arith.constant 0 : i32
    %dma_start3A_191 = arith.constant 0 : i32
    %dma_start3A_192 = tpu.memref_slice %dma_start3A_189[%dma_start3A_190, %dma_start3A_191] : memref<1000x32xf32, #tpu.memory_space<vmem>> -> memref<1000x32xf32, #tpu.memory_space<vmem>>
    %dma_start3A_193 = arith.constant 0 : i32
    %dma_start3A_194 = tpu.memref_slice %arg2[%mul3A_184, %dma_start3A_193] : memref<160000x32xf32, #tpu.memory_space<hbm>> -> memref<1000x32xf32, #tpu.memory_space<hbm>>
    %dma_start3A_195 = arith.constant 0 : i32
    %dma_start3A_196 = arith.constant 0 : i32
    %dma_start3A_197 = tpu.memref_slice %arg7[%dma_start3A_185, %dma_start3A_195, %dma_start3A_196] : memref<2x1000x32xf32, #tpu.memory_space<vmem>> -> memref<1x1000x32xf32, #tpu.memory_space<vmem>>
    %dma_start3A_198 = tpu.memref_squeeze %dma_start3A_197 : memref<1x1000x32xf32, #tpu.memory_space<vmem>> -> memref<1000x32xf32, #tpu.memory_space<vmem>>
    %dma_start3A_199 = arith.constant 0 : i32
    %dma_start3A_200 = arith.constant 0 : i32
    %dma_start3A_201 = tpu.memref_slice %dma_start3A_198[%dma_start3A_199, %dma_start3A_200] : memref<1000x32xf32, #tpu.memory_space<vmem>> -> memref<1000x32xf32, #tpu.memory_space<vmem>>
    %dma_start3A_202 = arith.constant 0 : i32
    %dma_start3A_203 = tpu.memref_slice %arg2[%mul3A_184, %dma_start3A_202] : memref<160000x32xf32, #tpu.memory_space<hbm>> -> memref<1000x32xf32, #tpu.memory_space<hbm>>
    tpu.enqueue_dma source(%dma_start3A_203 : memref<1000x32xf32, #tpu.memory_space<hbm>>) target(%dma_start3A_201 : memref<1000x32xf32, #tpu.memory_space<vmem>>) target_semaphore(%arg10 : memref<!tpu.dma_semaphore, #tpu.memory_space<semaphore_mem>>)
    %dma_wait3A_204 = arith.constant 0 : i32
    %dma_wait3A_205 = arith.constant 0 : i32
    %dma_wait3A_206 = arith.constant 0 : i32
    %dma_wait3A_207 = tpu.memref_slice %arg7[%dma_wait3A_204, %dma_wait3A_205, %dma_wait3A_206] : memref<2x1000x32xf32, #tpu.memory_space<vmem>> -> memref<1x1000x32xf32, #tpu.memory_space<vmem>>
    %dma_wait3A_208 = tpu.memref_squeeze %dma_wait3A_207 : memref<1x1000x32xf32, #tpu.memory_space<vmem>> -> memref<1000x32xf32, #tpu.memory_space<vmem>>
    %dma_wait3A_209 = arith.constant 0 : i32
    %dma_wait3A_210 = arith.constant 0 : i32
    %dma_wait3A_211 = tpu.memref_slice %dma_wait3A_208[%dma_wait3A_209, %dma_wait3A_210] : memref<1000x32xf32, #tpu.memory_space<vmem>> -> memref<1000x32xf32, #tpu.memory_space<vmem>>
    %dma_wait3A_212 = arith.constant 0 : i32
    %dma_wait3A_213 = tpu.memref_slice %arg2[%mul3A_110, %dma_wait3A_212] : memref<160000x32xf32, #tpu.memory_space<hbm>> -> memref<1000x32xf32, #tpu.memory_space<hbm>>
    %dma_wait3A_214 = arith.constant 0 : i32
    %dma_wait3A_215 = arith.constant 0 : i32
    %dma_wait3A_216 = tpu.memref_slice %arg7[%dma_wait3A_204, %dma_wait3A_214, %dma_wait3A_215] : memref<2x1000x32xf32, #tpu.memory_space<vmem>> -> memref<1x1000x32xf32, #tpu.memory_space<vmem>>
    %dma_wait3A_217 = tpu.memref_squeeze %dma_wait3A_216 : memref<1x1000x32xf32, #tpu.memory_space<vmem>> -> memref<1000x32xf32, #tpu.memory_space<vmem>>
    %dma_wait3A_218 = arith.constant 0 : i32
    %dma_wait3A_219 = arith.constant 0 : i32
    %dma_wait3A_220 = tpu.memref_slice %dma_wait3A_217[%dma_wait3A_218, %dma_wait3A_219] : memref<1000x32xf32, #tpu.memory_space<vmem>> -> memref<1000x32xf32, #tpu.memory_space<vmem>>
    %dma_wait3A_221 = arith.constant 0 : i32
    %dma_wait3A_222 = tpu.memref_slice %arg2[%mul3A_110, %dma_wait3A_221] : memref<160000x32xf32, #tpu.memory_space<hbm>> -> memref<1000x32xf32, #tpu.memory_space<hbm>>
    tpu.wait_dma2 semaphore(%arg9 : memref<!tpu.dma_semaphore, #tpu.memory_space<semaphore_mem>>) src(%dma_wait3A_222 : memref<1000x32xf32, #tpu.memory_space<hbm>>) dst(%dma_wait3A_220 : memref<1000x32xf32, #tpu.memory_space<vmem>>)
    %dma_start3A_223 = arith.constant 0 : i32
    %dma_start3A_224 = arith.constant 2 : i32
    %dma_start3A_225 = arith.constant 0 : i32
    %dma_start3A_226 = arith.constant 0 : i32
    %dma_start3A_227 = tpu.memref_slice %arg7[%dma_start3A_223, %dma_start3A_225, %dma_start3A_226] : memref<2x1000x32xf32, #tpu.memory_space<vmem>> -> memref<1x1000x32xf32, #tpu.memory_space<vmem>>
    %dma_start3A_228 = tpu.memref_squeeze %dma_start3A_227 : memref<1x1000x32xf32, #tpu.memory_space<vmem>> -> memref<1000x32xf32, #tpu.memory_space<vmem>>
    %dma_start3A_229 = arith.constant 0 : i32
    %dma_start3A_230 = arith.constant 0 : i32
    %dma_start3A_231 = tpu.memref_slice %dma_start3A_228[%dma_start3A_229, %dma_start3A_230] : memref<1000x32xf32, #tpu.memory_space<vmem>> -> memref<1000x32xf32, #tpu.memory_space<vmem>>
    %dma_start3A_232 = arith.constant 0 : i32
    %dma_start3A_233 = tpu.memref_slice %arg6[%dma_start3A_224, %dma_start3A_232] : memref<5x1000xi32, #tpu.memory_space<vmem>> -> memref<1x1000xi32, #tpu.memory_space<vmem>>
    %dma_start3A_234 = tpu.memref_squeeze %dma_start3A_233 : memref<1x1000xi32, #tpu.memory_space<vmem>> -> memref<1000xi32, #tpu.memory_space<vmem>>
    %dma_start3A_235 = arith.constant 0 : i32
    %dma_start3A_236 = arith.constant 0 : i32
    %dma_start3A_237 = tpu.memref_slice %arg8[%dma_start3A_235, %dma_start3A_236] : memref<10016x32xf32, #tpu.memory_space<vmem_shared>> -> memref<10016x32xf32, #tpu.memory_space<vmem_shared>>
    tpu.enqueue_indirect_dma source(%dma_start3A_231 : memref<1000x32xf32, #tpu.memory_space<vmem>>) target(%dma_start3A_237 : memref<10016x32xf32, #tpu.memory_space<vmem_shared>>) offsets(%dma_start3A_234 : memref<1000xi32, #tpu.memory_space<vmem>>) semaphore(%arg11 : memref<!tpu.dma_semaphore, #tpu.memory_space<semaphore_mem>>) {add = true}
    %dma_wait3A_238 = arith.constant 0 : i32
    %dma_wait3A_239 = arith.constant 2 : i32
    %dma_wait3A_240 = arith.constant 0 : i32
    %dma_wait3A_241 = arith.constant 0 : i32
    %dma_wait3A_242 = tpu.memref_slice %arg7[%dma_wait3A_238, %dma_wait3A_240, %dma_wait3A_241] : memref<2x1000x32xf32, #tpu.memory_space<vmem>> -> memref<1x1000x32xf32, #tpu.memory_space<vmem>>
    %dma_wait3A_243 = tpu.memref_squeeze %dma_wait3A_242 : memref<1x1000x32xf32, #tpu.memory_space<vmem>> -> memref<1000x32xf32, #tpu.memory_space<vmem>>
    %dma_wait3A_244 = arith.constant 0 : i32
    %dma_wait3A_245 = arith.constant 0 : i32
    %dma_wait3A_246 = tpu.memref_slice %dma_wait3A_243[%dma_wait3A_244, %dma_wait3A_245] : memref<1000x32xf32, #tpu.memory_space<vmem>> -> memref<1000x32xf32, #tpu.memory_space<vmem>>
    %dma_wait3A_247 = arith.constant 0 : i32
    %dma_wait3A_248 = tpu.memref_slice %arg6[%dma_wait3A_239, %dma_wait3A_247] : memref<5x1000xi32, #tpu.memory_space<vmem>> -> memref<1x1000xi32, #tpu.memory_space<vmem>>
    %dma_wait3A_249 = tpu.memref_squeeze %dma_wait3A_248 : memref<1x1000xi32, #tpu.memory_space<vmem>> -> memref<1000xi32, #tpu.memory_space<vmem>>
    %dma_wait3A_250 = arith.constant 0 : i32
    %dma_wait3A_251 = arith.constant 0 : i32
    %dma_wait3A_252 = tpu.memref_slice %arg8[%dma_wait3A_250, %dma_wait3A_251] : memref<10016x32xf32, #tpu.memory_space<vmem_shared>> -> memref<10016x32xf32, #tpu.memory_space<vmem_shared>>
    tpu.wait_indirect_dma semaphore(%arg11 : memref<!tpu.dma_semaphore, #tpu.memory_space<semaphore_mem>>) src(%dma_wait3A_246 : memref<1000x32xf32, #tpu.memory_space<vmem>>) dst(%dma_wait3A_252 : memref<10016x32xf32, #tpu.memory_space<vmem_shared>>)
    %mul3A_253 = arith.constant 5 : i32
    %mul3A_254 = arith.muli %add3A, %mul3A_253 : i32
    %add3A_255 = arith.constant 4 : i32
    %add3A_256 = arith.addi %mul3A_254, %add3A_255 : i32
    %mul3A_257 = arith.constant 1000 : i32
    %mul3A_258 = arith.muli %add3A_256, %mul3A_257 : i32
    %dma_start3A_259 = arith.constant 0 : i32
    %dma_start3A_260 = arith.constant 0 : i32
    %dma_start3A_261 = arith.constant 0 : i32
    %dma_start3A_262 = tpu.memref_slice %arg7[%dma_start3A_259, %dma_start3A_260, %dma_start3A_261] : memref<2x1000x32xf32, #tpu.memory_space<vmem>> -> memref<1x1000x32xf32, #tpu.memory_space<vmem>>
    %dma_start3A_263 = tpu.memref_squeeze %dma_start3A_262 : memref<1x1000x32xf32, #tpu.memory_space<vmem>> -> memref<1000x32xf32, #tpu.memory_space<vmem>>
    %dma_start3A_264 = arith.constant 0 : i32
    %dma_start3A_265 = arith.constant 0 : i32
    %dma_start3A_266 = tpu.memref_slice %dma_start3A_263[%dma_start3A_264, %dma_start3A_265] : memref<1000x32xf32, #tpu.memory_space<vmem>> -> memref<1000x32xf32, #tpu.memory_space<vmem>>
    %dma_start3A_267 = arith.constant 0 : i32
    %dma_start3A_268 = tpu.memref_slice %arg2[%mul3A_258, %dma_start3A_267] : memref<160000x32xf32, #tpu.memory_space<hbm>> -> memref<1000x32xf32, #tpu.memory_space<hbm>>
    %dma_start3A_269 = arith.constant 0 : i32
    %dma_start3A_270 = arith.constant 0 : i32
    %dma_start3A_271 = tpu.memref_slice %arg7[%dma_start3A_259, %dma_start3A_269, %dma_start3A_270] : memref<2x1000x32xf32, #tpu.memory_space<vmem>> -> memref<1x1000x32xf32, #tpu.memory_space<vmem>>
    %dma_start3A_272 = tpu.memref_squeeze %dma_start3A_271 : memref<1x1000x32xf32, #tpu.memory_space<vmem>> -> memref<1000x32xf32, #tpu.memory_space<vmem>>
    %dma_start3A_273 = arith.constant 0 : i32
    %dma_start3A_274 = arith.constant 0 : i32
    %dma_start3A_275 = tpu.memref_slice %dma_start3A_272[%dma_start3A_273, %dma_start3A_274] : memref<1000x32xf32, #tpu.memory_space<vmem>> -> memref<1000x32xf32, #tpu.memory_space<vmem>>
    %dma_start3A_276 = arith.constant 0 : i32
    %dma_start3A_277 = tpu.memref_slice %arg2[%mul3A_258, %dma_start3A_276] : memref<160000x32xf32, #tpu.memory_space<hbm>> -> memref<1000x32xf32, #tpu.memory_space<hbm>>
    tpu.enqueue_dma source(%dma_start3A_277 : memref<1000x32xf32, #tpu.memory_space<hbm>>) target(%dma_start3A_275 : memref<1000x32xf32, #tpu.memory_space<vmem>>) target_semaphore(%arg9 : memref<!tpu.dma_semaphore, #tpu.memory_space<semaphore_mem>>)
    %dma_wait3A_278 = arith.constant 1 : i32
    %dma_wait3A_279 = arith.constant 0 : i32
    %dma_wait3A_280 = arith.constant 0 : i32
    %dma_wait3A_281 = tpu.memref_slice %arg7[%dma_wait3A_278, %dma_wait3A_279, %dma_wait3A_280] : memref<2x1000x32xf32, #tpu.memory_space<vmem>> -> memref<1x1000x32xf32, #tpu.memory_space<vmem>>
    %dma_wait3A_282 = tpu.memref_squeeze %dma_wait3A_281 : memref<1x1000x32xf32, #tpu.memory_space<vmem>> -> memref<1000x32xf32, #tpu.memory_space<vmem>>
    %dma_wait3A_283 = arith.constant 0 : i32
    %dma_wait3A_284 = arith.constant 0 : i32
    %dma_wait3A_285 = tpu.memref_slice %dma_wait3A_282[%dma_wait3A_283, %dma_wait3A_284] : memref<1000x32xf32, #tpu.memory_space<vmem>> -> memref<1000x32xf32, #tpu.memory_space<vmem>>
    %dma_wait3A_286 = arith.constant 0 : i32
    %dma_wait3A_287 = tpu.memref_slice %arg2[%mul3A_184, %dma_wait3A_286] : memref<160000x32xf32, #tpu.memory_space<hbm>> -> memref<1000x32xf32, #tpu.memory_space<hbm>>
    %dma_wait3A_288 = arith.constant 0 : i32
    %dma_wait3A_289 = arith.constant 0 : i32
    %dma_wait3A_290 = tpu.memref_slice %arg7[%dma_wait3A_278, %dma_wait3A_288, %dma_wait3A_289] : memref<2x1000x32xf32, #tpu.memory_space<vmem>> -> memref<1x1000x32xf32, #tpu.memory_space<vmem>>
    %dma_wait3A_291 = tpu.memref_squeeze %dma_wait3A_290 : memref<1x1000x32xf32, #tpu.memory_space<vmem>> -> memref<1000x32xf32, #tpu.memory_space<vmem>>
    %dma_wait3A_292 = arith.constant 0 : i32
    %dma_wait3A_293 = arith.constant 0 : i32
    %dma_wait3A_294 = tpu.memref_slice %dma_wait3A_291[%dma_wait3A_292, %dma_wait3A_293] : memref<1000x32xf32, #tpu.memory_space<vmem>> -> memref<1000x32xf32, #tpu.memory_space<vmem>>
    %dma_wait3A_295 = arith.constant 0 : i32
    %dma_wait3A_296 = tpu.memref_slice %arg2[%mul3A_184, %dma_wait3A_295] : memref<160000x32xf32, #tpu.memory_space<hbm>> -> memref<1000x32xf32, #tpu.memory_space<hbm>>
    tpu.wait_dma2 semaphore(%arg10 : memref<!tpu.dma_semaphore, #tpu.memory_space<semaphore_mem>>) src(%dma_wait3A_296 : memref<1000x32xf32, #tpu.memory_space<hbm>>) dst(%dma_wait3A_294 : memref<1000x32xf32, #tpu.memory_space<vmem>>)
    %dma_start3A_297 = arith.constant 1 : i32
    %dma_start3A_298 = arith.constant 3 : i32
    %dma_start3A_299 = arith.constant 0 : i32
    %dma_start3A_300 = arith.constant 0 : i32
    %dma_start3A_301 = tpu.memref_slice %arg7[%dma_start3A_297, %dma_start3A_299, %dma_start3A_300] : memref<2x1000x32xf32, #tpu.memory_space<vmem>> -> memref<1x1000x32xf32, #tpu.memory_space<vmem>>
    %dma_start3A_302 = tpu.memref_squeeze %dma_start3A_301 : memref<1x1000x32xf32, #tpu.memory_space<vmem>> -> memref<1000x32xf32, #tpu.memory_space<vmem>>
    %dma_start3A_303 = arith.constant 0 : i32
    %dma_start3A_304 = arith.constant 0 : i32
    %dma_start3A_305 = tpu.memref_slice %dma_start3A_302[%dma_start3A_303, %dma_start3A_304] : memref<1000x32xf32, #tpu.memory_space<vmem>> -> memref<1000x32xf32, #tpu.memory_space<vmem>>
    %dma_start3A_306 = arith.constant 0 : i32
    %dma_start3A_307 = tpu.memref_slice %arg6[%dma_start3A_298, %dma_start3A_306] : memref<5x1000xi32, #tpu.memory_space<vmem>> -> memref<1x1000xi32, #tpu.memory_space<vmem>>
    %dma_start3A_308 = tpu.memref_squeeze %dma_start3A_307 : memref<1x1000xi32, #tpu.memory_space<vmem>> -> memref<1000xi32, #tpu.memory_space<vmem>>
    %dma_start3A_309 = arith.constant 0 : i32
    %dma_start3A_310 = arith.constant 0 : i32
    %dma_start3A_311 = tpu.memref_slice %arg8[%dma_start3A_309, %dma_start3A_310] : memref<10016x32xf32, #tpu.memory_space<vmem_shared>> -> memref<10016x32xf32, #tpu.memory_space<vmem_shared>>
    tpu.enqueue_indirect_dma source(%dma_start3A_305 : memref<1000x32xf32, #tpu.memory_space<vmem>>) target(%dma_start3A_311 : memref<10016x32xf32, #tpu.memory_space<vmem_shared>>) offsets(%dma_start3A_308 : memref<1000xi32, #tpu.memory_space<vmem>>) semaphore(%arg12 : memref<!tpu.dma_semaphore, #tpu.memory_space<semaphore_mem>>) {add = true}
    %dma_wait3A_312 = arith.constant 0 : i32
    %dma_wait3A_313 = arith.constant 0 : i32
    %dma_wait3A_314 = arith.constant 0 : i32
    %dma_wait3A_315 = tpu.memref_slice %arg7[%dma_wait3A_312, %dma_wait3A_313, %dma_wait3A_314] : memref<2x1000x32xf32, #tpu.memory_space<vmem>> -> memref<1x1000x32xf32, #tpu.memory_space<vmem>>
    %dma_wait3A_316 = tpu.memref_squeeze %dma_wait3A_315 : memref<1x1000x32xf32, #tpu.memory_space<vmem>> -> memref<1000x32xf32, #tpu.memory_space<vmem>>
    %dma_wait3A_317 = arith.constant 0 : i32
    %dma_wait3A_318 = arith.constant 0 : i32
    %dma_wait3A_319 = tpu.memref_slice %dma_wait3A_316[%dma_wait3A_317, %dma_wait3A_318] : memref<1000x32xf32, #tpu.memory_space<vmem>> -> memref<1000x32xf32, #tpu.memory_space<vmem>>
    %dma_wait3A_320 = arith.constant 0 : i32
    %dma_wait3A_321 = tpu.memref_slice %arg2[%mul3A_258, %dma_wait3A_320] : memref<160000x32xf32, #tpu.memory_space<hbm>> -> memref<1000x32xf32, #tpu.memory_space<hbm>>
    %dma_wait3A_322 = arith.constant 0 : i32
    %dma_wait3A_323 = arith.constant 0 : i32
    %dma_wait3A_324 = tpu.memref_slice %arg7[%dma_wait3A_312, %dma_wait3A_322, %dma_wait3A_323] : memref<2x1000x32xf32, #tpu.memory_space<vmem>> -> memref<1x1000x32xf32, #tpu.memory_space<vmem>>
    %dma_wait3A_325 = tpu.memref_squeeze %dma_wait3A_324 : memref<1x1000x32xf32, #tpu.memory_space<vmem>> -> memref<1000x32xf32, #tpu.memory_space<vmem>>
    %dma_wait3A_326 = arith.constant 0 : i32
    %dma_wait3A_327 = arith.constant 0 : i32
    %dma_wait3A_328 = tpu.memref_slice %dma_wait3A_325[%dma_wait3A_326, %dma_wait3A_327] : memref<1000x32xf32, #tpu.memory_space<vmem>> -> memref<1000x32xf32, #tpu.memory_space<vmem>>
    %dma_wait3A_329 = arith.constant 0 : i32
    %dma_wait3A_330 = tpu.memref_slice %arg2[%mul3A_258, %dma_wait3A_329] : memref<160000x32xf32, #tpu.memory_space<hbm>> -> memref<1000x32xf32, #tpu.memory_space<hbm>>
    tpu.wait_dma2 semaphore(%arg9 : memref<!tpu.dma_semaphore, #tpu.memory_space<semaphore_mem>>) src(%dma_wait3A_330 : memref<1000x32xf32, #tpu.memory_space<hbm>>) dst(%dma_wait3A_328 : memref<1000x32xf32, #tpu.memory_space<vmem>>)
    %dma_start3A_331 = arith.constant 0 : i32
    %dma_start3A_332 = arith.constant 4 : i32
    %dma_start3A_333 = arith.constant 0 : i32
    %dma_start3A_334 = arith.constant 0 : i32
    %dma_start3A_335 = tpu.memref_slice %arg7[%dma_start3A_331, %dma_start3A_333, %dma_start3A_334] : memref<2x1000x32xf32, #tpu.memory_space<vmem>> -> memref<1x1000x32xf32, #tpu.memory_space<vmem>>
    %dma_start3A_336 = tpu.memref_squeeze %dma_start3A_335 : memref<1x1000x32xf32, #tpu.memory_space<vmem>> -> memref<1000x32xf32, #tpu.memory_space<vmem>>
    %dma_start3A_337 = arith.constant 0 : i32
    %dma_start3A_338 = arith.constant 0 : i32
    %dma_start3A_339 = tpu.memref_slice %dma_start3A_336[%dma_start3A_337, %dma_start3A_338] : memref<1000x32xf32, #tpu.memory_space<vmem>> -> memref<1000x32xf32, #tpu.memory_space<vmem>>
    %dma_start3A_340 = arith.constant 0 : i32
    %dma_start3A_341 = tpu.memref_slice %arg6[%dma_start3A_332, %dma_start3A_340] : memref<5x1000xi32, #tpu.memory_space<vmem>> -> memref<1x1000xi32, #tpu.memory_space<vmem>>
    %dma_start3A_342 = tpu.memref_squeeze %dma_start3A_341 : memref<1x1000xi32, #tpu.memory_space<vmem>> -> memref<1000xi32, #tpu.memory_space<vmem>>
    %dma_start3A_343 = arith.constant 0 : i32
    %dma_start3A_344 = arith.constant 0 : i32
    %dma_start3A_345 = tpu.memref_slice %arg8[%dma_start3A_343, %dma_start3A_344] : memref<10016x32xf32, #tpu.memory_space<vmem_shared>> -> memref<10016x32xf32, #tpu.memory_space<vmem_shared>>
    tpu.enqueue_indirect_dma source(%dma_start3A_339 : memref<1000x32xf32, #tpu.memory_space<vmem>>) target(%dma_start3A_345 : memref<10016x32xf32, #tpu.memory_space<vmem_shared>>) offsets(%dma_start3A_342 : memref<1000xi32, #tpu.memory_space<vmem>>) semaphore(%arg11 : memref<!tpu.dma_semaphore, #tpu.memory_space<semaphore_mem>>) {add = true}
    %dma_wait3A_346 = arith.constant 1 : i32
    %dma_wait3A_347 = arith.constant 3 : i32
    %dma_wait3A_348 = arith.constant 0 : i32
    %dma_wait3A_349 = arith.constant 0 : i32
    %dma_wait3A_350 = tpu.memref_slice %arg7[%dma_wait3A_346, %dma_wait3A_348, %dma_wait3A_349] : memref<2x1000x32xf32, #tpu.memory_space<vmem>> -> memref<1x1000x32xf32, #tpu.memory_space<vmem>>
    %dma_wait3A_351 = tpu.memref_squeeze %dma_wait3A_350 : memref<1x1000x32xf32, #tpu.memory_space<vmem>> -> memref<1000x32xf32, #tpu.memory_space<vmem>>
    %dma_wait3A_352 = arith.constant 0 : i32
    %dma_wait3A_353 = arith.constant 0 : i32
    %dma_wait3A_354 = tpu.memref_slice %dma_wait3A_351[%dma_wait3A_352, %dma_wait3A_353] : memref<1000x32xf32, #tpu.memory_space<vmem>> -> memref<1000x32xf32, #tpu.memory_space<vmem>>
    %dma_wait3A_355 = arith.constant 0 : i32
    %dma_wait3A_356 = tpu.memref_slice %arg6[%dma_wait3A_347, %dma_wait3A_355] : memref<5x1000xi32, #tpu.memory_space<vmem>> -> memref<1x1000xi32, #tpu.memory_space<vmem>>
    %dma_wait3A_357 = tpu.memref_squeeze %dma_wait3A_356 : memref<1x1000xi32, #tpu.memory_space<vmem>> -> memref<1000xi32, #tpu.memory_space<vmem>>
    %dma_wait3A_358 = arith.constant 0 : i32
    %dma_wait3A_359 = arith.constant 0 : i32
    %dma_wait3A_360 = tpu.memref_slice %arg8[%dma_wait3A_358, %dma_wait3A_359] : memref<10016x32xf32, #tpu.memory_space<vmem_shared>> -> memref<10016x32xf32, #tpu.memory_space<vmem_shared>>
    tpu.wait_indirect_dma semaphore(%arg12 : memref<!tpu.dma_semaphore, #tpu.memory_space<semaphore_mem>>) src(%dma_wait3A_354 : memref<1000x32xf32, #tpu.memory_space<vmem>>) dst(%dma_wait3A_360 : memref<10016x32xf32, #tpu.memory_space<vmem_shared>>)
    %dma_wait3A_361 = arith.constant 0 : i32
    %dma_wait3A_362 = arith.constant 4 : i32
    %dma_wait3A_363 = arith.constant 0 : i32
    %dma_wait3A_364 = arith.constant 0 : i32
    %dma_wait3A_365 = tpu.memref_slice %arg7[%dma_wait3A_361, %dma_wait3A_363, %dma_wait3A_364] : memref<2x1000x32xf32, #tpu.memory_space<vmem>> -> memref<1x1000x32xf32, #tpu.memory_space<vmem>>
    %dma_wait3A_366 = tpu.memref_squeeze %dma_wait3A_365 : memref<1x1000x32xf32, #tpu.memory_space<vmem>> -> memref<1000x32xf32, #tpu.memory_space<vmem>>
    %dma_wait3A_367 = arith.constant 0 : i32
    %dma_wait3A_368 = arith.constant 0 : i32
    %dma_wait3A_369 = tpu.memref_slice %dma_wait3A_366[%dma_wait3A_367, %dma_wait3A_368] : memref<1000x32xf32, #tpu.memory_space<vmem>> -> memref<1000x32xf32, #tpu.memory_space<vmem>>
    %dma_wait3A_370 = arith.constant 0 : i32
    %dma_wait3A_371 = tpu.memref_slice %arg6[%dma_wait3A_362, %dma_wait3A_370] : memref<5x1000xi32, #tpu.memory_space<vmem>> -> memref<1x1000xi32, #tpu.memory_space<vmem>>
    %dma_wait3A_372 = tpu.memref_squeeze %dma_wait3A_371 : memref<1x1000xi32, #tpu.memory_space<vmem>> -> memref<1000xi32, #tpu.memory_space<vmem>>
    %dma_wait3A_373 = arith.constant 0 : i32
    %dma_wait3A_374 = arith.constant 0 : i32
    %dma_wait3A_375 = tpu.memref_slice %arg8[%dma_wait3A_373, %dma_wait3A_374] : memref<10016x32xf32, #tpu.memory_space<vmem_shared>> -> memref<10016x32xf32, #tpu.memory_space<vmem_shared>>
    tpu.wait_indirect_dma semaphore(%arg11 : memref<!tpu.dma_semaphore, #tpu.memory_space<semaphore_mem>>) src(%dma_wait3A_369 : memref<1000x32xf32, #tpu.memory_space<vmem>>) dst(%dma_wait3A_375 : memref<10016x32xf32, #tpu.memory_space<vmem_shared>>)
    %barrier3A_376 = arith.constant 0 : index
    tpu.barrier barrier_id(%barrier3A_376)
    %mul3A_377 = arith.constant 625 : i32
    %mul3A_378 = arith.muli %arg1, %mul3A_377 : i32
    %mul3A_379 = arith.constant 10000 : i32
    %mul3A_380 = arith.muli %arg0, %mul3A_379 : i32
    %mul3A_381 = arith.constant 625 : i32
    %mul3A_382 = arith.muli %arg1, %mul3A_381 : i32
    %add3A_383 = arith.addi %mul3A_380, %mul3A_382 : i32
    "tpu.region"() ({
      %run_scoped3A_384 = tpu.sem_alloc : memref<!tpu.dma_semaphore, #tpu.memory_space<semaphore_mem>>
      %dma_start3A_385 = arith.constant 0 : i32
      %dma_start3A_386 = tpu.memref_slice %arg5[%add3A_383, %dma_start3A_385] : memref<20000x32xf32, #tpu.memory_space<hbm>> -> memref<625x32xf32, #tpu.memory_space<hbm>>
      %dma_start3A_387 = arith.constant 0 : i32
      %dma_start3A_388 = tpu.memref_slice %arg8[%mul3A_378, %dma_start3A_387] : memref<10016x32xf32, #tpu.memory_space<vmem_shared>> -> memref<625x32xf32, #tpu.memory_space<vmem_shared>>
      tpu.enqueue_dma source(%dma_start3A_388 : memref<625x32xf32, #tpu.memory_space<vmem_shared>>) target(%dma_start3A_386 : memref<625x32xf32, #tpu.memory_space<hbm>>) target_semaphore(%run_scoped3A_384 : memref<!tpu.dma_semaphore, #tpu.memory_space<semaphore_mem>>)
      %dma_wait3A_389 = arith.constant 0 : i32
      %dma_wait3A_390 = tpu.memref_slice %arg5[%add3A_383, %dma_wait3A_389] : memref<20000x32xf32, #tpu.memory_space<hbm>> -> memref<625x32xf32, #tpu.memory_space<hbm>>
      %dma_wait3A_391 = arith.constant 0 : i32
      %dma_wait3A_392 = tpu.memref_slice %arg8[%mul3A_378, %dma_wait3A_391] : memref<10016x32xf32, #tpu.memory_space<vmem_shared>> -> memref<625x32xf32, #tpu.memory_space<vmem_shared>>
      tpu.wait_dma2 semaphore(%run_scoped3A_384 : memref<!tpu.dma_semaphore, #tpu.memory_space<semaphore_mem>>) src(%dma_wait3A_392 : memref<625x32xf32, #tpu.memory_space<vmem_shared>>) dst(%dma_wait3A_390 : memref<625x32xf32, #tpu.memory_space<hbm>>)
      tpu.yield
    }) : () -> ()
    return
  }
}

module attributes {stable_mosaic.version = 14 : i64} {
  func.func @_encode_body(%arg0: memref<10000x1xi32, #tpu.memory_space<vmem>>, %arg1: memref<128x32xf32, #tpu.memory_space<vmem>>, %arg2: memref<32x32xf32, #tpu.memory_space<vmem>>, %arg3: memref<1x32xf32, #tpu.memory_space<vmem>>, %arg4: memref<32x32xf32, #tpu.memory_space<vmem>>, %arg5: memref<1x32xf32, #tpu.memory_space<vmem>>, %arg6: memref<10000x32xf32, #tpu.memory_space<vmem>>) attributes {dimension_semantics = [], scalar_prefetch = 0 : i64, scratch_operands = 0 : i64, tpu.core_type = #tpu.core_type<tc>} {
    %get3A = arith.constant 0 : index
    %get3A_0 = arith.constant 0 : index
    %get3A_1 = vector.load %arg0[%get3A, %get3A_0] : memref<10000x1xi32, #tpu.memory_space<vmem>>, vector<10000x1xi32>
    %iota3A = tpu.iota {dimensions = array<i32: 1>} : vector<10000x128xi32>
    %eq3A = vector.broadcast %get3A_1 : vector<10000x1xi32> to vector<10000x128xi32>
    %eq3A_2 = arith.cmpi eq, %eq3A, %iota3A : vector<10000x128xi32>
    %jit3A = arith.constant 1.000000e+00 : f32
    %jit3A_3 = arith.constant 0.000000e+00 : f32
    %broadcast_in_dim3A = vector.broadcast %jit3A : f32 to vector<10000x128xf32>
    %broadcast_in_dim3A_4 = vector.broadcast %jit3A_3 : f32 to vector<10000x128xf32>
    %select_n3A = arith.select %eq3A_2, %broadcast_in_dim3A, %broadcast_in_dim3A_4 : vector<10000x128xi1>, vector<10000x128xf32>
    %get3A_5 = arith.constant 0 : index
    %get3A_6 = arith.constant 0 : index
    %get3A_7 = vector.load %arg1[%get3A_5, %get3A_6] : memref<128x32xf32, #tpu.memory_space<vmem>>, vector<128x32xf32>
    %dot_general3A = arith.constant dense<0.000000e+00> : vector<10000x32xf32>
    %dot_general3A_8 = tpu.matmul %select_n3A, %get3A_7, %dot_general3A {dimension_numbers = #tpu.dot_dimension_numbers<[1], [0], [0], [1], [0, 0, 1, 1], [], []>, transpose_lhs_hint = false} : vector<10000x128xf32>, vector<128x32xf32>, vector<10000x32xf32> -> vector<10000x32xf32>
    %max3A = arith.constant 0.000000e+00 : f32
    %max3A_9 = vector.broadcast %max3A : f32 to vector<10000x32xf32>
    %max3A_10 = arith.maximumf %dot_general3A_8, %max3A_9 : vector<10000x32xf32>
    %get3A_11 = arith.constant 0 : index
    %get3A_12 = arith.constant 0 : index
    %get3A_13 = vector.load %arg2[%get3A_11, %get3A_12] : memref<32x32xf32, #tpu.memory_space<vmem>>, vector<32x32xf32>
    %dot_general3A_14 = arith.constant dense<0.000000e+00> : vector<10000x32xf32>
    %dot_general3A_15 = tpu.matmul %max3A_10, %get3A_13, %dot_general3A_14 {dimension_numbers = #tpu.dot_dimension_numbers<[1], [0], [0], [1], [0, 0, 1, 1], [], []>, transpose_lhs_hint = false} : vector<10000x32xf32>, vector<32x32xf32>, vector<10000x32xf32> -> vector<10000x32xf32>
    %get3A_16 = arith.constant 0 : index
    %get3A_17 = arith.constant 0 : index
    %get3A_18 = vector.load %arg3[%get3A_16, %get3A_17] : memref<1x32xf32, #tpu.memory_space<vmem>>, vector<1x32xf32>
    %add3A = vector.broadcast %get3A_18 : vector<1x32xf32> to vector<10000x32xf32>
    %add3A_19 = arith.addf %dot_general3A_15, %add3A : vector<10000x32xf32>
    %max3A_20 = arith.constant 0.000000e+00 : f32
    %max3A_21 = vector.broadcast %max3A_20 : f32 to vector<10000x32xf32>
    %max3A_22 = arith.maximumf %add3A_19, %max3A_21 : vector<10000x32xf32>
    %get3A_23 = arith.constant 0 : index
    %get3A_24 = arith.constant 0 : index
    %get3A_25 = vector.load %arg4[%get3A_23, %get3A_24] : memref<32x32xf32, #tpu.memory_space<vmem>>, vector<32x32xf32>
    %dot_general3A_26 = arith.constant dense<0.000000e+00> : vector<10000x32xf32>
    %dot_general3A_27 = tpu.matmul %max3A_22, %get3A_25, %dot_general3A_26 {dimension_numbers = #tpu.dot_dimension_numbers<[1], [0], [0], [1], [0, 0, 1, 1], [], []>, transpose_lhs_hint = false} : vector<10000x32xf32>, vector<32x32xf32>, vector<10000x32xf32> -> vector<10000x32xf32>
    %get3A_28 = arith.constant 0 : index
    %get3A_29 = arith.constant 0 : index
    %get3A_30 = vector.load %arg5[%get3A_28, %get3A_29] : memref<1x32xf32, #tpu.memory_space<vmem>>, vector<1x32xf32>
    %add3A_31 = vector.broadcast %get3A_30 : vector<1x32xf32> to vector<10000x32xf32>
    %add3A_32 = arith.addf %dot_general3A_27, %add3A_31 : vector<10000x32xf32>
    %max3A_33 = arith.constant 0.000000e+00 : f32
    %max3A_34 = vector.broadcast %max3A_33 : f32 to vector<10000x32xf32>
    %max3A_35 = arith.maximumf %add3A_32, %max3A_34 : vector<10000x32xf32>
    %swap3A = arith.constant 0 : index
    %swap3A_36 = arith.constant 0 : index
    %swap3A_37 = vector.load %arg6[%swap3A, %swap3A_36] : memref<10000x32xf32, #tpu.memory_space<vmem>>, vector<10000x32xf32>
    tpu.vector_store %arg6[%swap3A, %swap3A_36], %max3A_35 {strides = array<i32>} : memref<10000x32xf32, #tpu.memory_space<vmem>>, vector<10000x32xf32>,
    return
  }
}

module attributes {stable_mosaic.version = 14 : i64} {
  func.func @_r2_body(%arg0: i32, %arg1: memref<2000x64xf32, #tpu.memory_space<vmem>>, %arg2: memref<64x128xf32, #tpu.memory_space<vmem>>, %arg3: memref<1x128xf32, #tpu.memory_space<vmem>>, %arg4: memref<128x128xf32, #tpu.memory_space<vmem>>, %arg5: memref<1x128xf32, #tpu.memory_space<vmem>>, %arg6: memref<2000x128xf32, #tpu.memory_space<vmem>>) attributes {dimension_semantics = [#tpu.dimension_semantics<arbitrary>], iteration_bounds = array<i64: 20>, scalar_prefetch = 0 : i64, scratch_operands = 0 : i64, tpu.core_type = #tpu.core_type<tc>, window_params = [{transform_indices = @transform_0, window_bounds = array<i64: 2000, 64>}, {pipeline_mode = #tpu.pipeline_mode<synchronous>, transform_indices = @transform_1, window_bounds = array<i64: 64, 128>}, {pipeline_mode = #tpu.pipeline_mode<synchronous>, transform_indices = @transform_2, window_bounds = array<i64: 1, 128>}, {pipeline_mode = #tpu.pipeline_mode<synchronous>, transform_indices = @transform_3, window_bounds = array<i64: 128, 128>}, {pipeline_mode = #tpu.pipeline_mode<synchronous>, transform_indices = @transform_4, window_bounds = array<i64: 1, 128>}, {transform_indices = @transform_5, window_bounds = array<i64: 2000, 128>}]} {
    %get3A = arith.constant 0 : index
    %get3A_0 = arith.constant 0 : index
    %get3A_1 = vector.load %arg1[%get3A, %get3A_0] : memref<2000x64xf32, #tpu.memory_space<vmem>>, vector<2000x64xf32>
    %get3A_2 = arith.constant 0 : index
    %get3A_3 = arith.constant 0 : index
    %get3A_4 = vector.load %arg2[%get3A_2, %get3A_3] : memref<64x128xf32, #tpu.memory_space<vmem>>, vector<64x128xf32>
    %dot_general3A = arith.constant dense<0.000000e+00> : vector<2000x128xf32>
    %dot_general3A_5 = tpu.matmul %get3A_1, %get3A_4, %dot_general3A {dimension_numbers = #tpu.dot_dimension_numbers<[1], [0], [0], [1], [0, 0, 1, 1], [], []>, transpose_lhs_hint = false} : vector<2000x64xf32>, vector<64x128xf32>, vector<2000x128xf32> -> vector<2000x128xf32>
    %get3A_6 = arith.constant 0 : index
    %get3A_7 = arith.constant 0 : index
    %get3A_8 = vector.load %arg3[%get3A_6, %get3A_7] : memref<1x128xf32, #tpu.memory_space<vmem>>, vector<1x128xf32>
    %add3A = vector.broadcast %get3A_8 : vector<1x128xf32> to vector<2000x128xf32>
    %add3A_9 = arith.addf %dot_general3A_5, %add3A : vector<2000x128xf32>
    %get3A_10 = arith.constant 0 : index
    %get3A_11 = arith.constant 0 : index
    %get3A_12 = vector.load %arg4[%get3A_10, %get3A_11] : memref<128x128xf32, #tpu.memory_space<vmem>>, vector<128x128xf32>
    %dot_general3A_13 = arith.constant dense<0.000000e+00> : vector<2000x128xf32>
    %dot_general3A_14 = tpu.matmul %add3A_9, %get3A_12, %dot_general3A_13 {dimension_numbers = #tpu.dot_dimension_numbers<[1], [0], [0], [1], [0, 0, 1, 1], [], []>, transpose_lhs_hint = false} : vector<2000x128xf32>, vector<128x128xf32>, vector<2000x128xf32> -> vector<2000x128xf32>
    %get3A_15 = arith.constant 0 : index
    %get3A_16 = arith.constant 0 : index
    %get3A_17 = vector.load %arg5[%get3A_15, %get3A_16] : memref<1x128xf32, #tpu.memory_space<vmem>>, vector<1x128xf32>
    %add3A_18 = vector.broadcast %get3A_17 : vector<1x128xf32> to vector<2000x128xf32>
    %add3A_19 = arith.addf %dot_general3A_14, %add3A_18 : vector<2000x128xf32>
    %max3A = arith.constant 0.000000e+00 : f32
    %max3A_20 = vector.broadcast %max3A : f32 to vector<2000x128xf32>
    %max3A_21 = arith.maximumf %add3A_19, %max3A_20 : vector<2000x128xf32>
    %swap3A = arith.constant 0 : index
    %swap3A_22 = arith.constant 0 : index
    %swap3A_23 = vector.load %arg6[%swap3A, %swap3A_22] : memref<2000x128xf32, #tpu.memory_space<vmem>>, vector<2000x128xf32>
    tpu.vector_store %arg6[%swap3A, %swap3A_22], %max3A_21 {strides = array<i32>} : memref<2000x128xf32, #tpu.memory_space<vmem>>, vector<2000x128xf32>,
    return
  }
  func.func @transform_0(%arg0: i32) -> (i32, i32) {
    %c0_i32 = arith.constant 0 : i32
    %c0_i32_0 = arith.constant 0 : i32
    return %arg0, %c0_i32 : i32, i32
  }
  func.func @transform_1(%arg0: i32) -> (i32, i32) {
    %c0_i32 = arith.constant 0 : i32
    %c0_i32_0 = arith.constant 0 : i32
    %c0_i32_1 = arith.constant 0 : i32
    return %c0_i32, %c0_i32_0 : i32, i32
  }
  func.func @transform_2(%arg0: i32) -> (i32, i32) {
    %c0_i32 = arith.constant 0 : i32
    %c0_i32_0 = arith.constant 0 : i32
    %c0_i32_1 = arith.constant 0 : i32
    return %c0_i32, %c0_i32_0 : i32, i32
  }
  func.func @transform_3(%arg0: i32) -> (i32, i32) {
    %c0_i32 = arith.constant 0 : i32
    %c0_i32_0 = arith.constant 0 : i32
    %c0_i32_1 = arith.constant 0 : i32
    return %c0_i32, %c0_i32_0 : i32, i32
  }
  func.func @transform_4(%arg0: i32) -> (i32, i32) {
    %c0_i32 = arith.constant 0 : i32
    %c0_i32_0 = arith.constant 0 : i32
    %c0_i32_1 = arith.constant 0 : i32
    return %c0_i32, %c0_i32_0 : i32, i32
  }
  func.func @transform_5(%arg0: i32) -> (i32, i32) {
    %c0_i32 = arith.constant 0 : i32
    %c0_i32_0 = arith.constant 0 : i32
    return %arg0, %c0_i32 : i32, i32
  }
}

module attributes {stable_mosaic.version = 14 : i64} {
  func.func @_msg_body(%arg0: i32, %arg1: memref<800x128xf32, #tpu.memory_space<vmem>>, %arg2: memref<800x128xf32, #tpu.memory_space<vmem>>, %arg3: memref<128x4096xbf16, #tpu.memory_space<vmem>>, %arg4: memref<4096x128xbf16, #tpu.memory_space<vmem>>, %arg5: memref<128x128xbf16, #tpu.memory_space<vmem>>, %arg6: memref<800x128xf32, #tpu.memory_space<vmem>>) attributes {dimension_semantics = [#tpu.dimension_semantics<arbitrary>], iteration_bounds = array<i64: 50>, scalar_prefetch = 0 : i64, scratch_operands = 0 : i64, tpu.core_type = #tpu.core_type<tc>, window_params = [{transform_indices = @transform_0, window_bounds = array<i64: 800, 128>}, {transform_indices = @transform_1, window_bounds = array<i64: 800, 128>}, {pipeline_mode = #tpu.pipeline_mode<synchronous>, transform_indices = @transform_2, window_bounds = array<i64: 128, 4096>}, {pipeline_mode = #tpu.pipeline_mode<synchronous>, transform_indices = @transform_3, window_bounds = array<i64: 4096, 128>}, {pipeline_mode = #tpu.pipeline_mode<synchronous>, transform_indices = @transform_4, window_bounds = array<i64: 128, 128>}, {transform_indices = @transform_5, window_bounds = array<i64: 800, 128>}]} {
    %get3A = arith.constant 0 : index
    %get3A_0 = arith.constant 0 : index
    %get3A_1 = vector.load %arg1[%get3A, %get3A_0] : memref<800x128xf32, #tpu.memory_space<vmem>>, vector<800x128xf32>
    %convert_element_type3A = arith.truncf %get3A_1 : vector<800x128xf32> to vector<800x128xbf16>
    %get3A_2 = arith.constant 0 : index
    %get3A_3 = arith.constant 0 : index
    %get3A_4 = vector.load %arg2[%get3A_2, %get3A_3] : memref<800x128xf32, #tpu.memory_space<vmem>>, vector<800x128xf32>
    %get3A_5 = arith.constant 0 : index
    %get3A_6 = arith.constant 0 : index
    %get3A_7 = vector.load %arg3[%get3A_5, %get3A_6] : memref<128x4096xbf16, #tpu.memory_space<vmem>>, vector<128x4096xbf16>
    %dot_general3A = arith.constant dense<0.000000e+00> : vector<800x4096xf32>
    %dot_general3A_8 = tpu.matmul %convert_element_type3A, %get3A_7, %dot_general3A {dimension_numbers = #tpu.dot_dimension_numbers<[1], [0], [0], [1], [0, 0, 1, 1], [], []>, transpose_lhs_hint = false} : vector<800x128xbf16>, vector<128x4096xbf16>, vector<800x4096xf32> -> vector<800x4096xf32>
    %concatenate3A = tpu.concatenate %get3A_4, %get3A_4, %get3A_4, %get3A_4, %get3A_4, %get3A_4, %get3A_4, %get3A_4, %get3A_4, %get3A_4, %get3A_4, %get3A_4, %get3A_4, %get3A_4, %get3A_4, %get3A_4, %get3A_4, %get3A_4, %get3A_4, %get3A_4, %get3A_4, %get3A_4, %get3A_4, %get3A_4, %get3A_4, %get3A_4, %get3A_4, %get3A_4, %get3A_4, %get3A_4, %get3A_4, %get3A_4 in 1 : vector<800x128xf32>, vector<800x128xf32>, vector<800x128xf32>, vector<800x128xf32>, vector<800x128xf32>, vector<800x128xf32>, vector<800x128xf32>, vector<800x128xf32>, vector<800x128xf32>, vector<800x128xf32>, vector<800x128xf32>, vector<800x128xf32>, vector<800x128xf32>, vector<800x128xf32>, vector<800x128xf32>, vector<800x128xf32>, vector<800x128xf32>, vector<800x128xf32>, vector<800x128xf32>, vector<800x128xf32>, vector<800x128xf32>, vector<800x128xf32>, vector<800x128xf32>, vector<800x128xf32>, vector<800x128xf32>, vector<800x128xf32>, vector<800x128xf32>, vector<800x128xf32>, vector<800x128xf32>, vector<800x128xf32>, vector<800x128xf32>, vector<800x128xf32> -> vector<800x4096xf32>
    %mul3A = arith.mulf %dot_general3A_8, %concatenate3A : vector<800x4096xf32>
    %convert_element_type3A_9 = arith.truncf %mul3A : vector<800x4096xf32> to vector<800x4096xbf16>
    %get3A_10 = arith.constant 0 : index
    %get3A_11 = arith.constant 0 : index
    %get3A_12 = vector.load %arg4[%get3A_10, %get3A_11] : memref<4096x128xbf16, #tpu.memory_space<vmem>>, vector<4096x128xbf16>
    %dot_general3A_13 = arith.constant dense<0.000000e+00> : vector<800x128xf32>
    %dot_general3A_14 = tpu.matmul %convert_element_type3A_9, %get3A_12, %dot_general3A_13 {dimension_numbers = #tpu.dot_dimension_numbers<[1], [0], [0], [1], [0, 0, 1, 1], [], []>, transpose_lhs_hint = false} : vector<800x4096xbf16>, vector<4096x128xbf16>, vector<800x128xf32> -> vector<800x128xf32>
    %get3A_15 = arith.constant 0 : index
    %get3A_16 = arith.constant 0 : index
    %get3A_17 = vector.load %arg5[%get3A_15, %get3A_16] : memref<128x128xbf16, #tpu.memory_space<vmem>>, vector<128x128xbf16>
    %dot_general3A_18 = arith.constant dense<0.000000e+00> : vector<800x128xf32>
    %dot_general3A_19 = tpu.matmul %convert_element_type3A, %get3A_17, %dot_general3A_18 {dimension_numbers = #tpu.dot_dimension_numbers<[1], [0], [0], [1], [0, 0, 1, 1], [], []>, transpose_lhs_hint = false} : vector<800x128xbf16>, vector<128x128xbf16>, vector<800x128xf32> -> vector<800x128xf32>
    %add3A = arith.addf %dot_general3A_14, %dot_general3A_19 : vector<800x128xf32>
    %swap3A = arith.constant 0 : index
    %swap3A_20 = arith.constant 0 : index
    %swap3A_21 = vector.load %arg6[%swap3A, %swap3A_20] : memref<800x128xf32, #tpu.memory_space<vmem>>, vector<800x128xf32>
    tpu.vector_store %arg6[%swap3A, %swap3A_20], %add3A {strides = array<i32>} : memref<800x128xf32, #tpu.memory_space<vmem>>, vector<800x128xf32>,
    return
  }
  func.func @transform_0(%arg0: i32) -> (i32, i32) {
    %c0_i32 = arith.constant 0 : i32
    %c0_i32_0 = arith.constant 0 : i32
    return %arg0, %c0_i32 : i32, i32
  }
  func.func @transform_1(%arg0: i32) -> (i32, i32) {
    %c0_i32 = arith.constant 0 : i32
    %c0_i32_0 = arith.constant 0 : i32
    return %arg0, %c0_i32 : i32, i32
  }
  func.func @transform_2(%arg0: i32) -> (i32, i32) {
    %c0_i32 = arith.constant 0 : i32
    %c0_i32_0 = arith.constant 0 : i32
    %c0_i32_1 = arith.constant 0 : i32
    return %c0_i32, %c0_i32_0 : i32, i32
  }
  func.func @transform_3(%arg0: i32) -> (i32, i32) {
    %c0_i32 = arith.constant 0 : i32
    %c0_i32_0 = arith.constant 0 : i32
    %c0_i32_1 = arith.constant 0 : i32
    return %c0_i32, %c0_i32_0 : i32, i32
  }
  func.func @transform_4(%arg0: i32) -> (i32, i32) {
    %c0_i32 = arith.constant 0 : i32
    %c0_i32_0 = arith.constant 0 : i32
    %c0_i32_1 = arith.constant 0 : i32
    return %c0_i32, %c0_i32_0 : i32, i32
  }
  func.func @transform_5(%arg0: i32) -> (i32, i32) {
    %c0_i32 = arith.constant 0 : i32
    %c0_i32_0 = arith.constant 0 : i32
    return %arg0, %c0_i32 : i32, i32
  }
}

module attributes {stable_mosaic.version = 14 : i64} {
  func.func @_gru_body(%arg0: memref<20000x32xf32, #tpu.memory_space<vmem>>, %arg1: memref<10000x32xf32, #tpu.memory_space<vmem>>, %arg2: memref<1x32xf32, #tpu.memory_space<vmem>>, %arg3: memref<32x96xf32, #tpu.memory_space<vmem>>, %arg4: memref<1x96xf32, #tpu.memory_space<vmem>>, %arg5: memref<32x96xf32, #tpu.memory_space<vmem>>, %arg6: memref<1x96xf32, #tpu.memory_space<vmem>>, %arg7: memref<10000x32xf32, #tpu.memory_space<vmem>>) attributes {dimension_semantics = [], scalar_prefetch = 0 : i64, scratch_operands = 0 : i64, tpu.core_type = #tpu.core_type<tc>} {
    %get3A = arith.constant 0 : index
    %get3A_0 = arith.constant 0 : index
    %get3A_1 = vector.load %arg0[%get3A, %get3A_0] : memref<20000x32xf32, #tpu.memory_space<vmem>>, vector<10000x32xf32>
    %get3A_2 = arith.constant 10000 : index
    %get3A_3 = arith.constant 0 : index
    %get3A_4 = vector.load %arg0[%get3A_2, %get3A_3] : memref<20000x32xf32, #tpu.memory_space<vmem>>, vector<10000x32xf32>
    %add3A = arith.addf %get3A_1, %get3A_4 : vector<10000x32xf32>
    %get3A_5 = arith.constant 0 : index
    %get3A_6 = arith.constant 0 : index
    %get3A_7 = vector.load %arg2[%get3A_5, %get3A_6] : memref<1x32xf32, #tpu.memory_space<vmem>>, vector<1x32xf32>
    %add3A_8 = vector.broadcast %get3A_7 : vector<1x32xf32> to vector<10000x32xf32>
    %add3A_9 = arith.addf %add3A, %add3A_8 : vector<10000x32xf32>
    %max3A = arith.constant 0.000000e+00 : f32
    %max3A_10 = vector.broadcast %max3A : f32 to vector<10000x32xf32>
    %max3A_11 = arith.maximumf %add3A_9, %max3A_10 : vector<10000x32xf32>
    %get3A_12 = arith.constant 0 : index
    %get3A_13 = arith.constant 0 : index
    %get3A_14 = vector.load %arg1[%get3A_12, %get3A_13] : memref<10000x32xf32, #tpu.memory_space<vmem>>, vector<10000x32xf32>
    %get3A_15 = arith.constant 0 : index
    %get3A_16 = arith.constant 0 : index
    %get3A_17 = vector.load %arg3[%get3A_15, %get3A_16] : memref<32x96xf32, #tpu.memory_space<vmem>>, vector<32x96xf32>
    %dot_general3A = arith.constant dense<0.000000e+00> : vector<10000x96xf32>
    %dot_general3A_18 = tpu.matmul %max3A_11, %get3A_17, %dot_general3A {dimension_numbers = #tpu.dot_dimension_numbers<[1], [0], [0], [1], [0, 0, 1, 1], [], []>, transpose_lhs_hint = false} : vector<10000x32xf32>, vector<32x96xf32>, vector<10000x96xf32> -> vector<10000x96xf32>
    %get3A_19 = arith.constant 0 : index
    %get3A_20 = arith.constant 0 : index
    %get3A_21 = vector.load %arg4[%get3A_19, %get3A_20] : memref<1x96xf32, #tpu.memory_space<vmem>>, vector<1x96xf32>
    %add3A_22 = vector.broadcast %get3A_21 : vector<1x96xf32> to vector<10000x96xf32>
    %add3A_23 = arith.addf %dot_general3A_18, %add3A_22 : vector<10000x96xf32>
    %get3A_24 = arith.constant 0 : index
    %get3A_25 = arith.constant 0 : index
    %get3A_26 = vector.load %arg5[%get3A_24, %get3A_25] : memref<32x96xf32, #tpu.memory_space<vmem>>, vector<32x96xf32>
    %dot_general3A_27 = arith.constant dense<0.000000e+00> : vector<10000x96xf32>
    %dot_general3A_28 = tpu.matmul %get3A_14, %get3A_26, %dot_general3A_27 {dimension_numbers = #tpu.dot_dimension_numbers<[1], [0], [0], [1], [0, 0, 1, 1], [], []>, transpose_lhs_hint = false} : vector<10000x32xf32>, vector<32x96xf32>, vector<10000x96xf32> -> vector<10000x96xf32>
    %get3A_29 = arith.constant 0 : index
    %get3A_30 = arith.constant 0 : index
    %get3A_31 = vector.load %arg6[%get3A_29, %get3A_30] : memref<1x96xf32, #tpu.memory_space<vmem>>, vector<1x96xf32>
    %add3A_32 = vector.broadcast %get3A_31 : vector<1x96xf32> to vector<10000x96xf32>
    %add3A_33 = arith.addf %dot_general3A_28, %add3A_32 : vector<10000x96xf32>
    %slice3A = vector.extract_strided_slice %add3A_23 {offsets = [0, 0], sizes = [10000, 32], strides = [1, 1]} : vector<10000x96xf32> to vector<10000x32xf32>
    %slice3A_34 = vector.extract_strided_slice %add3A_33 {offsets = [0, 0], sizes = [10000, 32], strides = [1, 1]} : vector<10000x96xf32> to vector<10000x32xf32>
    %add3A_35 = arith.addf %slice3A, %slice3A_34 : vector<10000x32xf32>
    %logistic3A = arith.negf %add3A_35 : vector<10000x32xf32>
    %logistic3A_36 = math.exp %logistic3A : vector<10000x32xf32>
    %logistic3A_37 = arith.constant 1.000000e+00 : f32
    %logistic3A_38 = vector.broadcast %logistic3A_37 : f32 to vector<10000x32xf32>
    %logistic3A_39 = arith.addf %logistic3A_38, %logistic3A_36 : vector<10000x32xf32>
    %logistic3A_40 = arith.divf %logistic3A_38, %logistic3A_39 : vector<10000x32xf32>
    %slice3A_41 = vector.extract_strided_slice %add3A_23 {offsets = [0, 32], sizes = [10000, 32], strides = [1, 1]} : vector<10000x96xf32> to vector<10000x32xf32>
    %slice3A_42 = vector.extract_strided_slice %add3A_33 {offsets = [0, 32], sizes = [10000, 32], strides = [1, 1]} : vector<10000x96xf32> to vector<10000x32xf32>
    %add3A_43 = arith.addf %slice3A_41, %slice3A_42 : vector<10000x32xf32>
    %logistic3A_44 = arith.negf %add3A_43 : vector<10000x32xf32>
    %logistic3A_45 = math.exp %logistic3A_44 : vector<10000x32xf32>
    %logistic3A_46 = arith.constant 1.000000e+00 : f32
    %logistic3A_47 = vector.broadcast %logistic3A_46 : f32 to vector<10000x32xf32>
    %logistic3A_48 = arith.addf %logistic3A_47, %logistic3A_45 : vector<10000x32xf32>
    %logistic3A_49 = arith.divf %logistic3A_47, %logistic3A_48 : vector<10000x32xf32>
    %slice3A_50 = vector.extract_strided_slice %add3A_23 {offsets = [0, 64], sizes = [10000, 32], strides = [1, 1]} : vector<10000x96xf32> to vector<10000x32xf32>
    %slice3A_51 = vector.extract_strided_slice %add3A_33 {offsets = [0, 64], sizes = [10000, 32], strides = [1, 1]} : vector<10000x96xf32> to vector<10000x32xf32>
    %mul3A = arith.mulf %logistic3A_40, %slice3A_51 : vector<10000x32xf32>
    %add3A_52 = arith.addf %slice3A_50, %mul3A : vector<10000x32xf32>
    %tanh3A = math.tanh %add3A_52 : vector<10000x32xf32>
    %sub3A = arith.constant 1.000000e+00 : f32
    %sub3A_53 = vector.broadcast %sub3A : f32 to vector<10000x32xf32>
    %sub3A_54 = arith.subf %sub3A_53, %logistic3A_49 : vector<10000x32xf32>
    %mul3A_55 = arith.mulf %sub3A_54, %tanh3A : vector<10000x32xf32>
    %mul3A_56 = arith.mulf %logistic3A_49, %get3A_14 : vector<10000x32xf32>
    %add3A_57 = arith.addf %mul3A_55, %mul3A_56 : vector<10000x32xf32>
    %swap3A = arith.constant 0 : index
    %swap3A_58 = arith.constant 0 : index
    %swap3A_59 = vector.load %arg7[%swap3A, %swap3A_58] : memref<10000x32xf32, #tpu.memory_space<vmem>>, vector<10000x32xf32>
    tpu.vector_store %arg7[%swap3A, %swap3A_58], %add3A_57 {strides = array<i32>} : memref<10000x32xf32, #tpu.memory_space<vmem>>, vector<10000x32xf32>,
    return
  }
}

module attributes {stable_mosaic.version = 14 : i64} {
  func.func @_dec_body(%arg0: memref<10000x32xf32, #tpu.memory_space<vmem>>, %arg1: memref<32x32xf32, #tpu.memory_space<vmem>>, %arg2: memref<1x32xf32, #tpu.memory_space<vmem>>, %arg3: memref<1x1xf32, #tpu.memory_space<vmem>>, %arg4: memref<32x32xf32, #tpu.memory_space<vmem>>, %arg5: memref<1x32xf32, #tpu.memory_space<vmem>>, %arg6: memref<1x1xf32, #tpu.memory_space<vmem>>, %arg7: memref<32x32xf32, #tpu.memory_space<vmem>>, %arg8: memref<1x32xf32, #tpu.memory_space<vmem>>, %arg9: memref<1x1xf32, #tpu.memory_space<vmem>>, %arg10: memref<32x32xf32, #tpu.memory_space<vmem>>, %arg11: memref<1x32xf32, #tpu.memory_space<vmem>>, %arg12: memref<10000x32xf32, #tpu.memory_space<vmem>>) attributes {dimension_semantics = [], scalar_prefetch = 0 : i64, scratch_operands = 0 : i64, tpu.core_type = #tpu.core_type<tc>} {
    %get3A = arith.constant 0 : index
    %get3A_0 = arith.constant 0 : index
    %get3A_1 = vector.load %arg0[%get3A, %get3A_0] : memref<10000x32xf32, #tpu.memory_space<vmem>>, vector<10000x32xf32>
    %get3A_2 = arith.constant 0 : index
    %get3A_3 = arith.constant 0 : index
    %get3A_4 = vector.load %arg1[%get3A_2, %get3A_3] : memref<32x32xf32, #tpu.memory_space<vmem>>, vector<32x32xf32>
    %dot_general3A = arith.constant dense<0.000000e+00> : vector<10000x32xf32>
    %dot_general3A_5 = tpu.matmul %get3A_1, %get3A_4, %dot_general3A {dimension_numbers = #tpu.dot_dimension_numbers<[1], [0], [0], [1], [0, 0, 1, 1], [], []>, transpose_lhs_hint = false} : vector<10000x32xf32>, vector<32x32xf32>, vector<10000x32xf32> -> vector<10000x32xf32>
    %get3A_6 = arith.constant 0 : index
    %get3A_7 = arith.constant 0 : index
    %get3A_8 = vector.load %arg2[%get3A_6, %get3A_7] : memref<1x32xf32, #tpu.memory_space<vmem>>, vector<1x32xf32>
    %add3A = vector.broadcast %get3A_8 : vector<1x32xf32> to vector<10000x32xf32>
    %add3A_9 = arith.addf %dot_general3A_5, %add3A : vector<10000x32xf32>
    %ge3A = arith.constant 0.000000e+00 : f32
    %ge3A_10 = vector.broadcast %ge3A : f32 to vector<10000x32xf32>
    %ge3A_11 = arith.cmpf oge, %add3A_9, %ge3A_10 : vector<10000x32xf32>
    %get3A_12 = arith.constant 0 : index
    %get3A_13 = arith.constant 0 : index
    %get3A_14 = vector.load %arg3[%get3A_12, %get3A_13] : memref<1x1xf32, #tpu.memory_space<vmem>>, vector<1x1xf32>
    %mul3A = vector.broadcast %get3A_14 : vector<1x1xf32> to vector<10000x32xf32>
    %mul3A_15 = arith.mulf %add3A_9, %mul3A : vector<10000x32xf32>
    %select_n3A = arith.select %ge3A_11, %add3A_9, %mul3A_15 : vector<10000x32xi1>, vector<10000x32xf32>
    %get3A_16 = arith.constant 0 : index
    %get3A_17 = arith.constant 0 : index
    %get3A_18 = vector.load %arg4[%get3A_16, %get3A_17] : memref<32x32xf32, #tpu.memory_space<vmem>>, vector<32x32xf32>
    %dot_general3A_19 = arith.constant dense<0.000000e+00> : vector<10000x32xf32>
    %dot_general3A_20 = tpu.matmul %select_n3A, %get3A_18, %dot_general3A_19 {dimension_numbers = #tpu.dot_dimension_numbers<[1], [0], [0], [1], [0, 0, 1, 1], [], []>, transpose_lhs_hint = false} : vector<10000x32xf32>, vector<32x32xf32>, vector<10000x32xf32> -> vector<10000x32xf32>
    %get3A_21 = arith.constant 0 : index
    %get3A_22 = arith.constant 0 : index
    %get3A_23 = vector.load %arg5[%get3A_21, %get3A_22] : memref<1x32xf32, #tpu.memory_space<vmem>>, vector<1x32xf32>
    %add3A_24 = vector.broadcast %get3A_23 : vector<1x32xf32> to vector<10000x32xf32>
    %add3A_25 = arith.addf %dot_general3A_20, %add3A_24 : vector<10000x32xf32>
    %ge3A_26 = arith.constant 0.000000e+00 : f32
    %ge3A_27 = vector.broadcast %ge3A_26 : f32 to vector<10000x32xf32>
    %ge3A_28 = arith.cmpf oge, %add3A_25, %ge3A_27 : vector<10000x32xf32>
    %get3A_29 = arith.constant 0 : index
    %get3A_30 = arith.constant 0 : index
    %get3A_31 = vector.load %arg6[%get3A_29, %get3A_30] : memref<1x1xf32, #tpu.memory_space<vmem>>, vector<1x1xf32>
    %mul3A_32 = vector.broadcast %get3A_31 : vector<1x1xf32> to vector<10000x32xf32>
    %mul3A_33 = arith.mulf %add3A_25, %mul3A_32 : vector<10000x32xf32>
    %select_n3A_34 = arith.select %ge3A_28, %add3A_25, %mul3A_33 : vector<10000x32xi1>, vector<10000x32xf32>
    %get3A_35 = arith.constant 0 : index
    %get3A_36 = arith.constant 0 : index
    %get3A_37 = vector.load %arg7[%get3A_35, %get3A_36] : memref<32x32xf32, #tpu.memory_space<vmem>>, vector<32x32xf32>
    %dot_general3A_38 = arith.constant dense<0.000000e+00> : vector<10000x32xf32>
    %dot_general3A_39 = tpu.matmul %select_n3A_34, %get3A_37, %dot_general3A_38 {dimension_numbers = #tpu.dot_dimension_numbers<[1], [0], [0], [1], [0, 0, 1, 1], [], []>, transpose_lhs_hint = false} : vector<10000x32xf32>, vector<32x32xf32>, vector<10000x32xf32> -> vector<10000x32xf32>
    %get3A_40 = arith.constant 0 : index
    %get3A_41 = arith.constant 0 : index
    %get3A_42 = vector.load %arg8[%get3A_40, %get3A_41] : memref<1x32xf32, #tpu.memory_space<vmem>>, vector<1x32xf32>
    %add3A_43 = vector.broadcast %get3A_42 : vector<1x32xf32> to vector<10000x32xf32>
    %add3A_44 = arith.addf %dot_general3A_39, %add3A_43 : vector<10000x32xf32>
    %ge3A_45 = arith.constant 0.000000e+00 : f32
    %ge3A_46 = vector.broadcast %ge3A_45 : f32 to vector<10000x32xf32>
    %ge3A_47 = arith.cmpf oge, %add3A_44, %ge3A_46 : vector<10000x32xf32>
    %get3A_48 = arith.constant 0 : index
    %get3A_49 = arith.constant 0 : index
    %get3A_50 = vector.load %arg9[%get3A_48, %get3A_49] : memref<1x1xf32, #tpu.memory_space<vmem>>, vector<1x1xf32>
    %mul3A_51 = vector.broadcast %get3A_50 : vector<1x1xf32> to vector<10000x32xf32>
    %mul3A_52 = arith.mulf %add3A_44, %mul3A_51 : vector<10000x32xf32>
    %select_n3A_53 = arith.select %ge3A_47, %add3A_44, %mul3A_52 : vector<10000x32xi1>, vector<10000x32xf32>
    %get3A_54 = arith.constant 0 : index
    %get3A_55 = arith.constant 0 : index
    %get3A_56 = vector.load %arg10[%get3A_54, %get3A_55] : memref<32x32xf32, #tpu.memory_space<vmem>>, vector<32x32xf32>
    %dot_general3A_57 = arith.constant dense<0.000000e+00> : vector<10000x32xf32>
    %dot_general3A_58 = tpu.matmul %select_n3A_53, %get3A_56, %dot_general3A_57 {dimension_numbers = #tpu.dot_dimension_numbers<[1], [0], [0], [1], [0, 0, 1, 1], [], []>, transpose_lhs_hint = false} : vector<10000x32xf32>, vector<32x32xf32>, vector<10000x32xf32> -> vector<10000x32xf32>
    %get3A_59 = arith.constant 0 : index
    %get3A_60 = arith.constant 0 : index
    %get3A_61 = vector.load %arg11[%get3A_59, %get3A_60] : memref<1x32xf32, #tpu.memory_space<vmem>>, vector<1x32xf32>
    %add3A_62 = vector.broadcast %get3A_61 : vector<1x32xf32> to vector<10000x32xf32>
    %add3A_63 = arith.addf %dot_general3A_58, %add3A_62 : vector<10000x32xf32>
    %swap3A = arith.constant 0 : index
    %swap3A_64 = arith.constant 0 : index
    %swap3A_65 = vector.load %arg12[%swap3A, %swap3A_64] : memref<10000x32xf32, #tpu.memory_space<vmem>>, vector<10000x32xf32>
    tpu.vector_store %arg12[%swap3A, %swap3A_64], %add3A_63 {strides = array<i32>} : memref<10000x32xf32, #tpu.memory_space<vmem>>, vector<10000x32xf32>,
    return
  }
}

</mosaic_0001>

<sc_bundles>
// kernel: kernel.17.cloned.1.call-start
scs
__scs_entry_jumppad:
0x0: {  	(pc) =	sbr.rel $0x88, $3  }
0x1: {  	(tag) =	ssettag $0x0;
	lr =	simm.s32 $0x1  }
0x2: {  	[smem:$0x3F83] =	sst lr;
	_ =	strace $0xD0000000  }
0x3: {  	_ = 	snop  }
0x4: {  	_ = 	snop  }
0x5: {  	_ = 	snop  }
0x6: {  	_ = 	snop  }
0x7: {  	_ = 	snop  }
__scs_overlays_trampoline_lowered:
0x8: {  	[smem:$0x3F92] =	sst s0  }
0x9: {  	[smem:$0x3F93] =	sst s1  }
0xa: {  	[smem:$0x3F94] =	sst s2  }
0xb: {  	[smem:$0x3F95] =	sst s3  }
0xc: {  	[smem:$0x3F96] =	sst s4  }
0xd: {  	[smem:$0x3F97] =	sst s5  }
0xe: {  	[smem:$0x3F98] =	sst s6  }
0xf: {  	[smem:$0x3F99] =	sst s7  }
0x10: {  	[smem:$0x3F9A] =	sst s8  }
0x11: {  	[smem:$0x3F9B] =	sst s9;
	s0 =	simm.s32 @!p0 $0x0  }
0x12: {  	s1 =	sld [smem:$0x3F81];
	s0 =	simm.s32 @p0 $0x1  }
0x13: {  	[smem:$0x3F9C] =	sst s0;
	s0 =	simm.s32 @!p1 $0x0  }
0x14: {  	s2 =	sld [smem:$0x3F80];
	s0 =	simm.s32 @p1 $0x1  }
0x15: {  	[smem:$0x3F9D] =	sst s0;
	s0 =	simm.s32 @!p2 $0x0  }
0x16: {  	s3 =	sld [smem:$0x3FDB];
	s0 =	simm.s32 @p2 $0x1  }
0x17: {  	s4 =	simm.s32 $0x1BF5;
	[smem:$0x3F9F] =	sst s0  }
0x18: {  	s0 =	sld [smem:$0x3F82];
	_ =	swait.ge [sflag:s4], $0x0  }
0x19: {  	s7 =	sld [smem:$0x3F83]  }
0x1a: {  	s8 =	sadd.s32 $0xFFFFE003, lr  }
0x1b: {  	s9 =	sadd.s32 $0xFFFFFEF7, lr;
	s5 =	simm.s32 $0xFFFFFFFF;
	p2 =	slt.u32 s8, $0xFFFFF086  }
0x1c: {  	p1 =	slt.u32 s9, $0xF7A;
	s5 =	simm.s32 @!p2 $0x0  }
0x1d: {  	s5 =	simm.s32 @p1 $0x1;
	p0 =	seq.s32 s7, s2  }
0x1e: {  	s7 =	smul.u32 @!p0 $0xF7A, s2;
	p2 =	seq.s32 @!p0 s5, $0x0  }
0x1f: {  	s9 =	smul.u32 $0xF7A, s1;
	s8 =	simm.s32 @!p0 $0x1BF5;
	p2 =	por !p2, p0  }
0x20: {  	[sflag:s8] =	ssyncset.s32 @!p0 $0xFFFFF086;
	s6 =	sadd.s32 @!p0 s3, s7;
	s7 =	simm.s32 @!p0 $0x108  }
0x21: {  	s3 =	sadd.s32 s3, s9;
	s6 =	sadd.s32 @!p0 $0x88, s6;
	s7 =	simm.s32 @p2 $0x1082  }
0x22: {  	[simem:s7], [sflag:s8] =	dma.local @!p0 [hbm:s6], $0xF7A  }
0x23: {  	s9 =	sor.u32 $0xD0000000, s2;
	s6 =	simm.s32 $0x108;
	_ =	swait.ge @!p0 [sflag:s8], $0x0  }
0x24: {  	s3 =	sadd.s32 $0x88, s3;
	s6 =	simm.s32 @!p1 $0x1082;
	[sflag:s4] =	ssyncset.s32 $0xFFFFF086  }
0x25: {  	[simem:s6], [sflag:s4] =	dma.local [hbm:s3], $0xF7A  }
0x26: {  	[smem:$0x3F83] =	sst s1;
	(tag) =	ssettag s2;
	_ =	strace s9  }
0x27: {  	s1 =	sld [smem:$0x3F93]  }
0x28: {  	s2 =	sld [smem:$0x3F94]  }
0x29: {  	s4 =	sld [smem:$0x3F96]  }
0x2a: {  	p0 =	seq.s32 s5, $0x0;
	s5 =	sld [smem:$0x3F97]  }
0x2b: {  	s6 =	sld [smem:$0x3F98]  }
0x2c: {  	s7 =	sld [smem:$0x3F99]  }
0x2d: {  	s3 =	simm.s32 $0x108;
	s8 =	sld [smem:$0x3F9A]  }
0x2e: {  	s3 =	simm.s32 @!p0 $0x1082;
	s9 =	sld [smem:$0x3F9B]  }
0x2f: {  	lr =	sadd.s32 s0, s3;
	s0 =	sld [smem:$0x3F92]  }
0x30: {  	s3 =	sld [smem:$0x3F95]  }
0x31: {  	[smem:$0x3F9E] =	sst s10  }
0x32: {  	s10 =	sld [smem:$0x3F9C];
	_ =	sdelay $0x3  }
0x33: {  	p0 =	seq.s32 s10, $0x1;
	s10 =	sld [smem:$0x3F9E];
	_ =	sdelay $0x3  }
0x34: {  	[smem:$0x3F9E] =	sst s10  }
0x35: {  	s10 =	sld [smem:$0x3F9D];
	_ =	sdelay $0x3  }
0x36: {  	p1 =	seq.s32 s10, $0x1;
	s10 =	sld [smem:$0x3F9E];
	_ =	sdelay $0x3  }
0x37: {  	[smem:$0x3F9E] =	sst s10  }
0x38: {  	s10 =	sld [smem:$0x3F9F]  }
0x39: {  	_ = 	snop;
	(pc) =	sbr.ind lr, $3  }
0x3a: {  	_ = 	snop  }
0x3b: {  	_ = 	snop  }
0x3c: {  	p2 =	seq.s32 s10, $0x1;
	s10 =	sld [smem:$0x3F9E]  }
0x3d: {  	_ =	shalt  }
0x3e: {  	_ =	shalt  }
0x3f: {  	_ =	shalt  }
0x40: {  	_ =	shalt  }
0x41: {  	_ =	shalt  }
0x42: {  	_ =	shalt  }
0x43: {  	_ =	shalt  }
0x44: {  	_ =	shalt  }
0x45: {  	_ =	shalt  }
0x46: {  	_ =	shalt  }
0x47: {  	_ =	shalt  }
0x48: {  	_ =	shalt  }
0x49: {  	_ =	shalt  }
0x4a: {  	_ =	shalt  }
0x4b: {  	_ =	shalt  }
0x4c: {  	_ =	shalt  }
0x4d: {  	_ =	shalt  }
0x4e: {  	_ =	shalt  }
0x4f: {  	_ =	shalt  }
0x50: {  	_ =	shalt  }
0x51: {  	_ =	shalt  }
0x52: {  	_ =	shalt  }
0x53: {  	_ =	shalt  }
0x54: {  	_ =	shalt  }
0x55: {  	_ =	shalt  }
0x56: {  	_ =	shalt  }
0x57: {  	_ =	shalt  }
0x58: {  	_ =	shalt  }
0x59: {  	_ =	shalt  }
0x5a: {  	_ =	shalt  }
0x5b: {  	_ =	shalt  }
0x5c: {  	_ =	shalt  }
0x5d: {  	_ =	shalt  }
0x5e: {  	_ =	shalt  }
0x5f: {  	_ =	shalt  }
0x60: {  	_ =	shalt  }
0x61: {  	_ =	shalt  }
0x62: {  	_ =	shalt  }
0x63: {  	_ =	shalt  }
0x64: {  	_ =	shalt  }
0x65: {  	_ =	shalt  }
0x66: {  	_ =	shalt  }
0x67: {  	_ =	shalt  }
0x68: {  	_ =	shalt  }
0x69: {  	_ =	shalt  }
0x6a: {  	_ =	shalt  }
0x6b: {  	_ =	shalt  }
0x6c: {  	_ =	shalt  }
0x6d: {  	_ =	shalt  }
0x6e: {  	_ =	shalt  }
0x6f: {  	_ =	shalt  }
0x70: {  	_ =	shalt  }
0x71: {  	_ =	shalt  }
0x72: {  	_ =	shalt  }
0x73: {  	_ =	shalt  }
0x74: {  	_ =	shalt  }
0x75: {  	_ =	shalt  }
0x76: {  	_ =	shalt  }
0x77: {  	_ =	shalt  }
0x78: {  	_ =	shalt  }
0x79: {  	_ =	shalt  }
0x7a: {  	_ =	shalt  }
0x7b: {  	_ =	shalt  }
0x7c: {  	_ =	shalt  }
0x7d: {  	_ =	shalt  }
0x7e: {  	_ =	shalt  }
0x7f: {  	_ =	shalt  }
0x80: {  	_ =	shalt  }
0x81: {  	_ =	shalt  }
0x82: {  	_ =	shalt  }
0x83: {  	_ =	shalt  }
0x84: {  	_ =	shalt  }
0x85: {  	_ =	shalt  }
0x86: {  	_ =	shalt  }
0x87: {  	_ =	shalt  }
.Lfunc_end0:
.L_simem_size_0:
called_computation_lowered:
.L_overlay_start_0:
0x88: {  	s2 =	sld [smem:$0x3FD9]  }
0x89: {  	s3 =	sld [smem:$0x3FFE];
	_ =	sdelay $0x1  }
0x8a: {  	s1 =	srdreg.scid  }
0x8b: {  	s0 =	sand.u32 $0x1, s1  }
0x8c: {  	s17 =	sshll.u32 s0, $0xA;
	s2 =	sadd.s32 s3, s2  }
0x8d: {  	s2 =	sadd.s32 s2, s17  }
0x8e: {  	[smem:$0x3FAA] =	sst s2  }
0x8f: {  	_ = 	snop  }
0x90: {  	s2 =	sld [smem:$0x3FD0];
	(tm) =	ssettm $0x1  }
0x91: {  	s18 =	sld [smem:$0x3FFB];
	_ =	sdelay $0x3  }
0x92: {  	_ =	strace s18  }
0x93: {  	s3 =	sld [smem:$0x3FFC];
	_ =	sdelay $0x3  }
0x94: {  	_ =	strace s3  }
0x95: {  	s3 =	sld [smem:$0x3FFD];
	_ =	sdelay $0x3  }
0x96: {  	_ =	strace s3  }
0x97: {  	_ =	strace $0x8FFFFFFF  }
0x98: {  	s19 =	sld [smem:$0x3FDB];
	_ =	sdelay $0x1  }
0x99: {  	s4 =	simm.s32 $_scs_section_size  }
0x9a: {  	s5 =	simm.s32 $_size__tile_overlayer_lowered;
	s6 =	simm.s32 $_tile_overlayer_lowered  }
0x9b: {  	s22 =	simm.s32 $0x1BFF;
	s21 =	sshll.u32 s6, $0x1;
	s3 =	sadd.s32 s4, s19  }
0x9c: {  	s7 =	simm.s32 $0x0;
	s20 =	sshll.u32 s5, $0x1;
	s5 =	sadd.s32 s21, s3  }
0x9d: {  	[timem:s7], [sflag:s22] =	dma.local [hbm:s5], s20  }
0x9e: {  	_ =	swait.ge [sflag:s22], s20  }
0x9f: {  	s4 =	ssub.s32 $0x0, s20;
	[sflag:s22] =	ssyncset.done $0x0  }
0xa0: {  	[sflag:s22] =	ssyncadd.s32 s4;
	_ =	sdelay $0x1  }
0xa1: {  	s23 =	simm.s32 $0x1B8B  }
0xa2: {  	_ =	swait.ge [sflag:s23], $0x1  }
0xa3: {  	[sflag:s23] =	ssyncset.done $0x0  }
0xa4: {  	s25 =	simm.s32 $0x1B8E;
	s24 =	sld [smem:$0x3FFE];
	[sflag:s23] =	ssyncadd.s32 $0xFFFFFFFF  }
0xa5: {  	s26 =	simm.s32 $execute0_lowered;
	[smem:$0x3FD2] =	sst s25  }
0xa6: {  	s5 =	sshll.u32 s26, $0x1;
	_ =	strace $0x80000046;
	[dreg:$0x1] =	wrdreg $0xFFFFFFFF  }
0xa7: {  	s28 =	simm.s32 $_size_execute0_lowered;
	s3 =	sadd.s32 s3, s5;
	[dreg:$0x0] =	wrdreg $0x0  }
0xa8: {  	s5 =	sshll.u32 s28, $0x1;
	[dreg:$0x2] =	wrdreg s3  }
0xa9: {  	[dreg:$0x3] =	wrdreg s5  }
0xaa: {  	[dreg:$0x4] =	wrdreg $0xC0  }
0xab: {  	_ =	task [dreg:s7], $0x5FFFF  }
0xac: {  	[dreg:$0x1] =	wrdreg $0xFFFFFFFF  }
0xad: {  	[dreg:$0x0] =	wrdreg $0x60  }
0xae: {  	[dreg:$0x2] =	wrdreg s2  }
0xaf: {  	[dreg:$0x3] =	wrdreg s24  }
0xb0: {  	[dreg:$0x4] =	wrdreg $0x9  }
0xb1: {  	_ =	task.clear_ibuf [dreg:s7], $0x5FFFF;
	_ =	strace $0x90000046  }
0xb2: {  	s29 =	simm.s32 $0x9;
	_ =	strace $0x80000048  }
0xb3: {  	_ =	swait.ge [sflag:s29], $0x1  }
0xb4: {  	[sflag:s29] =	ssyncadd.s32 $0xFFFFFFFF  }
0xb5: {  	_ =	strace $0x90000048  }
0xb6: {  	_ =	sfence  }
0xb7: {  	s30 =	sld [smem:$0x0];
	_ =	sdelay $0x2  }
0xb8: {  	s31 =	sshll.u32 s1, $0xD;
	s1 =	sshrl.u32 s1, $0x2  }
0xb9: {  	s3 =	sand.u32 $0x4000, s31;
	s1 =	sadd.s32 s1, s30  }
0xba: {  	s0 =	sor.u32 s3, s0;
	s1 =	sshll.u32 s1, $0x11  }
0xbb: {  	s0 =	sor.u32 s1, s0  }
0xbc: {  	s0 =	sadd.s32 $0x8F2B, s0  }
0xbd: {  	[sflag:s0] =	ssyncadd.remote.s32 $0x1  }
0xbe: {  	_ =	sfence.sel $0xFFFF  }
0xbf: {  	[dreg:$0x0] =	wrdreg $0xFFFFFFFF;
	(pc) =	sbr.abs _section_cstart, $3  }
0xc0: {  	[dreg:$0x1] =	wrdreg $0xFFFFFFFF  }
0xc1: {  	_ =	task.clear_ibuf [dreg:s7], $0x2FFFF;
	_ =	strace $0x9FFFFFFF  }
0xc2: {  	(tm) =	ssettm $0x7FFFFFFF  }
0xc3: {  	_ =	shalt  }
tec
execute0_lowered:
.L_overlay_start_1:
0x0: {  	(tag) =	ssettag $0x1  }
0x1: {  	s1 =	srdreg.scid;
	s0 =	stileid.u32  }
0x2: {  	s24 =	sand.u32 $0x1, s1;
	s31 =	sshll.u32 s0, $0x1  }
0x3: {  	s14 =	sor.u32 s24, s31  }
0x4: {  	s2 =	rddreg [dreg:$0x0];
	s4 =	smul.u32 $0x271, s14  }
0x5: {  	s12 =	rddreg [dreg:$0x1];
	s3 =	simm.s32 $0x0  }
0x6: {  	s5 =	simm.s32 $0x7;
	[smem:$0x7FF] =	sst s3;
	s4 =	sadd.s32 s4, s12  }
0x7: {  	s1 =	rddreg [dreg:$0x2];
	_ =	strace $0x80000047;
	s4 =	sadd.s32 $0x5A00, s4  }
0x8: {  	[tilespmem:s3], [sflag:$0x7] =	stream.linear.gather [hbm4b:s4+s3], $0x1388, $0x38;
	[tilespmem:$0x18A88] =	vst v63  }
0x9: {  	_ =	swait.ge [sflag:s5], $0x1388  }
0xa: {  	[sflag:s5] =	ssyncset.done $0x0  }
0xb: {  	s6 =	simm.s32 $0x3E8;
	s7 =	simm.s32 $0x1388;
	[sflag:s5] =	ssyncadd.s32 $0xFFFFEC78  }
0xc: {  	[tilespmem:s7], [sflag:$0x1] =	stream.indirect.gather [hbm4b:s2+s6], $0x20, s3, s6, $0xb8;
	[tilespmem:$0x18A88] =	vst v63  }
0xd: {  	s8 =	simm.s32 $0x9088  }
0xe: {  	[tilespmem:s8], [sflag:$0x2] =	stream.indirect.gather [hbm4b:s2+s6], $0x20, s6, s6, $0xb8;
	[tilespmem:$0x18A88] =	vst v63  }
0xf: {  	s9 =	simm.s32 $0x7D0;
	s10 =	simm.s32 $0x10D88;
	s11 =	simm.s32 $0x1  }
0x10: {  	[tilespmem:s10], [sflag:$0x3] =	stream.indirect.gather [hbm4b:s2+s6], $0x20, s9, s6, $0xb8;
	[tilespmem:$0x18A88] =	vst v63  }
0x11: {  	s13 =	smul.u32 $0x4E20, s14;
	_ =	swait.ge [sflag:s11], $0x7D00  }
0x12: {  	s16 =	sadd.s32 $0xFA00, s12;
	[sflag:s11] =	ssyncset.done $0x0  }
0x13: {  	s12 =	sadd.s32 s16, s13;
	s13 =	simm.s32 $0x4;
	[sflag:s11] =	ssyncadd.s32 $0xFFFF8300  }
0x14: {  	[hbm4b:s12+s3] =	stream.linear.scatter [tilespmem:s7], [sflag:$0x4], $0x7D00, $0x38;
	[tilespmem:$0x18A88] =	vst v63  }
0x15: {  	_ =	swait.ge [sflag:s13], $0x7D00  }
0x16: {  	s15 =	simm.s32 $0x2;
	[sflag:s13] =	ssyncset.done $0x0  }
0x17: {  	s17 =	smul.u32 $0x27100, s14;
	s14 =	simm.s32 $0xBB8;
	[sflag:s13] =	ssyncadd.s32 $0xFFFF8300  }
0x18: {  	[tilespmem:s7], [sflag:$0x1] =	stream.indirect.gather [hbm4b:s2+s6], $0x20, s14, s6, $0xb8;
	[tilespmem:$0x18A88] =	vst v63  }
0x19: {  	s17 =	sshrl.u32 s17, $0x3;
	_ =	swait.ge [sflag:s15], $0x7D00  }
0x1a: {  	s22 =	sadd.s32 s16, s17;
	[sflag:s15] =	ssyncset.done $0x0  }
0x1b: {  	s16 =	simm.s32 $0x5;
	s17 =	sadd.s32 $0xFA0, s22;
	[sflag:s15] =	ssyncadd.s32 $0xFFFF8300  }
0x1c: {  	[hbm4b:s17+s3] =	stream.linear.scatter [tilespmem:s8], [sflag:$0x5], $0x7D00, $0x38;
	[tilespmem:$0x18A88] =	vst v63  }
0x1d: {  	_ =	swait.ge [sflag:s16], $0x7D00  }
0x1e: {  	[sflag:s16] =	ssyncset.done $0x0  }
0x1f: {  	s18 =	simm.s32 $0xFA0;
	s19 =	simm.s32 $0x3;
	[sflag:s16] =	ssyncadd.s32 $0xFFFF8300  }
0x20: {  	[tilespmem:s8], [sflag:$0x2] =	stream.indirect.gather [hbm4b:s2+s6], $0x20, s18, s6, $0xb8;
	[tilespmem:$0x18A88] =	vst v63  }
0x21: {  	_ =	swait.ge [sflag:s19], $0x7D00  }
0x22: {  	[sflag:s19] =	ssyncset.done $0x0  }
0x23: {  	s20 =	sadd.s32 $0x1F40, s22;
	[sflag:s19] =	ssyncadd.s32 $0xFFFF8300  }
0x24: {  	[hbm4b:s20+s3] =	stream.linear.scatter [tilespmem:s10], [sflag:$0x6], $0x7D00, $0x38;
	[tilespmem:$0x18A88] =	vst v63  }
0x25: {  	_ =	swait.ge [sflag:s11], $0x7D00  }
0x26: {  	[sflag:s11] =	ssyncset.done $0x0  }
0x27: {  	s21 =	sadd.s32 $0x2EE0, s22;
	[sflag:s11] =	ssyncadd.s32 $0xFFFF8300  }
0x28: {  	[hbm4b:s21+s3] =	stream.linear.scatter [tilespmem:s7], [sflag:$0x4], $0x7D00, $0x38;
	[tilespmem:$0x18A88] =	vst v63  }
0x29: {  	_ =	swait.ge [sflag:s15], $0x7D00  }
0x2a: {  	s23 =	simm.s32 $0x6;
	s24 =	ssub.s32 $0x2, s24;
	[sflag:s15] =	ssyncset.done $0x0  }
0x2b: {  	s25 =	sshrl.u32 s24, $0x1;
	s22 =	sadd.s32 $0x3E80, s22;
	[sflag:s15] =	ssyncadd.s32 $0xFFFF8300  }
0x2c: {  	[hbm4b:s22+s3] =	stream.linear.scatter [tilespmem:s8], [sflag:$0x5], $0x7D00, $0x38;
	[tilespmem:$0x18A88] =	vst v63  }
0x2d: {  	s24 =	ssub.s32 s24, s25;
	_ =	swait.ge [sflag:s23], $0x7D00  }
0x2e: {  	s24 =	smax.u32 s24, $0x1;
	[sflag:s23] =	ssyncset.done $0x0  }
0x2f: {  	p0 =	sne.s32 s24, $0x1;
	[sflag:s23] =	ssyncadd.s32 $0xFFFF8300  }
.Ltmp0:
0x30: {  	_ =	swait.ge [sflag:s13], $0x7D00;
	(pc) =	sbr.rel @!p0 .LBB2_2-.Ltmp0, $4  }
0x31: {  	[sflag:s13] =	ssyncset.done $0x0  }
0x32: {  	[sflag:s13] =	ssyncadd.s32 $0xFFFF8300  }
0x33: {  	_ =	swait.ge [sflag:s16], $0x7D00  }
0x34: {  	s24 =	sadd.s32 $0xFFFFFFFF, s24;
	[sflag:s16] =	ssyncset.done $0x0  }
.LBB2_1:
0x35: {  	p0 =	sne.s32 s24, $0x1;
	s24 =	sadd.s32 $0xFFFFFFFF, s24;
	[sflag:s16] =	ssyncadd.s32 $0xFFFF8300  }
0x36: {  	[tilespmem:s3], [sflag:$0x7] =	stream.linear.gather [hbm4b:s4+s3], $0x1388, $0x38;
	[tilespmem:$0x18A88] =	vst v63  }
0x37: {  	_ =	swait.ge [sflag:s5], $0x1388  }
0x38: {  	[sflag:s5] =	ssyncset.done $0x0  }
0x39: {  	[sflag:s5] =	ssyncadd.s32 $0xFFFFEC78  }
0x3a: {  	[tilespmem:s7], [sflag:$0x1] =	stream.indirect.gather [hbm4b:s2+s6], $0x20, s3, s6, $0xb8;
	[tilespmem:$0x18A88] =	vst v63  }
0x3b: {  	_ = 	snop  }
0x3c: {  	[tilespmem:s8], [sflag:$0x2] =	stream.indirect.gather [hbm4b:s2+s6], $0x20, s6, s6, $0xb8;
	[tilespmem:$0x18A88] =	vst v63  }
0x3d: {  	_ = 	snop  }
0x3e: {  	[tilespmem:s10], [sflag:$0x3] =	stream.indirect.gather [hbm4b:s2+s6], $0x20, s9, s6, $0xb8;
	[tilespmem:$0x18A88] =	vst v63  }
0x3f: {  	_ =	swait.ge [sflag:s11], $0x7D00  }
0x40: {  	[sflag:s11] =	ssyncset.done $0x0  }
0x41: {  	[sflag:s11] =	ssyncadd.s32 $0xFFFF8300  }
0x42: {  	[hbm4b:s12+s3] =	stream.linear.scatter [tilespmem:s7], [sflag:$0x4], $0x7D00, $0x38;
	[tilespmem:$0x18A88] =	vst v63  }
0x43: {  	_ =	swait.ge [sflag:s13], $0x7D00  }
0x44: {  	[sflag:s13] =	ssyncset.done $0x0  }
0x45: {  	[sflag:s13] =	ssyncadd.s32 $0xFFFF8300  }
0x46: {  	[tilespmem:s7], [sflag:$0x1] =	stream.indirect.gather [hbm4b:s2+s6], $0x20, s14, s6, $0xb8;
	[tilespmem:$0x18A88] =	vst v63  }
0x47: {  	_ =	swait.ge [sflag:s15], $0x7D00  }
0x48: {  	[sflag:s15] =	ssyncset.done $0x0  }
0x49: {  	[sflag:s15] =	ssyncadd.s32 $0xFFFF8300  }
0x4a: {  	[hbm4b:s17+s3] =	stream.linear.scatter [tilespmem:s8], [sflag:$0x5], $0x7D00, $0x38;
	[tilespmem:$0x18A88] =	vst v63  }
0x4b: {  	_ =	swait.ge [sflag:s16], $0x7D00  }
0x4c: {  	[sflag:s16] =	ssyncset.done $0x0  }
0x4d: {  	[sflag:s16] =	ssyncadd.s32 $0xFFFF8300  }
0x4e: {  	[tilespmem:s8], [sflag:$0x2] =	stream.indirect.gather [hbm4b:s2+s6], $0x20, s18, s6, $0xb8;
	[tilespmem:$0x18A88] =	vst v63  }
0x4f: {  	_ =	swait.ge [sflag:s19], $0x7D00  }
0x50: {  	[sflag:s19] =	ssyncset.done $0x0  }
0x51: {  	[sflag:s19] =	ssyncadd.s32 $0xFFFF8300  }
0x52: {  	[hbm4b:s20+s3] =	stream.linear.scatter [tilespmem:s10], [sflag:$0x6], $0x7D00, $0x38;
	[tilespmem:$0x18A88] =	vst v63  }
0x53: {  	_ =	swait.ge [sflag:s11], $0x7D00  }
0x54: {  	[sflag:s11] =	ssyncset.done $0x0  }
0x55: {  	[sflag:s11] =	ssyncadd.s32 $0xFFFF8300  }
0x56: {  	[hbm4b:s21+s3] =	stream.linear.scatter [tilespmem:s7], [sflag:$0x4], $0x7D00, $0x38;
	[tilespmem:$0x18A88] =	vst v63  }
0x57: {  	_ =	swait.ge [sflag:s15], $0x7D00  }
0x58: {  	[sflag:s15] =	ssyncset.done $0x0  }
0x59: {  	[sflag:s15] =	ssyncadd.s32 $0xFFFF8300  }
0x5a: {  	[hbm4b:s22+s3] =	stream.linear.scatter [tilespmem:s8], [sflag:$0x5], $0x7D00, $0x38;
	[tilespmem:$0x18A88] =	vst v63  }
0x5b: {  	_ =	swait.ge [sflag:s23], $0x7D00  }
0x5c: {  	[sflag:s23] =	ssyncset.done $0x0  }
0x5d: {  	[sflag:s23] =	ssyncadd.s32 $0xFFFF8300  }
.Ltmp1:
0x5e: {  	_ =	swait.ge [sflag:s13], $0x7D00;
	(pc) =	sbr.rel @p0 .LBB2_1-.Ltmp1, $4  }
0x5f: {  	[sflag:s13] =	ssyncset.done $0x0  }
0x60: {  	[sflag:s13] =	ssyncadd.s32 $0xFFFF8300  }
0x61: {  	_ =	swait.ge [sflag:s16], $0x7D00  }
0x62: {  	[sflag:s16] =	ssyncset.done $0x0  }
.LBB2_2:
0x63: {  	[sflag:s16] =	ssyncadd.s32 $0xFFFF8300  }
0x64: {  	_ =	sfence.sel $0x180000  }
0x65: {  	[bflag:$0x0] =	sbarrier.arrive $0xFFFF  }
0x66: {  	p0 =	sne.s32 s0, $0x0;
	_ =	strace $0x90000047  }
0x67: {  	s0 =	sadd.s32 @!p0 $0x100000, s1;
	[bflag:$0x2] =	sbarrier.arrive $0xFFFF  }
0x68: {  	[sflag:s0] =	ssyncadd.tile.s32 @!p0 $0x1;
	_ =	shalt  }
.Lfunc_end2:
_tile_overlayer_lowered:
.L_overlay_start_2:
0x69: {  	(tag) =	ssettag $0x2  }
0x6a: {  	s0 =	rddreg [dreg:$0x0];
	s2 =	stileid.u32  }
0x6b: {  	s1 =	rddreg [dreg:$0x1];
	p0 =	sne.s32 s2, $0x0  }
0x6c: {  	s3 =	rddreg [dreg:$0x2];
	[bflag:$0x3] =	sbarrier.arrive $0xFFFF;
	s2 =	simm.s32 @!p0 $0x1C07  }
0x6d: {  	[timem:s3], [sflag:s2] =	dma.local @!p0 [hbm:s0], s1  }
0x6e: {  	s0 =	simm.s32 @!p0 $0x7  }
0x6f: {  	_ =	swait.ge @!p0 [sflag:s0], s1  }
0x70: {  	s1 =	ssub.s32 @!p0 $0x0, s1;
	[sflag:s0] =	ssyncset.done @!p0 $0x0  }
0x71: {  	[sflag:s0] =	ssyncadd.s32 @!p0 s1  }
0x72: {  	[bflag:$0x3] =	sbarrier.arrive $0xFFFF  }
0x73: {  	_ =	shalt  }

// kernel: kernel.20.cloned.1.call-start
scs
__scs_entry_jumppad:
0x0: {  	(pc) =	sbr.rel $0x88, $3  }
0x1: {  	(tag) =	ssettag $0x0;
	lr =	simm.s32 $0x1  }
0x2: {  	[smem:$0x3F83] =	sst lr;
	_ =	strace $0xD0000000  }
0x3: {  	_ = 	snop  }
0x4: {  	_ = 	snop  }
0x5: {  	_ = 	snop  }
0x6: {  	_ = 	snop  }
0x7: {  	_ = 	snop  }
__scs_overlays_trampoline_lowered:
0x8: {  	[smem:$0x3F92] =	sst s0  }
0x9: {  	[smem:$0x3F93] =	sst s1  }
0xa: {  	[smem:$0x3F94] =	sst s2  }
0xb: {  	[smem:$0x3F95] =	sst s3  }
0xc: {  	[smem:$0x3F96] =	sst s4  }
0xd: {  	[smem:$0x3F97] =	sst s5  }
0xe: {  	[smem:$0x3F98] =	sst s6  }
0xf: {  	[smem:$0x3F99] =	sst s7  }
0x10: {  	[smem:$0x3F9A] =	sst s8  }
0x11: {  	[smem:$0x3F9B] =	sst s9;
	s0 =	simm.s32 @!p0 $0x0  }
0x12: {  	s1 =	sld [smem:$0x3F81];
	s0 =	simm.s32 @p0 $0x1  }
0x13: {  	[smem:$0x3F9C] =	sst s0;
	s0 =	simm.s32 @!p1 $0x0  }
0x14: {  	s2 =	sld [smem:$0x3F80];
	s0 =	simm.s32 @p1 $0x1  }
0x15: {  	[smem:$0x3F9D] =	sst s0;
	s0 =	simm.s32 @!p2 $0x0  }
0x16: {  	s3 =	sld [smem:$0x3FDB];
	s0 =	simm.s32 @p2 $0x1  }
0x17: {  	s4 =	simm.s32 $0x1BF5;
	[smem:$0x3F9F] =	sst s0  }
0x18: {  	s0 =	sld [smem:$0x3F82];
	_ =	swait.ge [sflag:s4], $0x0  }
0x19: {  	s7 =	sld [smem:$0x3F83]  }
0x1a: {  	s8 =	sadd.s32 $0xFFFFE003, lr  }
0x1b: {  	s9 =	sadd.s32 $0xFFFFFEF7, lr;
	s5 =	simm.s32 $0xFFFFFFFF;
	p2 =	slt.u32 s8, $0xFFFFF086  }
0x1c: {  	p1 =	slt.u32 s9, $0xF7A;
	s5 =	simm.s32 @!p2 $0x0  }
0x1d: {  	s5 =	simm.s32 @p1 $0x1;
	p0 =	seq.s32 s7, s2  }
0x1e: {  	s7 =	smul.u32 @!p0 $0xF7A, s2;
	p2 =	seq.s32 @!p0 s5, $0x0  }
0x1f: {  	s9 =	smul.u32 $0xF7A, s1;
	s8 =	simm.s32 @!p0 $0x1BF5;
	p2 =	por !p2, p0  }
0x20: {  	[sflag:s8] =	ssyncset.s32 @!p0 $0xFFFFF086;
	s6 =	sadd.s32 @!p0 s3, s7;
	s7 =	simm.s32 @!p0 $0x108  }
0x21: {  	s3 =	sadd.s32 s3, s9;
	s6 =	sadd.s32 @!p0 $0x88, s6;
	s7 =	simm.s32 @p2 $0x1082  }
0x22: {  	[simem:s7], [sflag:s8] =	dma.local @!p0 [hbm:s6], $0xF7A  }
0x23: {  	s9 =	sor.u32 $0xD0000000, s2;
	s6 =	simm.s32 $0x108;
	_ =	swait.ge @!p0 [sflag:s8], $0x0  }
0x24: {  	s3 =	sadd.s32 $0x88, s3;
	s6 =	simm.s32 @!p1 $0x1082;
	[sflag:s4] =	ssyncset.s32 $0xFFFFF086  }
0x25: {  	[simem:s6], [sflag:s4] =	dma.local [hbm:s3], $0xF7A  }
0x26: {  	[smem:$0x3F83] =	sst s1;
	(tag) =	ssettag s2;
	_ =	strace s9  }
0x27: {  	s1 =	sld [smem:$0x3F93]  }
0x28: {  	s2 =	sld [smem:$0x3F94]  }
0x29: {  	s4 =	sld [smem:$0x3F96]  }
0x2a: {  	p0 =	seq.s32 s5, $0x0;
	s5 =	sld [smem:$0x3F97]  }
0x2b: {  	s6 =	sld [smem:$0x3F98]  }
0x2c: {  	s7 =	sld [smem:$0x3F99]  }
0x2d: {  	s3 =	simm.s32 $0x108;
	s8 =	sld [smem:$0x3F9A]  }
0x2e: {  	s3 =	simm.s32 @!p0 $0x1082;
	s9 =	sld [smem:$0x3F9B]  }
0x2f: {  	lr =	sadd.s32 s0, s3;
	s0 =	sld [smem:$0x3F92]  }
0x30: {  	s3 =	sld [smem:$0x3F95]  }
0x31: {  	[smem:$0x3F9E] =	sst s10  }
0x32: {  	s10 =	sld [smem:$0x3F9C];
	_ =	sdelay $0x3  }
0x33: {  	p0 =	seq.s32 s10, $0x1;
	s10 =	sld [smem:$0x3F9E];
	_ =	sdelay $0x3  }
0x34: {  	[smem:$0x3F9E] =	sst s10  }
0x35: {  	s10 =	sld [smem:$0x3F9D];
	_ =	sdelay $0x3  }
0x36: {  	p1 =	seq.s32 s10, $0x1;
	s10 =	sld [smem:$0x3F9E];
	_ =	sdelay $0x3  }
0x37: {  	[smem:$0x3F9E] =	sst s10  }
0x38: {  	s10 =	sld [smem:$0x3F9F]  }
0x39: {  	_ = 	snop;
	(pc) =	sbr.ind lr, $3  }
0x3a: {  	_ = 	snop  }
0x3b: {  	_ = 	snop  }
0x3c: {  	p2 =	seq.s32 s10, $0x1;
	s10 =	sld [smem:$0x3F9E]  }
0x3d: {  	_ =	shalt  }
0x3e: {  	_ =	shalt  }
0x3f: {  	_ =	shalt  }
0x40: {  	_ =	shalt  }
0x41: {  	_ =	shalt  }
0x42: {  	_ =	shalt  }
0x43: {  	_ =	shalt  }
0x44: {  	_ =	shalt  }
0x45: {  	_ =	shalt  }
0x46: {  	_ =	shalt  }
0x47: {  	_ =	shalt  }
0x48: {  	_ =	shalt  }
0x49: {  	_ =	shalt  }
0x4a: {  	_ =	shalt  }
0x4b: {  	_ =	shalt  }
0x4c: {  	_ =	shalt  }
0x4d: {  	_ =	shalt  }
0x4e: {  	_ =	shalt  }
0x4f: {  	_ =	shalt  }
0x50: {  	_ =	shalt  }
0x51: {  	_ =	shalt  }
0x52: {  	_ =	shalt  }
0x53: {  	_ =	shalt  }
0x54: {  	_ =	shalt  }
0x55: {  	_ =	shalt  }
0x56: {  	_ =	shalt  }
0x57: {  	_ =	shalt  }
0x58: {  	_ =	shalt  }
0x59: {  	_ =	shalt  }
0x5a: {  	_ =	shalt  }
0x5b: {  	_ =	shalt  }
0x5c: {  	_ =	shalt  }
0x5d: {  	_ =	shalt  }
0x5e: {  	_ =	shalt  }
0x5f: {  	_ =	shalt  }
0x60: {  	_ =	shalt  }
0x61: {  	_ =	shalt  }
0x62: {  	_ =	shalt  }
0x63: {  	_ =	shalt  }
0x64: {  	_ =	shalt  }
0x65: {  	_ =	shalt  }
0x66: {  	_ =	shalt  }
0x67: {  	_ =	shalt  }
0x68: {  	_ =	shalt  }
0x69: {  	_ =	shalt  }
0x6a: {  	_ =	shalt  }
0x6b: {  	_ =	shalt  }
0x6c: {  	_ =	shalt  }
0x6d: {  	_ =	shalt  }
0x6e: {  	_ =	shalt  }
0x6f: {  	_ =	shalt  }
0x70: {  	_ =	shalt  }
0x71: {  	_ =	shalt  }
0x72: {  	_ =	shalt  }
0x73: {  	_ =	shalt  }
0x74: {  	_ =	shalt  }
0x75: {  	_ =	shalt  }
0x76: {  	_ =	shalt  }
0x77: {  	_ =	shalt  }
0x78: {  	_ =	shalt  }
0x79: {  	_ =	shalt  }
0x7a: {  	_ =	shalt  }
0x7b: {  	_ =	shalt  }
0x7c: {  	_ =	shalt  }
0x7d: {  	_ =	shalt  }
0x7e: {  	_ =	shalt  }
0x7f: {  	_ =	shalt  }
0x80: {  	_ =	shalt  }
0x81: {  	_ =	shalt  }
0x82: {  	_ =	shalt  }
0x83: {  	_ =	shalt  }
0x84: {  	_ =	shalt  }
0x85: {  	_ =	shalt  }
0x86: {  	_ =	shalt  }
0x87: {  	_ =	shalt  }
.Lfunc_end0:
.L_simem_size_0:
called_computation.1_lowered:
.L_overlay_start_0:
0x88: {  	s2 =	sld [smem:$0x3FD9]  }
0x89: {  	s3 =	sld [smem:$0x3FFE];
	_ =	sdelay $0x1  }
0x8a: {  	s1 =	srdreg.scid  }
0x8b: {  	s0 =	sand.u32 $0x1, s1  }
0x8c: {  	s17 =	sshll.u32 s0, $0xA;
	s2 =	sadd.s32 s3, s2  }
0x8d: {  	s2 =	sadd.s32 s2, s17  }
0x8e: {  	[smem:$0x3FAA] =	sst s2  }
0x8f: {  	_ = 	snop  }
0x90: {  	s2 =	sld [smem:$0x3FD0];
	(tm) =	ssettm $0x1  }
0x91: {  	s18 =	sld [smem:$0x3FFB];
	_ =	sdelay $0x3  }
0x92: {  	_ =	strace s18  }
0x93: {  	s3 =	sld [smem:$0x3FFC];
	_ =	sdelay $0x3  }
0x94: {  	_ =	strace s3  }
0x95: {  	s3 =	sld [smem:$0x3FFD];
	_ =	sdelay $0x3  }
0x96: {  	_ =	strace s3  }
0x97: {  	_ =	strace $0x8FFFFFFF  }
0x98: {  	s19 =	sld [smem:$0x3FDB];
	_ =	sdelay $0x1  }
0x99: {  	s4 =	simm.s32 $_scs_section_size  }
0x9a: {  	s5 =	simm.s32 $_size__tile_overlayer_lowered;
	s6 =	simm.s32 $_tile_overlayer_lowered  }
0x9b: {  	s22 =	simm.s32 $0x1BFF;
	s21 =	sshll.u32 s6, $0x1;
	s3 =	sadd.s32 s4, s19  }
0x9c: {  	s7 =	simm.s32 $0x0;
	s20 =	sshll.u32 s5, $0x1;
	s5 =	sadd.s32 s21, s3  }
0x9d: {  	[timem:s7], [sflag:s22] =	dma.local [hbm:s5], s20  }
0x9e: {  	_ =	swait.ge [sflag:s22], s20  }
0x9f: {  	s4 =	ssub.s32 $0x0, s20;
	[sflag:s22] =	ssyncset.done $0x0  }
0xa0: {  	[sflag:s22] =	ssyncadd.s32 s4;
	_ =	sdelay $0x1  }
0xa1: {  	s23 =	simm.s32 $0x1B8B  }
0xa2: {  	_ =	swait.ge [sflag:s23], $0x1  }
0xa3: {  	[sflag:s23] =	ssyncset.done $0x0  }
0xa4: {  	s25 =	simm.s32 $0x1B8E;
	s24 =	sld [smem:$0x3FFE];
	[sflag:s23] =	ssyncadd.s32 $0xFFFFFFFF  }
0xa5: {  	s26 =	simm.s32 $execute0_lowered;
	[smem:$0x3FD2] =	sst s25  }
0xa6: {  	s5 =	sshll.u32 s26, $0x1;
	_ =	strace $0x80000049;
	[dreg:$0x1] =	wrdreg $0xFFFFFFFF  }
0xa7: {  	s28 =	simm.s32 $_size_execute0_lowered;
	s3 =	sadd.s32 s3, s5;
	[dreg:$0x0] =	wrdreg $0x0  }
0xa8: {  	s5 =	sshll.u32 s28, $0x1;
	[dreg:$0x2] =	wrdreg s3  }
0xa9: {  	[dreg:$0x3] =	wrdreg s5  }
0xaa: {  	[dreg:$0x4] =	wrdreg $0xC0  }
0xab: {  	_ =	task [dreg:s7], $0x5FFFF  }
0xac: {  	[dreg:$0x1] =	wrdreg $0xFFFFFFFF  }
0xad: {  	[dreg:$0x0] =	wrdreg $0x60  }
0xae: {  	[dreg:$0x2] =	wrdreg s24  }
0xaf: {  	[dreg:$0x3] =	wrdreg s2  }
0xb0: {  	[dreg:$0x4] =	wrdreg $0x10D880  }
0xb1: {  	[dreg:$0x5] =	wrdreg $0x9  }
0xb2: {  	_ =	task.clear_ibuf [dreg:s7], $0x6FFFF;
	_ =	strace $0x90000049  }
0xb3: {  	s29 =	simm.s32 $0x9;
	_ =	strace $0x8000004B  }
0xb4: {  	_ =	swait.ge [sflag:s29], $0x1  }
0xb5: {  	[sflag:s29] =	ssyncadd.s32 $0xFFFFFFFF  }
0xb6: {  	_ =	strace $0x9000004B  }
0xb7: {  	_ =	sfence  }
0xb8: {  	s30 =	sld [smem:$0x0];
	_ =	sdelay $0x2  }
0xb9: {  	s31 =	sshll.u32 s1, $0xD;
	s1 =	sshrl.u32 s1, $0x2  }
0xba: {  	s3 =	sand.u32 $0x4000, s31;
	s1 =	sadd.s32 s1, s30  }
0xbb: {  	s0 =	sor.u32 s3, s0;
	s1 =	sshll.u32 s1, $0x11  }
0xbc: {  	s0 =	sor.u32 s1, s0  }
0xbd: {  	s0 =	sadd.s32 $0x8F2B, s0  }
0xbe: {  	[sflag:s0] =	ssyncadd.remote.s32 $0x1  }
0xbf: {  	_ =	sfence.sel $0xFFFF  }
0xc0: {  	[dreg:$0x0] =	wrdreg $0xFFFFFFFF;
	(pc) =	sbr.abs _section_cstart, $3  }
0xc1: {  	[dreg:$0x1] =	wrdreg $0xFFFFFFFF  }
0xc2: {  	_ =	task.clear_ibuf [dreg:s7], $0x2FFFF;
	_ =	strace $0x9FFFFFFF  }
0xc3: {  	(tm) =	ssettm $0x7FFFFFFF  }
tec
execute0_lowered:
.L_overlay_start_1:
0x0: {  	(tag) =	ssettag $0x1  }
0x1: {  	s23 =	rddreg [dreg:$0x0]  }
0x2: {  	s4 =	rddreg [dreg:$0x1];
	s1 =	stileid.u32  }
0x3: {  	s2 =	rddreg [dreg:$0x2];
	s7 =	smul.u32 $0x4E40, s1  }
0x4: {  	s0 =	rddreg [dreg:$0x3];
	s3 =	simm.s32 $0x0;
	s8 =	srdreg.scid  }
0x5: {  	s6 =	simm.s32 $0x1388;
	[smem:$0x7FF] =	sst s3;
	s5 =	sshrl.u32 s7, $0x3  }
0x6: {  	_ =	strace $0x8000004A;
	s4 =	sadd.s32 s4, s5;
	s5 =	simm.s32 $0x5  }
0x7: {  	[tilespmem:s6], [sflag:$0x5] =	stream.linear.gather [hbm4b:s4+s3], $0x4E40, $0x38;
	[tilespmem:$0x15BC8] =	vst v63  }
0x8: {  	s24 =	sand.u32 $0x1, s8;
	s26 =	sshll.u32 s1, $0x1;
	_ =	swait.ge [sflag:s5], $0x4E40  }
0x9: {  	s9 =	sor.u32 s24, s26;
	[sflag:s5] =	ssyncset.done $0x0  }
0xa: {  	s8 =	smul.u32 $0x271, s9;
	s7 =	sadd.s32 s7, s2;
	[sflag:s5] =	ssyncadd.s32 $0xFFFFB1C0  }
0xb: {  	[spmem:s7] =	stream.linear.scatter [tilespmem:s6], [sflag:$0x5], $0x4E40, $0x38;
	[tilespmem:$0x15BC8] =	vst v63  }
0xc: {  	_ =	swait.ge [sflag:s5], $0x4E40  }
0xd: {  	s8 =	sadd.s32 s8, s23;
	[sflag:s5] =	ssyncset.done $0x0  }
0xe: {  	s10 =	smul.u32 $0x27100, s9;
	s8 =	sadd.s32 $0xAA00, s8;
	[sflag:s5] =	ssyncadd.s32 $0xFFFFB1C0  }
0xf: {  	[tilespmem:s3], [sflag:$0x5] =	stream.linear.gather [hbm4b:s8+s3], $0x1388, $0x38;
	[tilespmem:$0x15BC8] =	vst v63  }
0x10: {  	s9 =	smul.u32 $0x4E20, s9;
	_ =	swait.ge [sflag:s5], $0x1388  }
0x11: {  	s11 =	sadd.s32 $0xFA00, s23;
	s10 =	sshrl.u32 s10, $0x3;
	[sflag:s5] =	ssyncset.done $0x0  }
0x12: {  	s9 =	sadd.s32 s11, s9;
	s20 =	sadd.s32 s11, s10;
	[sflag:s5] =	ssyncadd.s32 $0xFFFFEC78  }
0x13: {  	[tilespmem:s6], [sflag:$0x1] =	stream.linear.gather [hbm4b:s9+s3], $0x7D00, $0x38;
	[tilespmem:$0x15BC8] =	vst v63  }
0x14: {  	s11 =	simm.s32 $0x9088;
	s10 =	sadd.s32 $0xFA0, s20  }
0x15: {  	[tilespmem:s11], [sflag:$0x2] =	stream.linear.gather [hbm4b:s10+s3], $0x7D00, $0x38;
	[tilespmem:$0x15BC8] =	vst v63  }
0x16: {  	s12 =	simm.s32 $0x1;
	[bflag:$0x0] =	sbarrier.arrive $0xFFFF  }
0x17: {  	_ =	swait.ge [sflag:s12], $0x7D00  }
0x18: {  	[sflag:s12] =	ssyncset.done $0x0  }
0x19: {  	s13 =	simm.s32 $0x3E8;
	s14 =	simm.s32 $0x3;
	[sflag:s12] =	ssyncadd.s32 $0xFFFF8300  }
0x1a: {  	[spmem:s2] =	stream.indirect.scatter.add.f32 [tilespmem:s6], [sflag:$0x3], $0x20, s3, s13, $0xb8;
	[tilespmem:$0x15BC8] =	vst v63  }
0x1b: {  	_ =	swait.ge [sflag:s14], $0x7D00  }
0x1c: {  	[sflag:s14] =	ssyncset.done $0x0  }
0x1d: {  	s16 =	simm.s32 $0x2;
	s15 =	sadd.s32 $0x1F40, s20;
	[sflag:s14] =	ssyncadd.s32 $0xFFFF8300  }
0x1e: {  	[tilespmem:s6], [sflag:$0x1] =	stream.linear.gather [hbm4b:s15+s3], $0x7D00, $0x38;
	[tilespmem:$0x15BC8] =	vst v63  }
0x1f: {  	_ =	swait.ge [sflag:s16], $0x7D00  }
0x20: {  	[sflag:s16] =	ssyncset.done $0x0  }
0x21: {  	s17 =	simm.s32 $0x4;
	[sflag:s16] =	ssyncadd.s32 $0xFFFF8300  }
0x22: {  	[spmem:s2] =	stream.indirect.scatter.add.f32 [tilespmem:s11], [sflag:$0x4], $0x20, s13, s13, $0xb8;
	[tilespmem:$0x15BC8] =	vst v63  }
0x23: {  	_ =	swait.ge [sflag:s17], $0x7D00  }
0x24: {  	[sflag:s17] =	ssyncset.done $0x0  }
0x25: {  	s18 =	sadd.s32 $0x2EE0, s20;
	[sflag:s17] =	ssyncadd.s32 $0xFFFF8300  }
0x26: {  	[tilespmem:s11], [sflag:$0x2] =	stream.linear.gather [hbm4b:s18+s3], $0x7D00, $0x38;
	[tilespmem:$0x15BC8] =	vst v63  }
0x27: {  	_ =	swait.ge [sflag:s12], $0x7D00  }
0x28: {  	[sflag:s12] =	ssyncset.done $0x0  }
0x29: {  	s19 =	simm.s32 $0x7D0;
	[sflag:s12] =	ssyncadd.s32 $0xFFFF8300  }
0x2a: {  	[spmem:s2] =	stream.indirect.scatter.add.f32 [tilespmem:s6], [sflag:$0x3], $0x20, s19, s13, $0xb8;
	[tilespmem:$0x15BC8] =	vst v63  }
0x2b: {  	_ =	swait.ge [sflag:s14], $0x7D00  }
0x2c: {  	[sflag:s14] =	ssyncset.done $0x0  }
0x2d: {  	s20 =	sadd.s32 $0x3E80, s20;
	[sflag:s14] =	ssyncadd.s32 $0xFFFF8300  }
0x2e: {  	[tilespmem:s6], [sflag:$0x1] =	stream.linear.gather [hbm4b:s20+s3], $0x7D00, $0x38;
	[tilespmem:$0x15BC8] =	vst v63  }
0x2f: {  	_ =	swait.ge [sflag:s16], $0x7D00  }
0x30: {  	[sflag:s16] =	ssyncset.done $0x0  }
0x31: {  	s21 =	simm.s32 $0xBB8;
	[sflag:s16] =	ssyncadd.s32 $0xFFFF8300  }
0x32: {  	[spmem:s2] =	stream.indirect.scatter.add.f32 [tilespmem:s11], [sflag:$0x4], $0x20, s21, s13, $0xb8;
	[tilespmem:$0x15BC8] =	vst v63  }
0x33: {  	_ =	swait.ge [sflag:s12], $0x7D00  }
0x34: {  	s22 =	simm.s32 $0xFA0;
	s28 =	smul.u32 $0x13880, s1;
	[sflag:s12] =	ssyncset.done $0x0  }
0x35: {  	s25 =	smul.u32 $0x9C40, s24;
	s24 =	ssub.s32 $0x2, s24;
	[sflag:s12] =	ssyncadd.s32 $0xFFFF8300  }
0x36: {  	[spmem:s2] =	stream.indirect.scatter.add.f32 [tilespmem:s6], [sflag:$0x3], $0x20, s22, s13, $0xb8;
	[tilespmem:$0x15BC8] =	vst v63  }
0x37: {  	s26 =	smul.u32 $0x9C4, s1;
	s29 =	sshrl.u32 s24, $0x1;
	_ =	swait.ge [sflag:s17], $0x7D00  }
0x38: {  	s30 =	sshrl.u32 s28, $0x2;
	s28 =	sshll.u32 s1, $0x6;
	[sflag:s17] =	ssyncset.done $0x0  }
0x39: {  	s25 =	sadd.s32 s26, s25;
	s24 =	ssub.s32 s24, s29;
	[sflag:s17] =	ssyncadd.s32 $0xFFFF8300  }
0x3a: {  	s23 =	sadd.s32 s25, s23;
	s31 =	smax.u32 s24, $0x1;
	_ =	swait.ge [sflag:s14], $0x7D00  }
0x3b: {  	s25 =	sadd.s32 s30, s2;
	p0 =	sne.s32 s31, $0x1;
	[sflag:s14] =	ssyncset.done $0x0  }
.Ltmp0:
0x3c: {  	s23 =	sadd.s32 $0x150200, s23;
	[sflag:s14] =	ssyncadd.s32 $0xFFFF8300;
	(pc) =	sbr.rel @!p0 .LBB2_2-.Ltmp0, $4  }
0x3d: {  	s24 =	sshrl.u32 s25, $0x3;
	s25 =	sor.u32 $0x1C05, s28;
	[bflag:$0x0] =	sbarrier.arrive $0xFFFF  }
0x3e: {  	[hbm:s23], [sflag:s25] =	dma.local [spmem:s24], $0x9C4  }
0x3f: {  	_ =	swait.ge [sflag:s5], $0x9C4  }
0x40: {  	s26 =	sadd.s32 $0xFFFFFFFF, s31;
	[sflag:s5] =	ssyncset.done $0x0  }
.LBB2_1:
0x41: {  	p0 =	sne.s32 s26, $0x1;
	s26 =	sadd.s32 $0xFFFFFFFF, s26;
	[sflag:s5] =	ssyncadd.s32 $0xFFFFF63C  }
0x42: {  	[tilespmem:s6], [sflag:$0x5] =	stream.linear.gather [hbm4b:s4+s3], $0x4E40, $0x38;
	[tilespmem:$0x15BC8] =	vst v63  }
0x43: {  	_ =	swait.ge [sflag:s5], $0x4E40  }
0x44: {  	[sflag:s5] =	ssyncset.done $0x0  }
0x45: {  	[sflag:s5] =	ssyncadd.s32 $0xFFFFB1C0  }
0x46: {  	[spmem:s7] =	stream.linear.scatter [tilespmem:s6], [sflag:$0x5], $0x4E40, $0x38;
	[tilespmem:$0x15BC8] =	vst v63  }
0x47: {  	_ =	swait.ge [sflag:s5], $0x4E40  }
0x48: {  	[sflag:s5] =	ssyncset.done $0x0  }
0x49: {  	[sflag:s5] =	ssyncadd.s32 $0xFFFFB1C0  }
0x4a: {  	[tilespmem:s3], [sflag:$0x5] =	stream.linear.gather [hbm4b:s8+s3], $0x1388, $0x38;
	[tilespmem:$0x15BC8] =	vst v63  }
0x4b: {  	_ =	swait.ge [sflag:s5], $0x1388  }
0x4c: {  	[sflag:s5] =	ssyncset.done $0x0  }
0x4d: {  	[sflag:s5] =	ssyncadd.s32 $0xFFFFEC78  }
0x4e: {  	[tilespmem:s6], [sflag:$0x1] =	stream.linear.gather [hbm4b:s9+s3], $0x7D00, $0x38;
	[tilespmem:$0x15BC8] =	vst v63  }
0x4f: {  	_ = 	snop  }
0x50: {  	[tilespmem:s11], [sflag:$0x2] =	stream.linear.gather [hbm4b:s10+s3], $0x7D00, $0x38;
	[tilespmem:$0x15BC8] =	vst v63  }
0x51: {  	[bflag:$0x0] =	sbarrier.arrive $0xFFFF  }
0x52: {  	_ =	swait.ge [sflag:s12], $0x7D00  }
0x53: {  	[sflag:s12] =	ssyncset.done $0x0  }
0x54: {  	[sflag:s12] =	ssyncadd.s32 $0xFFFF8300  }
0x55: {  	[spmem:s2] =	stream.indirect.scatter.add.f32 [tilespmem:s6], [sflag:$0x3], $0x20, s3, s13, $0xb8;
	[tilespmem:$0x15BC8] =	vst v63  }
0x56: {  	_ =	swait.ge [sflag:s14], $0x7D00  }
0x57: {  	[sflag:s14] =	ssyncset.done $0x0  }
0x58: {  	[sflag:s14] =	ssyncadd.s32 $0xFFFF8300  }
0x59: {  	[tilespmem:s6], [sflag:$0x1] =	stream.linear.gather [hbm4b:s15+s3], $0x7D00, $0x38;
	[tilespmem:$0x15BC8] =	vst v63  }
0x5a: {  	_ =	swait.ge [sflag:s16], $0x7D00  }
0x5b: {  	[sflag:s16] =	ssyncset.done $0x0  }
0x5c: {  	[sflag:s16] =	ssyncadd.s32 $0xFFFF8300  }
0x5d: {  	[spmem:s2] =	stream.indirect.scatter.add.f32 [tilespmem:s11], [sflag:$0x4], $0x20, s13, s13, $0xb8;
	[tilespmem:$0x15BC8] =	vst v63  }
0x5e: {  	_ =	swait.ge [sflag:s17], $0x7D00  }
0x5f: {  	[sflag:s17] =	ssyncset.done $0x0  }
0x60: {  	[sflag:s17] =	ssyncadd.s32 $0xFFFF8300  }
0x61: {  	[tilespmem:s11], [sflag:$0x2] =	stream.linear.gather [hbm4b:s18+s3], $0x7D00, $0x38;
	[tilespmem:$0x15BC8] =	vst v63  }
0x62: {  	_ =	swait.ge [sflag:s12], $0x7D00  }
0x63: {  	[sflag:s12] =	ssyncset.done $0x0  }
0x64: {  	[sflag:s12] =	ssyncadd.s32 $0xFFFF8300  }
0x65: {  	[spmem:s2] =	stream.indirect.scatter.add.f32 [tilespmem:s6], [sflag:$0x3], $0x20, s19, s13, $0xb8;
	[tilespmem:$0x15BC8] =	vst v63  }
0x66: {  	_ =	swait.ge [sflag:s14], $0x7D00  }
0x67: {  	[sflag:s14] =	ssyncset.done $0x0  }
0x68: {  	[sflag:s14] =	ssyncadd.s32 $0xFFFF8300  }
0x69: {  	[tilespmem:s6], [sflag:$0x1] =	stream.linear.gather [hbm4b:s20+s3], $0x7D00, $0x38;
	[tilespmem:$0x15BC8] =	vst v63  }
0x6a: {  	_ =	swait.ge [sflag:s16], $0x7D00  }
0x6b: {  	[sflag:s16] =	ssyncset.done $0x0  }
0x6c: {  	[sflag:s16] =	ssyncadd.s32 $0xFFFF8300  }
0x6d: {  	[spmem:s2] =	stream.indirect.scatter.add.f32 [tilespmem:s11], [sflag:$0x4], $0x20, s21, s13, $0xb8;
	[tilespmem:$0x15BC8] =	vst v63  }
0x6e: {  	_ =	swait.ge [sflag:s12], $0x7D00  }
0x6f: {  	[sflag:s12] =	ssyncset.done $0x0  }
0x70: {  	[sflag:s12] =	ssyncadd.s32 $0xFFFF8300  }
0x71: {  	[spmem:s2] =	stream.indirect.scatter.add.f32 [tilespmem:s6], [sflag:$0x3], $0x20, s22, s13, $0xb8;
	[tilespmem:$0x15BC8] =	vst v63  }
0x72: {  	_ =	swait.ge [sflag:s17], $0x7D00  }
0x73: {  	[sflag:s17] =	ssyncset.done $0x0  }
0x74: {  	[sflag:s17] =	ssyncadd.s32 $0xFFFF8300  }
0x75: {  	_ =	swait.ge [sflag:s14], $0x7D00  }
0x76: {  	[sflag:s14] =	ssyncset.done $0x0  }
.Ltmp1:
0x77: {  	[sflag:s14] =	ssyncadd.s32 $0xFFFF8300;
	(pc) =	sbr.rel @p0 .LBB2_1-.Ltmp1, $4  }
0x78: {  	[bflag:$0x0] =	sbarrier.arrive $0xFFFF  }
0x79: {  	[hbm:s23], [sflag:s25] =	dma.local [spmem:s24], $0x9C4  }
0x7a: {  	_ =	swait.ge [sflag:s5], $0x9C4  }
0x7b: {  	[sflag:s5] =	ssyncset.done $0x0  }
.LBB2_2:
0x7c: {  	[sflag:s5] =	ssyncadd.s32 $0xFFFFF63C  }
0x7d: {  	_ =	sfence.sel $0x180000  }
0x7e: {  	[bflag:$0x0] =	sbarrier.arrive $0xFFFF  }
0x7f: {  	p0 =	sne.s32 s1, $0x0;
	_ =	strace $0x9000004A  }
0x80: {  	s0 =	sadd.s32 @!p0 $0x100000, s0;
	[bflag:$0x2] =	sbarrier.arrive $0xFFFF  }
0x81: {  	[sflag:s0] =	ssyncadd.tile.s32 @!p0 $0x1;
	_ =	shalt  }
.Lfunc_end2:
_tile_overlayer_lowered:
.L_overlay_start_2:
0x82: {  	(tag) =	ssettag $0x2  }
0x83: {  	s0 =	rddreg [dreg:$0x0];
	s2 =	stileid.u32  }
0x84: {  	s1 =	rddreg [dreg:$0x1];
	p0 =	sne.s32 s2, $0x0  }
0x85: {  	s3 =	rddreg [dreg:$0x2];
	[bflag:$0x3] =	sbarrier.arrive $0xFFFF;
	s2 =	simm.s32 @!p0 $0x1C05  }
0x86: {  	[timem:s3], [sflag:s2] =	dma.local @!p0 [hbm:s0], s1  }
0x87: {  	s0 =	simm.s32 @!p0 $0x5  }
0x88: {  	_ =	swait.ge @!p0 [sflag:s0], s1  }
0x89: {  	s1 =	ssub.s32 @!p0 $0x0, s1;
	[sflag:s0] =	ssyncset.done @!p0 $0x0  }
0x8a: {  	[sflag:s0] =	ssyncadd.s32 @!p0 s1  }
0x8b: {  	[bflag:$0x3] =	sbarrier.arrive $0xFFFF  }
0x8c: {  	_ =	shalt  }

// kernel: kernel.23.cloned.1.call-start
scs
__scs_entry_jumppad:
0x0: {  	(pc) =	sbr.rel $0x88, $3  }
0x1: {  	(tag) =	ssettag $0x0;
	lr =	simm.s32 $0x1  }
0x2: {  	[smem:$0x3F83] =	sst lr;
	_ =	strace $0xD0000000  }
0x3: {  	_ = 	snop  }
0x4: {  	_ = 	snop  }
0x5: {  	_ = 	snop  }
0x6: {  	_ = 	snop  }
0x7: {  	_ = 	snop  }
__scs_overlays_trampoline_lowered:
0x8: {  	[smem:$0x3F92] =	sst s0  }
0x9: {  	[smem:$0x3F93] =	sst s1  }
0xa: {  	[smem:$0x3F94] =	sst s2  }
0xb: {  	[smem:$0x3F95] =	sst s3  }
0xc: {  	[smem:$0x3F96] =	sst s4  }
0xd: {  	[smem:$0x3F97] =	sst s5  }
0xe: {  	[smem:$0x3F98] =	sst s6  }
0xf: {  	[smem:$0x3F99] =	sst s7  }
0x10: {  	[smem:$0x3F9A] =	sst s8  }
0x11: {  	[smem:$0x3F9B] =	sst s9;
	s0 =	simm.s32 @!p0 $0x0  }
0x12: {  	s1 =	sld [smem:$0x3F81];
	s0 =	simm.s32 @p0 $0x1  }
0x13: {  	[smem:$0x3F9C] =	sst s0;
	s0 =	simm.s32 @!p1 $0x0  }
0x14: {  	s2 =	sld [smem:$0x3F80];
	s0 =	simm.s32 @p1 $0x1  }
0x15: {  	[smem:$0x3F9D] =	sst s0;
	s0 =	simm.s32 @!p2 $0x0  }
0x16: {  	s3 =	sld [smem:$0x3FDB];
	s0 =	simm.s32 @p2 $0x1  }
0x17: {  	s4 =	simm.s32 $0x1BF5;
	[smem:$0x3F9F] =	sst s0  }
0x18: {  	s0 =	sld [smem:$0x3F82];
	_ =	swait.ge [sflag:s4], $0x0  }
0x19: {  	s7 =	sld [smem:$0x3F83]  }
0x1a: {  	s8 =	sadd.s32 $0xFFFFE003, lr  }
0x1b: {  	s9 =	sadd.s32 $0xFFFFFEF7, lr;
	s5 =	simm.s32 $0xFFFFFFFF;
	p2 =	slt.u32 s8, $0xFFFFF086  }
0x1c: {  	p1 =	slt.u32 s9, $0xF7A;
	s5 =	simm.s32 @!p2 $0x0  }
0x1d: {  	s5 =	simm.s32 @p1 $0x1;
	p0 =	seq.s32 s7, s2  }
0x1e: {  	s7 =	smul.u32 @!p0 $0xF7A, s2;
	p2 =	seq.s32 @!p0 s5, $0x0  }
0x1f: {  	s9 =	smul.u32 $0xF7A, s1;
	s8 =	simm.s32 @!p0 $0x1BF5;
	p2 =	por !p2, p0  }
0x20: {  	[sflag:s8] =	ssyncset.s32 @!p0 $0xFFFFF086;
	s6 =	sadd.s32 @!p0 s3, s7;
	s7 =	simm.s32 @!p0 $0x108  }
0x21: {  	s3 =	sadd.s32 s3, s9;
	s6 =	sadd.s32 @!p0 $0x88, s6;
	s7 =	simm.s32 @p2 $0x1082  }
0x22: {  	[simem:s7], [sflag:s8] =	dma.local @!p0 [hbm:s6], $0xF7A  }
0x23: {  	s9 =	sor.u32 $0xD0000000, s2;
	s6 =	simm.s32 $0x108;
	_ =	swait.ge @!p0 [sflag:s8], $0x0  }
0x24: {  	s3 =	sadd.s32 $0x88, s3;
	s6 =	simm.s32 @!p1 $0x1082;
	[sflag:s4] =	ssyncset.s32 $0xFFFFF086  }
0x25: {  	[simem:s6], [sflag:s4] =	dma.local [hbm:s3], $0xF7A  }
0x26: {  	[smem:$0x3F83] =	sst s1;
	(tag) =	ssettag s2;
	_ =	strace s9  }
0x27: {  	s1 =	sld [smem:$0x3F93]  }
0x28: {  	s2 =	sld [smem:$0x3F94]  }
0x29: {  	s4 =	sld [smem:$0x3F96]  }
0x2a: {  	p0 =	seq.s32 s5, $0x0;
	s5 =	sld [smem:$0x3F97]  }
0x2b: {  	s6 =	sld [smem:$0x3F98]  }
0x2c: {  	s7 =	sld [smem:$0x3F99]  }
0x2d: {  	s3 =	simm.s32 $0x108;
	s8 =	sld [smem:$0x3F9A]  }
0x2e: {  	s3 =	simm.s32 @!p0 $0x1082;
	s9 =	sld [smem:$0x3F9B]  }
0x2f: {  	lr =	sadd.s32 s0, s3;
	s0 =	sld [smem:$0x3F92]  }
0x30: {  	s3 =	sld [smem:$0x3F95]  }
0x31: {  	[smem:$0x3F9E] =	sst s10  }
0x32: {  	s10 =	sld [smem:$0x3F9C];
	_ =	sdelay $0x3  }
0x33: {  	p0 =	seq.s32 s10, $0x1;
	s10 =	sld [smem:$0x3F9E];
	_ =	sdelay $0x3  }
0x34: {  	[smem:$0x3F9E] =	sst s10  }
0x35: {  	s10 =	sld [smem:$0x3F9D];
	_ =	sdelay $0x3  }
0x36: {  	p1 =	seq.s32 s10, $0x1;
	s10 =	sld [smem:$0x3F9E];
	_ =	sdelay $0x3  }
0x37: {  	[smem:$0x3F9E] =	sst s10  }
0x38: {  	s10 =	sld [smem:$0x3F9F]  }
0x39: {  	_ = 	snop;
	(pc) =	sbr.ind lr, $3  }
0x3a: {  	_ = 	snop  }
0x3b: {  	_ = 	snop  }
0x3c: {  	p2 =	seq.s32 s10, $0x1;
	s10 =	sld [smem:$0x3F9E]  }
0x3d: {  	_ =	shalt  }
0x3e: {  	_ =	shalt  }
0x3f: {  	_ =	shalt  }
0x40: {  	_ =	shalt  }
0x41: {  	_ =	shalt  }
0x42: {  	_ =	shalt  }
0x43: {  	_ =	shalt  }
0x44: {  	_ =	shalt  }
0x45: {  	_ =	shalt  }
0x46: {  	_ =	shalt  }
0x47: {  	_ =	shalt  }
0x48: {  	_ =	shalt  }
0x49: {  	_ =	shalt  }
0x4a: {  	_ =	shalt  }
0x4b: {  	_ =	shalt  }
0x4c: {  	_ =	shalt  }
0x4d: {  	_ =	shalt  }
0x4e: {  	_ =	shalt  }
0x4f: {  	_ =	shalt  }
0x50: {  	_ =	shalt  }
0x51: {  	_ =	shalt  }
0x52: {  	_ =	shalt  }
0x53: {  	_ =	shalt  }
0x54: {  	_ =	shalt  }
0x55: {  	_ =	shalt  }
0x56: {  	_ =	shalt  }
0x57: {  	_ =	shalt  }
0x58: {  	_ =	shalt  }
0x59: {  	_ =	shalt  }
0x5a: {  	_ =	shalt  }
0x5b: {  	_ =	shalt  }
0x5c: {  	_ =	shalt  }
0x5d: {  	_ =	shalt  }
0x5e: {  	_ =	shalt  }
0x5f: {  	_ =	shalt  }
0x60: {  	_ =	shalt  }
0x61: {  	_ =	shalt  }
0x62: {  	_ =	shalt  }
0x63: {  	_ =	shalt  }
0x64: {  	_ =	shalt  }
0x65: {  	_ =	shalt  }
0x66: {  	_ =	shalt  }
0x67: {  	_ =	shalt  }
0x68: {  	_ =	shalt  }
0x69: {  	_ =	shalt  }
0x6a: {  	_ =	shalt  }
0x6b: {  	_ =	shalt  }
0x6c: {  	_ =	shalt  }
0x6d: {  	_ =	shalt  }
0x6e: {  	_ =	shalt  }
0x6f: {  	_ =	shalt  }
0x70: {  	_ =	shalt  }
0x71: {  	_ =	shalt  }
0x72: {  	_ =	shalt  }
0x73: {  	_ =	shalt  }
0x74: {  	_ =	shalt  }
0x75: {  	_ =	shalt  }
0x76: {  	_ =	shalt  }
0x77: {  	_ =	shalt  }
0x78: {  	_ =	shalt  }
0x79: {  	_ =	shalt  }
0x7a: {  	_ =	shalt  }
0x7b: {  	_ =	shalt  }
0x7c: {  	_ =	shalt  }
0x7d: {  	_ =	shalt  }
0x7e: {  	_ =	shalt  }
0x7f: {  	_ =	shalt  }
0x80: {  	_ =	shalt  }
0x81: {  	_ =	shalt  }
0x82: {  	_ =	shalt  }
0x83: {  	_ =	shalt  }
0x84: {  	_ =	shalt  }
0x85: {  	_ =	shalt  }
0x86: {  	_ =	shalt  }
0x87: {  	_ =	shalt  }
.Lfunc_end0:
.L_simem_size_0:
called_computation.2_lowered:
.L_overlay_start_0:
0x88: {  	s2 =	sld [smem:$0x3FD9]  }
0x89: {  	s3 =	sld [smem:$0x3FFE];
	_ =	sdelay $0x1  }
0x8a: {  	s1 =	srdreg.scid  }
0x8b: {  	s0 =	sand.u32 $0x1, s1  }
0x8c: {  	s16 =	sshll.u32 s0, $0xA;
	s2 =	sadd.s32 s3, s2  }
0x8d: {  	s2 =	sadd.s32 s2, s16  }
0x8e: {  	[smem:$0x3FAA] =	sst s2  }
0x8f: {  	_ = 	snop  }
0x90: {  	(tm) =	ssettm $0x1  }
0x91: {  	s17 =	sld [smem:$0x3FFB];
	_ =	sdelay $0x3  }
0x92: {  	_ =	strace s17  }
0x93: {  	s2 =	sld [smem:$0x3FFC];
	_ =	sdelay $0x3  }
0x94: {  	_ =	strace s2  }
0x95: {  	s2 =	sld [smem:$0x3FFD];
	_ =	sdelay $0x3  }
0x96: {  	_ =	strace s2  }
0x97: {  	_ =	strace $0x8FFFFFFF  }
0x98: {  	s18 =	sld [smem:$0x3FDB];
	_ =	sdelay $0x1  }
0x99: {  	s19 =	simm.s32 $_scs_section_size  }
0x9a: {  	s4 =	simm.s32 $_size__tile_overlayer_lowered;
	s5 =	simm.s32 $_tile_overlayer_lowered  }
0x9b: {  	s22 =	simm.s32 $0x1BFF;
	s21 =	sshll.u32 s5, $0x1;
	s2 =	sadd.s32 s19, s18  }
0x9c: {  	s6 =	simm.s32 $0x0;
	s20 =	sshll.u32 s4, $0x1;
	s4 =	sadd.s32 s21, s2  }
0x9d: {  	[timem:s6], [sflag:s22] =	dma.local [hbm:s4], s20  }
0x9e: {  	_ =	swait.ge [sflag:s22], s20  }
0x9f: {  	s3 =	ssub.s32 $0x0, s20;
	[sflag:s22] =	ssyncset.done $0x0  }
0xa0: {  	[sflag:s22] =	ssyncadd.s32 s3;
	_ =	sdelay $0x1  }
0xa1: {  	s23 =	simm.s32 $0x1B8B  }
0xa2: {  	_ =	swait.ge [sflag:s23], $0x1  }
0xa3: {  	[sflag:s23] =	ssyncset.done $0x0  }
0xa4: {  	s25 =	simm.s32 $0x1B8E;
	s24 =	sld [smem:$0x3FFE];
	[sflag:s23] =	ssyncadd.s32 $0xFFFFFFFF  }
0xa5: {  	s26 =	simm.s32 $execute0_lowered;
	[smem:$0x3FD2] =	sst s25  }
0xa6: {  	s4 =	sshll.u32 s26, $0x1;
	_ =	strace $0x8000004C;
	[dreg:$0x1] =	wrdreg $0xFFFFFFFF  }
0xa7: {  	s28 =	simm.s32 $_size_execute0_lowered;
	s2 =	sadd.s32 s2, s4;
	[dreg:$0x0] =	wrdreg $0x0  }
0xa8: {  	s4 =	sshll.u32 s28, $0x1;
	[dreg:$0x2] =	wrdreg s2  }
0xa9: {  	[dreg:$0x3] =	wrdreg s4  }
0xaa: {  	[dreg:$0x4] =	wrdreg $0xC0  }
0xab: {  	_ =	task [dreg:s6], $0x5FFFF  }
0xac: {  	[dreg:$0x1] =	wrdreg $0xFFFFFFFF  }
0xad: {  	[dreg:$0x0] =	wrdreg $0x60  }
0xae: {  	[dreg:$0x2] =	wrdreg s24  }
0xaf: {  	[dreg:$0x3] =	wrdreg $0x9  }
0xb0: {  	_ =	task.clear_ibuf [dreg:s6], $0x4FFFF;
	_ =	strace $0x9000004C  }
0xb1: {  	s29 =	simm.s32 $0x9;
	_ =	strace $0x8000004E  }
0xb2: {  	_ =	swait.ge [sflag:s29], $0x1  }
0xb3: {  	[sflag:s29] =	ssyncadd.s32 $0xFFFFFFFF  }
0xb4: {  	_ =	strace $0x9000004E  }
0xb5: {  	_ =	sfence  }
0xb6: {  	s30 =	sld [smem:$0x0];
	_ =	sdelay $0x2  }
0xb7: {  	s31 =	sshll.u32 s1, $0xD;
	s1 =	sshrl.u32 s1, $0x2  }
0xb8: {  	s3 =	sand.u32 $0x4000, s31;
	s1 =	sadd.s32 s1, s30  }
0xb9: {  	s0 =	sor.u32 s3, s0;
	s1 =	sshll.u32 s1, $0x11  }
0xba: {  	s0 =	sor.u32 s1, s0  }
0xbb: {  	s0 =	sadd.s32 $0x8F2B, s0  }
0xbc: {  	[sflag:s0] =	ssyncadd.remote.s32 $0x1  }
0xbd: {  	_ =	sfence.sel $0xFFFF  }
0xbe: {  	[dreg:$0x0] =	wrdreg $0xFFFFFFFF;
	(pc) =	sbr.abs _section_cstart, $3  }
0xbf: {  	[dreg:$0x1] =	wrdreg $0xFFFFFFFF  }
0xc0: {  	_ =	task.clear_ibuf [dreg:s6], $0x2FFFF;
	_ =	strace $0x9FFFFFFF  }
0xc1: {  	(tm) =	ssettm $0x7FFFFFFF  }
tec
execute0_lowered:
.L_overlay_start_1:
0x0: {  	(tag) =	ssettag $0x1  }
0x1: {  	s1 =	srdreg.scid;
	s0 =	stileid.u32  }
0x2: {  	s24 =	sand.u32 $0x1, s1;
	s31 =	sshll.u32 s0, $0x1  }
0x3: {  	s14 =	sor.u32 s24, s31  }
0x4: {  	s3 =	smul.u32 $0x271, s14  }
0x5: {  	s12 =	rddreg [dreg:$0x0];
	s2 =	simm.s32 $0x0  }
0x6: {  	s4 =	simm.s32 $0x7;
	[smem:$0x7FF] =	sst s2;
	s3 =	sadd.s32 s3, s12  }
0x7: {  	s1 =	rddreg [dreg:$0x1];
	_ =	strace $0x8000004D;
	s3 =	sadd.s32 $0x5A00, s3  }
0x8: {  	[tilespmem:s2], [sflag:$0x7] =	stream.linear.gather [hbm4b:s3+s2], $0x1388, $0x38;
	[tilespmem:$0x18A88] =	vst v63  }
0x9: {  	_ =	swait.ge [sflag:s4], $0x1388  }
0xa: {  	s6 =	simm.s32 $0x3E8;
	[sflag:s4] =	ssyncset.done $0x0  }
0xb: {  	s7 =	simm.s32 $0x1388;
	s5 =	sadd.s32 $0xFA00, s12;
	[sflag:s4] =	ssyncadd.s32 $0xFFFFEC78  }
0xc: {  	[tilespmem:s7], [sflag:$0x1] =	stream.indirect.gather [hbm4b:s5+s6], $0x20, s2, s6, $0xb8;
	[tilespmem:$0x18A88] =	vst v63  }
0xd: {  	s8 =	simm.s32 $0x9088  }
0xe: {  	[tilespmem:s8], [sflag:$0x2] =	stream.indirect.gather [hbm4b:s5+s6], $0x20, s6, s6, $0xb8;
	[tilespmem:$0x18A88] =	vst v63  }
0xf: {  	s9 =	simm.s32 $0x7D0;
	s10 =	simm.s32 $0x10D88;
	s11 =	simm.s32 $0x1  }
0x10: {  	[tilespmem:s10], [sflag:$0x3] =	stream.indirect.gather [hbm4b:s5+s6], $0x20, s9, s6, $0xb8;
	[tilespmem:$0x18A88] =	vst v63  }
0x11: {  	s13 =	smul.u32 $0x4E20, s14;
	_ =	swait.ge [sflag:s11], $0x7D00  }
0x12: {  	s16 =	sadd.s32 $0x150200, s12;
	[sflag:s11] =	ssyncset.done $0x0  }
0x13: {  	s12 =	sadd.s32 s16, s13;
	s13 =	simm.s32 $0x4;
	[sflag:s11] =	ssyncadd.s32 $0xFFFF8300  }
0x14: {  	[hbm4b:s12+s2] =	stream.linear.scatter [tilespmem:s7], [sflag:$0x4], $0x7D00, $0x38;
	[tilespmem:$0x18A88] =	vst v63  }
0x15: {  	_ =	swait.ge [sflag:s13], $0x7D00  }
0x16: {  	s15 =	simm.s32 $0x2;
	[sflag:s13] =	ssyncset.done $0x0  }
0x17: {  	s17 =	smul.u32 $0x27100, s14;
	s14 =	simm.s32 $0xBB8;
	[sflag:s13] =	ssyncadd.s32 $0xFFFF8300  }
0x18: {  	[tilespmem:s7], [sflag:$0x1] =	stream.indirect.gather [hbm4b:s5+s6], $0x20, s14, s6, $0xb8;
	[tilespmem:$0x18A88] =	vst v63  }
0x19: {  	s17 =	sshrl.u32 s17, $0x3;
	_ =	swait.ge [sflag:s15], $0x7D00  }
0x1a: {  	s22 =	sadd.s32 s16, s17;
	[sflag:s15] =	ssyncset.done $0x0  }
0x1b: {  	s16 =	simm.s32 $0x5;
	s17 =	sadd.s32 $0xFA0, s22;
	[sflag:s15] =	ssyncadd.s32 $0xFFFF8300  }
0x1c: {  	[hbm4b:s17+s2] =	stream.linear.scatter [tilespmem:s8], [sflag:$0x5], $0x7D00, $0x38;
	[tilespmem:$0x18A88] =	vst v63  }
0x1d: {  	_ =	swait.ge [sflag:s16], $0x7D00  }
0x1e: {  	[sflag:s16] =	ssyncset.done $0x0  }
0x1f: {  	s18 =	simm.s32 $0xFA0;
	s19 =	simm.s32 $0x3;
	[sflag:s16] =	ssyncadd.s32 $0xFFFF8300  }
0x20: {  	[tilespmem:s8], [sflag:$0x2] =	stream.indirect.gather [hbm4b:s5+s6], $0x20, s18, s6, $0xb8;
	[tilespmem:$0x18A88] =	vst v63  }
0x21: {  	_ =	swait.ge [sflag:s19], $0x7D00  }
0x22: {  	[sflag:s19] =	ssyncset.done $0x0  }
0x23: {  	s20 =	sadd.s32 $0x1F40, s22;
	[sflag:s19] =	ssyncadd.s32 $0xFFFF8300  }
0x24: {  	[hbm4b:s20+s2] =	stream.linear.scatter [tilespmem:s10], [sflag:$0x6], $0x7D00, $0x38;
	[tilespmem:$0x18A88] =	vst v63  }
0x25: {  	_ =	swait.ge [sflag:s11], $0x7D00  }
0x26: {  	[sflag:s11] =	ssyncset.done $0x0  }
0x27: {  	s21 =	sadd.s32 $0x2EE0, s22;
	[sflag:s11] =	ssyncadd.s32 $0xFFFF8300  }
0x28: {  	[hbm4b:s21+s2] =	stream.linear.scatter [tilespmem:s7], [sflag:$0x4], $0x7D00, $0x38;
	[tilespmem:$0x18A88] =	vst v63  }
0x29: {  	_ =	swait.ge [sflag:s15], $0x7D00  }
0x2a: {  	s23 =	simm.s32 $0x6;
	s24 =	ssub.s32 $0x2, s24;
	[sflag:s15] =	ssyncset.done $0x0  }
0x2b: {  	s25 =	sshrl.u32 s24, $0x1;
	s22 =	sadd.s32 $0x3E80, s22;
	[sflag:s15] =	ssyncadd.s32 $0xFFFF8300  }
0x2c: {  	[hbm4b:s22+s2] =	stream.linear.scatter [tilespmem:s8], [sflag:$0x5], $0x7D00, $0x38;
	[tilespmem:$0x18A88] =	vst v63  }
0x2d: {  	s24 =	ssub.s32 s24, s25;
	_ =	swait.ge [sflag:s23], $0x7D00  }
0x2e: {  	s24 =	smax.u32 s24, $0x1;
	[sflag:s23] =	ssyncset.done $0x0  }
0x2f: {  	p0 =	sne.s32 s24, $0x1;
	[sflag:s23] =	ssyncadd.s32 $0xFFFF8300  }
.Ltmp0:
0x30: {  	_ =	swait.ge [sflag:s13], $0x7D00;
	(pc) =	sbr.rel @!p0 .LBB2_2-.Ltmp0, $4  }
0x31: {  	[sflag:s13] =	ssyncset.done $0x0  }
0x32: {  	[sflag:s13] =	ssyncadd.s32 $0xFFFF8300  }
0x33: {  	_ =	swait.ge [sflag:s16], $0x7D00  }
0x34: {  	s24 =	sadd.s32 $0xFFFFFFFF, s24;
	[sflag:s16] =	ssyncset.done $0x0  }
.LBB2_1:
0x35: {  	p0 =	sne.s32 s24, $0x1;
	s24 =	sadd.s32 $0xFFFFFFFF, s24;
	[sflag:s16] =	ssyncadd.s32 $0xFFFF8300  }
0x36: {  	[tilespmem:s2], [sflag:$0x7] =	stream.linear.gather [hbm4b:s3+s2], $0x1388, $0x38;
	[tilespmem:$0x18A88] =	vst v63  }
0x37: {  	_ =	swait.ge [sflag:s4], $0x1388  }
0x38: {  	[sflag:s4] =	ssyncset.done $0x0  }
0x39: {  	[sflag:s4] =	ssyncadd.s32 $0xFFFFEC78  }
0x3a: {  	[tilespmem:s7], [sflag:$0x1] =	stream.indirect.gather [hbm4b:s5+s6], $0x20, s2, s6, $0xb8;
	[tilespmem:$0x18A88] =	vst v63  }
0x3b: {  	_ = 	snop  }
0x3c: {  	[tilespmem:s8], [sflag:$0x2] =	stream.indirect.gather [hbm4b:s5+s6], $0x20, s6, s6, $0xb8;
	[tilespmem:$0x18A88] =	vst v63  }
0x3d: {  	_ = 	snop  }
0x3e: {  	[tilespmem:s10], [sflag:$0x3] =	stream.indirect.gather [hbm4b:s5+s6], $0x20, s9, s6, $0xb8;
	[tilespmem:$0x18A88] =	vst v63  }
0x3f: {  	_ =	swait.ge [sflag:s11], $0x7D00  }
0x40: {  	[sflag:s11] =	ssyncset.done $0x0  }
0x41: {  	[sflag:s11] =	ssyncadd.s32 $0xFFFF8300  }
0x42: {  	[hbm4b:s12+s2] =	stream.linear.scatter [tilespmem:s7], [sflag:$0x4], $0x7D00, $0x38;
	[tilespmem:$0x18A88] =	vst v63  }
0x43: {  	_ =	swait.ge [sflag:s13], $0x7D00  }
0x44: {  	[sflag:s13] =	ssyncset.done $0x0  }
0x45: {  	[sflag:s13] =	ssyncadd.s32 $0xFFFF8300  }
0x46: {  	[tilespmem:s7], [sflag:$0x1] =	stream.indirect.gather [hbm4b:s5+s6], $0x20, s14, s6, $0xb8;
	[tilespmem:$0x18A88] =	vst v63  }
0x47: {  	_ =	swait.ge [sflag:s15], $0x7D00  }
0x48: {  	[sflag:s15] =	ssyncset.done $0x0  }
0x49: {  	[sflag:s15] =	ssyncadd.s32 $0xFFFF8300  }
0x4a: {  	[hbm4b:s17+s2] =	stream.linear.scatter [tilespmem:s8], [sflag:$0x5], $0x7D00, $0x38;
	[tilespmem:$0x18A88] =	vst v63  }
0x4b: {  	_ =	swait.ge [sflag:s16], $0x7D00  }
0x4c: {  	[sflag:s16] =	ssyncset.done $0x0  }
0x4d: {  	[sflag:s16] =	ssyncadd.s32 $0xFFFF8300  }
0x4e: {  	[tilespmem:s8], [sflag:$0x2] =	stream.indirect.gather [hbm4b:s5+s6], $0x20, s18, s6, $0xb8;
	[tilespmem:$0x18A88] =	vst v63  }
0x4f: {  	_ =	swait.ge [sflag:s19], $0x7D00  }
0x50: {  	[sflag:s19] =	ssyncset.done $0x0  }
0x51: {  	[sflag:s19] =	ssyncadd.s32 $0xFFFF8300  }
0x52: {  	[hbm4b:s20+s2] =	stream.linear.scatter [tilespmem:s10], [sflag:$0x6], $0x7D00, $0x38;
	[tilespmem:$0x18A88] =	vst v63  }
0x53: {  	_ =	swait.ge [sflag:s11], $0x7D00  }
0x54: {  	[sflag:s11] =	ssyncset.done $0x0  }
0x55: {  	[sflag:s11] =	ssyncadd.s32 $0xFFFF8300  }
0x56: {  	[hbm4b:s21+s2] =	stream.linear.scatter [tilespmem:s7], [sflag:$0x4], $0x7D00, $0x38;
	[tilespmem:$0x18A88] =	vst v63  }
0x57: {  	_ =	swait.ge [sflag:s15], $0x7D00  }
0x58: {  	[sflag:s15] =	ssyncset.done $0x0  }
0x59: {  	[sflag:s15] =	ssyncadd.s32 $0xFFFF8300  }
0x5a: {  	[hbm4b:s22+s2] =	stream.linear.scatter [tilespmem:s8], [sflag:$0x5], $0x7D00, $0x38;
	[tilespmem:$0x18A88] =	vst v63  }
0x5b: {  	_ =	swait.ge [sflag:s23], $0x7D00  }
0x5c: {  	[sflag:s23] =	ssyncset.done $0x0  }
0x5d: {  	[sflag:s23] =	ssyncadd.s32 $0xFFFF8300  }
.Ltmp1:
0x5e: {  	_ =	swait.ge [sflag:s13], $0x7D00;
	(pc) =	sbr.rel @p0 .LBB2_1-.Ltmp1, $4  }
0x5f: {  	[sflag:s13] =	ssyncset.done $0x0  }
0x60: {  	[sflag:s13] =	ssyncadd.s32 $0xFFFF8300  }
0x61: {  	_ =	swait.ge [sflag:s16], $0x7D00  }
0x62: {  	[sflag:s16] =	ssyncset.done $0x0  }
.LBB2_2:
0x63: {  	[sflag:s16] =	ssyncadd.s32 $0xFFFF8300  }
0x64: {  	_ =	sfence.sel $0x180000  }
0x65: {  	[bflag:$0x0] =	sbarrier.arrive $0xFFFF  }
0x66: {  	p0 =	sne.s32 s0, $0x0;
	_ =	strace $0x9000004D  }
0x67: {  	s0 =	sadd.s32 @!p0 $0x100000, s1;
	[bflag:$0x2] =	sbarrier.arrive $0xFFFF  }
0x68: {  	[sflag:s0] =	ssyncadd.tile.s32 @!p0 $0x1;
	_ =	shalt  }
.Lfunc_end2:
_tile_overlayer_lowered:
.L_overlay_start_2:
0x69: {  	(tag) =	ssettag $0x2  }
0x6a: {  	s0 =	rddreg [dreg:$0x0];
	s2 =	stileid.u32  }
0x6b: {  	s1 =	rddreg [dreg:$0x1];
	p0 =	sne.s32 s2, $0x0  }
0x6c: {  	s3 =	rddreg [dreg:$0x2];
	[bflag:$0x3] =	sbarrier.arrive $0xFFFF;
	s2 =	simm.s32 @!p0 $0x1C07  }
0x6d: {  	[timem:s3], [sflag:s2] =	dma.local @!p0 [hbm:s0], s1  }
0x6e: {  	s0 =	simm.s32 @!p0 $0x7  }
0x6f: {  	_ =	swait.ge @!p0 [sflag:s0], s1  }
0x70: {  	s1 =	ssub.s32 @!p0 $0x0, s1;
	[sflag:s0] =	ssyncset.done @!p0 $0x0  }
0x71: {  	[sflag:s0] =	ssyncadd.s32 @!p0 s1  }
0x72: {  	[bflag:$0x3] =	sbarrier.arrive $0xFFFF  }
0x73: {  	_ =	shalt  }

// kernel: kernel.26.cloned.1.call-start
scs
__scs_entry_jumppad:
0x0: {  	(pc) =	sbr.rel $0x88, $3  }
0x1: {  	(tag) =	ssettag $0x0;
	lr =	simm.s32 $0x1  }
0x2: {  	[smem:$0x3F83] =	sst lr;
	_ =	strace $0xD0000000  }
0x3: {  	_ = 	snop  }
0x4: {  	_ = 	snop  }
0x5: {  	_ = 	snop  }
0x6: {  	_ = 	snop  }
0x7: {  	_ = 	snop  }
__scs_overlays_trampoline_lowered:
0x8: {  	[smem:$0x3F92] =	sst s0  }
0x9: {  	[smem:$0x3F93] =	sst s1  }
0xa: {  	[smem:$0x3F94] =	sst s2  }
0xb: {  	[smem:$0x3F95] =	sst s3  }
0xc: {  	[smem:$0x3F96] =	sst s4  }
0xd: {  	[smem:$0x3F97] =	sst s5  }
0xe: {  	[smem:$0x3F98] =	sst s6  }
0xf: {  	[smem:$0x3F99] =	sst s7  }
0x10: {  	[smem:$0x3F9A] =	sst s8  }
0x11: {  	[smem:$0x3F9B] =	sst s9;
	s0 =	simm.s32 @!p0 $0x0  }
0x12: {  	s1 =	sld [smem:$0x3F81];
	s0 =	simm.s32 @p0 $0x1  }
0x13: {  	[smem:$0x3F9C] =	sst s0;
	s0 =	simm.s32 @!p1 $0x0  }
0x14: {  	s2 =	sld [smem:$0x3F80];
	s0 =	simm.s32 @p1 $0x1  }
0x15: {  	[smem:$0x3F9D] =	sst s0;
	s0 =	simm.s32 @!p2 $0x0  }
0x16: {  	s3 =	sld [smem:$0x3FDB];
	s0 =	simm.s32 @p2 $0x1  }
0x17: {  	s4 =	simm.s32 $0x1BF5;
	[smem:$0x3F9F] =	sst s0  }
0x18: {  	s0 =	sld [smem:$0x3F82];
	_ =	swait.ge [sflag:s4], $0x0  }
0x19: {  	s7 =	sld [smem:$0x3F83]  }
0x1a: {  	s8 =	sadd.s32 $0xFFFFE003, lr  }
0x1b: {  	s9 =	sadd.s32 $0xFFFFFEF7, lr;
	s5 =	simm.s32 $0xFFFFFFFF;
	p2 =	slt.u32 s8, $0xFFFFF086  }
0x1c: {  	p1 =	slt.u32 s9, $0xF7A;
	s5 =	simm.s32 @!p2 $0x0  }
0x1d: {  	s5 =	simm.s32 @p1 $0x1;
	p0 =	seq.s32 s7, s2  }
0x1e: {  	s7 =	smul.u32 @!p0 $0xF7A, s2;
	p2 =	seq.s32 @!p0 s5, $0x0  }
0x1f: {  	s9 =	smul.u32 $0xF7A, s1;
	s8 =	simm.s32 @!p0 $0x1BF5;
	p2 =	por !p2, p0  }
0x20: {  	[sflag:s8] =	ssyncset.s32 @!p0 $0xFFFFF086;
	s6 =	sadd.s32 @!p0 s3, s7;
	s7 =	simm.s32 @!p0 $0x108  }
0x21: {  	s3 =	sadd.s32 s3, s9;
	s6 =	sadd.s32 @!p0 $0x88, s6;
	s7 =	simm.s32 @p2 $0x1082  }
0x22: {  	[simem:s7], [sflag:s8] =	dma.local @!p0 [hbm:s6], $0xF7A  }
0x23: {  	s9 =	sor.u32 $0xD0000000, s2;
	s6 =	simm.s32 $0x108;
	_ =	swait.ge @!p0 [sflag:s8], $0x0  }
0x24: {  	s3 =	sadd.s32 $0x88, s3;
	s6 =	simm.s32 @!p1 $0x1082;
	[sflag:s4] =	ssyncset.s32 $0xFFFFF086  }
0x25: {  	[simem:s6], [sflag:s4] =	dma.local [hbm:s3], $0xF7A  }
0x26: {  	[smem:$0x3F83] =	sst s1;
	(tag) =	ssettag s2;
	_ =	strace s9  }
0x27: {  	s1 =	sld [smem:$0x3F93]  }
0x28: {  	s2 =	sld [smem:$0x3F94]  }
0x29: {  	s4 =	sld [smem:$0x3F96]  }
0x2a: {  	p0 =	seq.s32 s5, $0x0;
	s5 =	sld [smem:$0x3F97]  }
0x2b: {  	s6 =	sld [smem:$0x3F98]  }
0x2c: {  	s7 =	sld [smem:$0x3F99]  }
0x2d: {  	s3 =	simm.s32 $0x108;
	s8 =	sld [smem:$0x3F9A]  }
0x2e: {  	s3 =	simm.s32 @!p0 $0x1082;
	s9 =	sld [smem:$0x3F9B]  }
0x2f: {  	lr =	sadd.s32 s0, s3;
	s0 =	sld [smem:$0x3F92]  }
0x30: {  	s3 =	sld [smem:$0x3F95]  }
0x31: {  	[smem:$0x3F9E] =	sst s10  }
0x32: {  	s10 =	sld [smem:$0x3F9C];
	_ =	sdelay $0x3  }
0x33: {  	p0 =	seq.s32 s10, $0x1;
	s10 =	sld [smem:$0x3F9E];
	_ =	sdelay $0x3  }
0x34: {  	[smem:$0x3F9E] =	sst s10  }
0x35: {  	s10 =	sld [smem:$0x3F9D];
	_ =	sdelay $0x3  }
0x36: {  	p1 =	seq.s32 s10, $0x1;
	s10 =	sld [smem:$0x3F9E];
	_ =	sdelay $0x3  }
0x37: {  	[smem:$0x3F9E] =	sst s10  }
0x38: {  	s10 =	sld [smem:$0x3F9F]  }
0x39: {  	_ = 	snop;
	(pc) =	sbr.ind lr, $3  }
0x3a: {  	_ = 	snop  }
0x3b: {  	_ = 	snop  }
0x3c: {  	p2 =	seq.s32 s10, $0x1;
	s10 =	sld [smem:$0x3F9E]  }
0x3d: {  	_ =	shalt  }
0x3e: {  	_ =	shalt  }
0x3f: {  	_ =	shalt  }
0x40: {  	_ =	shalt  }
0x41: {  	_ =	shalt  }
0x42: {  	_ =	shalt  }
0x43: {  	_ =	shalt  }
0x44: {  	_ =	shalt  }
0x45: {  	_ =	shalt  }
0x46: {  	_ =	shalt  }
0x47: {  	_ =	shalt  }
0x48: {  	_ =	shalt  }
0x49: {  	_ =	shalt  }
0x4a: {  	_ =	shalt  }
0x4b: {  	_ =	shalt  }
0x4c: {  	_ =	shalt  }
0x4d: {  	_ =	shalt  }
0x4e: {  	_ =	shalt  }
0x4f: {  	_ =	shalt  }
0x50: {  	_ =	shalt  }
0x51: {  	_ =	shalt  }
0x52: {  	_ =	shalt  }
0x53: {  	_ =	shalt  }
0x54: {  	_ =	shalt  }
0x55: {  	_ =	shalt  }
0x56: {  	_ =	shalt  }
0x57: {  	_ =	shalt  }
0x58: {  	_ =	shalt  }
0x59: {  	_ =	shalt  }
0x5a: {  	_ =	shalt  }
0x5b: {  	_ =	shalt  }
0x5c: {  	_ =	shalt  }
0x5d: {  	_ =	shalt  }
0x5e: {  	_ =	shalt  }
0x5f: {  	_ =	shalt  }
0x60: {  	_ =	shalt  }
0x61: {  	_ =	shalt  }
0x62: {  	_ =	shalt  }
0x63: {  	_ =	shalt  }
0x64: {  	_ =	shalt  }
0x65: {  	_ =	shalt  }
0x66: {  	_ =	shalt  }
0x67: {  	_ =	shalt  }
0x68: {  	_ =	shalt  }
0x69: {  	_ =	shalt  }
0x6a: {  	_ =	shalt  }
0x6b: {  	_ =	shalt  }
0x6c: {  	_ =	shalt  }
0x6d: {  	_ =	shalt  }
0x6e: {  	_ =	shalt  }
0x6f: {  	_ =	shalt  }
0x70: {  	_ =	shalt  }
0x71: {  	_ =	shalt  }
0x72: {  	_ =	shalt  }
0x73: {  	_ =	shalt  }
0x74: {  	_ =	shalt  }
0x75: {  	_ =	shalt  }
0x76: {  	_ =	shalt  }
0x77: {  	_ =	shalt  }
0x78: {  	_ =	shalt  }
0x79: {  	_ =	shalt  }
0x7a: {  	_ =	shalt  }
0x7b: {  	_ =	shalt  }
0x7c: {  	_ =	shalt  }
0x7d: {  	_ =	shalt  }
0x7e: {  	_ =	shalt  }
0x7f: {  	_ =	shalt  }
0x80: {  	_ =	shalt  }
0x81: {  	_ =	shalt  }
0x82: {  	_ =	shalt  }
0x83: {  	_ =	shalt  }
0x84: {  	_ =	shalt  }
0x85: {  	_ =	shalt  }
0x86: {  	_ =	shalt  }
0x87: {  	_ =	shalt  }
.Lfunc_end0:
.L_simem_size_0:
called_computation.3_lowered:
.L_overlay_start_0:
0x88: {  	s2 =	sld [smem:$0x3FD9]  }
0x89: {  	s3 =	sld [smem:$0x3FFE];
	_ =	sdelay $0x1  }
0x8a: {  	s1 =	srdreg.scid  }
0x8b: {  	s0 =	sand.u32 $0x1, s1  }
0x8c: {  	s17 =	sshll.u32 s0, $0xA;
	s2 =	sadd.s32 s3, s2  }
0x8d: {  	s2 =	sadd.s32 s2, s17  }
0x8e: {  	[smem:$0x3FAA] =	sst s2  }
0x8f: {  	_ = 	snop  }
0x90: {  	s2 =	sld [smem:$0x3FD0];
	(tm) =	ssettm $0x1  }
0x91: {  	s18 =	sld [smem:$0x3FFB];
	_ =	sdelay $0x3  }
0x92: {  	_ =	strace s18  }
0x93: {  	s3 =	sld [smem:$0x3FFC];
	_ =	sdelay $0x3  }
0x94: {  	_ =	strace s3  }
0x95: {  	s3 =	sld [smem:$0x3FFD];
	_ =	sdelay $0x3  }
0x96: {  	_ =	strace s3  }
0x97: {  	_ =	strace $0x8FFFFFFF  }
0x98: {  	s19 =	sld [smem:$0x3FDB];
	_ =	sdelay $0x1  }
0x99: {  	s4 =	simm.s32 $_scs_section_size  }
0x9a: {  	s5 =	simm.s32 $_size__tile_overlayer_lowered;
	s6 =	simm.s32 $_tile_overlayer_lowered  }
0x9b: {  	s22 =	simm.s32 $0x1BFF;
	s21 =	sshll.u32 s6, $0x1;
	s3 =	sadd.s32 s4, s19  }
0x9c: {  	s7 =	simm.s32 $0x0;
	s20 =	sshll.u32 s5, $0x1;
	s5 =	sadd.s32 s21, s3  }
0x9d: {  	[timem:s7], [sflag:s22] =	dma.local [hbm:s5], s20  }
0x9e: {  	_ =	swait.ge [sflag:s22], s20  }
0x9f: {  	s4 =	ssub.s32 $0x0, s20;
	[sflag:s22] =	ssyncset.done $0x0  }
0xa0: {  	[sflag:s22] =	ssyncadd.s32 s4;
	_ =	sdelay $0x1  }
0xa1: {  	s23 =	simm.s32 $0x1B8B  }
0xa2: {  	_ =	swait.ge [sflag:s23], $0x1  }
0xa3: {  	[sflag:s23] =	ssyncset.done $0x0  }
0xa4: {  	s25 =	simm.s32 $0x1B8E;
	s24 =	sld [smem:$0x3FFE];
	[sflag:s23] =	ssyncadd.s32 $0xFFFFFFFF  }
0xa5: {  	s26 =	simm.s32 $execute0_lowered;
	[smem:$0x3FD2] =	sst s25  }
0xa6: {  	s5 =	sshll.u32 s26, $0x1;
	_ =	strace $0x8000004F;
	[dreg:$0x1] =	wrdreg $0xFFFFFFFF  }
0xa7: {  	s28 =	simm.s32 $_size_execute0_lowered;
	s3 =	sadd.s32 s3, s5;
	[dreg:$0x0] =	wrdreg $0x0  }
0xa8: {  	s5 =	sshll.u32 s28, $0x1;
	[dreg:$0x2] =	wrdreg s3  }
0xa9: {  	[dreg:$0x3] =	wrdreg s5  }
0xaa: {  	[dreg:$0x4] =	wrdreg $0xC0  }
0xab: {  	_ =	task [dreg:s7], $0x5FFFF  }
0xac: {  	[dreg:$0x1] =	wrdreg $0xFFFFFFFF  }
0xad: {  	[dreg:$0x0] =	wrdreg $0x60  }
0xae: {  	[dreg:$0x2] =	wrdreg s24  }
0xaf: {  	[dreg:$0x3] =	wrdreg s2  }
0xb0: {  	[dreg:$0x4] =	wrdreg $0x10D880  }
0xb1: {  	[dreg:$0x5] =	wrdreg $0x9  }
0xb2: {  	_ =	task.clear_ibuf [dreg:s7], $0x6FFFF;
	_ =	strace $0x9000004F  }
0xb3: {  	s29 =	simm.s32 $0x9;
	_ =	strace $0x80000051  }
0xb4: {  	_ =	swait.ge [sflag:s29], $0x1  }
0xb5: {  	[sflag:s29] =	ssyncadd.s32 $0xFFFFFFFF  }
0xb6: {  	_ =	strace $0x90000051  }
0xb7: {  	_ =	sfence  }
0xb8: {  	s30 =	sld [smem:$0x0];
	_ =	sdelay $0x2  }
0xb9: {  	s31 =	sshll.u32 s1, $0xD;
	s1 =	sshrl.u32 s1, $0x2  }
0xba: {  	s3 =	sand.u32 $0x4000, s31;
	s1 =	sadd.s32 s1, s30  }
0xbb: {  	s0 =	sor.u32 s3, s0;
	s1 =	sshll.u32 s1, $0x11  }
0xbc: {  	s0 =	sor.u32 s1, s0  }
0xbd: {  	s0 =	sadd.s32 $0x8F2B, s0  }
0xbe: {  	[sflag:s0] =	ssyncadd.remote.s32 $0x1  }
0xbf: {  	_ =	sfence.sel $0xFFFF  }
0xc0: {  	[dreg:$0x0] =	wrdreg $0xFFFFFFFF;
	(pc) =	sbr.abs _section_cstart, $3  }
0xc1: {  	[dreg:$0x1] =	wrdreg $0xFFFFFFFF  }
0xc2: {  	_ =	task.clear_ibuf [dreg:s7], $0x2FFFF;
	_ =	strace $0x9FFFFFFF  }
0xc3: {  	(tm) =	ssettm $0x7FFFFFFF  }
tec
execute0_lowered:
.L_overlay_start_1:
0x0: {  	(tag) =	ssettag $0x1  }
0x1: {  	s23 =	rddreg [dreg:$0x0]  }
0x2: {  	s4 =	rddreg [dreg:$0x1];
	s1 =	stileid.u32  }
0x3: {  	s2 =	rddreg [dreg:$0x2];
	s7 =	smul.u32 $0x4E40, s1  }
0x4: {  	s0 =	rddreg [dreg:$0x3];
	s3 =	simm.s32 $0x0;
	s8 =	srdreg.scid  }
0x5: {  	s6 =	simm.s32 $0x1388;
	[smem:$0x7FF] =	sst s3;
	s5 =	sshrl.u32 s7, $0x3  }
0x6: {  	_ =	strace $0x80000050;
	s4 =	sadd.s32 s4, s5;
	s5 =	simm.s32 $0x5  }
0x7: {  	[tilespmem:s6], [sflag:$0x5] =	stream.linear.gather [hbm4b:s4+s3], $0x4E40, $0x38;
	[tilespmem:$0x15BC8] =	vst v63  }
0x8: {  	s24 =	sand.u32 $0x1, s8;
	s26 =	sshll.u32 s1, $0x1;
	_ =	swait.ge [sflag:s5], $0x4E40  }
0x9: {  	s9 =	sor.u32 s24, s26;
	[sflag:s5] =	ssyncset.done $0x0  }
0xa: {  	s8 =	smul.u32 $0x271, s9;
	s7 =	sadd.s32 s7, s2;
	[sflag:s5] =	ssyncadd.s32 $0xFFFFB1C0  }
0xb: {  	[spmem:s7] =	stream.linear.scatter [tilespmem:s6], [sflag:$0x5], $0x4E40, $0x38;
	[tilespmem:$0x15BC8] =	vst v63  }
0xc: {  	_ =	swait.ge [sflag:s5], $0x4E40  }
0xd: {  	s8 =	sadd.s32 s8, s23;
	[sflag:s5] =	ssyncset.done $0x0  }
0xe: {  	s10 =	smul.u32 $0x27100, s9;
	s8 =	sadd.s32 $0xAA00, s8;
	[sflag:s5] =	ssyncadd.s32 $0xFFFFB1C0  }
0xf: {  	[tilespmem:s3], [sflag:$0x5] =	stream.linear.gather [hbm4b:s8+s3], $0x1388, $0x38;
	[tilespmem:$0x15BC8] =	vst v63  }
0x10: {  	s9 =	smul.u32 $0x4E20, s9;
	_ =	swait.ge [sflag:s5], $0x1388  }
0x11: {  	s11 =	sadd.s32 $0xFA00, s23;
	s10 =	sshrl.u32 s10, $0x3;
	[sflag:s5] =	ssyncset.done $0x0  }
0x12: {  	s9 =	sadd.s32 s11, s9;
	s20 =	sadd.s32 s11, s10;
	[sflag:s5] =	ssyncadd.s32 $0xFFFFEC78  }
0x13: {  	[tilespmem:s6], [sflag:$0x1] =	stream.linear.gather [hbm4b:s9+s3], $0x7D00, $0x38;
	[tilespmem:$0x15BC8] =	vst v63  }
0x14: {  	s11 =	simm.s32 $0x9088;
	s10 =	sadd.s32 $0xFA0, s20  }
0x15: {  	[tilespmem:s11], [sflag:$0x2] =	stream.linear.gather [hbm4b:s10+s3], $0x7D00, $0x38;
	[tilespmem:$0x15BC8] =	vst v63  }
0x16: {  	s12 =	simm.s32 $0x1;
	[bflag:$0x0] =	sbarrier.arrive $0xFFFF  }
0x17: {  	_ =	swait.ge [sflag:s12], $0x7D00  }
0x18: {  	[sflag:s12] =	ssyncset.done $0x0  }
0x19: {  	s13 =	simm.s32 $0x3E8;
	s14 =	simm.s32 $0x3;
	[sflag:s12] =	ssyncadd.s32 $0xFFFF8300  }
0x1a: {  	[spmem:s2] =	stream.indirect.scatter.add.f32 [tilespmem:s6], [sflag:$0x3], $0x20, s3, s13, $0xb8;
	[tilespmem:$0x15BC8] =	vst v63  }
0x1b: {  	_ =	swait.ge [sflag:s14], $0x7D00  }
0x1c: {  	[sflag:s14] =	ssyncset.done $0x0  }
0x1d: {  	s16 =	simm.s32 $0x2;
	s15 =	sadd.s32 $0x1F40, s20;
	[sflag:s14] =	ssyncadd.s32 $0xFFFF8300  }
0x1e: {  	[tilespmem:s6], [sflag:$0x1] =	stream.linear.gather [hbm4b:s15+s3], $0x7D00, $0x38;
	[tilespmem:$0x15BC8] =	vst v63  }
0x1f: {  	_ =	swait.ge [sflag:s16], $0x7D00  }
0x20: {  	[sflag:s16] =	ssyncset.done $0x0  }
0x21: {  	s17 =	simm.s32 $0x4;
	[sflag:s16] =	ssyncadd.s32 $0xFFFF8300  }
0x22: {  	[spmem:s2] =	stream.indirect.scatter.add.f32 [tilespmem:s11], [sflag:$0x4], $0x20, s13, s13, $0xb8;
	[tilespmem:$0x15BC8] =	vst v63  }
0x23: {  	_ =	swait.ge [sflag:s17], $0x7D00  }
0x24: {  	[sflag:s17] =	ssyncset.done $0x0  }
0x25: {  	s18 =	sadd.s32 $0x2EE0, s20;
	[sflag:s17] =	ssyncadd.s32 $0xFFFF8300  }
0x26: {  	[tilespmem:s11], [sflag:$0x2] =	stream.linear.gather [hbm4b:s18+s3], $0x7D00, $0x38;
	[tilespmem:$0x15BC8] =	vst v63  }
0x27: {  	_ =	swait.ge [sflag:s12], $0x7D00  }
0x28: {  	[sflag:s12] =	ssyncset.done $0x0  }
0x29: {  	s19 =	simm.s32 $0x7D0;
	[sflag:s12] =	ssyncadd.s32 $0xFFFF8300  }
0x2a: {  	[spmem:s2] =	stream.indirect.scatter.add.f32 [tilespmem:s6], [sflag:$0x3], $0x20, s19, s13, $0xb8;
	[tilespmem:$0x15BC8] =	vst v63  }
0x2b: {  	_ =	swait.ge [sflag:s14], $0x7D00  }
0x2c: {  	[sflag:s14] =	ssyncset.done $0x0  }
0x2d: {  	s20 =	sadd.s32 $0x3E80, s20;
	[sflag:s14] =	ssyncadd.s32 $0xFFFF8300  }
0x2e: {  	[tilespmem:s6], [sflag:$0x1] =	stream.linear.gather [hbm4b:s20+s3], $0x7D00, $0x38;
	[tilespmem:$0x15BC8] =	vst v63  }
0x2f: {  	_ =	swait.ge [sflag:s16], $0x7D00  }
0x30: {  	[sflag:s16] =	ssyncset.done $0x0  }
0x31: {  	s21 =	simm.s32 $0xBB8;
	[sflag:s16] =	ssyncadd.s32 $0xFFFF8300  }
0x32: {  	[spmem:s2] =	stream.indirect.scatter.add.f32 [tilespmem:s11], [sflag:$0x4], $0x20, s21, s13, $0xb8;
	[tilespmem:$0x15BC8] =	vst v63  }
0x33: {  	_ =	swait.ge [sflag:s12], $0x7D00  }
0x34: {  	s22 =	simm.s32 $0xFA0;
	s28 =	smul.u32 $0x13880, s1;
	[sflag:s12] =	ssyncset.done $0x0  }
0x35: {  	s25 =	smul.u32 $0x9C40, s24;
	s24 =	ssub.s32 $0x2, s24;
	[sflag:s12] =	ssyncadd.s32 $0xFFFF8300  }
0x36: {  	[spmem:s2] =	stream.indirect.scatter.add.f32 [tilespmem:s6], [sflag:$0x3], $0x20, s22, s13, $0xb8;
	[tilespmem:$0x15BC8] =	vst v63  }
0x37: {  	s26 =	smul.u32 $0x9C4, s1;
	s29 =	sshrl.u32 s24, $0x1;
	_ =	swait.ge [sflag:s17], $0x7D00  }
0x38: {  	s30 =	sshrl.u32 s28, $0x2;
	s28 =	sshll.u32 s1, $0x6;
	[sflag:s17] =	ssyncset.done $0x0  }
0x39: {  	s25 =	sadd.s32 s26, s25;
	s24 =	ssub.s32 s24, s29;
	[sflag:s17] =	ssyncadd.s32 $0xFFFF8300  }
0x3a: {  	s23 =	sadd.s32 s25, s23;
	s31 =	smax.u32 s24, $0x1;
	_ =	swait.ge [sflag:s14], $0x7D00  }
0x3b: {  	s25 =	sadd.s32 s30, s2;
	p0 =	sne.s32 s31, $0x1;
	[sflag:s14] =	ssyncset.done $0x0  }
.Ltmp0:
0x3c: {  	s23 =	sadd.s32 $0x150200, s23;
	[sflag:s14] =	ssyncadd.s32 $0xFFFF8300;
	(pc) =	sbr.rel @!p0 .LBB2_2-.Ltmp0, $4  }
0x3d: {  	s24 =	sshrl.u32 s25, $0x3;
	s25 =	sor.u32 $0x1C05, s28;
	[bflag:$0x0] =	sbarrier.arrive $0xFFFF  }
0x3e: {  	[hbm:s23], [sflag:s25] =	dma.local [spmem:s24], $0x9C4  }
0x3f: {  	_ =	swait.ge [sflag:s5], $0x9C4  }
0x40: {  	s26 =	sadd.s32 $0xFFFFFFFF, s31;
	[sflag:s5] =	ssyncset.done $0x0  }
.LBB2_1:
0x41: {  	p0 =	sne.s32 s26, $0x1;
	s26 =	sadd.s32 $0xFFFFFFFF, s26;
	[sflag:s5] =	ssyncadd.s32 $0xFFFFF63C  }
0x42: {  	[tilespmem:s6], [sflag:$0x5] =	stream.linear.gather [hbm4b:s4+s3], $0x4E40, $0x38;
	[tilespmem:$0x15BC8] =	vst v63  }
0x43: {  	_ =	swait.ge [sflag:s5], $0x4E40  }
0x44: {  	[sflag:s5] =	ssyncset.done $0x0  }
0x45: {  	[sflag:s5] =	ssyncadd.s32 $0xFFFFB1C0  }
0x46: {  	[spmem:s7] =	stream.linear.scatter [tilespmem:s6], [sflag:$0x5], $0x4E40, $0x38;
	[tilespmem:$0x15BC8] =	vst v63  }
0x47: {  	_ =	swait.ge [sflag:s5], $0x4E40  }
0x48: {  	[sflag:s5] =	ssyncset.done $0x0  }
0x49: {  	[sflag:s5] =	ssyncadd.s32 $0xFFFFB1C0  }
0x4a: {  	[tilespmem:s3], [sflag:$0x5] =	stream.linear.gather [hbm4b:s8+s3], $0x1388, $0x38;
	[tilespmem:$0x15BC8] =	vst v63  }
0x4b: {  	_ =	swait.ge [sflag:s5], $0x1388  }
0x4c: {  	[sflag:s5] =	ssyncset.done $0x0  }
0x4d: {  	[sflag:s5] =	ssyncadd.s32 $0xFFFFEC78  }
0x4e: {  	[tilespmem:s6], [sflag:$0x1] =	stream.linear.gather [hbm4b:s9+s3], $0x7D00, $0x38;
	[tilespmem:$0x15BC8] =	vst v63  }
0x4f: {  	_ = 	snop  }
0x50: {  	[tilespmem:s11], [sflag:$0x2] =	stream.linear.gather [hbm4b:s10+s3], $0x7D00, $0x38;
	[tilespmem:$0x15BC8] =	vst v63  }
0x51: {  	[bflag:$0x0] =	sbarrier.arrive $0xFFFF  }
0x52: {  	_ =	swait.ge [sflag:s12], $0x7D00  }
0x53: {  	[sflag:s12] =	ssyncset.done $0x0  }
0x54: {  	[sflag:s12] =	ssyncadd.s32 $0xFFFF8300  }
0x55: {  	[spmem:s2] =	stream.indirect.scatter.add.f32 [tilespmem:s6], [sflag:$0x3], $0x20, s3, s13, $0xb8;
	[tilespmem:$0x15BC8] =	vst v63  }
0x56: {  	_ =	swait.ge [sflag:s14], $0x7D00  }
0x57: {  	[sflag:s14] =	ssyncset.done $0x0  }
0x58: {  	[sflag:s14] =	ssyncadd.s32 $0xFFFF8300  }
0x59: {  	[tilespmem:s6], [sflag:$0x1] =	stream.linear.gather [hbm4b:s15+s3], $0x7D00, $0x38;
	[tilespmem:$0x15BC8] =	vst v63  }
0x5a: {  	_ =	swait.ge [sflag:s16], $0x7D00  }
0x5b: {  	[sflag:s16] =	ssyncset.done $0x0  }
0x5c: {  	[sflag:s16] =	ssyncadd.s32 $0xFFFF8300  }
0x5d: {  	[spmem:s2] =	stream.indirect.scatter.add.f32 [tilespmem:s11], [sflag:$0x4], $0x20, s13, s13, $0xb8;
	[tilespmem:$0x15BC8] =	vst v63  }
0x5e: {  	_ =	swait.ge [sflag:s17], $0x7D00  }
0x5f: {  	[sflag:s17] =	ssyncset.done $0x0  }
0x60: {  	[sflag:s17] =	ssyncadd.s32 $0xFFFF8300  }
0x61: {  	[tilespmem:s11], [sflag:$0x2] =	stream.linear.gather [hbm4b:s18+s3], $0x7D00, $0x38;
	[tilespmem:$0x15BC8] =	vst v63  }
0x62: {  	_ =	swait.ge [sflag:s12], $0x7D00  }
0x63: {  	[sflag:s12] =	ssyncset.done $0x0  }
0x64: {  	[sflag:s12] =	ssyncadd.s32 $0xFFFF8300  }
0x65: {  	[spmem:s2] =	stream.indirect.scatter.add.f32 [tilespmem:s6], [sflag:$0x3], $0x20, s19, s13, $0xb8;
	[tilespmem:$0x15BC8] =	vst v63  }
0x66: {  	_ =	swait.ge [sflag:s14], $0x7D00  }
0x67: {  	[sflag:s14] =	ssyncset.done $0x0  }
0x68: {  	[sflag:s14] =	ssyncadd.s32 $0xFFFF8300  }
0x69: {  	[tilespmem:s6], [sflag:$0x1] =	stream.linear.gather [hbm4b:s20+s3], $0x7D00, $0x38;
	[tilespmem:$0x15BC8] =	vst v63  }
0x6a: {  	_ =	swait.ge [sflag:s16], $0x7D00  }
0x6b: {  	[sflag:s16] =	ssyncset.done $0x0  }
0x6c: {  	[sflag:s16] =	ssyncadd.s32 $0xFFFF8300  }
0x6d: {  	[spmem:s2] =	stream.indirect.scatter.add.f32 [tilespmem:s11], [sflag:$0x4], $0x20, s21, s13, $0xb8;
	[tilespmem:$0x15BC8] =	vst v63  }
0x6e: {  	_ =	swait.ge [sflag:s12], $0x7D00  }
0x6f: {  	[sflag:s12] =	ssyncset.done $0x0  }
0x70: {  	[sflag:s12] =	ssyncadd.s32 $0xFFFF8300  }
0x71: {  	[spmem:s2] =	stream.indirect.scatter.add.f32 [tilespmem:s6], [sflag:$0x3], $0x20, s22, s13, $0xb8;
	[tilespmem:$0x15BC8] =	vst v63  }
0x72: {  	_ =	swait.ge [sflag:s17], $0x7D00  }
0x73: {  	[sflag:s17] =	ssyncset.done $0x0  }
0x74: {  	[sflag:s17] =	ssyncadd.s32 $0xFFFF8300  }
0x75: {  	_ =	swait.ge [sflag:s14], $0x7D00  }
0x76: {  	[sflag:s14] =	ssyncset.done $0x0  }
.Ltmp1:
0x77: {  	[sflag:s14] =	ssyncadd.s32 $0xFFFF8300;
	(pc) =	sbr.rel @p0 .LBB2_1-.Ltmp1, $4  }
0x78: {  	[bflag:$0x0] =	sbarrier.arrive $0xFFFF  }
0x79: {  	[hbm:s23], [sflag:s25] =	dma.local [spmem:s24], $0x9C4  }
0x7a: {  	_ =	swait.ge [sflag:s5], $0x9C4  }
0x7b: {  	[sflag:s5] =	ssyncset.done $0x0  }
.LBB2_2:
0x7c: {  	[sflag:s5] =	ssyncadd.s32 $0xFFFFF63C  }
0x7d: {  	_ =	sfence.sel $0x180000  }
0x7e: {  	[bflag:$0x0] =	sbarrier.arrive $0xFFFF  }
0x7f: {  	p0 =	sne.s32 s1, $0x0;
	_ =	strace $0x90000050  }
0x80: {  	s0 =	sadd.s32 @!p0 $0x100000, s0;
	[bflag:$0x2] =	sbarrier.arrive $0xFFFF  }
0x81: {  	[sflag:s0] =	ssyncadd.tile.s32 @!p0 $0x1;
	_ =	shalt  }
.Lfunc_end2:
_tile_overlayer_lowered:
.L_overlay_start_2:
0x82: {  	(tag) =	ssettag $0x2  }
0x83: {  	s0 =	rddreg [dreg:$0x0];
	s2 =	stileid.u32  }
0x84: {  	s1 =	rddreg [dreg:$0x1];
	p0 =	sne.s32 s2, $0x0  }
0x85: {  	s3 =	rddreg [dreg:$0x2];
	[bflag:$0x3] =	sbarrier.arrive $0xFFFF;
	s2 =	simm.s32 @!p0 $0x1C05  }
0x86: {  	[timem:s3], [sflag:s2] =	dma.local @!p0 [hbm:s0], s1  }
0x87: {  	s0 =	simm.s32 @!p0 $0x5  }
0x88: {  	_ =	swait.ge @!p0 [sflag:s0], s1  }
0x89: {  	s1 =	ssub.s32 @!p0 $0x0, s1;
	[sflag:s0] =	ssyncset.done @!p0 $0x0  }
0x8a: {  	[sflag:s0] =	ssyncadd.s32 @!p0 s1  }
0x8b: {  	[bflag:$0x3] =	sbarrier.arrive $0xFFFF  }
0x8c: {  	_ =	shalt  }

// kernel: kernel.29.cloned.1.call-start
scs
__scs_entry_jumppad:
0x0: {  	(pc) =	sbr.rel $0x88, $3  }
0x1: {  	(tag) =	ssettag $0x0;
	lr =	simm.s32 $0x1  }
0x2: {  	[smem:$0x3F83] =	sst lr;
	_ =	strace $0xD0000000  }
0x3: {  	_ = 	snop  }
0x4: {  	_ = 	snop  }
0x5: {  	_ = 	snop  }
0x6: {  	_ = 	snop  }
0x7: {  	_ = 	snop  }
__scs_overlays_trampoline_lowered:
0x8: {  	[smem:$0x3F92] =	sst s0  }
0x9: {  	[smem:$0x3F93] =	sst s1  }
0xa: {  	[smem:$0x3F94] =	sst s2  }
0xb: {  	[smem:$0x3F95] =	sst s3  }
0xc: {  	[smem:$0x3F96] =	sst s4  }
0xd: {  	[smem:$0x3F97] =	sst s5  }
0xe: {  	[smem:$0x3F98] =	sst s6  }
0xf: {  	[smem:$0x3F99] =	sst s7  }
0x10: {  	[smem:$0x3F9A] =	sst s8  }
0x11: {  	[smem:$0x3F9B] =	sst s9;
	s0 =	simm.s32 @!p0 $0x0  }
0x12: {  	s1 =	sld [smem:$0x3F81];
	s0 =	simm.s32 @p0 $0x1  }
0x13: {  	[smem:$0x3F9C] =	sst s0;
	s0 =	simm.s32 @!p1 $0x0  }
0x14: {  	s2 =	sld [smem:$0x3F80];
	s0 =	simm.s32 @p1 $0x1  }
0x15: {  	[smem:$0x3F9D] =	sst s0;
	s0 =	simm.s32 @!p2 $0x0  }
0x16: {  	s3 =	sld [smem:$0x3FDB];
	s0 =	simm.s32 @p2 $0x1  }
0x17: {  	s4 =	simm.s32 $0x1BF5;
	[smem:$0x3F9F] =	sst s0  }
0x18: {  	s0 =	sld [smem:$0x3F82];
	_ =	swait.ge [sflag:s4], $0x0  }
0x19: {  	s7 =	sld [smem:$0x3F83]  }
0x1a: {  	s8 =	sadd.s32 $0xFFFFE003, lr  }
0x1b: {  	s9 =	sadd.s32 $0xFFFFFEF7, lr;
	s5 =	simm.s32 $0xFFFFFFFF;
	p2 =	slt.u32 s8, $0xFFFFF086  }
0x1c: {  	p1 =	slt.u32 s9, $0xF7A;
	s5 =	simm.s32 @!p2 $0x0  }
0x1d: {  	s5 =	simm.s32 @p1 $0x1;
	p0 =	seq.s32 s7, s2  }
0x1e: {  	s7 =	smul.u32 @!p0 $0xF7A, s2;
	p2 =	seq.s32 @!p0 s5, $0x0  }
0x1f: {  	s9 =	smul.u32 $0xF7A, s1;
	s8 =	simm.s32 @!p0 $0x1BF5;
	p2 =	por !p2, p0  }
0x20: {  	[sflag:s8] =	ssyncset.s32 @!p0 $0xFFFFF086;
	s6 =	sadd.s32 @!p0 s3, s7;
	s7 =	simm.s32 @!p0 $0x108  }
0x21: {  	s3 =	sadd.s32 s3, s9;
	s6 =	sadd.s32 @!p0 $0x88, s6;
	s7 =	simm.s32 @p2 $0x1082  }
0x22: {  	[simem:s7], [sflag:s8] =	dma.local @!p0 [hbm:s6], $0xF7A  }
0x23: {  	s9 =	sor.u32 $0xD0000000, s2;
	s6 =	simm.s32 $0x108;
	_ =	swait.ge @!p0 [sflag:s8], $0x0  }
0x24: {  	s3 =	sadd.s32 $0x88, s3;
	s6 =	simm.s32 @!p1 $0x1082;
	[sflag:s4] =	ssyncset.s32 $0xFFFFF086  }
0x25: {  	[simem:s6], [sflag:s4] =	dma.local [hbm:s3], $0xF7A  }
0x26: {  	[smem:$0x3F83] =	sst s1;
	(tag) =	ssettag s2;
	_ =	strace s9  }
0x27: {  	s1 =	sld [smem:$0x3F93]  }
0x28: {  	s2 =	sld [smem:$0x3F94]  }
0x29: {  	s4 =	sld [smem:$0x3F96]  }
0x2a: {  	p0 =	seq.s32 s5, $0x0;
	s5 =	sld [smem:$0x3F97]  }
0x2b: {  	s6 =	sld [smem:$0x3F98]  }
0x2c: {  	s7 =	sld [smem:$0x3F99]  }
0x2d: {  	s3 =	simm.s32 $0x108;
	s8 =	sld [smem:$0x3F9A]  }
0x2e: {  	s3 =	simm.s32 @!p0 $0x1082;
	s9 =	sld [smem:$0x3F9B]  }
0x2f: {  	lr =	sadd.s32 s0, s3;
	s0 =	sld [smem:$0x3F92]  }
0x30: {  	s3 =	sld [smem:$0x3F95]  }
0x31: {  	[smem:$0x3F9E] =	sst s10  }
0x32: {  	s10 =	sld [smem:$0x3F9C];
	_ =	sdelay $0x3  }
0x33: {  	p0 =	seq.s32 s10, $0x1;
	s10 =	sld [smem:$0x3F9E];
	_ =	sdelay $0x3  }
0x34: {  	[smem:$0x3F9E] =	sst s10  }
0x35: {  	s10 =	sld [smem:$0x3F9D];
	_ =	sdelay $0x3  }
0x36: {  	p1 =	seq.s32 s10, $0x1;
	s10 =	sld [smem:$0x3F9E];
	_ =	sdelay $0x3  }
0x37: {  	[smem:$0x3F9E] =	sst s10  }
0x38: {  	s10 =	sld [smem:$0x3F9F]  }
0x39: {  	_ = 	snop;
	(pc) =	sbr.ind lr, $3  }
0x3a: {  	_ = 	snop  }
0x3b: {  	_ = 	snop  }
0x3c: {  	p2 =	seq.s32 s10, $0x1;
	s10 =	sld [smem:$0x3F9E]  }
0x3d: {  	_ =	shalt  }
0x3e: {  	_ =	shalt  }
0x3f: {  	_ =	shalt  }
0x40: {  	_ =	shalt  }
0x41: {  	_ =	shalt  }
0x42: {  	_ =	shalt  }
0x43: {  	_ =	shalt  }
0x44: {  	_ =	shalt  }
0x45: {  	_ =	shalt  }
0x46: {  	_ =	shalt  }
0x47: {  	_ =	shalt  }
0x48: {  	_ =	shalt  }
0x49: {  	_ =	shalt  }
0x4a: {  	_ =	shalt  }
0x4b: {  	_ =	shalt  }
0x4c: {  	_ =	shalt  }
0x4d: {  	_ =	shalt  }
0x4e: {  	_ =	shalt  }
0x4f: {  	_ =	shalt  }
0x50: {  	_ =	shalt  }
0x51: {  	_ =	shalt  }
0x52: {  	_ =	shalt  }
0x53: {  	_ =	shalt  }
0x54: {  	_ =	shalt  }
0x55: {  	_ =	shalt  }
0x56: {  	_ =	shalt  }
0x57: {  	_ =	shalt  }
0x58: {  	_ =	shalt  }
0x59: {  	_ =	shalt  }
0x5a: {  	_ =	shalt  }
0x5b: {  	_ =	shalt  }
0x5c: {  	_ =	shalt  }
0x5d: {  	_ =	shalt  }
0x5e: {  	_ =	shalt  }
0x5f: {  	_ =	shalt  }
0x60: {  	_ =	shalt  }
0x61: {  	_ =	shalt  }
0x62: {  	_ =	shalt  }
0x63: {  	_ =	shalt  }
0x64: {  	_ =	shalt  }
0x65: {  	_ =	shalt  }
0x66: {  	_ =	shalt  }
0x67: {  	_ =	shalt  }
0x68: {  	_ =	shalt  }
0x69: {  	_ =	shalt  }
0x6a: {  	_ =	shalt  }
0x6b: {  	_ =	shalt  }
0x6c: {  	_ =	shalt  }
0x6d: {  	_ =	shalt  }
0x6e: {  	_ =	shalt  }
0x6f: {  	_ =	shalt  }
0x70: {  	_ =	shalt  }
0x71: {  	_ =	shalt  }
0x72: {  	_ =	shalt  }
0x73: {  	_ =	shalt  }
0x74: {  	_ =	shalt  }
0x75: {  	_ =	shalt  }
0x76: {  	_ =	shalt  }
0x77: {  	_ =	shalt  }
0x78: {  	_ =	shalt  }
0x79: {  	_ =	shalt  }
0x7a: {  	_ =	shalt  }
0x7b: {  	_ =	shalt  }
0x7c: {  	_ =	shalt  }
0x7d: {  	_ =	shalt  }
0x7e: {  	_ =	shalt  }
0x7f: {  	_ =	shalt  }
0x80: {  	_ =	shalt  }
0x81: {  	_ =	shalt  }
0x82: {  	_ =	shalt  }
0x83: {  	_ =	shalt  }
0x84: {  	_ =	shalt  }
0x85: {  	_ =	shalt  }
0x86: {  	_ =	shalt  }
0x87: {  	_ =	shalt  }
.Lfunc_end0:
.L_simem_size_0:
called_computation.4_lowered:
.L_overlay_start_0:
0x88: {  	s2 =	sld [smem:$0x3FD9]  }
0x89: {  	s3 =	sld [smem:$0x3FFE];
	_ =	sdelay $0x1  }
0x8a: {  	s1 =	srdreg.scid  }
0x8b: {  	s0 =	sand.u32 $0x1, s1  }
0x8c: {  	s16 =	sshll.u32 s0, $0xA;
	s2 =	sadd.s32 s3, s2  }
0x8d: {  	s2 =	sadd.s32 s2, s16  }
0x8e: {  	[smem:$0x3FAA] =	sst s2  }
0x8f: {  	_ = 	snop  }
0x90: {  	(tm) =	ssettm $0x1  }
0x91: {  	s17 =	sld [smem:$0x3FFB];
	_ =	sdelay $0x3  }
0x92: {  	_ =	strace s17  }
0x93: {  	s2 =	sld [smem:$0x3FFC];
	_ =	sdelay $0x3  }
0x94: {  	_ =	strace s2  }
0x95: {  	s2 =	sld [smem:$0x3FFD];
	_ =	sdelay $0x3  }
0x96: {  	_ =	strace s2  }
0x97: {  	_ =	strace $0x8FFFFFFF  }
0x98: {  	s18 =	sld [smem:$0x3FDB];
	_ =	sdelay $0x1  }
0x99: {  	s19 =	simm.s32 $_scs_section_size  }
0x9a: {  	s4 =	simm.s32 $_size__tile_overlayer_lowered;
	s5 =	simm.s32 $_tile_overlayer_lowered  }
0x9b: {  	s22 =	simm.s32 $0x1BFF;
	s21 =	sshll.u32 s5, $0x1;
	s2 =	sadd.s32 s19, s18  }
0x9c: {  	s6 =	simm.s32 $0x0;
	s20 =	sshll.u32 s4, $0x1;
	s4 =	sadd.s32 s21, s2  }
0x9d: {  	[timem:s6], [sflag:s22] =	dma.local [hbm:s4], s20  }
0x9e: {  	_ =	swait.ge [sflag:s22], s20  }
0x9f: {  	s3 =	ssub.s32 $0x0, s20;
	[sflag:s22] =	ssyncset.done $0x0  }
0xa0: {  	[sflag:s22] =	ssyncadd.s32 s3;
	_ =	sdelay $0x1  }
0xa1: {  	s23 =	simm.s32 $0x1B8B  }
0xa2: {  	_ =	swait.ge [sflag:s23], $0x1  }
0xa3: {  	[sflag:s23] =	ssyncset.done $0x0  }
0xa4: {  	s25 =	simm.s32 $0x1B8E;
	s24 =	sld [smem:$0x3FFE];
	[sflag:s23] =	ssyncadd.s32 $0xFFFFFFFF  }
0xa5: {  	s26 =	simm.s32 $execute0_lowered;
	[smem:$0x3FD2] =	sst s25  }
0xa6: {  	s4 =	sshll.u32 s26, $0x1;
	_ =	strace $0x80000052;
	[dreg:$0x1] =	wrdreg $0xFFFFFFFF  }
0xa7: {  	s28 =	simm.s32 $_size_execute0_lowered;
	s2 =	sadd.s32 s2, s4;
	[dreg:$0x0] =	wrdreg $0x0  }
0xa8: {  	s4 =	sshll.u32 s28, $0x1;
	[dreg:$0x2] =	wrdreg s2  }
0xa9: {  	[dreg:$0x3] =	wrdreg s4  }
0xaa: {  	[dreg:$0x4] =	wrdreg $0xC0  }
0xab: {  	_ =	task [dreg:s6], $0x5FFFF  }
0xac: {  	[dreg:$0x1] =	wrdreg $0xFFFFFFFF  }
0xad: {  	[dreg:$0x0] =	wrdreg $0x60  }
0xae: {  	[dreg:$0x2] =	wrdreg s24  }
0xaf: {  	[dreg:$0x3] =	wrdreg $0x9  }
0xb0: {  	_ =	task.clear_ibuf [dreg:s6], $0x4FFFF;
	_ =	strace $0x90000052  }
0xb1: {  	s29 =	simm.s32 $0x9;
	_ =	strace $0x80000054  }
0xb2: {  	_ =	swait.ge [sflag:s29], $0x1  }
0xb3: {  	[sflag:s29] =	ssyncadd.s32 $0xFFFFFFFF  }
0xb4: {  	_ =	strace $0x90000054  }
0xb5: {  	_ =	sfence  }
0xb6: {  	s30 =	sld [smem:$0x0];
	_ =	sdelay $0x2  }
0xb7: {  	s31 =	sshll.u32 s1, $0xD;
	s1 =	sshrl.u32 s1, $0x2  }
0xb8: {  	s3 =	sand.u32 $0x4000, s31;
	s1 =	sadd.s32 s1, s30  }
0xb9: {  	s0 =	sor.u32 s3, s0;
	s1 =	sshll.u32 s1, $0x11  }
0xba: {  	s0 =	sor.u32 s1, s0  }
0xbb: {  	s0 =	sadd.s32 $0x8F2B, s0  }
0xbc: {  	[sflag:s0] =	ssyncadd.remote.s32 $0x1  }
0xbd: {  	_ =	sfence.sel $0xFFFF  }
0xbe: {  	[dreg:$0x0] =	wrdreg $0xFFFFFFFF;
	(pc) =	sbr.abs _section_cstart, $3  }
0xbf: {  	[dreg:$0x1] =	wrdreg $0xFFFFFFFF  }
0xc0: {  	_ =	task.clear_ibuf [dreg:s6], $0x2FFFF;
	_ =	strace $0x9FFFFFFF  }
0xc1: {  	(tm) =	ssettm $0x7FFFFFFF  }
tec
execute0_lowered:
.L_overlay_start_1:
0x0: {  	(tag) =	ssettag $0x1  }
0x1: {  	s1 =	srdreg.scid;
	s0 =	stileid.u32  }
0x2: {  	s24 =	sand.u32 $0x1, s1;
	s31 =	sshll.u32 s0, $0x1  }
0x3: {  	s14 =	sor.u32 s24, s31  }
0x4: {  	s3 =	smul.u32 $0x271, s14  }
0x5: {  	s12 =	rddreg [dreg:$0x0];
	s2 =	simm.s32 $0x0  }
0x6: {  	s4 =	simm.s32 $0x7;
	[smem:$0x7FF] =	sst s2;
	s3 =	sadd.s32 s3, s12  }
0x7: {  	s1 =	rddreg [dreg:$0x1];
	_ =	strace $0x80000053;
	s3 =	sadd.s32 $0x5A00, s3  }
0x8: {  	[tilespmem:s2], [sflag:$0x7] =	stream.linear.gather [hbm4b:s3+s2], $0x1388, $0x38;
	[tilespmem:$0x18A88] =	vst v63  }
0x9: {  	_ =	swait.ge [sflag:s4], $0x1388  }
0xa: {  	s6 =	simm.s32 $0x3E8;
	[sflag:s4] =	ssyncset.done $0x0  }
0xb: {  	s7 =	simm.s32 $0x1388;
	s5 =	sadd.s32 $0xFA00, s12;
	[sflag:s4] =	ssyncadd.s32 $0xFFFFEC78  }
0xc: {  	[tilespmem:s7], [sflag:$0x1] =	stream.indirect.gather [hbm4b:s5+s6], $0x20, s2, s6, $0xb8;
	[tilespmem:$0x18A88] =	vst v63  }
0xd: {  	s8 =	simm.s32 $0x9088  }
0xe: {  	[tilespmem:s8], [sflag:$0x2] =	stream.indirect.gather [hbm4b:s5+s6], $0x20, s6, s6, $0xb8;
	[tilespmem:$0x18A88] =	vst v63  }
0xf: {  	s9 =	simm.s32 $0x7D0;
	s10 =	simm.s32 $0x10D88;
	s11 =	simm.s32 $0x1  }
0x10: {  	[tilespmem:s10], [sflag:$0x3] =	stream.indirect.gather [hbm4b:s5+s6], $0x20, s9, s6, $0xb8;
	[tilespmem:$0x18A88] =	vst v63  }
0x11: {  	s13 =	smul.u32 $0x4E20, s14;
	_ =	swait.ge [sflag:s11], $0x7D00  }
0x12: {  	s16 =	sadd.s32 $0x150200, s12;
	[sflag:s11] =	ssyncset.done $0x0  }
0x13: {  	s12 =	sadd.s32 s16, s13;
	s13 =	simm.s32 $0x4;
	[sflag:s11] =	ssyncadd.s32 $0xFFFF8300  }
0x14: {  	[hbm4b:s12+s2] =	stream.linear.scatter [tilespmem:s7], [sflag:$0x4], $0x7D00, $0x38;
	[tilespmem:$0x18A88] =	vst v63  }
0x15: {  	_ =	swait.ge [sflag:s13], $0x7D00  }
0x16: {  	s15 =	simm.s32 $0x2;
	[sflag:s13] =	ssyncset.done $0x0  }
0x17: {  	s17 =	smul.u32 $0x27100, s14;
	s14 =	simm.s32 $0xBB8;
	[sflag:s13] =	ssyncadd.s32 $0xFFFF8300  }
0x18: {  	[tilespmem:s7], [sflag:$0x1] =	stream.indirect.gather [hbm4b:s5+s6], $0x20, s14, s6, $0xb8;
	[tilespmem:$0x18A88] =	vst v63  }
0x19: {  	s17 =	sshrl.u32 s17, $0x3;
	_ =	swait.ge [sflag:s15], $0x7D00  }
0x1a: {  	s22 =	sadd.s32 s16, s17;
	[sflag:s15] =	ssyncset.done $0x0  }
0x1b: {  	s16 =	simm.s32 $0x5;
	s17 =	sadd.s32 $0xFA0, s22;
	[sflag:s15] =	ssyncadd.s32 $0xFFFF8300  }
0x1c: {  	[hbm4b:s17+s2] =	stream.linear.scatter [tilespmem:s8], [sflag:$0x5], $0x7D00, $0x38;
	[tilespmem:$0x18A88] =	vst v63  }
0x1d: {  	_ =	swait.ge [sflag:s16], $0x7D00  }
0x1e: {  	[sflag:s16] =	ssyncset.done $0x0  }
0x1f: {  	s18 =	simm.s32 $0xFA0;
	s19 =	simm.s32 $0x3;
	[sflag:s16] =	ssyncadd.s32 $0xFFFF8300  }
0x20: {  	[tilespmem:s8], [sflag:$0x2] =	stream.indirect.gather [hbm4b:s5+s6], $0x20, s18, s6, $0xb8;
	[tilespmem:$0x18A88] =	vst v63  }
0x21: {  	_ =	swait.ge [sflag:s19], $0x7D00  }
0x22: {  	[sflag:s19] =	ssyncset.done $0x0  }
0x23: {  	s20 =	sadd.s32 $0x1F40, s22;
	[sflag:s19] =	ssyncadd.s32 $0xFFFF8300  }
0x24: {  	[hbm4b:s20+s2] =	stream.linear.scatter [tilespmem:s10], [sflag:$0x6], $0x7D00, $0x38;
	[tilespmem:$0x18A88] =	vst v63  }
0x25: {  	_ =	swait.ge [sflag:s11], $0x7D00  }
0x26: {  	[sflag:s11] =	ssyncset.done $0x0  }
0x27: {  	s21 =	sadd.s32 $0x2EE0, s22;
	[sflag:s11] =	ssyncadd.s32 $0xFFFF8300  }
0x28: {  	[hbm4b:s21+s2] =	stream.linear.scatter [tilespmem:s7], [sflag:$0x4], $0x7D00, $0x38;
	[tilespmem:$0x18A88] =	vst v63  }
0x29: {  	_ =	swait.ge [sflag:s15], $0x7D00  }
0x2a: {  	s23 =	simm.s32 $0x6;
	s24 =	ssub.s32 $0x2, s24;
	[sflag:s15] =	ssyncset.done $0x0  }
0x2b: {  	s25 =	sshrl.u32 s24, $0x1;
	s22 =	sadd.s32 $0x3E80, s22;
	[sflag:s15] =	ssyncadd.s32 $0xFFFF8300  }
0x2c: {  	[hbm4b:s22+s2] =	stream.linear.scatter [tilespmem:s8], [sflag:$0x5], $0x7D00, $0x38;
	[tilespmem:$0x18A88] =	vst v63  }
0x2d: {  	s24 =	ssub.s32 s24, s25;
	_ =	swait.ge [sflag:s23], $0x7D00  }
0x2e: {  	s24 =	smax.u32 s24, $0x1;
	[sflag:s23] =	ssyncset.done $0x0  }
0x2f: {  	p0 =	sne.s32 s24, $0x1;
	[sflag:s23] =	ssyncadd.s32 $0xFFFF8300  }
.Ltmp0:
0x30: {  	_ =	swait.ge [sflag:s13], $0x7D00;
	(pc) =	sbr.rel @!p0 .LBB2_2-.Ltmp0, $4  }
0x31: {  	[sflag:s13] =	ssyncset.done $0x0  }
0x32: {  	[sflag:s13] =	ssyncadd.s32 $0xFFFF8300  }
0x33: {  	_ =	swait.ge [sflag:s16], $0x7D00  }
0x34: {  	s24 =	sadd.s32 $0xFFFFFFFF, s24;
	[sflag:s16] =	ssyncset.done $0x0  }
.LBB2_1:
0x35: {  	p0 =	sne.s32 s24, $0x1;
	s24 =	sadd.s32 $0xFFFFFFFF, s24;
	[sflag:s16] =	ssyncadd.s32 $0xFFFF8300  }
0x36: {  	[tilespmem:s2], [sflag:$0x7] =	stream.linear.gather [hbm4b:s3+s2], $0x1388, $0x38;
	[tilespmem:$0x18A88] =	vst v63  }
0x37: {  	_ =	swait.ge [sflag:s4], $0x1388  }
0x38: {  	[sflag:s4] =	ssyncset.done $0x0  }
0x39: {  	[sflag:s4] =	ssyncadd.s32 $0xFFFFEC78  }
0x3a: {  	[tilespmem:s7], [sflag:$0x1] =	stream.indirect.gather [hbm4b:s5+s6], $0x20, s2, s6, $0xb8;
	[tilespmem:$0x18A88] =	vst v63  }
0x3b: {  	_ = 	snop  }
0x3c: {  	[tilespmem:s8], [sflag:$0x2] =	stream.indirect.gather [hbm4b:s5+s6], $0x20, s6, s6, $0xb8;
	[tilespmem:$0x18A88] =	vst v63  }
0x3d: {  	_ = 	snop  }
0x3e: {  	[tilespmem:s10], [sflag:$0x3] =	stream.indirect.gather [hbm4b:s5+s6], $0x20, s9, s6, $0xb8;
	[tilespmem:$0x18A88] =	vst v63  }
0x3f: {  	_ =	swait.ge [sflag:s11], $0x7D00  }
0x40: {  	[sflag:s11] =	ssyncset.done $0x0  }
0x41: {  	[sflag:s11] =	ssyncadd.s32 $0xFFFF8300  }
0x42: {  	[hbm4b:s12+s2] =	stream.linear.scatter [tilespmem:s7], [sflag:$0x4], $0x7D00, $0x38;
	[tilespmem:$0x18A88] =	vst v63  }
0x43: {  	_ =	swait.ge [sflag:s13], $0x7D00  }
0x44: {  	[sflag:s13] =	ssyncset.done $0x0  }
0x45: {  	[sflag:s13] =	ssyncadd.s32 $0xFFFF8300  }
0x46: {  	[tilespmem:s7], [sflag:$0x1] =	stream.indirect.gather [hbm4b:s5+s6], $0x20, s14, s6, $0xb8;
	[tilespmem:$0x18A88] =	vst v63  }
0x47: {  	_ =	swait.ge [sflag:s15], $0x7D00  }
0x48: {  	[sflag:s15] =	ssyncset.done $0x0  }
0x49: {  	[sflag:s15] =	ssyncadd.s32 $0xFFFF8300  }
0x4a: {  	[hbm4b:s17+s2] =	stream.linear.scatter [tilespmem:s8], [sflag:$0x5], $0x7D00, $0x38;
	[tilespmem:$0x18A88] =	vst v63  }
0x4b: {  	_ =	swait.ge [sflag:s16], $0x7D00  }
0x4c: {  	[sflag:s16] =	ssyncset.done $0x0  }
0x4d: {  	[sflag:s16] =	ssyncadd.s32 $0xFFFF8300  }
0x4e: {  	[tilespmem:s8], [sflag:$0x2] =	stream.indirect.gather [hbm4b:s5+s6], $0x20, s18, s6, $0xb8;
	[tilespmem:$0x18A88] =	vst v63  }
0x4f: {  	_ =	swait.ge [sflag:s19], $0x7D00  }
0x50: {  	[sflag:s19] =	ssyncset.done $0x0  }
0x51: {  	[sflag:s19] =	ssyncadd.s32 $0xFFFF8300  }
0x52: {  	[hbm4b:s20+s2] =	stream.linear.scatter [tilespmem:s10], [sflag:$0x6], $0x7D00, $0x38;
	[tilespmem:$0x18A88] =	vst v63  }
0x53: {  	_ =	swait.ge [sflag:s11], $0x7D00  }
0x54: {  	[sflag:s11] =	ssyncset.done $0x0  }
0x55: {  	[sflag:s11] =	ssyncadd.s32 $0xFFFF8300  }
0x56: {  	[hbm4b:s21+s2] =	stream.linear.scatter [tilespmem:s7], [sflag:$0x4], $0x7D00, $0x38;
	[tilespmem:$0x18A88] =	vst v63  }
0x57: {  	_ =	swait.ge [sflag:s15], $0x7D00  }
0x58: {  	[sflag:s15] =	ssyncset.done $0x0  }
0x59: {  	[sflag:s15] =	ssyncadd.s32 $0xFFFF8300  }
0x5a: {  	[hbm4b:s22+s2] =	stream.linear.scatter [tilespmem:s8], [sflag:$0x5], $0x7D00, $0x38;
	[tilespmem:$0x18A88] =	vst v63  }
0x5b: {  	_ =	swait.ge [sflag:s23], $0x7D00  }
0x5c: {  	[sflag:s23] =	ssyncset.done $0x0  }
0x5d: {  	[sflag:s23] =	ssyncadd.s32 $0xFFFF8300  }
.Ltmp1:
0x5e: {  	_ =	swait.ge [sflag:s13], $0x7D00;
	(pc) =	sbr.rel @p0 .LBB2_1-.Ltmp1, $4  }
0x5f: {  	[sflag:s13] =	ssyncset.done $0x0  }
0x60: {  	[sflag:s13] =	ssyncadd.s32 $0xFFFF8300  }
0x61: {  	_ =	swait.ge [sflag:s16], $0x7D00  }
0x62: {  	[sflag:s16] =	ssyncset.done $0x0  }
.LBB2_2:
0x63: {  	[sflag:s16] =	ssyncadd.s32 $0xFFFF8300  }
0x64: {  	_ =	sfence.sel $0x180000  }
0x65: {  	[bflag:$0x0] =	sbarrier.arrive $0xFFFF  }
0x66: {  	p0 =	sne.s32 s0, $0x0;
	_ =	strace $0x90000053  }
0x67: {  	s0 =	sadd.s32 @!p0 $0x100000, s1;
	[bflag:$0x2] =	sbarrier.arrive $0xFFFF  }
0x68: {  	[sflag:s0] =	ssyncadd.tile.s32 @!p0 $0x1;
	_ =	shalt  }
.Lfunc_end2:
_tile_overlayer_lowered:
.L_overlay_start_2:
0x69: {  	(tag) =	ssettag $0x2  }
0x6a: {  	s0 =	rddreg [dreg:$0x0];
	s2 =	stileid.u32  }
0x6b: {  	s1 =	rddreg [dreg:$0x1];
	p0 =	sne.s32 s2, $0x0  }
0x6c: {  	s3 =	rddreg [dreg:$0x2];
	[bflag:$0x3] =	sbarrier.arrive $0xFFFF;
	s2 =	simm.s32 @!p0 $0x1C07  }
0x6d: {  	[timem:s3], [sflag:s2] =	dma.local @!p0 [hbm:s0], s1  }
0x6e: {  	s0 =	simm.s32 @!p0 $0x7  }
0x6f: {  	_ =	swait.ge @!p0 [sflag:s0], s1  }
0x70: {  	s1 =	ssub.s32 @!p0 $0x0, s1;
	[sflag:s0] =	ssyncset.done @!p0 $0x0  }
0x71: {  	[sflag:s0] =	ssyncadd.s32 @!p0 s1  }
0x72: {  	[bflag:$0x3] =	sbarrier.arrive $0xFFFF  }
0x73: {  	_ =	shalt  }

// kernel: kernel.32.cloned.1.call-start
scs
__scs_entry_jumppad:
0x0: {  	(pc) =	sbr.rel $0x88, $3  }
0x1: {  	(tag) =	ssettag $0x0;
	lr =	simm.s32 $0x1  }
0x2: {  	[smem:$0x3F83] =	sst lr;
	_ =	strace $0xD0000000  }
0x3: {  	_ = 	snop  }
0x4: {  	_ = 	snop  }
0x5: {  	_ = 	snop  }
0x6: {  	_ = 	snop  }
0x7: {  	_ = 	snop  }
__scs_overlays_trampoline_lowered:
0x8: {  	[smem:$0x3F92] =	sst s0  }
0x9: {  	[smem:$0x3F93] =	sst s1  }
0xa: {  	[smem:$0x3F94] =	sst s2  }
0xb: {  	[smem:$0x3F95] =	sst s3  }
0xc: {  	[smem:$0x3F96] =	sst s4  }
0xd: {  	[smem:$0x3F97] =	sst s5  }
0xe: {  	[smem:$0x3F98] =	sst s6  }
0xf: {  	[smem:$0x3F99] =	sst s7  }
0x10: {  	[smem:$0x3F9A] =	sst s8  }
0x11: {  	[smem:$0x3F9B] =	sst s9;
	s0 =	simm.s32 @!p0 $0x0  }
0x12: {  	s1 =	sld [smem:$0x3F81];
	s0 =	simm.s32 @p0 $0x1  }
0x13: {  	[smem:$0x3F9C] =	sst s0;
	s0 =	simm.s32 @!p1 $0x0  }
0x14: {  	s2 =	sld [smem:$0x3F80];
	s0 =	simm.s32 @p1 $0x1  }
0x15: {  	[smem:$0x3F9D] =	sst s0;
	s0 =	simm.s32 @!p2 $0x0  }
0x16: {  	s3 =	sld [smem:$0x3FDB];
	s0 =	simm.s32 @p2 $0x1  }
0x17: {  	s4 =	simm.s32 $0x1BF5;
	[smem:$0x3F9F] =	sst s0  }
0x18: {  	s0 =	sld [smem:$0x3F82];
	_ =	swait.ge [sflag:s4], $0x0  }
0x19: {  	s7 =	sld [smem:$0x3F83]  }
0x1a: {  	s8 =	sadd.s32 $0xFFFFE003, lr  }
0x1b: {  	s9 =	sadd.s32 $0xFFFFFEF7, lr;
	s5 =	simm.s32 $0xFFFFFFFF;
	p2 =	slt.u32 s8, $0xFFFFF086  }
0x1c: {  	p1 =	slt.u32 s9, $0xF7A;
	s5 =	simm.s32 @!p2 $0x0  }
0x1d: {  	s5 =	simm.s32 @p1 $0x1;
	p0 =	seq.s32 s7, s2  }
0x1e: {  	s7 =	smul.u32 @!p0 $0xF7A, s2;
	p2 =	seq.s32 @!p0 s5, $0x0  }
0x1f: {  	s9 =	smul.u32 $0xF7A, s1;
	s8 =	simm.s32 @!p0 $0x1BF5;
	p2 =	por !p2, p0  }
0x20: {  	[sflag:s8] =	ssyncset.s32 @!p0 $0xFFFFF086;
	s6 =	sadd.s32 @!p0 s3, s7;
	s7 =	simm.s32 @!p0 $0x108  }
0x21: {  	s3 =	sadd.s32 s3, s9;
	s6 =	sadd.s32 @!p0 $0x88, s6;
	s7 =	simm.s32 @p2 $0x1082  }
0x22: {  	[simem:s7], [sflag:s8] =	dma.local @!p0 [hbm:s6], $0xF7A  }
0x23: {  	s9 =	sor.u32 $0xD0000000, s2;
	s6 =	simm.s32 $0x108;
	_ =	swait.ge @!p0 [sflag:s8], $0x0  }
0x24: {  	s3 =	sadd.s32 $0x88, s3;
	s6 =	simm.s32 @!p1 $0x1082;
	[sflag:s4] =	ssyncset.s32 $0xFFFFF086  }
0x25: {  	[simem:s6], [sflag:s4] =	dma.local [hbm:s3], $0xF7A  }
0x26: {  	[smem:$0x3F83] =	sst s1;
	(tag) =	ssettag s2;
	_ =	strace s9  }
0x27: {  	s1 =	sld [smem:$0x3F93]  }
0x28: {  	s2 =	sld [smem:$0x3F94]  }
0x29: {  	s4 =	sld [smem:$0x3F96]  }
0x2a: {  	p0 =	seq.s32 s5, $0x0;
	s5 =	sld [smem:$0x3F97]  }
0x2b: {  	s6 =	sld [smem:$0x3F98]  }
0x2c: {  	s7 =	sld [smem:$0x3F99]  }
0x2d: {  	s3 =	simm.s32 $0x108;
	s8 =	sld [smem:$0x3F9A]  }
0x2e: {  	s3 =	simm.s32 @!p0 $0x1082;
	s9 =	sld [smem:$0x3F9B]  }
0x2f: {  	lr =	sadd.s32 s0, s3;
	s0 =	sld [smem:$0x3F92]  }
0x30: {  	s3 =	sld [smem:$0x3F95]  }
0x31: {  	[smem:$0x3F9E] =	sst s10  }
0x32: {  	s10 =	sld [smem:$0x3F9C];
	_ =	sdelay $0x3  }
0x33: {  	p0 =	seq.s32 s10, $0x1;
	s10 =	sld [smem:$0x3F9E];
	_ =	sdelay $0x3  }
0x34: {  	[smem:$0x3F9E] =	sst s10  }
0x35: {  	s10 =	sld [smem:$0x3F9D];
	_ =	sdelay $0x3  }
0x36: {  	p1 =	seq.s32 s10, $0x1;
	s10 =	sld [smem:$0x3F9E];
	_ =	sdelay $0x3  }
0x37: {  	[smem:$0x3F9E] =	sst s10  }
0x38: {  	s10 =	sld [smem:$0x3F9F]  }
0x39: {  	_ = 	snop;
	(pc) =	sbr.ind lr, $3  }
0x3a: {  	_ = 	snop  }
0x3b: {  	_ = 	snop  }
0x3c: {  	p2 =	seq.s32 s10, $0x1;
	s10 =	sld [smem:$0x3F9E]  }
0x3d: {  	_ =	shalt  }
0x3e: {  	_ =	shalt  }
0x3f: {  	_ =	shalt  }
0x40: {  	_ =	shalt  }
0x41: {  	_ =	shalt  }
0x42: {  	_ =	shalt  }
0x43: {  	_ =	shalt  }
0x44: {  	_ =	shalt  }
0x45: {  	_ =	shalt  }
0x46: {  	_ =	shalt  }
0x47: {  	_ =	shalt  }
0x48: {  	_ =	shalt  }
0x49: {  	_ =	shalt  }
0x4a: {  	_ =	shalt  }
0x4b: {  	_ =	shalt  }
0x4c: {  	_ =	shalt  }
0x4d: {  	_ =	shalt  }
0x4e: {  	_ =	shalt  }
0x4f: {  	_ =	shalt  }
0x50: {  	_ =	shalt  }
0x51: {  	_ =	shalt  }
0x52: {  	_ =	shalt  }
0x53: {  	_ =	shalt  }
0x54: {  	_ =	shalt  }
0x55: {  	_ =	shalt  }
0x56: {  	_ =	shalt  }
0x57: {  	_ =	shalt  }
0x58: {  	_ =	shalt  }
0x59: {  	_ =	shalt  }
0x5a: {  	_ =	shalt  }
0x5b: {  	_ =	shalt  }
0x5c: {  	_ =	shalt  }
0x5d: {  	_ =	shalt  }
0x5e: {  	_ =	shalt  }
0x5f: {  	_ =	shalt  }
0x60: {  	_ =	shalt  }
0x61: {  	_ =	shalt  }
0x62: {  	_ =	shalt  }
0x63: {  	_ =	shalt  }
0x64: {  	_ =	shalt  }
0x65: {  	_ =	shalt  }
0x66: {  	_ =	shalt  }
0x67: {  	_ =	shalt  }
0x68: {  	_ =	shalt  }
0x69: {  	_ =	shalt  }
0x6a: {  	_ =	shalt  }
0x6b: {  	_ =	shalt  }
0x6c: {  	_ =	shalt  }
0x6d: {  	_ =	shalt  }
0x6e: {  	_ =	shalt  }
0x6f: {  	_ =	shalt  }
0x70: {  	_ =	shalt  }
0x71: {  	_ =	shalt  }
0x72: {  	_ =	shalt  }
0x73: {  	_ =	shalt  }
0x74: {  	_ =	shalt  }
0x75: {  	_ =	shalt  }
0x76: {  	_ =	shalt  }
0x77: {  	_ =	shalt  }
0x78: {  	_ =	shalt  }
0x79: {  	_ =	shalt  }
0x7a: {  	_ =	shalt  }
0x7b: {  	_ =	shalt  }
0x7c: {  	_ =	shalt  }
0x7d: {  	_ =	shalt  }
0x7e: {  	_ =	shalt  }
0x7f: {  	_ =	shalt  }
0x80: {  	_ =	shalt  }
0x81: {  	_ =	shalt  }
0x82: {  	_ =	shalt  }
0x83: {  	_ =	shalt  }
0x84: {  	_ =	shalt  }
0x85: {  	_ =	shalt  }
0x86: {  	_ =	shalt  }
0x87: {  	_ =	shalt  }
.Lfunc_end0:
.L_simem_size_0:
called_computation.5_lowered:
.L_overlay_start_0:
0x88: {  	s2 =	sld [smem:$0x3FD9]  }
0x89: {  	s3 =	sld [smem:$0x3FFE];
	_ =	sdelay $0x1  }
0x8a: {  	s1 =	srdreg.scid  }
0x8b: {  	s0 =	sand.u32 $0x1, s1  }
0x8c: {  	s17 =	sshll.u32 s0, $0xA;
	s2 =	sadd.s32 s3, s2  }
0x8d: {  	s2 =	sadd.s32 s2, s17  }
0x8e: {  	[smem:$0x3FAA] =	sst s2  }
0x8f: {  	_ = 	snop  }
0x90: {  	s2 =	sld [smem:$0x3FD0];
	(tm) =	ssettm $0x1  }
0x91: {  	s18 =	sld [smem:$0x3FFB];
	_ =	sdelay $0x3  }
0x92: {  	_ =	strace s18  }
0x93: {  	s3 =	sld [smem:$0x3FFC];
	_ =	sdelay $0x3  }
0x94: {  	_ =	strace s3  }
0x95: {  	s3 =	sld [smem:$0x3FFD];
	_ =	sdelay $0x3  }
0x96: {  	_ =	strace s3  }
0x97: {  	_ =	strace $0x8FFFFFFF  }
0x98: {  	s19 =	sld [smem:$0x3FDB];
	_ =	sdelay $0x1  }
0x99: {  	s4 =	simm.s32 $_scs_section_size  }
0x9a: {  	s5 =	simm.s32 $_size__tile_overlayer_lowered;
	s6 =	simm.s32 $_tile_overlayer_lowered  }
0x9b: {  	s22 =	simm.s32 $0x1BFF;
	s21 =	sshll.u32 s6, $0x1;
	s3 =	sadd.s32 s4, s19  }
0x9c: {  	s7 =	simm.s32 $0x0;
	s20 =	sshll.u32 s5, $0x1;
	s5 =	sadd.s32 s21, s3  }
0x9d: {  	[timem:s7], [sflag:s22] =	dma.local [hbm:s5], s20  }
0x9e: {  	_ =	swait.ge [sflag:s22], s20  }
0x9f: {  	s4 =	ssub.s32 $0x0, s20;
	[sflag:s22] =	ssyncset.done $0x0  }
0xa0: {  	[sflag:s22] =	ssyncadd.s32 s4;
	_ =	sdelay $0x1  }
0xa1: {  	s23 =	simm.s32 $0x1B8B  }
0xa2: {  	_ =	swait.ge [sflag:s23], $0x1  }
0xa3: {  	[sflag:s23] =	ssyncset.done $0x0  }
0xa4: {  	s25 =	simm.s32 $0x1B8E;
	s24 =	sld [smem:$0x3FFE];
	[sflag:s23] =	ssyncadd.s32 $0xFFFFFFFF  }
0xa5: {  	s26 =	simm.s32 $execute0_lowered;
	[smem:$0x3FD2] =	sst s25  }
0xa6: {  	s5 =	sshll.u32 s26, $0x1;
	_ =	strace $0x80000055;
	[dreg:$0x1] =	wrdreg $0xFFFFFFFF  }
0xa7: {  	s28 =	simm.s32 $_size_execute0_lowered;
	s3 =	sadd.s32 s3, s5;
	[dreg:$0x0] =	wrdreg $0x0  }
0xa8: {  	s5 =	sshll.u32 s28, $0x1;
	[dreg:$0x2] =	wrdreg s3  }
0xa9: {  	[dreg:$0x3] =	wrdreg s5  }
0xaa: {  	[dreg:$0x4] =	wrdreg $0xC0  }
0xab: {  	_ =	task [dreg:s7], $0x5FFFF  }
0xac: {  	[dreg:$0x1] =	wrdreg $0xFFFFFFFF  }
0xad: {  	[dreg:$0x0] =	wrdreg $0x60  }
0xae: {  	[dreg:$0x2] =	wrdreg s24  }
0xaf: {  	[dreg:$0x3] =	wrdreg s2  }
0xb0: {  	[dreg:$0x4] =	wrdreg $0x10D880  }
0xb1: {  	[dreg:$0x5] =	wrdreg $0x9  }
0xb2: {  	_ =	task.clear_ibuf [dreg:s7], $0x6FFFF;
	_ =	strace $0x90000055  }
0xb3: {  	s29 =	simm.s32 $0x9;
	_ =	strace $0x80000057  }
0xb4: {  	_ =	swait.ge [sflag:s29], $0x1  }
0xb5: {  	[sflag:s29] =	ssyncadd.s32 $0xFFFFFFFF  }
0xb6: {  	_ =	strace $0x90000057  }
0xb7: {  	_ =	sfence  }
0xb8: {  	s30 =	sld [smem:$0x0];
	_ =	sdelay $0x2  }
0xb9: {  	s31 =	sshll.u32 s1, $0xD;
	s1 =	sshrl.u32 s1, $0x2  }
0xba: {  	s3 =	sand.u32 $0x4000, s31;
	s1 =	sadd.s32 s1, s30  }
0xbb: {  	s0 =	sor.u32 s3, s0;
	s1 =	sshll.u32 s1, $0x11  }
0xbc: {  	s0 =	sor.u32 s1, s0  }
0xbd: {  	s0 =	sadd.s32 $0x8F2B, s0  }
0xbe: {  	[sflag:s0] =	ssyncadd.remote.s32 $0x1  }
0xbf: {  	_ =	sfence.sel $0xFFFF  }
0xc0: {  	[dreg:$0x0] =	wrdreg $0xFFFFFFFF;
	(pc) =	sbr.abs _section_cstart, $3  }
0xc1: {  	[dreg:$0x1] =	wrdreg $0xFFFFFFFF  }
0xc2: {  	_ =	task.clear_ibuf [dreg:s7], $0x2FFFF;
	_ =	strace $0x9FFFFFFF  }
0xc3: {  	(tm) =	ssettm $0x7FFFFFFF  }
tec
execute0_lowered:
.L_overlay_start_1:
0x0: {  	(tag) =	ssettag $0x1  }
0x1: {  	s23 =	rddreg [dreg:$0x0]  }
0x2: {  	s4 =	rddreg [dreg:$0x1];
	s1 =	stileid.u32  }
0x3: {  	s2 =	rddreg [dreg:$0x2];
	s7 =	smul.u32 $0x4E40, s1  }
0x4: {  	s0 =	rddreg [dreg:$0x3];
	s3 =	simm.s32 $0x0;
	s8 =	srdreg.scid  }
0x5: {  	s6 =	simm.s32 $0x1388;
	[smem:$0x7FF] =	sst s3;
	s5 =	sshrl.u32 s7, $0x3  }
0x6: {  	_ =	strace $0x80000056;
	s4 =	sadd.s32 s4, s5;
	s5 =	simm.s32 $0x5  }
0x7: {  	[tilespmem:s6], [sflag:$0x5] =	stream.linear.gather [hbm4b:s4+s3], $0x4E40, $0x38;
	[tilespmem:$0x15BC8] =	vst v63  }
0x8: {  	s24 =	sand.u32 $0x1, s8;
	s26 =	sshll.u32 s1, $0x1;
	_ =	swait.ge [sflag:s5], $0x4E40  }
0x9: {  	s9 =	sor.u32 s24, s26;
	[sflag:s5] =	ssyncset.done $0x0  }
0xa: {  	s8 =	smul.u32 $0x271, s9;
	s7 =	sadd.s32 s7, s2;
	[sflag:s5] =	ssyncadd.s32 $0xFFFFB1C0  }
0xb: {  	[spmem:s7] =	stream.linear.scatter [tilespmem:s6], [sflag:$0x5], $0x4E40, $0x38;
	[tilespmem:$0x15BC8] =	vst v63  }
0xc: {  	_ =	swait.ge [sflag:s5], $0x4E40  }
0xd: {  	s8 =	sadd.s32 s8, s23;
	[sflag:s5] =	ssyncset.done $0x0  }
0xe: {  	s10 =	smul.u32 $0x27100, s9;
	s8 =	sadd.s32 $0xAA00, s8;
	[sflag:s5] =	ssyncadd.s32 $0xFFFFB1C0  }
0xf: {  	[tilespmem:s3], [sflag:$0x5] =	stream.linear.gather [hbm4b:s8+s3], $0x1388, $0x38;
	[tilespmem:$0x15BC8] =	vst v63  }
0x10: {  	s9 =	smul.u32 $0x4E20, s9;
	_ =	swait.ge [sflag:s5], $0x1388  }
0x11: {  	s11 =	sadd.s32 $0xFA00, s23;
	s10 =	sshrl.u32 s10, $0x3;
	[sflag:s5] =	ssyncset.done $0x0  }
0x12: {  	s9 =	sadd.s32 s11, s9;
	s20 =	sadd.s32 s11, s10;
	[sflag:s5] =	ssyncadd.s32 $0xFFFFEC78  }
0x13: {  	[tilespmem:s6], [sflag:$0x1] =	stream.linear.gather [hbm4b:s9+s3], $0x7D00, $0x38;
	[tilespmem:$0x15BC8] =	vst v63  }
0x14: {  	s11 =	simm.s32 $0x9088;
	s10 =	sadd.s32 $0xFA0, s20  }
0x15: {  	[tilespmem:s11], [sflag:$0x2] =	stream.linear.gather [hbm4b:s10+s3], $0x7D00, $0x38;
	[tilespmem:$0x15BC8] =	vst v63  }
0x16: {  	s12 =	simm.s32 $0x1;
	[bflag:$0x0] =	sbarrier.arrive $0xFFFF  }
0x17: {  	_ =	swait.ge [sflag:s12], $0x7D00  }
0x18: {  	[sflag:s12] =	ssyncset.done $0x0  }
0x19: {  	s13 =	simm.s32 $0x3E8;
	s14 =	simm.s32 $0x3;
	[sflag:s12] =	ssyncadd.s32 $0xFFFF8300  }
0x1a: {  	[spmem:s2] =	stream.indirect.scatter.add.f32 [tilespmem:s6], [sflag:$0x3], $0x20, s3, s13, $0xb8;
	[tilespmem:$0x15BC8] =	vst v63  }
0x1b: {  	_ =	swait.ge [sflag:s14], $0x7D00  }
0x1c: {  	[sflag:s14] =	ssyncset.done $0x0  }
0x1d: {  	s16 =	simm.s32 $0x2;
	s15 =	sadd.s32 $0x1F40, s20;
	[sflag:s14] =	ssyncadd.s32 $0xFFFF8300  }
0x1e: {  	[tilespmem:s6], [sflag:$0x1] =	stream.linear.gather [hbm4b:s15+s3], $0x7D00, $0x38;
	[tilespmem:$0x15BC8] =	vst v63  }
0x1f: {  	_ =	swait.ge [sflag:s16], $0x7D00  }
0x20: {  	[sflag:s16] =	ssyncset.done $0x0  }
0x21: {  	s17 =	simm.s32 $0x4;
	[sflag:s16] =	ssyncadd.s32 $0xFFFF8300  }
0x22: {  	[spmem:s2] =	stream.indirect.scatter.add.f32 [tilespmem:s11], [sflag:$0x4], $0x20, s13, s13, $0xb8;
	[tilespmem:$0x15BC8] =	vst v63  }
0x23: {  	_ =	swait.ge [sflag:s17], $0x7D00  }
0x24: {  	[sflag:s17] =	ssyncset.done $0x0  }
0x25: {  	s18 =	sadd.s32 $0x2EE0, s20;
	[sflag:s17] =	ssyncadd.s32 $0xFFFF8300  }
0x26: {  	[tilespmem:s11], [sflag:$0x2] =	stream.linear.gather [hbm4b:s18+s3], $0x7D00, $0x38;
	[tilespmem:$0x15BC8] =	vst v63  }
0x27: {  	_ =	swait.ge [sflag:s12], $0x7D00  }
0x28: {  	[sflag:s12] =	ssyncset.done $0x0  }
0x29: {  	s19 =	simm.s32 $0x7D0;
	[sflag:s12] =	ssyncadd.s32 $0xFFFF8300  }
0x2a: {  	[spmem:s2] =	stream.indirect.scatter.add.f32 [tilespmem:s6], [sflag:$0x3], $0x20, s19, s13, $0xb8;
	[tilespmem:$0x15BC8] =	vst v63  }
0x2b: {  	_ =	swait.ge [sflag:s14], $0x7D00  }
0x2c: {  	[sflag:s14] =	ssyncset.done $0x0  }
0x2d: {  	s20 =	sadd.s32 $0x3E80, s20;
	[sflag:s14] =	ssyncadd.s32 $0xFFFF8300  }
0x2e: {  	[tilespmem:s6], [sflag:$0x1] =	stream.linear.gather [hbm4b:s20+s3], $0x7D00, $0x38;
	[tilespmem:$0x15BC8] =	vst v63  }
0x2f: {  	_ =	swait.ge [sflag:s16], $0x7D00  }
0x30: {  	[sflag:s16] =	ssyncset.done $0x0  }
0x31: {  	s21 =	simm.s32 $0xBB8;
	[sflag:s16] =	ssyncadd.s32 $0xFFFF8300  }
0x32: {  	[spmem:s2] =	stream.indirect.scatter.add.f32 [tilespmem:s11], [sflag:$0x4], $0x20, s21, s13, $0xb8;
	[tilespmem:$0x15BC8] =	vst v63  }
0x33: {  	_ =	swait.ge [sflag:s12], $0x7D00  }
0x34: {  	s22 =	simm.s32 $0xFA0;
	s28 =	smul.u32 $0x13880, s1;
	[sflag:s12] =	ssyncset.done $0x0  }
0x35: {  	s25 =	smul.u32 $0x9C40, s24;
	s24 =	ssub.s32 $0x2, s24;
	[sflag:s12] =	ssyncadd.s32 $0xFFFF8300  }
0x36: {  	[spmem:s2] =	stream.indirect.scatter.add.f32 [tilespmem:s6], [sflag:$0x3], $0x20, s22, s13, $0xb8;
	[tilespmem:$0x15BC8] =	vst v63  }
0x37: {  	s26 =	smul.u32 $0x9C4, s1;
	s29 =	sshrl.u32 s24, $0x1;
	_ =	swait.ge [sflag:s17], $0x7D00  }
0x38: {  	s30 =	sshrl.u32 s28, $0x2;
	s28 =	sshll.u32 s1, $0x6;
	[sflag:s17] =	ssyncset.done $0x0  }
0x39: {  	s25 =	sadd.s32 s26, s25;
	s24 =	ssub.s32 s24, s29;
	[sflag:s17] =	ssyncadd.s32 $0xFFFF8300  }
0x3a: {  	s23 =	sadd.s32 s25, s23;
	s31 =	smax.u32 s24, $0x1;
	_ =	swait.ge [sflag:s14], $0x7D00  }
0x3b: {  	s25 =	sadd.s32 s30, s2;
	p0 =	sne.s32 s31, $0x1;
	[sflag:s14] =	ssyncset.done $0x0  }
.Ltmp0:
0x3c: {  	s23 =	sadd.s32 $0xABE00, s23;
	[sflag:s14] =	ssyncadd.s32 $0xFFFF8300;
	(pc) =	sbr.rel @!p0 .LBB2_2-.Ltmp0, $4  }
0x3d: {  	s24 =	sshrl.u32 s25, $0x3;
	s25 =	sor.u32 $0x1C05, s28;
	[bflag:$0x0] =	sbarrier.arrive $0xFFFF  }
0x3e: {  	[hbm:s23], [sflag:s25] =	dma.local [spmem:s24], $0x9C4  }
0x3f: {  	_ =	swait.ge [sflag:s5], $0x9C4  }
0x40: {  	s26 =	sadd.s32 $0xFFFFFFFF, s31;
	[sflag:s5] =	ssyncset.done $0x0  }
.LBB2_1:
0x41: {  	p0 =	sne.s32 s26, $0x1;
	s26 =	sadd.s32 $0xFFFFFFFF, s26;
	[sflag:s5] =	ssyncadd.s32 $0xFFFFF63C  }
0x42: {  	[tilespmem:s6], [sflag:$0x5] =	stream.linear.gather [hbm4b:s4+s3], $0x4E40, $0x38;
	[tilespmem:$0x15BC8] =	vst v63  }
0x43: {  	_ =	swait.ge [sflag:s5], $0x4E40  }
0x44: {  	[sflag:s5] =	ssyncset.done $0x0  }
0x45: {  	[sflag:s5] =	ssyncadd.s32 $0xFFFFB1C0  }
0x46: {  	[spmem:s7] =	stream.linear.scatter [tilespmem:s6], [sflag:$0x5], $0x4E40, $0x38;
	[tilespmem:$0x15BC8] =	vst v63  }
0x47: {  	_ =	swait.ge [sflag:s5], $0x4E40  }
0x48: {  	[sflag:s5] =	ssyncset.done $0x0  }
0x49: {  	[sflag:s5] =	ssyncadd.s32 $0xFFFFB1C0  }
0x4a: {  	[tilespmem:s3], [sflag:$0x5] =	stream.linear.gather [hbm4b:s8+s3], $0x1388, $0x38;
	[tilespmem:$0x15BC8] =	vst v63  }
0x4b: {  	_ =	swait.ge [sflag:s5], $0x1388  }
0x4c: {  	[sflag:s5] =	ssyncset.done $0x0  }
0x4d: {  	[sflag:s5] =	ssyncadd.s32 $0xFFFFEC78  }
0x4e: {  	[tilespmem:s6], [sflag:$0x1] =	stream.linear.gather [hbm4b:s9+s3], $0x7D00, $0x38;
	[tilespmem:$0x15BC8] =	vst v63  }
0x4f: {  	_ = 	snop  }
0x50: {  	[tilespmem:s11], [sflag:$0x2] =	stream.linear.gather [hbm4b:s10+s3], $0x7D00, $0x38;
	[tilespmem:$0x15BC8] =	vst v63  }
0x51: {  	[bflag:$0x0] =	sbarrier.arrive $0xFFFF  }
0x52: {  	_ =	swait.ge [sflag:s12], $0x7D00  }
0x53: {  	[sflag:s12] =	ssyncset.done $0x0  }
0x54: {  	[sflag:s12] =	ssyncadd.s32 $0xFFFF8300  }
0x55: {  	[spmem:s2] =	stream.indirect.scatter.add.f32 [tilespmem:s6], [sflag:$0x3], $0x20, s3, s13, $0xb8;
	[tilespmem:$0x15BC8] =	vst v63  }
0x56: {  	_ =	swait.ge [sflag:s14], $0x7D00  }
0x57: {  	[sflag:s14] =	ssyncset.done $0x0  }
0x58: {  	[sflag:s14] =	ssyncadd.s32 $0xFFFF8300  }
0x59: {  	[tilespmem:s6], [sflag:$0x1] =	stream.linear.gather [hbm4b:s15+s3], $0x7D00, $0x38;
	[tilespmem:$0x15BC8] =	vst v63  }
0x5a: {  	_ =	swait.ge [sflag:s16], $0x7D00  }
0x5b: {  	[sflag:s16] =	ssyncset.done $0x0  }
0x5c: {  	[sflag:s16] =	ssyncadd.s32 $0xFFFF8300  }
0x5d: {  	[spmem:s2] =	stream.indirect.scatter.add.f32 [tilespmem:s11], [sflag:$0x4], $0x20, s13, s13, $0xb8;
	[tilespmem:$0x15BC8] =	vst v63  }
0x5e: {  	_ =	swait.ge [sflag:s17], $0x7D00  }
0x5f: {  	[sflag:s17] =	ssyncset.done $0x0  }
0x60: {  	[sflag:s17] =	ssyncadd.s32 $0xFFFF8300  }
0x61: {  	[tilespmem:s11], [sflag:$0x2] =	stream.linear.gather [hbm4b:s18+s3], $0x7D00, $0x38;
	[tilespmem:$0x15BC8] =	vst v63  }
0x62: {  	_ =	swait.ge [sflag:s12], $0x7D00  }
0x63: {  	[sflag:s12] =	ssyncset.done $0x0  }
0x64: {  	[sflag:s12] =	ssyncadd.s32 $0xFFFF8300  }
0x65: {  	[spmem:s2] =	stream.indirect.scatter.add.f32 [tilespmem:s6], [sflag:$0x3], $0x20, s19, s13, $0xb8;
	[tilespmem:$0x15BC8] =	vst v63  }
0x66: {  	_ =	swait.ge [sflag:s14], $0x7D00  }
0x67: {  	[sflag:s14] =	ssyncset.done $0x0  }
0x68: {  	[sflag:s14] =	ssyncadd.s32 $0xFFFF8300  }
0x69: {  	[tilespmem:s6], [sflag:$0x1] =	stream.linear.gather [hbm4b:s20+s3], $0x7D00, $0x38;
	[tilespmem:$0x15BC8] =	vst v63  }
0x6a: {  	_ =	swait.ge [sflag:s16], $0x7D00  }
0x6b: {  	[sflag:s16] =	ssyncset.done $0x0  }
0x6c: {  	[sflag:s16] =	ssyncadd.s32 $0xFFFF8300  }
0x6d: {  	[spmem:s2] =	stream.indirect.scatter.add.f32 [tilespmem:s11], [sflag:$0x4], $0x20, s21, s13, $0xb8;
	[tilespmem:$0x15BC8] =	vst v63  }
0x6e: {  	_ =	swait.ge [sflag:s12], $0x7D00  }
0x6f: {  	[sflag:s12] =	ssyncset.done $0x0  }
0x70: {  	[sflag:s12] =	ssyncadd.s32 $0xFFFF8300  }
0x71: {  	[spmem:s2] =	stream.indirect.scatter.add.f32 [tilespmem:s6], [sflag:$0x3], $0x20, s22, s13, $0xb8;
	[tilespmem:$0x15BC8] =	vst v63  }
0x72: {  	_ =	swait.ge [sflag:s17], $0x7D00  }
0x73: {  	[sflag:s17] =	ssyncset.done $0x0  }
0x74: {  	[sflag:s17] =	ssyncadd.s32 $0xFFFF8300  }
0x75: {  	_ =	swait.ge [sflag:s14], $0x7D00  }
0x76: {  	[sflag:s14] =	ssyncset.done $0x0  }
.Ltmp1:
0x77: {  	[sflag:s14] =	ssyncadd.s32 $0xFFFF8300;
	(pc) =	sbr.rel @p0 .LBB2_1-.Ltmp1, $4  }
0x78: {  	[bflag:$0x0] =	sbarrier.arrive $0xFFFF  }
0x79: {  	[hbm:s23], [sflag:s25] =	dma.local [spmem:s24], $0x9C4  }
0x7a: {  	_ =	swait.ge [sflag:s5], $0x9C4  }
0x7b: {  	[sflag:s5] =	ssyncset.done $0x0  }
.LBB2_2:
0x7c: {  	[sflag:s5] =	ssyncadd.s32 $0xFFFFF63C  }
0x7d: {  	_ =	sfence.sel $0x180000  }
0x7e: {  	[bflag:$0x0] =	sbarrier.arrive $0xFFFF  }
0x7f: {  	p0 =	sne.s32 s1, $0x0;
	_ =	strace $0x90000056  }
0x80: {  	s0 =	sadd.s32 @!p0 $0x100000, s0;
	[bflag:$0x2] =	sbarrier.arrive $0xFFFF  }
0x81: {  	[sflag:s0] =	ssyncadd.tile.s32 @!p0 $0x1;
	_ =	shalt  }
.Lfunc_end2:
_tile_overlayer_lowered:
.L_overlay_start_2:
0x82: {  	(tag) =	ssettag $0x2  }
0x83: {  	s0 =	rddreg [dreg:$0x0];
	s2 =	stileid.u32  }
0x84: {  	s1 =	rddreg [dreg:$0x1];
	p0 =	sne.s32 s2, $0x0  }
0x85: {  	s3 =	rddreg [dreg:$0x2];
	[bflag:$0x3] =	sbarrier.arrive $0xFFFF;
	s2 =	simm.s32 @!p0 $0x1C05  }
0x86: {  	[timem:s3], [sflag:s2] =	dma.local @!p0 [hbm:s0], s1  }
0x87: {  	s0 =	simm.s32 @!p0 $0x5  }
0x88: {  	_ =	swait.ge @!p0 [sflag:s0], s1  }
0x89: {  	s1 =	ssub.s32 @!p0 $0x0, s1;
	[sflag:s0] =	ssyncset.done @!p0 $0x0  }
0x8a: {  	[sflag:s0] =	ssyncadd.s32 @!p0 s1  }
0x8b: {  	[bflag:$0x3] =	sbarrier.arrive $0xFFFF  }
0x8c: {  	_ =	shalt  }

</sc_bundles>
